<compile_context>
chip_gen: v7x
topology: tpu7x:2x2x1
jax: 0.10.2.dev20260603
libtpu: 0.0.44.dev20260713+nightly
codegen_flags: <defaults>
</compile_context>

<pallas_src>
import functools

import jax
import jax.numpy as jnp
from jax import lax
from jax.experimental import pallas as pl
from jax.experimental.pallas import tpu as pltpu
from jax.experimental.pallas import tpu_sc as plsc

_N = 16384
_D = 1024
_K = 8
_EPS = 1e-05
_L = 16
_C = _D // _L
_NW = 32
_RPW = _N // _NW
_B = 16
_NBLK = _RPW // _B
_BLK1 = 1024



def _label_body(x_ref, c_ref, rec_ref):
    xb = x_ref[...]
    c = c_ref[...]
    dots = lax.dot_general(
        xb, c, (((1,), (1,)), ((), ())), preferred_element_type=jnp.float32
    )
    c2 = jnp.sum(c * c, axis=1)
    dist = c2[None, :] - 2.0 * dots
    lbl = jnp.argmin(dist, axis=1).astype(jnp.float32)
    ssum = jnp.sum(xb, axis=1)
    qsum = jnp.sum(xb * xb, axis=1)
    mean = ssum * (1.0 / _D)
    var = (qsum - ssum * mean) * (1.0 / (_D - 1))
    rinv = lax.rsqrt(var + _EPS)
    pad = jnp.zeros((_BLK1, 5), jnp.float32)
    rec_ref[...] = jnp.concatenate(
        [lbl[:, None], mean[:, None], rinv[:, None], pad], axis=1
    )


def _labels(x, centroids):
    return pl.pallas_call(
        _label_body,
        grid=(_N // _BLK1,),
        in_specs=[
            pl.BlockSpec((_BLK1, _D), lambda i: (i, 0)),
            pl.BlockSpec((_K, _D), lambda i: (0, 0)),
        ],
        out_specs=pl.BlockSpec((_BLK1, 8), lambda i: (i, 0)),
        out_shape=jax.ShapeDtypeStruct((_N, 8), jnp.float32),
    )(x, centroids)



def _tanh(x):
    t = jnp.exp(-2.0 * jnp.abs(x))
    r = (1.0 - t) / (1.0 + t)
    return jnp.where(x < 0, -r, r)


def _sigmoid(x):
    t = jnp.exp(-jnp.abs(x))
    return jnp.where(x >= 0, 1.0, t) / (1.0 + t)


def _log1p01(t):
    s = t / (2.0 + t)
    s2 = s * s
    p = 1.0 / 11.0
    p = p * s2 + 1.0 / 9.0
    p = p * s2 + 1.0 / 7.0
    p = p * s2 + 1.0 / 5.0
    p = p * s2 + 1.0 / 3.0
    p = p * s2 + 1.0
    return 2.0 * s * p


def _act_relu(x):
    return jnp.maximum(x, 0.0)


def _act_gelu(x):
    u = 0.7978845608028654 * (x + 0.044715 * (x * x * x))
    return 0.5 * x * (1.0 + _tanh(u))


def _act_silu(x):
    return x * _sigmoid(x)


def _act_relu6(x):
    return jnp.minimum(jnp.maximum(x, 0.0), 6.0)


def _act_elu(x):
    return jnp.where(x > 0, x, jnp.exp(jnp.minimum(x, 0.0)) - 1.0)


def _act_softplus(x):
    return jnp.maximum(x, 0.0) + _log1p01(jnp.exp(-jnp.abs(x)))


_ACT_FNS = [_act_relu, _act_gelu, _tanh, _act_silu, _sigmoid, _act_relu6,
            _act_elu, _act_softplus]


def _sc_body(x_hbm, rec_hbm, o_hbm,
             rec_v, in0, in1, out0, out1, sin0, sin1, sout0, sout1):
    wid = lax.axis_index("s") * 2 + lax.axis_index("c")
    row0 = wid * _RPW
    pltpu.sync_copy(
        rec_hbm.at[pl.ds(wid * (_RPW * 8), _RPW * 8)],
        rec_v.at[pl.ds(0, _RPW * 8)],
    )

    ins = (in0, in1)
    outs = (out0, out1)
    sins = (sin0, sin1)
    souts = (sout0, sout1)

    def xslice(b):
        return x_hbm.at[pl.ds(row0 + b * _B, _B), :]

    def oslice(b):
        return o_hbm.at[pl.ds(row0 + b * _B, _B), :]

    def process(b, in_v, out_v):
        def row_body(r, _):
            gro = b * _B + r
            rv = rec_v[pl.ds(pl.multiple_of(gro * 8, 8), _L)]
            lblf = rv[0]
            rinv = rv[2]
            bias = -rv[1] * rinv

            def leaf(actfn):
                def run():
                    @plsc.parallel_loop(0, _C, 1, unroll=8)
                    def chunk(i):
                        c0 = pl.multiple_of(i * _L, 8)
                        xv = in_v[r, pl.ds(c0, _L)]
                        out_v[r, pl.ds(c0, _L)] = actfn(xv * rinv + bias)
                    return 0
                return run

            leaves = [leaf(f) for f in _ACT_FNS]
            lax.cond(
                lblf < 4.0,
                lambda: lax.cond(
                    lblf < 2.0,
                    lambda: lax.cond(lblf < 1.0, leaves[0], leaves[1]),
                    lambda: lax.cond(lblf < 3.0, leaves[2], leaves[3]),
                ),
                lambda: lax.cond(
                    lblf < 6.0,
                    lambda: lax.cond(lblf < 5.0, leaves[4], leaves[5]),
                    lambda: lax.cond(lblf < 7.0, leaves[6], leaves[7]),
                ),
            )
            return 0

        lax.fori_loop(0, _B, row_body, 0)

    pltpu.async_copy(xslice(0), in0, sin0)
    pltpu.async_copy(xslice(1), in1, sin1)

    def pair_body(p, _):
        for c in range(2):
            b = 2 * p + c
            pltpu.make_async_copy(xslice(b), ins[c], sins[c]).wait()
            lax.cond(
                p > 0,
                lambda c=c, b=b: pltpu.make_async_copy(
                    outs[c], oslice(b - 2), souts[c]).wait() or 0,
                lambda: 0,
            )
            process(b, ins[c], outs[c])
            pltpu.async_copy(outs[c], oslice(b), souts[c])
            lax.cond(
                p < _NBLK // 2 - 1,
                lambda c=c, b=b: pltpu.async_copy(
                    xslice(b + 2), ins[c], sins[c]) and 0,
                lambda: 0,
            )
        return 0

    lax.fori_loop(0, _NBLK // 2, pair_body, 0)
    pltpu.make_async_copy(out0, oslice(_NBLK - 2), sout0).wait()
    pltpu.make_async_copy(out1, oslice(_NBLK - 1), sout1).wait()


_sc_call = functools.partial(
    pl.kernel,
    mesh=plsc.VectorSubcoreMesh(core_axis_name="c", subcore_axis_name="s"),
    compiler_params=pltpu.CompilerParams(
        needs_layout_passes=False, use_tc_tiling_on_sc=True
    ),
    out_type=jax.ShapeDtypeStruct((_N, _D), jnp.float32),
    scratch_types=[
        pltpu.VMEM((_RPW * 8 + _L,), jnp.float32),
        pltpu.VMEM((_B, _D), jnp.float32),
        pltpu.VMEM((_B, _D), jnp.float32),
        pltpu.VMEM((_B, _D), jnp.float32),
        pltpu.VMEM((_B, _D), jnp.float32),
        pltpu.SemaphoreType.DMA,
        pltpu.SemaphoreType.DMA,
        pltpu.SemaphoreType.DMA,
        pltpu.SemaphoreType.DMA,
    ],
)(_sc_body)


@jax.jit
def kernel(x, centroids):
    rec = _labels(x, centroids)
    return _sc_call(x, rec.reshape(-1))

# --- scband reference (transcript-rebuilt; emitter-appended) ---
"""Pipeline reference for scband-cluster-activation-33260226740919 (READ-ONLY COPY).

The authoritative reference and input builder live on the scoring server;
editing this copy changes nothing except your own understanding.
"""

import jax, jax.numpy as jnp
import numpy as np

NUM_CLUSTERS = 8
EPS = 1e-05


def _relu6(v):
    return jnp.clip(v, 0.0, 6.0)

ACTS = [jax.nn.relu, jax.nn.gelu, jnp.tanh, jax.nn.silu, jax.nn.sigmoid, _relu6, jax.nn.elu, jax.nn.softplus]


def setup_inputs(seed: int = 0) -> dict:
    key = jax.random.key(seed)
    k1, k2 = jax.random.split(key)
    x = jax.random.normal(k1, (16384, 1024), dtype=jnp.float32)
    # In the torch module the centroids come from kmeans.fit_predict on the first batch
    # (fast_pytorch_kmeans). Here we seed centroids deterministically from random rows of x
    # (kmeans-style seeding) so predict() is a pure nearest-centroid assignment.
    idx = jax.random.choice(k2, 16384, shape=(NUM_CLUSTERS,), replace=False)
    centroids = x[idx]
    return {"x": x, "centroids": centroids}


def reference(x, centroids):
    # kmeans.predict: euclidean nearest-centroid assignment
    x2 = jnp.sum(x * x, axis=-1, keepdims=True)
    c2 = jnp.sum(centroids * centroids, axis=-1)
    dist = x2 - 2.0 * (x @ centroids.T) + c2[None, :]
    labels = jnp.argmin(dist, axis=-1)
    # per-row normalization (torch .var is unbiased, ddof=1), same math for every cluster
    mean = jnp.mean(x, axis=-1, keepdims=True)
    var = jnp.var(x, axis=-1, keepdims=True, ddof=1)
    xn = (x - mean) / jnp.sqrt(var + EPS)
    # per-cluster activation: rows assigned to cluster c get activation[c](normalized row)
    out = jnp.zeros_like(xn)
    for c in range(NUM_CLUSTERS):
        out = jnp.where((labels == c)[:, None], ACTS[c](xn), out)
    return out

if __name__ == "__main__":
    import jax
    _d = setup_inputs()
    print(jax.jit(kernel)(*tuple(_d.values())))

</pallas_src>

<mosaic_0001>
#map = affine_map<(d0, d1) -> (0, 0)>
#map1 = affine_map<(d0, d1) -> (0)>
module attributes {stable_mosaic.version = 14 : i64} {
  func.func @_sc_body(%arg0: i32, %arg1: i32, %arg2: memref<16384x1024xf32, #tpu.memory_space<hbm>>, %arg3: memref<131072xf32, #tpu.memory_space<hbm>>, %arg4: memref<16384x1024xf32, #tpu.memory_space<hbm>>, %arg5: memref<4112xf32, #tpu.memory_space<vmem>>, %arg6: memref<16x1024xf32, #tpu.memory_space<vmem>>, %arg7: memref<16x1024xf32, #tpu.memory_space<vmem>>, %arg8: memref<16x1024xf32, #tpu.memory_space<vmem>>, %arg9: memref<16x1024xf32, #tpu.memory_space<vmem>>, %arg10: memref<!tpu.dma_semaphore, #tpu.memory_space<semaphore_mem>>, %arg11: memref<!tpu.dma_semaphore, #tpu.memory_space<semaphore_mem>>, %arg12: memref<!tpu.dma_semaphore, #tpu.memory_space<semaphore_mem>>, %arg13: memref<!tpu.dma_semaphore, #tpu.memory_space<semaphore_mem>>) attributes {dimension_semantics = [#tpu.dimension_semantics<core_parallel>, #tpu.dimension_semantics<subcore_parallel>], iteration_bounds = array<i64: 2, 16>, scalar_prefetch = 0 : i64, scratch_operands = 9 : i64, tpu.core_type = #tpu.core_type<sc_vector_subcore>, window_params = [{transform_indices = #map}, {transform_indices = #map1}, {transform_indices = #map}]} {
    %mul3A = arith.constant 2 : i32
    %mul3A_0 = arith.muli %arg1, %mul3A : i32
    %add3A = arith.addi %mul3A_0, %arg0 : i32
    %mul3A_1 = arith.constant 512 : i32
    %mul3A_2 = arith.muli %add3A, %mul3A_1 : i32
    %mul3A_3 = arith.constant 4096 : i32
    %mul3A_4 = arith.muli %add3A, %mul3A_3 : i32
    "tpu.region"() ({
      %run_scoped3A = tpu.sem_alloc : memref<!tpu.dma_semaphore, #tpu.memory_space<semaphore_mem>>
      %dma_start3A_33 = arith.constant 0 : i32
      %dma_start3A_34 = tpu.memref_slice %arg5[%dma_start3A_33] : memref<4112xf32, #tpu.memory_space<vmem>> -> memref<4096xf32, #tpu.memory_space<vmem>>
      %dma_start3A_35 = tpu.memref_slice %arg3[%mul3A_4] : memref<131072xf32, #tpu.memory_space<hbm>> -> memref<4096xf32, #tpu.memory_space<hbm>>
      %dma_start3A_36 = arith.constant 0 : i32
      %dma_start3A_37 = tpu.memref_slice %arg5[%dma_start3A_36] : memref<4112xf32, #tpu.memory_space<vmem>> -> memref<4096xf32, #tpu.memory_space<vmem>>
      %dma_start3A_38 = tpu.memref_slice %arg3[%mul3A_4] : memref<131072xf32, #tpu.memory_space<hbm>> -> memref<4096xf32, #tpu.memory_space<hbm>>
      tpu.enqueue_dma source(%dma_start3A_38 : memref<4096xf32, #tpu.memory_space<hbm>>) target(%dma_start3A_37 : memref<4096xf32, #tpu.memory_space<vmem>>) target_semaphore(%run_scoped3A : memref<!tpu.dma_semaphore, #tpu.memory_space<semaphore_mem>>)
      %dma_wait3A_39 = arith.constant 0 : i32
      %dma_wait3A_40 = tpu.memref_slice %arg5[%dma_wait3A_39] : memref<4112xf32, #tpu.memory_space<vmem>> -> memref<4096xf32, #tpu.memory_space<vmem>>
      %dma_wait3A_41 = tpu.memref_slice %arg3[%mul3A_4] : memref<131072xf32, #tpu.memory_space<hbm>> -> memref<4096xf32, #tpu.memory_space<hbm>>
      %dma_wait3A_42 = arith.constant 0 : i32
      %dma_wait3A_43 = tpu.memref_slice %arg5[%dma_wait3A_42] : memref<4112xf32, #tpu.memory_space<vmem>> -> memref<4096xf32, #tpu.memory_space<vmem>>
      %dma_wait3A_44 = tpu.memref_slice %arg3[%mul3A_4] : memref<131072xf32, #tpu.memory_space<hbm>> -> memref<4096xf32, #tpu.memory_space<hbm>>
      tpu.wait_dma2 semaphore(%run_scoped3A : memref<!tpu.dma_semaphore, #tpu.memory_space<semaphore_mem>>) src(%dma_wait3A_44 : memref<4096xf32, #tpu.memory_space<hbm>>) dst(%dma_wait3A_43 : memref<4096xf32, #tpu.memory_space<vmem>>)
      tpu.yield
    }) : () -> ()
    %add3A_5 = arith.constant 0 : i32
    %add3A_6 = arith.addi %mul3A_2, %add3A_5 : i32
    %dma_start3A = arith.constant 0 : i32
    %dma_start3A_7 = tpu.memref_slice %arg2[%add3A_6, %dma_start3A] : memref<16384x1024xf32, #tpu.memory_space<hbm>> -> memref<16x1024xf32, #tpu.memory_space<hbm>>
    %dma_start3A_8 = arith.constant 0 : i32
    %dma_start3A_9 = tpu.memref_slice %arg2[%add3A_6, %dma_start3A_8] : memref<16384x1024xf32, #tpu.memory_space<hbm>> -> memref<16x1024xf32, #tpu.memory_space<hbm>>
    tpu.enqueue_dma source(%dma_start3A_9 : memref<16x1024xf32, #tpu.memory_space<hbm>>) target(%arg6 : memref<16x1024xf32, #tpu.memory_space<vmem>>) target_semaphore(%arg10 : memref<!tpu.dma_semaphore, #tpu.memory_space<semaphore_mem>>)
    %add3A_10 = arith.constant 16 : i32
    %add3A_11 = arith.addi %mul3A_2, %add3A_10 : i32
    %dma_start3A_12 = arith.constant 0 : i32
    %dma_start3A_13 = tpu.memref_slice %arg2[%add3A_11, %dma_start3A_12] : memref<16384x1024xf32, #tpu.memory_space<hbm>> -> memref<16x1024xf32, #tpu.memory_space<hbm>>
    %dma_start3A_14 = arith.constant 0 : i32
    %dma_start3A_15 = tpu.memref_slice %arg2[%add3A_11, %dma_start3A_14] : memref<16384x1024xf32, #tpu.memory_space<hbm>> -> memref<16x1024xf32, #tpu.memory_space<hbm>>
    tpu.enqueue_dma source(%dma_start3A_15 : memref<16x1024xf32, #tpu.memory_space<hbm>>) target(%arg7 : memref<16x1024xf32, #tpu.memory_space<vmem>>) target_semaphore(%arg11 : memref<!tpu.dma_semaphore, #tpu.memory_space<semaphore_mem>>)
    %scan3A = arith.constant 0 : i32
    %scan3A_16 = arith.constant 0 : i32
    %scan3A_17 = arith.constant 16 : i32
    %scan3A_18 = arith.addi %scan3A_16, %scan3A_17 : i32
    %scan3A_19 = arith.constant 1 : i32
    %scan3A_20 = scf.for %scan3A_33 = %scan3A_16 to %scan3A_18 step %scan3A_19 iter_args(%scan3A_34 = %scan3A) -> (i32)  : i32 {
      %mul3A_35 = arith.constant 2 : i32
      %mul3A_36 = arith.muli %mul3A_35, %scan3A_33 : i32
      %add3A_37 = arith.constant 0 : i32
      %add3A_38 = arith.addi %mul3A_36, %add3A_37 : i32
      %mul3A_39 = arith.constant 16 : i32
      %mul3A_40 = arith.muli %add3A_38, %mul3A_39 : i32
      %add3A_41 = arith.addi %mul3A_2, %mul3A_40 : i32
      %dma_wait3A_42 = arith.constant 0 : i32
      %dma_wait3A_43 = tpu.memref_slice %arg2[%add3A_41, %dma_wait3A_42] : memref<16384x1024xf32, #tpu.memory_space<hbm>> -> memref<16x1024xf32, #tpu.memory_space<hbm>>
      %dma_wait3A_44 = arith.constant 0 : i32
      %dma_wait3A_45 = tpu.memref_slice %arg2[%add3A_41, %dma_wait3A_44] : memref<16384x1024xf32, #tpu.memory_space<hbm>> -> memref<16x1024xf32, #tpu.memory_space<hbm>>
      tpu.wait_dma2 semaphore(%arg10 : memref<!tpu.dma_semaphore, #tpu.memory_space<semaphore_mem>>) src(%dma_wait3A_45 : memref<16x1024xf32, #tpu.memory_space<hbm>>) dst(%arg6 : memref<16x1024xf32, #tpu.memory_space<vmem>>)
      %gt3A = arith.constant 0 : i32
      %gt3A_46 = arith.cmpi sgt, %scan3A_33, %gt3A : i32
      %convert_element_type3A = arith.extui %gt3A_46 : i1 to i32
      %cond3A = arith.constant 0 : i32
      %cond3A_47 = arith.cmpi ne, %convert_element_type3A, %cond3A : i32
      %cond3A_48 = scf.if %cond3A_47 -> (i32) {
        %sub3A = arith.constant 2 : i32
        %sub3A_106 = arith.subi %add3A_38, %sub3A : i32
        %mul3A_107 = arith.constant 16 : i32
        %mul3A_108 = arith.muli %sub3A_106, %mul3A_107 : i32
        %add3A_109 = arith.addi %mul3A_2, %mul3A_108 : i32
        %dma_wait3A_110 = arith.constant 0 : i32
        %dma_wait3A_111 = tpu.memref_slice %arg4[%add3A_109, %dma_wait3A_110] : memref<16384x1024xf32, #tpu.memory_space<hbm>> -> memref<16x1024xf32, #tpu.memory_space<hbm>>
        %dma_wait3A_112 = arith.constant 0 : i32
        %dma_wait3A_113 = tpu.memref_slice %arg4[%add3A_109, %dma_wait3A_112] : memref<16384x1024xf32, #tpu.memory_space<hbm>> -> memref<16x1024xf32, #tpu.memory_space<hbm>>
        tpu.wait_dma2 semaphore(%arg12 : memref<!tpu.dma_semaphore, #tpu.memory_space<semaphore_mem>>) src(%arg8 : memref<16x1024xf32, #tpu.memory_space<vmem>>) dst(%dma_wait3A_113 : memref<16x1024xf32, #tpu.memory_space<hbm>>)
        %cond3A_114 = arith.constant 0 : i32
        scf.yield %cond3A_114 : i32
      } else {
        %cond3A_106 = arith.constant 0 : i32
        scf.yield %cond3A_106 : i32
      }
      %scan3A_49 = arith.constant 0 : i32
      %scan3A_50 = arith.constant 0 : i32
      %scan3A_51 = arith.constant 16 : i32
      %scan3A_52 = arith.addi %scan3A_50, %scan3A_51 : i32
      %scan3A_53 = arith.constant 1 : i32
      %scan3A_54 = scf.for %scan3A_106 = %scan3A_50 to %scan3A_52 step %scan3A_53 iter_args(%scan3A_107 = %scan3A_49) -> (i32)  : i32 {
        %mul3A_108 = arith.constant 16 : i32
        %mul3A_109 = arith.muli %add3A_38, %mul3A_108 : i32
        %add3A_110 = arith.addi %mul3A_109, %scan3A_106 : i32
        %mul3A_111 = arith.constant 8 : i32
        %mul3A_112 = arith.muli %add3A_110, %mul3A_111 : i32
        %multiple_of3A = tpu.assume_multiple %mul3A_112, 8 : i32
        %get3A = arith.index_cast %multiple_of3A : i32 to index
        %get3A_113 = tpu.vector_load %arg5[%get3A] {strides = array<i32>} : memref<4112xf32, #tpu.memory_space<vmem>>, vector<16xf32>,
        %slice3A = vector.extract_strided_slice %get3A_113 {offsets = [0], sizes = [1], strides = [1]} : vector<16xf32> to vector<1xf32>
        %squeeze3A = vector.extract %slice3A[0] : f32 from vector<1xf32>
        %slice3A_114 = vector.extract_strided_slice %get3A_113 {offsets = [2], sizes = [1], strides = [1]} : vector<16xf32> to vector<1xf32>
        %squeeze3A_115 = vector.extract %slice3A_114[0] : f32 from vector<1xf32>
        %slice3A_116 = vector.extract_strided_slice %get3A_113 {offsets = [1], sizes = [1], strides = [1]} : vector<16xf32> to vector<1xf32>
        %squeeze3A_117 = vector.extract %slice3A_116[0] : f32 from vector<1xf32>
        %neg3A = arith.constant 0.000000e+00 : f32
        %neg3A_118 = arith.subf %neg3A, %squeeze3A_117 : f32
        %mul3A_119 = arith.mulf %neg3A_118, %squeeze3A_115 : f32
        %lt3A_120 = arith.constant 4.000000e+00 : f32
        %lt3A_121 = arith.cmpf olt, %squeeze3A, %lt3A_120 : f32
        %convert_element_type3A_122 = arith.extui %lt3A_121 : i1 to i32
        %cond3A_123 = arith.constant 0 : i32
        %cond3A_124 = arith.cmpi ne, %convert_element_type3A_122, %cond3A_123 : i32
        %cond3A_125 = scf.if %cond3A_124 -> (i32) {
          %lt3A_127 = arith.constant 2.000000e+00 : f32
          %lt3A_128 = arith.cmpf olt, %squeeze3A, %lt3A_127 : f32
          %convert_element_type3A_129 = arith.extui %lt3A_128 : i1 to i32
          %cond3A_130 = arith.constant 0 : i32
          %cond3A_131 = arith.cmpi ne, %convert_element_type3A_129, %cond3A_130 : i32
          %cond3A_132 = scf.if %cond3A_131 -> (i32) {
            %lt3A_133 = arith.constant 1.000000e+00 : f32
            %lt3A_134 = arith.cmpf olt, %squeeze3A, %lt3A_133 : f32
            %convert_element_type3A_135 = arith.extui %lt3A_134 : i1 to i32
            %cond3A_136 = arith.constant 0 : i32
            %cond3A_137 = arith.cmpi ne, %convert_element_type3A_135, %cond3A_136 : i32
            %cond3A_138 = scf.if %cond3A_137 -> (i32) {
              %parallel_loop3A = arith.constant 0 : i32
              %parallel_loop3A_139 = arith.constant 64 : i32
              %parallel_loop3A_140 = arith.constant 1 : i32
              scf.for %parallel_loop3A_142 = %parallel_loop3A to %parallel_loop3A_139 step %parallel_loop3A_140  : i32 {
                %parallel_loop3A_143 = arith.constant 16 : i32
                %parallel_loop3A_144 = arith.muli %parallel_loop3A_142, %parallel_loop3A_143 : i32
                %parallel_loop3A_145 = tpu.assume_multiple %parallel_loop3A_144, 8 : i32
                %parallel_loop3A_146 = arith.index_cast %scan3A_106 : i32 to index
                %parallel_loop3A_147 = arith.index_cast %parallel_loop3A_145 : i32 to index
                %parallel_loop3A_148 = tpu.vector_load %arg6[%parallel_loop3A_146, %parallel_loop3A_147] {strides = array<i32>} : memref<16x1024xf32, #tpu.memory_space<vmem>>, vector<16xf32>,
                %parallel_loop3A_149 = vector.broadcast %squeeze3A_115 : f32 to vector<16xf32>
                %parallel_loop3A_150 = arith.mulf %parallel_loop3A_148, %parallel_loop3A_149 : vector<16xf32>
                %parallel_loop3A_151 = vector.broadcast %mul3A_119 : f32 to vector<16xf32>
                %parallel_loop3A_152 = arith.addf %parallel_loop3A_150, %parallel_loop3A_151 : vector<16xf32>
                %parallel_loop3A_153 = arith.constant 0.000000e+00 : f32
                %parallel_loop3A_154 = vector.broadcast %parallel_loop3A_153 : f32 to vector<16xf32>
                %parallel_loop3A_155 = arith.maximumf %parallel_loop3A_152, %parallel_loop3A_154 : vector<16xf32>
                %parallel_loop3A_156 = arith.index_cast %scan3A_106 : i32 to index
                %parallel_loop3A_157 = arith.index_cast %parallel_loop3A_145 : i32 to index
                %parallel_loop3A_158 = tpu.vector_load %arg8[%parallel_loop3A_156, %parallel_loop3A_157] {strides = array<i32>} : memref<16x1024xf32, #tpu.memory_space<vmem>>, vector<16xf32>,
                tpu.vector_store %arg8[%parallel_loop3A_156, %parallel_loop3A_157], %parallel_loop3A_155 {strides = array<i32>} : memref<16x1024xf32, #tpu.memory_space<vmem>>, vector<16xf32>,
              } {sc.loop_unroll_factor = 8 : i64, sc.parallel_access}
              %cond3A_141 = arith.constant 0 : i32
              scf.yield %cond3A_141 : i32
            } else {
              %parallel_loop3A = arith.constant 0 : i32
              %parallel_loop3A_139 = arith.constant 64 : i32
              %parallel_loop3A_140 = arith.constant 1 : i32
              scf.for %parallel_loop3A_142 = %parallel_loop3A to %parallel_loop3A_139 step %parallel_loop3A_140  : i32 {
                %parallel_loop3A_143 = arith.constant 16 : i32
                %parallel_loop3A_144 = arith.muli %parallel_loop3A_142, %parallel_loop3A_143 : i32
                %parallel_loop3A_145 = tpu.assume_multiple %parallel_loop3A_144, 8 : i32
                %parallel_loop3A_146 = arith.index_cast %scan3A_106 : i32 to index
                %parallel_loop3A_147 = arith.index_cast %parallel_loop3A_145 : i32 to index
                %parallel_loop3A_148 = tpu.vector_load %arg6[%parallel_loop3A_146, %parallel_loop3A_147] {strides = array<i32>} : memref<16x1024xf32, #tpu.memory_space<vmem>>, vector<16xf32>,
                %parallel_loop3A_149 = vector.broadcast %squeeze3A_115 : f32 to vector<16xf32>
                %parallel_loop3A_150 = arith.mulf %parallel_loop3A_148, %parallel_loop3A_149 : vector<16xf32>
                %parallel_loop3A_151 = vector.broadcast %mul3A_119 : f32 to vector<16xf32>
                %parallel_loop3A_152 = arith.addf %parallel_loop3A_150, %parallel_loop3A_151 : vector<16xf32>
                %parallel_loop3A_153 = arith.mulf %parallel_loop3A_152, %parallel_loop3A_152 : vector<16xf32>
                %parallel_loop3A_154 = arith.mulf %parallel_loop3A_153, %parallel_loop3A_152 : vector<16xf32>
                %parallel_loop3A_155 = arith.constant 4.471500e-02 : f32
                %parallel_loop3A_156 = vector.broadcast %parallel_loop3A_155 : f32 to vector<16xf32>
                %parallel_loop3A_157 = arith.mulf %parallel_loop3A_156, %parallel_loop3A_154 : vector<16xf32>
                %parallel_loop3A_158 = arith.addf %parallel_loop3A_152, %parallel_loop3A_157 : vector<16xf32>
                %parallel_loop3A_159 = arith.constant 0.797884583 : f32
                %parallel_loop3A_160 = vector.broadcast %parallel_loop3A_159 : f32 to vector<16xf32>
                %parallel_loop3A_161 = arith.mulf %parallel_loop3A_160, %parallel_loop3A_158 : vector<16xf32>
                %parallel_loop3A_162 = arith.constant 5.000000e-01 : f32
                %parallel_loop3A_163 = vector.broadcast %parallel_loop3A_162 : f32 to vector<16xf32>
                %parallel_loop3A_164 = arith.mulf %parallel_loop3A_163, %parallel_loop3A_152 : vector<16xf32>
                %parallel_loop3A_165 = math.absf %parallel_loop3A_161 : vector<16xf32>
                %parallel_loop3A_166 = arith.constant -2.000000e+00 : f32
                %parallel_loop3A_167 = vector.broadcast %parallel_loop3A_166 : f32 to vector<16xf32>
                %parallel_loop3A_168 = arith.mulf %parallel_loop3A_167, %parallel_loop3A_165 : vector<16xf32>
                %parallel_loop3A_169 = math.exp %parallel_loop3A_168 : vector<16xf32>
                %parallel_loop3A_170 = arith.constant 1.000000e+00 : f32
                %parallel_loop3A_171 = vector.broadcast %parallel_loop3A_170 : f32 to vector<16xf32>
                %parallel_loop3A_172 = arith.subf %parallel_loop3A_171, %parallel_loop3A_169 : vector<16xf32>
                %parallel_loop3A_173 = arith.constant 1.000000e+00 : f32
                %parallel_loop3A_174 = vector.broadcast %parallel_loop3A_173 : f32 to vector<16xf32>
                %parallel_loop3A_175 = arith.addf %parallel_loop3A_174, %parallel_loop3A_169 : vector<16xf32>
                %parallel_loop3A_176 = arith.divf %parallel_loop3A_172, %parallel_loop3A_175 : vector<16xf32>
                %parallel_loop3A_177 = arith.constant 0.000000e+00 : f32
                %parallel_loop3A_178 = vector.broadcast %parallel_loop3A_177 : f32 to vector<16xf32>
                %parallel_loop3A_179 = arith.cmpf olt, %parallel_loop3A_161, %parallel_loop3A_178 : vector<16xf32>
                %parallel_loop3A_180 = arith.constant 0.000000e+00 : f32
                %parallel_loop3A_181 = vector.broadcast %parallel_loop3A_180 : f32 to vector<16xf32>
                %parallel_loop3A_182 = arith.subf %parallel_loop3A_181, %parallel_loop3A_176 : vector<16xf32>
                %parallel_loop3A_183 = arith.select %parallel_loop3A_179, %parallel_loop3A_182, %parallel_loop3A_176 : vector<16xi1>, vector<16xf32>
                %parallel_loop3A_184 = arith.constant 1.000000e+00 : f32
                %parallel_loop3A_185 = vector.broadcast %parallel_loop3A_184 : f32 to vector<16xf32>
                %parallel_loop3A_186 = arith.addf %parallel_loop3A_185, %parallel_loop3A_183 : vector<16xf32>
                %parallel_loop3A_187 = arith.mulf %parallel_loop3A_164, %parallel_loop3A_186 : vector<16xf32>
                %parallel_loop3A_188 = arith.index_cast %scan3A_106 : i32 to index
                %parallel_loop3A_189 = arith.index_cast %parallel_loop3A_145 : i32 to index
                %parallel_loop3A_190 = tpu.vector_load %arg8[%parallel_loop3A_188, %parallel_loop3A_189] {strides = array<i32>} : memref<16x1024xf32, #tpu.memory_space<vmem>>, vector<16xf32>,
                tpu.vector_store %arg8[%parallel_loop3A_188, %parallel_loop3A_189], %parallel_loop3A_187 {strides = array<i32>} : memref<16x1024xf32, #tpu.memory_space<vmem>>, vector<16xf32>,
              } {sc.loop_unroll_factor = 8 : i64, sc.parallel_access}
              %cond3A_141 = arith.constant 0 : i32
              scf.yield %cond3A_141 : i32
            }
            scf.yield %cond3A_138 : i32
          } else {
            %lt3A_133 = arith.constant 3.000000e+00 : f32
            %lt3A_134 = arith.cmpf olt, %squeeze3A, %lt3A_133 : f32
            %convert_element_type3A_135 = arith.extui %lt3A_134 : i1 to i32
            %cond3A_136 = arith.constant 0 : i32
            %cond3A_137 = arith.cmpi ne, %convert_element_type3A_135, %cond3A_136 : i32
            %cond3A_138 = scf.if %cond3A_137 -> (i32) {
              %parallel_loop3A = arith.constant 0 : i32
              %parallel_loop3A_139 = arith.constant 64 : i32
              %parallel_loop3A_140 = arith.constant 1 : i32
              scf.for %parallel_loop3A_142 = %parallel_loop3A to %parallel_loop3A_139 step %parallel_loop3A_140  : i32 {
                %parallel_loop3A_143 = arith.constant 16 : i32
                %parallel_loop3A_144 = arith.muli %parallel_loop3A_142, %parallel_loop3A_143 : i32
                %parallel_loop3A_145 = tpu.assume_multiple %parallel_loop3A_144, 8 : i32
                %parallel_loop3A_146 = arith.index_cast %scan3A_106 : i32 to index
                %parallel_loop3A_147 = arith.index_cast %parallel_loop3A_145 : i32 to index
                %parallel_loop3A_148 = tpu.vector_load %arg6[%parallel_loop3A_146, %parallel_loop3A_147] {strides = array<i32>} : memref<16x1024xf32, #tpu.memory_space<vmem>>, vector<16xf32>,
                %parallel_loop3A_149 = vector.broadcast %squeeze3A_115 : f32 to vector<16xf32>
                %parallel_loop3A_150 = arith.mulf %parallel_loop3A_148, %parallel_loop3A_149 : vector<16xf32>
                %parallel_loop3A_151 = vector.broadcast %mul3A_119 : f32 to vector<16xf32>
                %parallel_loop3A_152 = arith.addf %parallel_loop3A_150, %parallel_loop3A_151 : vector<16xf32>
                %parallel_loop3A_153 = math.absf %parallel_loop3A_152 : vector<16xf32>
                %parallel_loop3A_154 = arith.constant -2.000000e+00 : f32
                %parallel_loop3A_155 = vector.broadcast %parallel_loop3A_154 : f32 to vector<16xf32>
                %parallel_loop3A_156 = arith.mulf %parallel_loop3A_155, %parallel_loop3A_153 : vector<16xf32>
                %parallel_loop3A_157 = math.exp %parallel_loop3A_156 : vector<16xf32>
                %parallel_loop3A_158 = arith.constant 1.000000e+00 : f32
                %parallel_loop3A_159 = vector.broadcast %parallel_loop3A_158 : f32 to vector<16xf32>
                %parallel_loop3A_160 = arith.subf %parallel_loop3A_159, %parallel_loop3A_157 : vector<16xf32>
                %parallel_loop3A_161 = arith.constant 1.000000e+00 : f32
                %parallel_loop3A_162 = vector.broadcast %parallel_loop3A_161 : f32 to vector<16xf32>
                %parallel_loop3A_163 = arith.addf %parallel_loop3A_162, %parallel_loop3A_157 : vector<16xf32>
                %parallel_loop3A_164 = arith.divf %parallel_loop3A_160, %parallel_loop3A_163 : vector<16xf32>
                %parallel_loop3A_165 = arith.constant 0.000000e+00 : f32
                %parallel_loop3A_166 = vector.broadcast %parallel_loop3A_165 : f32 to vector<16xf32>
                %parallel_loop3A_167 = arith.cmpf olt, %parallel_loop3A_152, %parallel_loop3A_166 : vector<16xf32>
                %parallel_loop3A_168 = arith.constant 0.000000e+00 : f32
                %parallel_loop3A_169 = vector.broadcast %parallel_loop3A_168 : f32 to vector<16xf32>
                %parallel_loop3A_170 = arith.subf %parallel_loop3A_169, %parallel_loop3A_164 : vector<16xf32>
                %parallel_loop3A_171 = arith.select %parallel_loop3A_167, %parallel_loop3A_170, %parallel_loop3A_164 : vector<16xi1>, vector<16xf32>
                %parallel_loop3A_172 = arith.index_cast %scan3A_106 : i32 to index
                %parallel_loop3A_173 = arith.index_cast %parallel_loop3A_145 : i32 to index
                %parallel_loop3A_174 = tpu.vector_load %arg8[%parallel_loop3A_172, %parallel_loop3A_173] {strides = array<i32>} : memref<16x1024xf32, #tpu.memory_space<vmem>>, vector<16xf32>,
                tpu.vector_store %arg8[%parallel_loop3A_172, %parallel_loop3A_173], %parallel_loop3A_171 {strides = array<i32>} : memref<16x1024xf32, #tpu.memory_space<vmem>>, vector<16xf32>,
              } {sc.loop_unroll_factor = 8 : i64, sc.parallel_access}
              %cond3A_141 = arith.constant 0 : i32
              scf.yield %cond3A_141 : i32
            } else {
              %parallel_loop3A = arith.constant 0 : i32
              %parallel_loop3A_139 = arith.constant 64 : i32
              %parallel_loop3A_140 = arith.constant 1 : i32
              scf.for %parallel_loop3A_142 = %parallel_loop3A to %parallel_loop3A_139 step %parallel_loop3A_140  : i32 {
                %parallel_loop3A_143 = arith.constant 16 : i32
                %parallel_loop3A_144 = arith.muli %parallel_loop3A_142, %parallel_loop3A_143 : i32
                %parallel_loop3A_145 = tpu.assume_multiple %parallel_loop3A_144, 8 : i32
                %parallel_loop3A_146 = arith.index_cast %scan3A_106 : i32 to index
                %parallel_loop3A_147 = arith.index_cast %parallel_loop3A_145 : i32 to index
                %parallel_loop3A_148 = tpu.vector_load %arg6[%parallel_loop3A_146, %parallel_loop3A_147] {strides = array<i32>} : memref<16x1024xf32, #tpu.memory_space<vmem>>, vector<16xf32>,
                %parallel_loop3A_149 = vector.broadcast %squeeze3A_115 : f32 to vector<16xf32>
                %parallel_loop3A_150 = arith.mulf %parallel_loop3A_148, %parallel_loop3A_149 : vector<16xf32>
                %parallel_loop3A_151 = vector.broadcast %mul3A_119 : f32 to vector<16xf32>
                %parallel_loop3A_152 = arith.addf %parallel_loop3A_150, %parallel_loop3A_151 : vector<16xf32>
                %parallel_loop3A_153 = math.absf %parallel_loop3A_152 : vector<16xf32>
                %parallel_loop3A_154 = arith.constant 0.000000e+00 : f32
                %parallel_loop3A_155 = vector.broadcast %parallel_loop3A_154 : f32 to vector<16xf32>
                %parallel_loop3A_156 = arith.subf %parallel_loop3A_155, %parallel_loop3A_153 : vector<16xf32>
                %parallel_loop3A_157 = math.exp %parallel_loop3A_156 : vector<16xf32>
                %parallel_loop3A_158 = arith.constant 0.000000e+00 : f32
                %parallel_loop3A_159 = vector.broadcast %parallel_loop3A_158 : f32 to vector<16xf32>
                %parallel_loop3A_160 = arith.cmpf oge, %parallel_loop3A_152, %parallel_loop3A_159 : vector<16xf32>
                %parallel_loop3A_161 = arith.constant 1.000000e+00 : f32
                %parallel_loop3A_162 = vector.broadcast %parallel_loop3A_161 : f32 to vector<16xf32>
                %parallel_loop3A_163 = arith.select %parallel_loop3A_160, %parallel_loop3A_162, %parallel_loop3A_157 : vector<16xi1>, vector<16xf32>
                %parallel_loop3A_164 = arith.constant 1.000000e+00 : f32
                %parallel_loop3A_165 = vector.broadcast %parallel_loop3A_164 : f32 to vector<16xf32>
                %parallel_loop3A_166 = arith.addf %parallel_loop3A_165, %parallel_loop3A_157 : vector<16xf32>
                %parallel_loop3A_167 = arith.divf %parallel_loop3A_163, %parallel_loop3A_166 : vector<16xf32>
                %parallel_loop3A_168 = arith.mulf %parallel_loop3A_152, %parallel_loop3A_167 : vector<16xf32>
                %parallel_loop3A_169 = arith.index_cast %scan3A_106 : i32 to index
                %parallel_loop3A_170 = arith.index_cast %parallel_loop3A_145 : i32 to index
                %parallel_loop3A_171 = tpu.vector_load %arg8[%parallel_loop3A_169, %parallel_loop3A_170] {strides = array<i32>} : memref<16x1024xf32, #tpu.memory_space<vmem>>, vector<16xf32>,
                tpu.vector_store %arg8[%parallel_loop3A_169, %parallel_loop3A_170], %parallel_loop3A_168 {strides = array<i32>} : memref<16x1024xf32, #tpu.memory_space<vmem>>, vector<16xf32>,
              } {sc.loop_unroll_factor = 8 : i64, sc.parallel_access}
              %cond3A_141 = arith.constant 0 : i32
              scf.yield %cond3A_141 : i32
            }
            scf.yield %cond3A_138 : i32
          }
          scf.yield %cond3A_132 : i32
        } else {
          %lt3A_127 = arith.constant 6.000000e+00 : f32
          %lt3A_128 = arith.cmpf olt, %squeeze3A, %lt3A_127 : f32
          %convert_element_type3A_129 = arith.extui %lt3A_128 : i1 to i32
          %cond3A_130 = arith.constant 0 : i32
          %cond3A_131 = arith.cmpi ne, %convert_element_type3A_129, %cond3A_130 : i32
          %cond3A_132 = scf.if %cond3A_131 -> (i32) {
            %lt3A_133 = arith.constant 5.000000e+00 : f32
            %lt3A_134 = arith.cmpf olt, %squeeze3A, %lt3A_133 : f32
            %convert_element_type3A_135 = arith.extui %lt3A_134 : i1 to i32
            %cond3A_136 = arith.constant 0 : i32
            %cond3A_137 = arith.cmpi ne, %convert_element_type3A_135, %cond3A_136 : i32
            %cond3A_138 = scf.if %cond3A_137 -> (i32) {
              %parallel_loop3A = arith.constant 0 : i32
              %parallel_loop3A_139 = arith.constant 64 : i32
              %parallel_loop3A_140 = arith.constant 1 : i32
              scf.for %parallel_loop3A_142 = %parallel_loop3A to %parallel_loop3A_139 step %parallel_loop3A_140  : i32 {
                %parallel_loop3A_143 = arith.constant 16 : i32
                %parallel_loop3A_144 = arith.muli %parallel_loop3A_142, %parallel_loop3A_143 : i32
                %parallel_loop3A_145 = tpu.assume_multiple %parallel_loop3A_144, 8 : i32
                %parallel_loop3A_146 = arith.index_cast %scan3A_106 : i32 to index
                %parallel_loop3A_147 = arith.index_cast %parallel_loop3A_145 : i32 to index
                %parallel_loop3A_148 = tpu.vector_load %arg6[%parallel_loop3A_146, %parallel_loop3A_147] {strides = array<i32>} : memref<16x1024xf32, #tpu.memory_space<vmem>>, vector<16xf32>,
                %parallel_loop3A_149 = vector.broadcast %squeeze3A_115 : f32 to vector<16xf32>
                %parallel_loop3A_150 = arith.mulf %parallel_loop3A_148, %parallel_loop3A_149 : vector<16xf32>
                %parallel_loop3A_151 = vector.broadcast %mul3A_119 : f32 to vector<16xf32>
                %parallel_loop3A_152 = arith.addf %parallel_loop3A_150, %parallel_loop3A_151 : vector<16xf32>
                %parallel_loop3A_153 = math.absf %parallel_loop3A_152 : vector<16xf32>
                %parallel_loop3A_154 = arith.constant 0.000000e+00 : f32
                %parallel_loop3A_155 = vector.broadcast %parallel_loop3A_154 : f32 to vector<16xf32>
                %parallel_loop3A_156 = arith.subf %parallel_loop3A_155, %parallel_loop3A_153 : vector<16xf32>
                %parallel_loop3A_157 = math.exp %parallel_loop3A_156 : vector<16xf32>
                %parallel_loop3A_158 = arith.constant 0.000000e+00 : f32
                %parallel_loop3A_159 = vector.broadcast %parallel_loop3A_158 : f32 to vector<16xf32>
                %parallel_loop3A_160 = arith.cmpf oge, %parallel_loop3A_152, %parallel_loop3A_159 : vector<16xf32>
                %parallel_loop3A_161 = arith.constant 1.000000e+00 : f32
                %parallel_loop3A_162 = vector.broadcast %parallel_loop3A_161 : f32 to vector<16xf32>
                %parallel_loop3A_163 = arith.select %parallel_loop3A_160, %parallel_loop3A_162, %parallel_loop3A_157 : vector<16xi1>, vector<16xf32>
                %parallel_loop3A_164 = arith.constant 1.000000e+00 : f32
                %parallel_loop3A_165 = vector.broadcast %parallel_loop3A_164 : f32 to vector<16xf32>
                %parallel_loop3A_166 = arith.addf %parallel_loop3A_165, %parallel_loop3A_157 : vector<16xf32>
                %parallel_loop3A_167 = arith.divf %parallel_loop3A_163, %parallel_loop3A_166 : vector<16xf32>
                %parallel_loop3A_168 = arith.index_cast %scan3A_106 : i32 to index
                %parallel_loop3A_169 = arith.index_cast %parallel_loop3A_145 : i32 to index
                %parallel_loop3A_170 = tpu.vector_load %arg8[%parallel_loop3A_168, %parallel_loop3A_169] {strides = array<i32>} : memref<16x1024xf32, #tpu.memory_space<vmem>>, vector<16xf32>,
                tpu.vector_store %arg8[%parallel_loop3A_168, %parallel_loop3A_169], %parallel_loop3A_167 {strides = array<i32>} : memref<16x1024xf32, #tpu.memory_space<vmem>>, vector<16xf32>,
              } {sc.loop_unroll_factor = 8 : i64, sc.parallel_access}
              %cond3A_141 = arith.constant 0 : i32
              scf.yield %cond3A_141 : i32
            } else {
              %parallel_loop3A = arith.constant 0 : i32
              %parallel_loop3A_139 = arith.constant 64 : i32
              %parallel_loop3A_140 = arith.constant 1 : i32
              scf.for %parallel_loop3A_142 = %parallel_loop3A to %parallel_loop3A_139 step %parallel_loop3A_140  : i32 {
                %parallel_loop3A_143 = arith.constant 16 : i32
                %parallel_loop3A_144 = arith.muli %parallel_loop3A_142, %parallel_loop3A_143 : i32
                %parallel_loop3A_145 = tpu.assume_multiple %parallel_loop3A_144, 8 : i32
                %parallel_loop3A_146 = arith.index_cast %scan3A_106 : i32 to index
                %parallel_loop3A_147 = arith.index_cast %parallel_loop3A_145 : i32 to index
                %parallel_loop3A_148 = tpu.vector_load %arg6[%parallel_loop3A_146, %parallel_loop3A_147] {strides = array<i32>} : memref<16x1024xf32, #tpu.memory_space<vmem>>, vector<16xf32>,
                %parallel_loop3A_149 = vector.broadcast %squeeze3A_115 : f32 to vector<16xf32>
                %parallel_loop3A_150 = arith.mulf %parallel_loop3A_148, %parallel_loop3A_149 : vector<16xf32>
                %parallel_loop3A_151 = vector.broadcast %mul3A_119 : f32 to vector<16xf32>
                %parallel_loop3A_152 = arith.addf %parallel_loop3A_150, %parallel_loop3A_151 : vector<16xf32>
                %parallel_loop3A_153 = arith.constant 0.000000e+00 : f32
                %parallel_loop3A_154 = vector.broadcast %parallel_loop3A_153 : f32 to vector<16xf32>
                %parallel_loop3A_155 = arith.maximumf %parallel_loop3A_152, %parallel_loop3A_154 : vector<16xf32>
                %parallel_loop3A_156 = arith.constant 6.000000e+00 : f32
                %parallel_loop3A_157 = vector.broadcast %parallel_loop3A_156 : f32 to vector<16xf32>
                %parallel_loop3A_158 = arith.minimumf %parallel_loop3A_155, %parallel_loop3A_157 : vector<16xf32>
                %parallel_loop3A_159 = arith.index_cast %scan3A_106 : i32 to index
                %parallel_loop3A_160 = arith.index_cast %parallel_loop3A_145 : i32 to index
                %parallel_loop3A_161 = tpu.vector_load %arg8[%parallel_loop3A_159, %parallel_loop3A_160] {strides = array<i32>} : memref<16x1024xf32, #tpu.memory_space<vmem>>, vector<16xf32>,
                tpu.vector_store %arg8[%parallel_loop3A_159, %parallel_loop3A_160], %parallel_loop3A_158 {strides = array<i32>} : memref<16x1024xf32, #tpu.memory_space<vmem>>, vector<16xf32>,
              } {sc.loop_unroll_factor = 8 : i64, sc.parallel_access}
              %cond3A_141 = arith.constant 0 : i32
              scf.yield %cond3A_141 : i32
            }
            scf.yield %cond3A_138 : i32
          } else {
            %lt3A_133 = arith.constant 7.000000e+00 : f32
            %lt3A_134 = arith.cmpf olt, %squeeze3A, %lt3A_133 : f32
            %convert_element_type3A_135 = arith.extui %lt3A_134 : i1 to i32
            %cond3A_136 = arith.constant 0 : i32
            %cond3A_137 = arith.cmpi ne, %convert_element_type3A_135, %cond3A_136 : i32
            %cond3A_138 = scf.if %cond3A_137 -> (i32) {
              %parallel_loop3A = arith.constant 0 : i32
              %parallel_loop3A_139 = arith.constant 64 : i32
              %parallel_loop3A_140 = arith.constant 1 : i32
              scf.for %parallel_loop3A_142 = %parallel_loop3A to %parallel_loop3A_139 step %parallel_loop3A_140  : i32 {
                %parallel_loop3A_143 = arith.constant 16 : i32
                %parallel_loop3A_144 = arith.muli %parallel_loop3A_142, %parallel_loop3A_143 : i32
                %parallel_loop3A_145 = tpu.assume_multiple %parallel_loop3A_144, 8 : i32
                %parallel_loop3A_146 = arith.index_cast %scan3A_106 : i32 to index
                %parallel_loop3A_147 = arith.index_cast %parallel_loop3A_145 : i32 to index
                %parallel_loop3A_148 = tpu.vector_load %arg6[%parallel_loop3A_146, %parallel_loop3A_147] {strides = array<i32>} : memref<16x1024xf32, #tpu.memory_space<vmem>>, vector<16xf32>,
                %parallel_loop3A_149 = vector.broadcast %squeeze3A_115 : f32 to vector<16xf32>
                %parallel_loop3A_150 = arith.mulf %parallel_loop3A_148, %parallel_loop3A_149 : vector<16xf32>
                %parallel_loop3A_151 = vector.broadcast %mul3A_119 : f32 to vector<16xf32>
                %parallel_loop3A_152 = arith.addf %parallel_loop3A_150, %parallel_loop3A_151 : vector<16xf32>
                %parallel_loop3A_153 = arith.constant 0.000000e+00 : f32
                %parallel_loop3A_154 = vector.broadcast %parallel_loop3A_153 : f32 to vector<16xf32>
                %parallel_loop3A_155 = arith.cmpf ogt, %parallel_loop3A_152, %parallel_loop3A_154 : vector<16xf32>
                %parallel_loop3A_156 = arith.constant 0.000000e+00 : f32
                %parallel_loop3A_157 = vector.broadcast %parallel_loop3A_156 : f32 to vector<16xf32>
                %parallel_loop3A_158 = arith.minimumf %parallel_loop3A_152, %parallel_loop3A_157 : vector<16xf32>
                %parallel_loop3A_159 = math.exp %parallel_loop3A_158 : vector<16xf32>
                %parallel_loop3A_160 = arith.constant 1.000000e+00 : f32
                %parallel_loop3A_161 = vector.broadcast %parallel_loop3A_160 : f32 to vector<16xf32>
                %parallel_loop3A_162 = arith.subf %parallel_loop3A_159, %parallel_loop3A_161 : vector<16xf32>
                %parallel_loop3A_163 = arith.select %parallel_loop3A_155, %parallel_loop3A_152, %parallel_loop3A_162 : vector<16xi1>, vector<16xf32>
                %parallel_loop3A_164 = arith.index_cast %scan3A_106 : i32 to index
                %parallel_loop3A_165 = arith.index_cast %parallel_loop3A_145 : i32 to index
                %parallel_loop3A_166 = tpu.vector_load %arg8[%parallel_loop3A_164, %parallel_loop3A_165] {strides = array<i32>} : memref<16x1024xf32, #tpu.memory_space<vmem>>, vector<16xf32>,
                tpu.vector_store %arg8[%parallel_loop3A_164, %parallel_loop3A_165], %parallel_loop3A_163 {strides = array<i32>} : memref<16x1024xf32, #tpu.memory_space<vmem>>, vector<16xf32>,
              } {sc.loop_unroll_factor = 8 : i64, sc.parallel_access}
              %cond3A_141 = arith.constant 0 : i32
              scf.yield %cond3A_141 : i32
            } else {
              %parallel_loop3A = arith.constant 0 : i32
              %parallel_loop3A_139 = arith.constant 64 : i32
              %parallel_loop3A_140 = arith.constant 1 : i32
              scf.for %parallel_loop3A_142 = %parallel_loop3A to %parallel_loop3A_139 step %parallel_loop3A_140  : i32 {
                %parallel_loop3A_143 = arith.constant 16 : i32
                %parallel_loop3A_144 = arith.muli %parallel_loop3A_142, %parallel_loop3A_143 : i32
                %parallel_loop3A_145 = tpu.assume_multiple %parallel_loop3A_144, 8 : i32
                %parallel_loop3A_146 = arith.index_cast %scan3A_106 : i32 to index
                %parallel_loop3A_147 = arith.index_cast %parallel_loop3A_145 : i32 to index
                %parallel_loop3A_148 = tpu.vector_load %arg6[%parallel_loop3A_146, %parallel_loop3A_147] {strides = array<i32>} : memref<16x1024xf32, #tpu.memory_space<vmem>>, vector<16xf32>,
                %parallel_loop3A_149 = vector.broadcast %squeeze3A_115 : f32 to vector<16xf32>
                %parallel_loop3A_150 = arith.mulf %parallel_loop3A_148, %parallel_loop3A_149 : vector<16xf32>
                %parallel_loop3A_151 = vector.broadcast %mul3A_119 : f32 to vector<16xf32>
                %parallel_loop3A_152 = arith.addf %parallel_loop3A_150, %parallel_loop3A_151 : vector<16xf32>
                %parallel_loop3A_153 = arith.constant 0.000000e+00 : f32
                %parallel_loop3A_154 = vector.broadcast %parallel_loop3A_153 : f32 to vector<16xf32>
                %parallel_loop3A_155 = arith.maximumf %parallel_loop3A_152, %parallel_loop3A_154 : vector<16xf32>
                %parallel_loop3A_156 = math.absf %parallel_loop3A_152 : vector<16xf32>
                %parallel_loop3A_157 = arith.constant 0.000000e+00 : f32
                %parallel_loop3A_158 = vector.broadcast %parallel_loop3A_157 : f32 to vector<16xf32>
                %parallel_loop3A_159 = arith.subf %parallel_loop3A_158, %parallel_loop3A_156 : vector<16xf32>
                %parallel_loop3A_160 = math.exp %parallel_loop3A_159 : vector<16xf32>
                %parallel_loop3A_161 = arith.constant 2.000000e+00 : f32
                %parallel_loop3A_162 = vector.broadcast %parallel_loop3A_161 : f32 to vector<16xf32>
                %parallel_loop3A_163 = arith.addf %parallel_loop3A_162, %parallel_loop3A_160 : vector<16xf32>
                %parallel_loop3A_164 = arith.divf %parallel_loop3A_160, %parallel_loop3A_163 : vector<16xf32>
                %parallel_loop3A_165 = arith.mulf %parallel_loop3A_164, %parallel_loop3A_164 : vector<16xf32>
                %parallel_loop3A_166 = arith.constant 0.0909090936 : f32
                %parallel_loop3A_167 = vector.broadcast %parallel_loop3A_166 : f32 to vector<16xf32>
                %parallel_loop3A_168 = arith.mulf %parallel_loop3A_167, %parallel_loop3A_165 : vector<16xf32>
                %parallel_loop3A_169 = arith.constant 0.111111112 : f32
                %parallel_loop3A_170 = vector.broadcast %parallel_loop3A_169 : f32 to vector<16xf32>
                %parallel_loop3A_171 = arith.addf %parallel_loop3A_168, %parallel_loop3A_170 : vector<16xf32>
                %parallel_loop3A_172 = arith.mulf %parallel_loop3A_171, %parallel_loop3A_165 : vector<16xf32>
                %parallel_loop3A_173 = arith.constant 0.142857149 : f32
                %parallel_loop3A_174 = vector.broadcast %parallel_loop3A_173 : f32 to vector<16xf32>
                %parallel_loop3A_175 = arith.addf %parallel_loop3A_172, %parallel_loop3A_174 : vector<16xf32>
                %parallel_loop3A_176 = arith.mulf %parallel_loop3A_175, %parallel_loop3A_165 : vector<16xf32>
                %parallel_loop3A_177 = arith.constant 2.000000e-01 : f32
                %parallel_loop3A_178 = vector.broadcast %parallel_loop3A_177 : f32 to vector<16xf32>
                %parallel_loop3A_179 = arith.addf %parallel_loop3A_176, %parallel_loop3A_178 : vector<16xf32>
                %parallel_loop3A_180 = arith.mulf %parallel_loop3A_179, %parallel_loop3A_165 : vector<16xf32>
                %parallel_loop3A_181 = arith.constant 0.333333343 : f32
                %parallel_loop3A_182 = vector.broadcast %parallel_loop3A_181 : f32 to vector<16xf32>
                %parallel_loop3A_183 = arith.addf %parallel_loop3A_180, %parallel_loop3A_182 : vector<16xf32>
                %parallel_loop3A_184 = arith.mulf %parallel_loop3A_183, %parallel_loop3A_165 : vector<16xf32>
                %parallel_loop3A_185 = arith.constant 1.000000e+00 : f32
                %parallel_loop3A_186 = vector.broadcast %parallel_loop3A_185 : f32 to vector<16xf32>
                %parallel_loop3A_187 = arith.addf %parallel_loop3A_184, %parallel_loop3A_186 : vector<16xf32>
                %parallel_loop3A_188 = arith.constant 2.000000e+00 : f32
                %parallel_loop3A_189 = vector.broadcast %parallel_loop3A_188 : f32 to vector<16xf32>
                %parallel_loop3A_190 = arith.mulf %parallel_loop3A_189, %parallel_loop3A_164 : vector<16xf32>
                %parallel_loop3A_191 = arith.mulf %parallel_loop3A_190, %parallel_loop3A_187 : vector<16xf32>
                %parallel_loop3A_192 = arith.addf %parallel_loop3A_155, %parallel_loop3A_191 : vector<16xf32>
                %parallel_loop3A_193 = arith.index_cast %scan3A_106 : i32 to index
                %parallel_loop3A_194 = arith.index_cast %parallel_loop3A_145 : i32 to index
                %parallel_loop3A_195 = tpu.vector_load %arg8[%parallel_loop3A_193, %parallel_loop3A_194] {strides = array<i32>} : memref<16x1024xf32, #tpu.memory_space<vmem>>, vector<16xf32>,
                tpu.vector_store %arg8[%parallel_loop3A_193, %parallel_loop3A_194], %parallel_loop3A_192 {strides = array<i32>} : memref<16x1024xf32, #tpu.memory_space<vmem>>, vector<16xf32>,
              } {sc.loop_unroll_factor = 8 : i64, sc.parallel_access}
              %cond3A_141 = arith.constant 0 : i32
              scf.yield %cond3A_141 : i32
            }
            scf.yield %cond3A_138 : i32
          }
          scf.yield %cond3A_132 : i32
        }
        %scan3A_126 = arith.constant 0 : i32
        scf.yield %scan3A_126 : i32
      }
      %scan3A_55 = arith.constant 16 : i32
      %mul3A_56 = arith.constant 16 : i32
      %mul3A_57 = arith.muli %add3A_38, %mul3A_56 : i32
      %add3A_58 = arith.addi %mul3A_2, %mul3A_57 : i32
      %dma_start3A_59 = arith.constant 0 : i32
      %dma_start3A_60 = tpu.memref_slice %arg4[%add3A_58, %dma_start3A_59] : memref<16384x1024xf32, #tpu.memory_space<hbm>> -> memref<16x1024xf32, #tpu.memory_space<hbm>>
      %dma_start3A_61 = arith.constant 0 : i32
      %dma_start3A_62 = tpu.memref_slice %arg4[%add3A_58, %dma_start3A_61] : memref<16384x1024xf32, #tpu.memory_space<hbm>> -> memref<16x1024xf32, #tpu.memory_space<hbm>>
      tpu.enqueue_dma source(%arg8 : memref<16x1024xf32, #tpu.memory_space<vmem>>) target(%dma_start3A_62 : memref<16x1024xf32, #tpu.memory_space<hbm>>) target_semaphore(%arg12 : memref<!tpu.dma_semaphore, #tpu.memory_space<semaphore_mem>>)
      %lt3A = arith.constant 15 : i32
      %lt3A_63 = arith.cmpi slt, %scan3A_33, %lt3A : i32
      %convert_element_type3A_64 = arith.extui %lt3A_63 : i1 to i32
      %cond3A_65 = arith.constant 0 : i32
      %cond3A_66 = arith.cmpi ne, %convert_element_type3A_64, %cond3A_65 : i32
      %cond3A_67 = scf.if %cond3A_66 -> (i32) {
        %add3A_106 = arith.constant 2 : i32
        %add3A_107 = arith.addi %add3A_38, %add3A_106 : i32
        %mul3A_108 = arith.constant 16 : i32
        %mul3A_109 = arith.muli %add3A_107, %mul3A_108 : i32
        %add3A_110 = arith.addi %mul3A_2, %mul3A_109 : i32
        %dma_start3A_111 = arith.constant 0 : i32
        %dma_start3A_112 = tpu.memref_slice %arg2[%add3A_110, %dma_start3A_111] : memref<16384x1024xf32, #tpu.memory_space<hbm>> -> memref<16x1024xf32, #tpu.memory_space<hbm>>
        %dma_start3A_113 = arith.constant 0 : i32
        %dma_start3A_114 = tpu.memref_slice %arg2[%add3A_110, %dma_start3A_113] : memref<16384x1024xf32, #tpu.memory_space<hbm>> -> memref<16x1024xf32, #tpu.memory_space<hbm>>
        tpu.enqueue_dma source(%dma_start3A_114 : memref<16x1024xf32, #tpu.memory_space<hbm>>) target(%arg6 : memref<16x1024xf32, #tpu.memory_space<vmem>>) target_semaphore(%arg10 : memref<!tpu.dma_semaphore, #tpu.memory_space<semaphore_mem>>)
        %cond3A_115 = arith.constant 0 : i32
        scf.yield %cond3A_115 : i32
      } else {
        %cond3A_106 = arith.constant 0 : i32
        scf.yield %cond3A_106 : i32
      }
      %mul3A_68 = arith.constant 2 : i32
      %mul3A_69 = arith.muli %mul3A_68, %scan3A_33 : i32
      %add3A_70 = arith.constant 1 : i32
      %add3A_71 = arith.addi %mul3A_69, %add3A_70 : i32
      %mul3A_72 = arith.constant 16 : i32
      %mul3A_73 = arith.muli %add3A_71, %mul3A_72 : i32
      %add3A_74 = arith.addi %mul3A_2, %mul3A_73 : i32
      %dma_wait3A_75 = arith.constant 0 : i32
      %dma_wait3A_76 = tpu.memref_slice %arg2[%add3A_74, %dma_wait3A_75] : memref<16384x1024xf32, #tpu.memory_space<hbm>> -> memref<16x1024xf32, #tpu.memory_space<hbm>>
      %dma_wait3A_77 = arith.constant 0 : i32
      %dma_wait3A_78 = tpu.memref_slice %arg2[%add3A_74, %dma_wait3A_77] : memref<16384x1024xf32, #tpu.memory_space<hbm>> -> memref<16x1024xf32, #tpu.memory_space<hbm>>
      tpu.wait_dma2 semaphore(%arg11 : memref<!tpu.dma_semaphore, #tpu.memory_space<semaphore_mem>>) src(%dma_wait3A_78 : memref<16x1024xf32, #tpu.memory_space<hbm>>) dst(%arg7 : memref<16x1024xf32, #tpu.memory_space<vmem>>)
      %gt3A_79 = arith.constant 0 : i32
      %gt3A_80 = arith.cmpi sgt, %scan3A_33, %gt3A_79 : i32
      %convert_element_type3A_81 = arith.extui %gt3A_80 : i1 to i32
      %cond3A_82 = arith.constant 0 : i32
      %cond3A_83 = arith.cmpi ne, %convert_element_type3A_81, %cond3A_82 : i32
      %cond3A_84 = scf.if %cond3A_83 -> (i32) {
        %sub3A = arith.constant 2 : i32
        %sub3A_106 = arith.subi %add3A_71, %sub3A : i32
        %mul3A_107 = arith.constant 16 : i32
        %mul3A_108 = arith.muli %sub3A_106, %mul3A_107 : i32
        %add3A_109 = arith.addi %mul3A_2, %mul3A_108 : i32
        %dma_wait3A_110 = arith.constant 0 : i32
        %dma_wait3A_111 = tpu.memref_slice %arg4[%add3A_109, %dma_wait3A_110] : memref<16384x1024xf32, #tpu.memory_space<hbm>> -> memref<16x1024xf32, #tpu.memory_space<hbm>>
        %dma_wait3A_112 = arith.constant 0 : i32
        %dma_wait3A_113 = tpu.memref_slice %arg4[%add3A_109, %dma_wait3A_112] : memref<16384x1024xf32, #tpu.memory_space<hbm>> -> memref<16x1024xf32, #tpu.memory_space<hbm>>
        tpu.wait_dma2 semaphore(%arg13 : memref<!tpu.dma_semaphore, #tpu.memory_space<semaphore_mem>>) src(%arg9 : memref<16x1024xf32, #tpu.memory_space<vmem>>) dst(%dma_wait3A_113 : memref<16x1024xf32, #tpu.memory_space<hbm>>)
        %cond3A_114 = arith.constant 0 : i32
        scf.yield %cond3A_114 : i32
      } else {
        %cond3A_106 = arith.constant 0 : i32
        scf.yield %cond3A_106 : i32
      }
      %scan3A_85 = arith.constant 0 : i32
      %scan3A_86 = arith.constant 0 : i32
      %scan3A_87 = arith.constant 16 : i32
      %scan3A_88 = arith.addi %scan3A_86, %scan3A_87 : i32
      %scan3A_89 = arith.constant 1 : i32
      %scan3A_90 = scf.for %scan3A_106 = %scan3A_86 to %scan3A_88 step %scan3A_89 iter_args(%scan3A_107 = %scan3A_85) -> (i32)  : i32 {
        %mul3A_108 = arith.constant 16 : i32
        %mul3A_109 = arith.muli %add3A_71, %mul3A_108 : i32
        %add3A_110 = arith.addi %mul3A_109, %scan3A_106 : i32
        %mul3A_111 = arith.constant 8 : i32
        %mul3A_112 = arith.muli %add3A_110, %mul3A_111 : i32
        %multiple_of3A = tpu.assume_multiple %mul3A_112, 8 : i32
        %get3A = arith.index_cast %multiple_of3A : i32 to index
        %get3A_113 = tpu.vector_load %arg5[%get3A] {strides = array<i32>} : memref<4112xf32, #tpu.memory_space<vmem>>, vector<16xf32>,
        %slice3A = vector.extract_strided_slice %get3A_113 {offsets = [0], sizes = [1], strides = [1]} : vector<16xf32> to vector<1xf32>
        %squeeze3A = vector.extract %slice3A[0] : f32 from vector<1xf32>
        %slice3A_114 = vector.extract_strided_slice %get3A_113 {offsets = [2], sizes = [1], strides = [1]} : vector<16xf32> to vector<1xf32>
        %squeeze3A_115 = vector.extract %slice3A_114[0] : f32 from vector<1xf32>
        %slice3A_116 = vector.extract_strided_slice %get3A_113 {offsets = [1], sizes = [1], strides = [1]} : vector<16xf32> to vector<1xf32>
        %squeeze3A_117 = vector.extract %slice3A_116[0] : f32 from vector<1xf32>
        %neg3A = arith.constant 0.000000e+00 : f32
        %neg3A_118 = arith.subf %neg3A, %squeeze3A_117 : f32
        %mul3A_119 = arith.mulf %neg3A_118, %squeeze3A_115 : f32
        %lt3A_120 = arith.constant 4.000000e+00 : f32
        %lt3A_121 = arith.cmpf olt, %squeeze3A, %lt3A_120 : f32
        %convert_element_type3A_122 = arith.extui %lt3A_121 : i1 to i32
        %cond3A_123 = arith.constant 0 : i32
        %cond3A_124 = arith.cmpi ne, %convert_element_type3A_122, %cond3A_123 : i32
        %cond3A_125 = scf.if %cond3A_124 -> (i32) {
          %lt3A_127 = arith.constant 2.000000e+00 : f32
          %lt3A_128 = arith.cmpf olt, %squeeze3A, %lt3A_127 : f32
          %convert_element_type3A_129 = arith.extui %lt3A_128 : i1 to i32
          %cond3A_130 = arith.constant 0 : i32
          %cond3A_131 = arith.cmpi ne, %convert_element_type3A_129, %cond3A_130 : i32
          %cond3A_132 = scf.if %cond3A_131 -> (i32) {
            %lt3A_133 = arith.constant 1.000000e+00 : f32
            %lt3A_134 = arith.cmpf olt, %squeeze3A, %lt3A_133 : f32
            %convert_element_type3A_135 = arith.extui %lt3A_134 : i1 to i32
            %cond3A_136 = arith.constant 0 : i32
            %cond3A_137 = arith.cmpi ne, %convert_element_type3A_135, %cond3A_136 : i32
            %cond3A_138 = scf.if %cond3A_137 -> (i32) {
              %parallel_loop3A = arith.constant 0 : i32
              %parallel_loop3A_139 = arith.constant 64 : i32
              %parallel_loop3A_140 = arith.constant 1 : i32
              scf.for %parallel_loop3A_142 = %parallel_loop3A to %parallel_loop3A_139 step %parallel_loop3A_140  : i32 {
                %parallel_loop3A_143 = arith.constant 16 : i32
                %parallel_loop3A_144 = arith.muli %parallel_loop3A_142, %parallel_loop3A_143 : i32
                %parallel_loop3A_145 = tpu.assume_multiple %parallel_loop3A_144, 8 : i32
                %parallel_loop3A_146 = arith.index_cast %scan3A_106 : i32 to index
                %parallel_loop3A_147 = arith.index_cast %parallel_loop3A_145 : i32 to index
                %parallel_loop3A_148 = tpu.vector_load %arg7[%parallel_loop3A_146, %parallel_loop3A_147] {strides = array<i32>} : memref<16x1024xf32, #tpu.memory_space<vmem>>, vector<16xf32>,
                %parallel_loop3A_149 = vector.broadcast %squeeze3A_115 : f32 to vector<16xf32>
                %parallel_loop3A_150 = arith.mulf %parallel_loop3A_148, %parallel_loop3A_149 : vector<16xf32>
                %parallel_loop3A_151 = vector.broadcast %mul3A_119 : f32 to vector<16xf32>
                %parallel_loop3A_152 = arith.addf %parallel_loop3A_150, %parallel_loop3A_151 : vector<16xf32>
                %parallel_loop3A_153 = arith.constant 0.000000e+00 : f32
                %parallel_loop3A_154 = vector.broadcast %parallel_loop3A_153 : f32 to vector<16xf32>
                %parallel_loop3A_155 = arith.maximumf %parallel_loop3A_152, %parallel_loop3A_154 : vector<16xf32>
                %parallel_loop3A_156 = arith.index_cast %scan3A_106 : i32 to index
                %parallel_loop3A_157 = arith.index_cast %parallel_loop3A_145 : i32 to index
                %parallel_loop3A_158 = tpu.vector_load %arg9[%parallel_loop3A_156, %parallel_loop3A_157] {strides = array<i32>} : memref<16x1024xf32, #tpu.memory_space<vmem>>, vector<16xf32>,
                tpu.vector_store %arg9[%parallel_loop3A_156, %parallel_loop3A_157], %parallel_loop3A_155 {strides = array<i32>} : memref<16x1024xf32, #tpu.memory_space<vmem>>, vector<16xf32>,
              } {sc.loop_unroll_factor = 8 : i64, sc.parallel_access}
              %cond3A_141 = arith.constant 0 : i32
              scf.yield %cond3A_141 : i32
            } else {
              %parallel_loop3A = arith.constant 0 : i32
              %parallel_loop3A_139 = arith.constant 64 : i32
              %parallel_loop3A_140 = arith.constant 1 : i32
              scf.for %parallel_loop3A_142 = %parallel_loop3A to %parallel_loop3A_139 step %parallel_loop3A_140  : i32 {
                %parallel_loop3A_143 = arith.constant 16 : i32
                %parallel_loop3A_144 = arith.muli %parallel_loop3A_142, %parallel_loop3A_143 : i32
                %parallel_loop3A_145 = tpu.assume_multiple %parallel_loop3A_144, 8 : i32
                %parallel_loop3A_146 = arith.index_cast %scan3A_106 : i32 to index
                %parallel_loop3A_147 = arith.index_cast %parallel_loop3A_145 : i32 to index
                %parallel_loop3A_148 = tpu.vector_load %arg7[%parallel_loop3A_146, %parallel_loop3A_147] {strides = array<i32>} : memref<16x1024xf32, #tpu.memory_space<vmem>>, vector<16xf32>,
                %parallel_loop3A_149 = vector.broadcast %squeeze3A_115 : f32 to vector<16xf32>
                %parallel_loop3A_150 = arith.mulf %parallel_loop3A_148, %parallel_loop3A_149 : vector<16xf32>
                %parallel_loop3A_151 = vector.broadcast %mul3A_119 : f32 to vector<16xf32>
                %parallel_loop3A_152 = arith.addf %parallel_loop3A_150, %parallel_loop3A_151 : vector<16xf32>
                %parallel_loop3A_153 = arith.mulf %parallel_loop3A_152, %parallel_loop3A_152 : vector<16xf32>
                %parallel_loop3A_154 = arith.mulf %parallel_loop3A_153, %parallel_loop3A_152 : vector<16xf32>
                %parallel_loop3A_155 = arith.constant 4.471500e-02 : f32
                %parallel_loop3A_156 = vector.broadcast %parallel_loop3A_155 : f32 to vector<16xf32>
                %parallel_loop3A_157 = arith.mulf %parallel_loop3A_156, %parallel_loop3A_154 : vector<16xf32>
                %parallel_loop3A_158 = arith.addf %parallel_loop3A_152, %parallel_loop3A_157 : vector<16xf32>
                %parallel_loop3A_159 = arith.constant 0.797884583 : f32
                %parallel_loop3A_160 = vector.broadcast %parallel_loop3A_159 : f32 to vector<16xf32>
                %parallel_loop3A_161 = arith.mulf %parallel_loop3A_160, %parallel_loop3A_158 : vector<16xf32>
                %parallel_loop3A_162 = arith.constant 5.000000e-01 : f32
                %parallel_loop3A_163 = vector.broadcast %parallel_loop3A_162 : f32 to vector<16xf32>
                %parallel_loop3A_164 = arith.mulf %parallel_loop3A_163, %parallel_loop3A_152 : vector<16xf32>
                %parallel_loop3A_165 = math.absf %parallel_loop3A_161 : vector<16xf32>
                %parallel_loop3A_166 = arith.constant -2.000000e+00 : f32
                %parallel_loop3A_167 = vector.broadcast %parallel_loop3A_166 : f32 to vector<16xf32>
                %parallel_loop3A_168 = arith.mulf %parallel_loop3A_167, %parallel_loop3A_165 : vector<16xf32>
                %parallel_loop3A_169 = math.exp %parallel_loop3A_168 : vector<16xf32>
                %parallel_loop3A_170 = arith.constant 1.000000e+00 : f32
                %parallel_loop3A_171 = vector.broadcast %parallel_loop3A_170 : f32 to vector<16xf32>
                %parallel_loop3A_172 = arith.subf %parallel_loop3A_171, %parallel_loop3A_169 : vector<16xf32>
                %parallel_loop3A_173 = arith.constant 1.000000e+00 : f32
                %parallel_loop3A_174 = vector.broadcast %parallel_loop3A_173 : f32 to vector<16xf32>
                %parallel_loop3A_175 = arith.addf %parallel_loop3A_174, %parallel_loop3A_169 : vector<16xf32>
                %parallel_loop3A_176 = arith.divf %parallel_loop3A_172, %parallel_loop3A_175 : vector<16xf32>
                %parallel_loop3A_177 = arith.constant 0.000000e+00 : f32
                %parallel_loop3A_178 = vector.broadcast %parallel_loop3A_177 : f32 to vector<16xf32>
                %parallel_loop3A_179 = arith.cmpf olt, %parallel_loop3A_161, %parallel_loop3A_178 : vector<16xf32>
                %parallel_loop3A_180 = arith.constant 0.000000e+00 : f32
                %parallel_loop3A_181 = vector.broadcast %parallel_loop3A_180 : f32 to vector<16xf32>
                %parallel_loop3A_182 = arith.subf %parallel_loop3A_181, %parallel_loop3A_176 : vector<16xf32>
                %parallel_loop3A_183 = arith.select %parallel_loop3A_179, %parallel_loop3A_182, %parallel_loop3A_176 : vector<16xi1>, vector<16xf32>
                %parallel_loop3A_184 = arith.constant 1.000000e+00 : f32
                %parallel_loop3A_185 = vector.broadcast %parallel_loop3A_184 : f32 to vector<16xf32>
                %parallel_loop3A_186 = arith.addf %parallel_loop3A_185, %parallel_loop3A_183 : vector<16xf32>
                %parallel_loop3A_187 = arith.mulf %parallel_loop3A_164, %parallel_loop3A_186 : vector<16xf32>
                %parallel_loop3A_188 = arith.index_cast %scan3A_106 : i32 to index
                %parallel_loop3A_189 = arith.index_cast %parallel_loop3A_145 : i32 to index
                %parallel_loop3A_190 = tpu.vector_load %arg9[%parallel_loop3A_188, %parallel_loop3A_189] {strides = array<i32>} : memref<16x1024xf32, #tpu.memory_space<vmem>>, vector<16xf32>,
                tpu.vector_store %arg9[%parallel_loop3A_188, %parallel_loop3A_189], %parallel_loop3A_187 {strides = array<i32>} : memref<16x1024xf32, #tpu.memory_space<vmem>>, vector<16xf32>,
              } {sc.loop_unroll_factor = 8 : i64, sc.parallel_access}
              %cond3A_141 = arith.constant 0 : i32
              scf.yield %cond3A_141 : i32
            }
            scf.yield %cond3A_138 : i32
          } else {
            %lt3A_133 = arith.constant 3.000000e+00 : f32
            %lt3A_134 = arith.cmpf olt, %squeeze3A, %lt3A_133 : f32
            %convert_element_type3A_135 = arith.extui %lt3A_134 : i1 to i32
            %cond3A_136 = arith.constant 0 : i32
            %cond3A_137 = arith.cmpi ne, %convert_element_type3A_135, %cond3A_136 : i32
            %cond3A_138 = scf.if %cond3A_137 -> (i32) {
              %parallel_loop3A = arith.constant 0 : i32
              %parallel_loop3A_139 = arith.constant 64 : i32
              %parallel_loop3A_140 = arith.constant 1 : i32
              scf.for %parallel_loop3A_142 = %parallel_loop3A to %parallel_loop3A_139 step %parallel_loop3A_140  : i32 {
                %parallel_loop3A_143 = arith.constant 16 : i32
                %parallel_loop3A_144 = arith.muli %parallel_loop3A_142, %parallel_loop3A_143 : i32
                %parallel_loop3A_145 = tpu.assume_multiple %parallel_loop3A_144, 8 : i32
                %parallel_loop3A_146 = arith.index_cast %scan3A_106 : i32 to index
                %parallel_loop3A_147 = arith.index_cast %parallel_loop3A_145 : i32 to index
                %parallel_loop3A_148 = tpu.vector_load %arg7[%parallel_loop3A_146, %parallel_loop3A_147] {strides = array<i32>} : memref<16x1024xf32, #tpu.memory_space<vmem>>, vector<16xf32>,
                %parallel_loop3A_149 = vector.broadcast %squeeze3A_115 : f32 to vector<16xf32>
                %parallel_loop3A_150 = arith.mulf %parallel_loop3A_148, %parallel_loop3A_149 : vector<16xf32>
                %parallel_loop3A_151 = vector.broadcast %mul3A_119 : f32 to vector<16xf32>
                %parallel_loop3A_152 = arith.addf %parallel_loop3A_150, %parallel_loop3A_151 : vector<16xf32>
                %parallel_loop3A_153 = math.absf %parallel_loop3A_152 : vector<16xf32>
                %parallel_loop3A_154 = arith.constant -2.000000e+00 : f32
                %parallel_loop3A_155 = vector.broadcast %parallel_loop3A_154 : f32 to vector<16xf32>
                %parallel_loop3A_156 = arith.mulf %parallel_loop3A_155, %parallel_loop3A_153 : vector<16xf32>
                %parallel_loop3A_157 = math.exp %parallel_loop3A_156 : vector<16xf32>
                %parallel_loop3A_158 = arith.constant 1.000000e+00 : f32
                %parallel_loop3A_159 = vector.broadcast %parallel_loop3A_158 : f32 to vector<16xf32>
                %parallel_loop3A_160 = arith.subf %parallel_loop3A_159, %parallel_loop3A_157 : vector<16xf32>
                %parallel_loop3A_161 = arith.constant 1.000000e+00 : f32
                %parallel_loop3A_162 = vector.broadcast %parallel_loop3A_161 : f32 to vector<16xf32>
                %parallel_loop3A_163 = arith.addf %parallel_loop3A_162, %parallel_loop3A_157 : vector<16xf32>
                %parallel_loop3A_164 = arith.divf %parallel_loop3A_160, %parallel_loop3A_163 : vector<16xf32>
                %parallel_loop3A_165 = arith.constant 0.000000e+00 : f32
                %parallel_loop3A_166 = vector.broadcast %parallel_loop3A_165 : f32 to vector<16xf32>
                %parallel_loop3A_167 = arith.cmpf olt, %parallel_loop3A_152, %parallel_loop3A_166 : vector<16xf32>
                %parallel_loop3A_168 = arith.constant 0.000000e+00 : f32
                %parallel_loop3A_169 = vector.broadcast %parallel_loop3A_168 : f32 to vector<16xf32>
                %parallel_loop3A_170 = arith.subf %parallel_loop3A_169, %parallel_loop3A_164 : vector<16xf32>
                %parallel_loop3A_171 = arith.select %parallel_loop3A_167, %parallel_loop3A_170, %parallel_loop3A_164 : vector<16xi1>, vector<16xf32>
                %parallel_loop3A_172 = arith.index_cast %scan3A_106 : i32 to index
                %parallel_loop3A_173 = arith.index_cast %parallel_loop3A_145 : i32 to index
                %parallel_loop3A_174 = tpu.vector_load %arg9[%parallel_loop3A_172, %parallel_loop3A_173] {strides = array<i32>} : memref<16x1024xf32, #tpu.memory_space<vmem>>, vector<16xf32>,
                tpu.vector_store %arg9[%parallel_loop3A_172, %parallel_loop3A_173], %parallel_loop3A_171 {strides = array<i32>} : memref<16x1024xf32, #tpu.memory_space<vmem>>, vector<16xf32>,
              } {sc.loop_unroll_factor = 8 : i64, sc.parallel_access}
              %cond3A_141 = arith.constant 0 : i32
              scf.yield %cond3A_141 : i32
            } else {
              %parallel_loop3A = arith.constant 0 : i32
              %parallel_loop3A_139 = arith.constant 64 : i32
              %parallel_loop3A_140 = arith.constant 1 : i32
              scf.for %parallel_loop3A_142 = %parallel_loop3A to %parallel_loop3A_139 step %parallel_loop3A_140  : i32 {
                %parallel_loop3A_143 = arith.constant 16 : i32
                %parallel_loop3A_144 = arith.muli %parallel_loop3A_142, %parallel_loop3A_143 : i32
                %parallel_loop3A_145 = tpu.assume_multiple %parallel_loop3A_144, 8 : i32
                %parallel_loop3A_146 = arith.index_cast %scan3A_106 : i32 to index
                %parallel_loop3A_147 = arith.index_cast %parallel_loop3A_145 : i32 to index
                %parallel_loop3A_148 = tpu.vector_load %arg7[%parallel_loop3A_146, %parallel_loop3A_147] {strides = array<i32>} : memref<16x1024xf32, #tpu.memory_space<vmem>>, vector<16xf32>,
                %parallel_loop3A_149 = vector.broadcast %squeeze3A_115 : f32 to vector<16xf32>
                %parallel_loop3A_150 = arith.mulf %parallel_loop3A_148, %parallel_loop3A_149 : vector<16xf32>
                %parallel_loop3A_151 = vector.broadcast %mul3A_119 : f32 to vector<16xf32>
                %parallel_loop3A_152 = arith.addf %parallel_loop3A_150, %parallel_loop3A_151 : vector<16xf32>
                %parallel_loop3A_153 = math.absf %parallel_loop3A_152 : vector<16xf32>
                %parallel_loop3A_154 = arith.constant 0.000000e+00 : f32
                %parallel_loop3A_155 = vector.broadcast %parallel_loop3A_154 : f32 to vector<16xf32>
                %parallel_loop3A_156 = arith.subf %parallel_loop3A_155, %parallel_loop3A_153 : vector<16xf32>
                %parallel_loop3A_157 = math.exp %parallel_loop3A_156 : vector<16xf32>
                %parallel_loop3A_158 = arith.constant 0.000000e+00 : f32
                %parallel_loop3A_159 = vector.broadcast %parallel_loop3A_158 : f32 to vector<16xf32>
                %parallel_loop3A_160 = arith.cmpf oge, %parallel_loop3A_152, %parallel_loop3A_159 : vector<16xf32>
                %parallel_loop3A_161 = arith.constant 1.000000e+00 : f32
                %parallel_loop3A_162 = vector.broadcast %parallel_loop3A_161 : f32 to vector<16xf32>
                %parallel_loop3A_163 = arith.select %parallel_loop3A_160, %parallel_loop3A_162, %parallel_loop3A_157 : vector<16xi1>, vector<16xf32>
                %parallel_loop3A_164 = arith.constant 1.000000e+00 : f32
                %parallel_loop3A_165 = vector.broadcast %parallel_loop3A_164 : f32 to vector<16xf32>
                %parallel_loop3A_166 = arith.addf %parallel_loop3A_165, %parallel_loop3A_157 : vector<16xf32>
                %parallel_loop3A_167 = arith.divf %parallel_loop3A_163, %parallel_loop3A_166 : vector<16xf32>
                %parallel_loop3A_168 = arith.mulf %parallel_loop3A_152, %parallel_loop3A_167 : vector<16xf32>
                %parallel_loop3A_169 = arith.index_cast %scan3A_106 : i32 to index
                %parallel_loop3A_170 = arith.index_cast %parallel_loop3A_145 : i32 to index
                %parallel_loop3A_171 = tpu.vector_load %arg9[%parallel_loop3A_169, %parallel_loop3A_170] {strides = array<i32>} : memref<16x1024xf32, #tpu.memory_space<vmem>>, vector<16xf32>,
                tpu.vector_store %arg9[%parallel_loop3A_169, %parallel_loop3A_170], %parallel_loop3A_168 {strides = array<i32>} : memref<16x1024xf32, #tpu.memory_space<vmem>>, vector<16xf32>,
              } {sc.loop_unroll_factor = 8 : i64, sc.parallel_access}
              %cond3A_141 = arith.constant 0 : i32
              scf.yield %cond3A_141 : i32
            }
            scf.yield %cond3A_138 : i32
          }
          scf.yield %cond3A_132 : i32
        } else {
          %lt3A_127 = arith.constant 6.000000e+00 : f32
          %lt3A_128 = arith.cmpf olt, %squeeze3A, %lt3A_127 : f32
          %convert_element_type3A_129 = arith.extui %lt3A_128 : i1 to i32
          %cond3A_130 = arith.constant 0 : i32
          %cond3A_131 = arith.cmpi ne, %convert_element_type3A_129, %cond3A_130 : i32
          %cond3A_132 = scf.if %cond3A_131 -> (i32) {
            %lt3A_133 = arith.constant 5.000000e+00 : f32
            %lt3A_134 = arith.cmpf olt, %squeeze3A, %lt3A_133 : f32
            %convert_element_type3A_135 = arith.extui %lt3A_134 : i1 to i32
            %cond3A_136 = arith.constant 0 : i32
            %cond3A_137 = arith.cmpi ne, %convert_element_type3A_135, %cond3A_136 : i32
            %cond3A_138 = scf.if %cond3A_137 -> (i32) {
              %parallel_loop3A = arith.constant 0 : i32
              %parallel_loop3A_139 = arith.constant 64 : i32
              %parallel_loop3A_140 = arith.constant 1 : i32
              scf.for %parallel_loop3A_142 = %parallel_loop3A to %parallel_loop3A_139 step %parallel_loop3A_140  : i32 {
                %parallel_loop3A_143 = arith.constant 16 : i32
                %parallel_loop3A_144 = arith.muli %parallel_loop3A_142, %parallel_loop3A_143 : i32
                %parallel_loop3A_145 = tpu.assume_multiple %parallel_loop3A_144, 8 : i32
                %parallel_loop3A_146 = arith.index_cast %scan3A_106 : i32 to index
                %parallel_loop3A_147 = arith.index_cast %parallel_loop3A_145 : i32 to index
                %parallel_loop3A_148 = tpu.vector_load %arg7[%parallel_loop3A_146, %parallel_loop3A_147] {strides = array<i32>} : memref<16x1024xf32, #tpu.memory_space<vmem>>, vector<16xf32>,
                %parallel_loop3A_149 = vector.broadcast %squeeze3A_115 : f32 to vector<16xf32>
                %parallel_loop3A_150 = arith.mulf %parallel_loop3A_148, %parallel_loop3A_149 : vector<16xf32>
                %parallel_loop3A_151 = vector.broadcast %mul3A_119 : f32 to vector<16xf32>
                %parallel_loop3A_152 = arith.addf %parallel_loop3A_150, %parallel_loop3A_151 : vector<16xf32>
                %parallel_loop3A_153 = math.absf %parallel_loop3A_152 : vector<16xf32>
                %parallel_loop3A_154 = arith.constant 0.000000e+00 : f32
                %parallel_loop3A_155 = vector.broadcast %parallel_loop3A_154 : f32 to vector<16xf32>
                %parallel_loop3A_156 = arith.subf %parallel_loop3A_155, %parallel_loop3A_153 : vector<16xf32>
                %parallel_loop3A_157 = math.exp %parallel_loop3A_156 : vector<16xf32>
                %parallel_loop3A_158 = arith.constant 0.000000e+00 : f32
                %parallel_loop3A_159 = vector.broadcast %parallel_loop3A_158 : f32 to vector<16xf32>
                %parallel_loop3A_160 = arith.cmpf oge, %parallel_loop3A_152, %parallel_loop3A_159 : vector<16xf32>
                %parallel_loop3A_161 = arith.constant 1.000000e+00 : f32
                %parallel_loop3A_162 = vector.broadcast %parallel_loop3A_161 : f32 to vector<16xf32>
                %parallel_loop3A_163 = arith.select %parallel_loop3A_160, %parallel_loop3A_162, %parallel_loop3A_157 : vector<16xi1>, vector<16xf32>
                %parallel_loop3A_164 = arith.constant 1.000000e+00 : f32
                %parallel_loop3A_165 = vector.broadcast %parallel_loop3A_164 : f32 to vector<16xf32>
                %parallel_loop3A_166 = arith.addf %parallel_loop3A_165, %parallel_loop3A_157 : vector<16xf32>
                %parallel_loop3A_167 = arith.divf %parallel_loop3A_163, %parallel_loop3A_166 : vector<16xf32>
                %parallel_loop3A_168 = arith.index_cast %scan3A_106 : i32 to index
                %parallel_loop3A_169 = arith.index_cast %parallel_loop3A_145 : i32 to index
                %parallel_loop3A_170 = tpu.vector_load %arg9[%parallel_loop3A_168, %parallel_loop3A_169] {strides = array<i32>} : memref<16x1024xf32, #tpu.memory_space<vmem>>, vector<16xf32>,
                tpu.vector_store %arg9[%parallel_loop3A_168, %parallel_loop3A_169], %parallel_loop3A_167 {strides = array<i32>} : memref<16x1024xf32, #tpu.memory_space<vmem>>, vector<16xf32>,
              } {sc.loop_unroll_factor = 8 : i64, sc.parallel_access}
              %cond3A_141 = arith.constant 0 : i32
              scf.yield %cond3A_141 : i32
            } else {
              %parallel_loop3A = arith.constant 0 : i32
              %parallel_loop3A_139 = arith.constant 64 : i32
              %parallel_loop3A_140 = arith.constant 1 : i32
              scf.for %parallel_loop3A_142 = %parallel_loop3A to %parallel_loop3A_139 step %parallel_loop3A_140  : i32 {
                %parallel_loop3A_143 = arith.constant 16 : i32
                %parallel_loop3A_144 = arith.muli %parallel_loop3A_142, %parallel_loop3A_143 : i32
                %parallel_loop3A_145 = tpu.assume_multiple %parallel_loop3A_144, 8 : i32
                %parallel_loop3A_146 = arith.index_cast %scan3A_106 : i32 to index
                %parallel_loop3A_147 = arith.index_cast %parallel_loop3A_145 : i32 to index
                %parallel_loop3A_148 = tpu.vector_load %arg7[%parallel_loop3A_146, %parallel_loop3A_147] {strides = array<i32>} : memref<16x1024xf32, #tpu.memory_space<vmem>>, vector<16xf32>,
                %parallel_loop3A_149 = vector.broadcast %squeeze3A_115 : f32 to vector<16xf32>
                %parallel_loop3A_150 = arith.mulf %parallel_loop3A_148, %parallel_loop3A_149 : vector<16xf32>
                %parallel_loop3A_151 = vector.broadcast %mul3A_119 : f32 to vector<16xf32>
                %parallel_loop3A_152 = arith.addf %parallel_loop3A_150, %parallel_loop3A_151 : vector<16xf32>
                %parallel_loop3A_153 = arith.constant 0.000000e+00 : f32
                %parallel_loop3A_154 = vector.broadcast %parallel_loop3A_153 : f32 to vector<16xf32>
                %parallel_loop3A_155 = arith.maximumf %parallel_loop3A_152, %parallel_loop3A_154 : vector<16xf32>
                %parallel_loop3A_156 = arith.constant 6.000000e+00 : f32
                %parallel_loop3A_157 = vector.broadcast %parallel_loop3A_156 : f32 to vector<16xf32>
                %parallel_loop3A_158 = arith.minimumf %parallel_loop3A_155, %parallel_loop3A_157 : vector<16xf32>
                %parallel_loop3A_159 = arith.index_cast %scan3A_106 : i32 to index
                %parallel_loop3A_160 = arith.index_cast %parallel_loop3A_145 : i32 to index
                %parallel_loop3A_161 = tpu.vector_load %arg9[%parallel_loop3A_159, %parallel_loop3A_160] {strides = array<i32>} : memref<16x1024xf32, #tpu.memory_space<vmem>>, vector<16xf32>,
                tpu.vector_store %arg9[%parallel_loop3A_159, %parallel_loop3A_160], %parallel_loop3A_158 {strides = array<i32>} : memref<16x1024xf32, #tpu.memory_space<vmem>>, vector<16xf32>,
              } {sc.loop_unroll_factor = 8 : i64, sc.parallel_access}
              %cond3A_141 = arith.constant 0 : i32
              scf.yield %cond3A_141 : i32
            }
            scf.yield %cond3A_138 : i32
          } else {
            %lt3A_133 = arith.constant 7.000000e+00 : f32
            %lt3A_134 = arith.cmpf olt, %squeeze3A, %lt3A_133 : f32
            %convert_element_type3A_135 = arith.extui %lt3A_134 : i1 to i32
            %cond3A_136 = arith.constant 0 : i32
            %cond3A_137 = arith.cmpi ne, %convert_element_type3A_135, %cond3A_136 : i32
            %cond3A_138 = scf.if %cond3A_137 -> (i32) {
              %parallel_loop3A = arith.constant 0 : i32
              %parallel_loop3A_139 = arith.constant 64 : i32
              %parallel_loop3A_140 = arith.constant 1 : i32
              scf.for %parallel_loop3A_142 = %parallel_loop3A to %parallel_loop3A_139 step %parallel_loop3A_140  : i32 {
                %parallel_loop3A_143 = arith.constant 16 : i32
                %parallel_loop3A_144 = arith.muli %parallel_loop3A_142, %parallel_loop3A_143 : i32
                %parallel_loop3A_145 = tpu.assume_multiple %parallel_loop3A_144, 8 : i32
                %parallel_loop3A_146 = arith.index_cast %scan3A_106 : i32 to index
                %parallel_loop3A_147 = arith.index_cast %parallel_loop3A_145 : i32 to index
                %parallel_loop3A_148 = tpu.vector_load %arg7[%parallel_loop3A_146, %parallel_loop3A_147] {strides = array<i32>} : memref<16x1024xf32, #tpu.memory_space<vmem>>, vector<16xf32>,
                %parallel_loop3A_149 = vector.broadcast %squeeze3A_115 : f32 to vector<16xf32>
                %parallel_loop3A_150 = arith.mulf %parallel_loop3A_148, %parallel_loop3A_149 : vector<16xf32>
                %parallel_loop3A_151 = vector.broadcast %mul3A_119 : f32 to vector<16xf32>
                %parallel_loop3A_152 = arith.addf %parallel_loop3A_150, %parallel_loop3A_151 : vector<16xf32>
                %parallel_loop3A_153 = arith.constant 0.000000e+00 : f32
                %parallel_loop3A_154 = vector.broadcast %parallel_loop3A_153 : f32 to vector<16xf32>
                %parallel_loop3A_155 = arith.cmpf ogt, %parallel_loop3A_152, %parallel_loop3A_154 : vector<16xf32>
                %parallel_loop3A_156 = arith.constant 0.000000e+00 : f32
                %parallel_loop3A_157 = vector.broadcast %parallel_loop3A_156 : f32 to vector<16xf32>
                %parallel_loop3A_158 = arith.minimumf %parallel_loop3A_152, %parallel_loop3A_157 : vector<16xf32>
                %parallel_loop3A_159 = math.exp %parallel_loop3A_158 : vector<16xf32>
                %parallel_loop3A_160 = arith.constant 1.000000e+00 : f32
                %parallel_loop3A_161 = vector.broadcast %parallel_loop3A_160 : f32 to vector<16xf32>
                %parallel_loop3A_162 = arith.subf %parallel_loop3A_159, %parallel_loop3A_161 : vector<16xf32>
                %parallel_loop3A_163 = arith.select %parallel_loop3A_155, %parallel_loop3A_152, %parallel_loop3A_162 : vector<16xi1>, vector<16xf32>
                %parallel_loop3A_164 = arith.index_cast %scan3A_106 : i32 to index
                %parallel_loop3A_165 = arith.index_cast %parallel_loop3A_145 : i32 to index
                %parallel_loop3A_166 = tpu.vector_load %arg9[%parallel_loop3A_164, %parallel_loop3A_165] {strides = array<i32>} : memref<16x1024xf32, #tpu.memory_space<vmem>>, vector<16xf32>,
                tpu.vector_store %arg9[%parallel_loop3A_164, %parallel_loop3A_165], %parallel_loop3A_163 {strides = array<i32>} : memref<16x1024xf32, #tpu.memory_space<vmem>>, vector<16xf32>,
              } {sc.loop_unroll_factor = 8 : i64, sc.parallel_access}
              %cond3A_141 = arith.constant 0 : i32
              scf.yield %cond3A_141 : i32
            } else {
              %parallel_loop3A = arith.constant 0 : i32
              %parallel_loop3A_139 = arith.constant 64 : i32
              %parallel_loop3A_140 = arith.constant 1 : i32
              scf.for %parallel_loop3A_142 = %parallel_loop3A to %parallel_loop3A_139 step %parallel_loop3A_140  : i32 {
                %parallel_loop3A_143 = arith.constant 16 : i32
                %parallel_loop3A_144 = arith.muli %parallel_loop3A_142, %parallel_loop3A_143 : i32
                %parallel_loop3A_145 = tpu.assume_multiple %parallel_loop3A_144, 8 : i32
                %parallel_loop3A_146 = arith.index_cast %scan3A_106 : i32 to index
                %parallel_loop3A_147 = arith.index_cast %parallel_loop3A_145 : i32 to index
                %parallel_loop3A_148 = tpu.vector_load %arg7[%parallel_loop3A_146, %parallel_loop3A_147] {strides = array<i32>} : memref<16x1024xf32, #tpu.memory_space<vmem>>, vector<16xf32>,
                %parallel_loop3A_149 = vector.broadcast %squeeze3A_115 : f32 to vector<16xf32>
                %parallel_loop3A_150 = arith.mulf %parallel_loop3A_148, %parallel_loop3A_149 : vector<16xf32>
                %parallel_loop3A_151 = vector.broadcast %mul3A_119 : f32 to vector<16xf32>
                %parallel_loop3A_152 = arith.addf %parallel_loop3A_150, %parallel_loop3A_151 : vector<16xf32>
                %parallel_loop3A_153 = arith.constant 0.000000e+00 : f32
                %parallel_loop3A_154 = vector.broadcast %parallel_loop3A_153 : f32 to vector<16xf32>
                %parallel_loop3A_155 = arith.maximumf %parallel_loop3A_152, %parallel_loop3A_154 : vector<16xf32>
                %parallel_loop3A_156 = math.absf %parallel_loop3A_152 : vector<16xf32>
                %parallel_loop3A_157 = arith.constant 0.000000e+00 : f32
                %parallel_loop3A_158 = vector.broadcast %parallel_loop3A_157 : f32 to vector<16xf32>
                %parallel_loop3A_159 = arith.subf %parallel_loop3A_158, %parallel_loop3A_156 : vector<16xf32>
                %parallel_loop3A_160 = math.exp %parallel_loop3A_159 : vector<16xf32>
                %parallel_loop3A_161 = arith.constant 2.000000e+00 : f32
                %parallel_loop3A_162 = vector.broadcast %parallel_loop3A_161 : f32 to vector<16xf32>
                %parallel_loop3A_163 = arith.addf %parallel_loop3A_162, %parallel_loop3A_160 : vector<16xf32>
                %parallel_loop3A_164 = arith.divf %parallel_loop3A_160, %parallel_loop3A_163 : vector<16xf32>
                %parallel_loop3A_165 = arith.mulf %parallel_loop3A_164, %parallel_loop3A_164 : vector<16xf32>
                %parallel_loop3A_166 = arith.constant 0.0909090936 : f32
                %parallel_loop3A_167 = vector.broadcast %parallel_loop3A_166 : f32 to vector<16xf32>
                %parallel_loop3A_168 = arith.mulf %parallel_loop3A_167, %parallel_loop3A_165 : vector<16xf32>
                %parallel_loop3A_169 = arith.constant 0.111111112 : f32
                %parallel_loop3A_170 = vector.broadcast %parallel_loop3A_169 : f32 to vector<16xf32>
                %parallel_loop3A_171 = arith.addf %parallel_loop3A_168, %parallel_loop3A_170 : vector<16xf32>
                %parallel_loop3A_172 = arith.mulf %parallel_loop3A_171, %parallel_loop3A_165 : vector<16xf32>
                %parallel_loop3A_173 = arith.constant 0.142857149 : f32
                %parallel_loop3A_174 = vector.broadcast %parallel_loop3A_173 : f32 to vector<16xf32>
                %parallel_loop3A_175 = arith.addf %parallel_loop3A_172, %parallel_loop3A_174 : vector<16xf32>
                %parallel_loop3A_176 = arith.mulf %parallel_loop3A_175, %parallel_loop3A_165 : vector<16xf32>
                %parallel_loop3A_177 = arith.constant 2.000000e-01 : f32
                %parallel_loop3A_178 = vector.broadcast %parallel_loop3A_177 : f32 to vector<16xf32>
                %parallel_loop3A_179 = arith.addf %parallel_loop3A_176, %parallel_loop3A_178 : vector<16xf32>
                %parallel_loop3A_180 = arith.mulf %parallel_loop3A_179, %parallel_loop3A_165 : vector<16xf32>
                %parallel_loop3A_181 = arith.constant 0.333333343 : f32
                %parallel_loop3A_182 = vector.broadcast %parallel_loop3A_181 : f32 to vector<16xf32>
                %parallel_loop3A_183 = arith.addf %parallel_loop3A_180, %parallel_loop3A_182 : vector<16xf32>
                %parallel_loop3A_184 = arith.mulf %parallel_loop3A_183, %parallel_loop3A_165 : vector<16xf32>
                %parallel_loop3A_185 = arith.constant 1.000000e+00 : f32
                %parallel_loop3A_186 = vector.broadcast %parallel_loop3A_185 : f32 to vector<16xf32>
                %parallel_loop3A_187 = arith.addf %parallel_loop3A_184, %parallel_loop3A_186 : vector<16xf32>
                %parallel_loop3A_188 = arith.constant 2.000000e+00 : f32
                %parallel_loop3A_189 = vector.broadcast %parallel_loop3A_188 : f32 to vector<16xf32>
                %parallel_loop3A_190 = arith.mulf %parallel_loop3A_189, %parallel_loop3A_164 : vector<16xf32>
                %parallel_loop3A_191 = arith.mulf %parallel_loop3A_190, %parallel_loop3A_187 : vector<16xf32>
                %parallel_loop3A_192 = arith.addf %parallel_loop3A_155, %parallel_loop3A_191 : vector<16xf32>
                %parallel_loop3A_193 = arith.index_cast %scan3A_106 : i32 to index
                %parallel_loop3A_194 = arith.index_cast %parallel_loop3A_145 : i32 to index
                %parallel_loop3A_195 = tpu.vector_load %arg9[%parallel_loop3A_193, %parallel_loop3A_194] {strides = array<i32>} : memref<16x1024xf32, #tpu.memory_space<vmem>>, vector<16xf32>,
                tpu.vector_store %arg9[%parallel_loop3A_193, %parallel_loop3A_194], %parallel_loop3A_192 {strides = array<i32>} : memref<16x1024xf32, #tpu.memory_space<vmem>>, vector<16xf32>,
              } {sc.loop_unroll_factor = 8 : i64, sc.parallel_access}
              %cond3A_141 = arith.constant 0 : i32
              scf.yield %cond3A_141 : i32
            }
            scf.yield %cond3A_138 : i32
          }
          scf.yield %cond3A_132 : i32
        }
        %scan3A_126 = arith.constant 0 : i32
        scf.yield %scan3A_126 : i32
      }
      %scan3A_91 = arith.constant 16 : i32
      %mul3A_92 = arith.constant 16 : i32
      %mul3A_93 = arith.muli %add3A_71, %mul3A_92 : i32
      %add3A_94 = arith.addi %mul3A_2, %mul3A_93 : i32
      %dma_start3A_95 = arith.constant 0 : i32
      %dma_start3A_96 = tpu.memref_slice %arg4[%add3A_94, %dma_start3A_95] : memref<16384x1024xf32, #tpu.memory_space<hbm>> -> memref<16x1024xf32, #tpu.memory_space<hbm>>
      %dma_start3A_97 = arith.constant 0 : i32
      %dma_start3A_98 = tpu.memref_slice %arg4[%add3A_94, %dma_start3A_97] : memref<16384x1024xf32, #tpu.memory_space<hbm>> -> memref<16x1024xf32, #tpu.memory_space<hbm>>
      tpu.enqueue_dma source(%arg9 : memref<16x1024xf32, #tpu.memory_space<vmem>>) target(%dma_start3A_98 : memref<16x1024xf32, #tpu.memory_space<hbm>>) target_semaphore(%arg13 : memref<!tpu.dma_semaphore, #tpu.memory_space<semaphore_mem>>)
      %lt3A_99 = arith.constant 15 : i32
      %lt3A_100 = arith.cmpi slt, %scan3A_33, %lt3A_99 : i32
      %convert_element_type3A_101 = arith.extui %lt3A_100 : i1 to i32
      %cond3A_102 = arith.constant 0 : i32
      %cond3A_103 = arith.cmpi ne, %convert_element_type3A_101, %cond3A_102 : i32
      %cond3A_104 = scf.if %cond3A_103 -> (i32) {
        %add3A_106 = arith.constant 2 : i32
        %add3A_107 = arith.addi %add3A_71, %add3A_106 : i32
        %mul3A_108 = arith.constant 16 : i32
        %mul3A_109 = arith.muli %add3A_107, %mul3A_108 : i32
        %add3A_110 = arith.addi %mul3A_2, %mul3A_109 : i32
        %dma_start3A_111 = arith.constant 0 : i32
        %dma_start3A_112 = tpu.memref_slice %arg2[%add3A_110, %dma_start3A_111] : memref<16384x1024xf32, #tpu.memory_space<hbm>> -> memref<16x1024xf32, #tpu.memory_space<hbm>>
        %dma_start3A_113 = arith.constant 0 : i32
        %dma_start3A_114 = tpu.memref_slice %arg2[%add3A_110, %dma_start3A_113] : memref<16384x1024xf32, #tpu.memory_space<hbm>> -> memref<16x1024xf32, #tpu.memory_space<hbm>>
        tpu.enqueue_dma source(%dma_start3A_114 : memref<16x1024xf32, #tpu.memory_space<hbm>>) target(%arg7 : memref<16x1024xf32, #tpu.memory_space<vmem>>) target_semaphore(%arg11 : memref<!tpu.dma_semaphore, #tpu.memory_space<semaphore_mem>>)
        %cond3A_115 = arith.constant 0 : i32
        scf.yield %cond3A_115 : i32
      } else {
        %cond3A_106 = arith.constant 0 : i32
        scf.yield %cond3A_106 : i32
      }
      %scan3A_105 = arith.constant 0 : i32
      scf.yield %scan3A_105 : i32
    }
    %scan3A_21 = arith.constant 16 : i32
    %add3A_22 = arith.constant 480 : i32
    %add3A_23 = arith.addi %mul3A_2, %add3A_22 : i32
    %dma_wait3A = arith.constant 0 : i32
    %dma_wait3A_24 = tpu.memref_slice %arg4[%add3A_23, %dma_wait3A] : memref<16384x1024xf32, #tpu.memory_space<hbm>> -> memref<16x1024xf32, #tpu.memory_space<hbm>>
    %dma_wait3A_25 = arith.constant 0 : i32
    %dma_wait3A_26 = tpu.memref_slice %arg4[%add3A_23, %dma_wait3A_25] : memref<16384x1024xf32, #tpu.memory_space<hbm>> -> memref<16x1024xf32, #tpu.memory_space<hbm>>
    tpu.wait_dma2 semaphore(%arg12 : memref<!tpu.dma_semaphore, #tpu.memory_space<semaphore_mem>>) src(%arg8 : memref<16x1024xf32, #tpu.memory_space<vmem>>) dst(%dma_wait3A_26 : memref<16x1024xf32, #tpu.memory_space<hbm>>)
    %add3A_27 = arith.constant 496 : i32
    %add3A_28 = arith.addi %mul3A_2, %add3A_27 : i32
    %dma_wait3A_29 = arith.constant 0 : i32
    %dma_wait3A_30 = tpu.memref_slice %arg4[%add3A_28, %dma_wait3A_29] : memref<16384x1024xf32, #tpu.memory_space<hbm>> -> memref<16x1024xf32, #tpu.memory_space<hbm>>
    %dma_wait3A_31 = arith.constant 0 : i32
    %dma_wait3A_32 = tpu.memref_slice %arg4[%add3A_28, %dma_wait3A_31] : memref<16384x1024xf32, #tpu.memory_space<hbm>> -> memref<16x1024xf32, #tpu.memory_space<hbm>>
    tpu.wait_dma2 semaphore(%arg13 : memref<!tpu.dma_semaphore, #tpu.memory_space<semaphore_mem>>) src(%arg9 : memref<16x1024xf32, #tpu.memory_space<vmem>>) dst(%dma_wait3A_32 : memref<16x1024xf32, #tpu.memory_space<hbm>>)
    return
  }
}

module attributes {stable_mosaic.version = 14 : i64} {
  func.func @_label_body(%arg0: i32, %arg1: memref<1024x1024xf32, #tpu.memory_space<vmem>>, %arg2: memref<8x1024xf32, #tpu.memory_space<vmem>>, %arg3: memref<1024x8xf32, #tpu.memory_space<vmem>>) attributes {dimension_semantics = [#tpu.dimension_semantics<arbitrary>], iteration_bounds = array<i64: 16>, scalar_prefetch = 0 : i64, scratch_operands = 0 : i64, tpu.core_type = #tpu.core_type<tc>, window_params = [{transform_indices = @transform_0, window_bounds = array<i64: 1024, 1024>}, {pipeline_mode = #tpu.pipeline_mode<synchronous>, transform_indices = @transform_1, window_bounds = array<i64: 8, 1024>}, {transform_indices = @transform_2, window_bounds = array<i64: 1024, 8>}]} {
    %get3A = arith.constant 0 : index
    %get3A_0 = arith.constant 0 : index
    %get3A_1 = vector.load %arg1[%get3A, %get3A_0] : memref<1024x1024xf32, #tpu.memory_space<vmem>>, vector<1024x1024xf32>
    %get3A_2 = arith.constant 0 : index
    %get3A_3 = arith.constant 0 : index
    %get3A_4 = vector.load %arg2[%get3A_2, %get3A_3] : memref<8x1024xf32, #tpu.memory_space<vmem>>, vector<8x1024xf32>
    %dot_general3A = arith.constant dense<0.000000e+00> : vector<1024x8xf32>
    %dot_general3A_5 = tpu.matmul %get3A_1, %get3A_4, %dot_general3A {dimension_numbers = #tpu.dot_dimension_numbers<[1], [1], [0], [0], [0, 0, 1, 0], [], []>, transpose_lhs_hint = false} : vector<1024x1024xf32>, vector<8x1024xf32>, vector<1024x8xf32> -> vector<1024x8xf32>
    %mul3A = arith.mulf %get3A_4, %get3A_4 : vector<8x1024xf32>
    %reduce_sum3A = arith.constant dense<0.000000e+00> : vector<8xf32>
    %reduce_sum3A_6 = vector.multi_reduction <add>, %mul3A, %reduce_sum3A [1] : vector<8x1024xf32> to vector<8xf32>
    %broadcast_in_dim3A = vector.shape_cast %reduce_sum3A_6 : vector<8xf32> to vector<1x8xf32>
    %mul3A_7 = arith.constant 2.000000e+00 : f32
    %mul3A_8 = vector.broadcast %mul3A_7 : f32 to vector<1024x8xf32>
    %mul3A_9 = arith.mulf %mul3A_8, %dot_general3A_5 : vector<1024x8xf32>
    %sub3A = vector.broadcast %broadcast_in_dim3A : vector<1x8xf32> to vector<1024x8xf32>
    %sub3A_10 = arith.subf %sub3A, %mul3A_9 : vector<1024x8xf32>
    %argmin3A = tpu.reduce_index %sub3A_10 {axis = 1 : i32, kind = #tpu.reduction_kind<arg_min>} : vector<1024x8xf32> -> vector<1024xi32>
    %convert_element_type3A = arith.sitofp %argmin3A : vector<1024xi32> to vector<1024xf32>
    %reduce_sum3A_11 = arith.constant dense<0.000000e+00> : vector<1024xf32>
    %reduce_sum3A_12 = vector.multi_reduction <add>, %get3A_1, %reduce_sum3A_11 [1] : vector<1024x1024xf32> to vector<1024xf32>
    %mul3A_13 = arith.mulf %get3A_1, %get3A_1 : vector<1024x1024xf32>
    %reduce_sum3A_14 = arith.constant dense<0.000000e+00> : vector<1024xf32>
    %reduce_sum3A_15 = vector.multi_reduction <add>, %mul3A_13, %reduce_sum3A_14 [1] : vector<1024x1024xf32> to vector<1024xf32>
    %mul3A_16 = arith.constant 9.765625E-4 : f32
    %mul3A_17 = vector.broadcast %mul3A_16 : f32 to vector<1024xf32>
    %mul3A_18 = arith.mulf %reduce_sum3A_12, %mul3A_17 : vector<1024xf32>
    %mul3A_19 = arith.mulf %reduce_sum3A_12, %mul3A_18 : vector<1024xf32>
    %sub3A_20 = arith.subf %reduce_sum3A_15, %mul3A_19 : vector<1024xf32>
    %mul3A_21 = arith.constant 9.77517105E-4 : f32
    %mul3A_22 = vector.broadcast %mul3A_21 : f32 to vector<1024xf32>
    %mul3A_23 = arith.mulf %sub3A_20, %mul3A_22 : vector<1024xf32>
    %add3A = arith.constant 9.99999974E-6 : f32
    %add3A_24 = vector.broadcast %add3A : f32 to vector<1024xf32>
    %add3A_25 = arith.addf %mul3A_23, %add3A_24 : vector<1024xf32>
    %rsqrt3A = math.rsqrt %add3A_25 : vector<1024xf32>
    %broadcast_in_dim3A_26 = arith.constant 0.000000e+00 : f32
    %broadcast_in_dim3A_27 = vector.broadcast %broadcast_in_dim3A_26 : f32 to vector<1024x5xf32>
    %broadcast_in_dim3A_28 = vector.shape_cast %convert_element_type3A : vector<1024xf32> to vector<1024x1xf32>
    %broadcast_in_dim3A_29 = vector.shape_cast %mul3A_18 : vector<1024xf32> to vector<1024x1xf32>
    %broadcast_in_dim3A_30 = vector.shape_cast %rsqrt3A : vector<1024xf32> to vector<1024x1xf32>
    %concatenate3A = tpu.concatenate %broadcast_in_dim3A_28, %broadcast_in_dim3A_29, %broadcast_in_dim3A_30, %broadcast_in_dim3A_27 in 1 : vector<1024x1xf32>, vector<1024x1xf32>, vector<1024x1xf32>, vector<1024x5xf32> -> vector<1024x8xf32>
    %swap3A = arith.constant 0 : index
    %swap3A_31 = arith.constant 0 : index
    %swap3A_32 = vector.load %arg3[%swap3A, %swap3A_31] : memref<1024x8xf32, #tpu.memory_space<vmem>>, vector<1024x8xf32>
    tpu.vector_store %arg3[%swap3A, %swap3A_31], %concatenate3A {strides = array<i32>} : memref<1024x8xf32, #tpu.memory_space<vmem>>, vector<1024x8xf32>,
    return
  }
  func.func @transform_0(%arg0: i32) -> (i32, i32) {
    %c0_i32 = arith.constant 0 : i32
    %c0_i32_0 = arith.constant 0 : i32
    return %arg0, %c0_i32 : i32, i32
  }
  func.func @transform_1(%arg0: i32) -> (i32, i32) {
    %c0_i32 = arith.constant 0 : i32
    %c0_i32_0 = arith.constant 0 : i32
    %c0_i32_1 = arith.constant 0 : i32
    return %c0_i32, %c0_i32_0 : i32, i32
  }
  func.func @transform_2(%arg0: i32) -> (i32, i32) {
    %c0_i32 = arith.constant 0 : i32
    %c0_i32_0 = arith.constant 0 : i32
    return %arg0, %c0_i32 : i32, i32
  }
}

</mosaic_0001>

<sc_bundles>
// kernel: kernel.4.cloned.1.call-start
scs
__scs_entry_jumppad:
0x0: {  	(pc) =	sbr.rel $0x88, $3  }
0x1: {  	(tag) =	ssettag $0x0;
	lr =	simm.s32 $0x1  }
0x2: {  	[smem:$0x3F9F] =	sst lr;
	_ =	strace $0xD0000000  }
0x3: {  	_ = 	snop  }
0x4: {  	_ = 	snop  }
0x5: {  	_ = 	snop  }
0x6: {  	_ = 	snop  }
0x7: {  	_ = 	snop  }
__scs_overlays_trampoline_lowered:
0x8: {  	[smem:$0x3FAE] =	sst s0  }
0x9: {  	[smem:$0x3FAF] =	sst s1  }
0xa: {  	[smem:$0x3FB0] =	sst s2  }
0xb: {  	[smem:$0x3FB1] =	sst s3  }
0xc: {  	[smem:$0x3FB2] =	sst s4  }
0xd: {  	[smem:$0x3FB3] =	sst s5  }
0xe: {  	[smem:$0x3FB4] =	sst s6  }
0xf: {  	[smem:$0x3FB5] =	sst s7  }
0x10: {  	[smem:$0x3FB6] =	sst s8  }
0x11: {  	[smem:$0x3FB7] =	sst s9;
	s0 =	simm.s32 @!p0 $0x0  }
0x12: {  	s1 =	sld [smem:$0x3F9D];
	s0 =	simm.s32 @p0 $0x1  }
0x13: {  	[smem:$0x3FB8] =	sst s0;
	s0 =	simm.s32 @!p1 $0x0  }
0x14: {  	s2 =	sld [smem:$0x3F9C];
	s0 =	simm.s32 @p1 $0x1  }
0x15: {  	[smem:$0x3FB9] =	sst s0;
	s0 =	simm.s32 @!p2 $0x0  }
0x16: {  	s3 =	sld [smem:$0x3FDB];
	s0 =	simm.s32 @p2 $0x1  }
0x17: {  	s4 =	simm.s32 $0x1BF5;
	[smem:$0x3FBB] =	sst s0  }
0x18: {  	s0 =	sld [smem:$0x3F9E];
	_ =	swait.ge [sflag:s4], $0x0  }
0x19: {  	s7 =	sld [smem:$0x3F9F]  }
0x1a: {  	s8 =	sadd.s32 $0xFFFFE003, lr  }
0x1b: {  	s9 =	sadd.s32 $0xFFFFFEF7, lr;
	s5 =	simm.s32 $0xFFFFFFFF;
	p2 =	slt.u32 s8, $0xFFFFF086  }
0x1c: {  	p1 =	slt.u32 s9, $0xF7A;
	s5 =	simm.s32 @!p2 $0x0  }
0x1d: {  	s5 =	simm.s32 @p1 $0x1;
	p0 =	seq.s32 s7, s2  }
0x1e: {  	s7 =	smul.u32 @!p0 $0xF7A, s2;
	p2 =	seq.s32 @!p0 s5, $0x0  }
0x1f: {  	s9 =	smul.u32 $0xF7A, s1;
	s8 =	simm.s32 @!p0 $0x1BF5;
	p2 =	por !p2, p0  }
0x20: {  	[sflag:s8] =	ssyncset.s32 @!p0 $0xFFFFF086;
	s6 =	sadd.s32 @!p0 s3, s7;
	s7 =	simm.s32 @!p0 $0x108  }
0x21: {  	s3 =	sadd.s32 s3, s9;
	s6 =	sadd.s32 @!p0 $0x88, s6;
	s7 =	simm.s32 @p2 $0x1082  }
0x22: {  	[simem:s7], [sflag:s8] =	dma.local @!p0 [hbm:s6], $0xF7A  }
0x23: {  	s9 =	sor.u32 $0xD0000000, s2;
	s6 =	simm.s32 $0x108;
	_ =	swait.ge @!p0 [sflag:s8], $0x0  }
0x24: {  	s3 =	sadd.s32 $0x88, s3;
	s6 =	simm.s32 @!p1 $0x1082;
	[sflag:s4] =	ssyncset.s32 $0xFFFFF086  }
0x25: {  	[simem:s6], [sflag:s4] =	dma.local [hbm:s3], $0xF7A  }
0x26: {  	[smem:$0x3F9F] =	sst s1;
	(tag) =	ssettag s2;
	_ =	strace s9  }
0x27: {  	s1 =	sld [smem:$0x3FAF]  }
0x28: {  	s2 =	sld [smem:$0x3FB0]  }
0x29: {  	s4 =	sld [smem:$0x3FB2]  }
0x2a: {  	p0 =	seq.s32 s5, $0x0;
	s5 =	sld [smem:$0x3FB3]  }
0x2b: {  	s6 =	sld [smem:$0x3FB4]  }
0x2c: {  	s7 =	sld [smem:$0x3FB5]  }
0x2d: {  	s3 =	simm.s32 $0x108;
	s8 =	sld [smem:$0x3FB6]  }
0x2e: {  	s3 =	simm.s32 @!p0 $0x1082;
	s9 =	sld [smem:$0x3FB7]  }
0x2f: {  	lr =	sadd.s32 s0, s3;
	s0 =	sld [smem:$0x3FAE]  }
0x30: {  	s3 =	sld [smem:$0x3FB1]  }
0x31: {  	[smem:$0x3FBA] =	sst s10  }
0x32: {  	s10 =	sld [smem:$0x3FB8];
	_ =	sdelay $0x3  }
0x33: {  	p0 =	seq.s32 s10, $0x1;
	s10 =	sld [smem:$0x3FBA];
	_ =	sdelay $0x3  }
0x34: {  	[smem:$0x3FBA] =	sst s10  }
0x35: {  	s10 =	sld [smem:$0x3FB9];
	_ =	sdelay $0x3  }
0x36: {  	p1 =	seq.s32 s10, $0x1;
	s10 =	sld [smem:$0x3FBA];
	_ =	sdelay $0x3  }
0x37: {  	[smem:$0x3FBA] =	sst s10  }
0x38: {  	s10 =	sld [smem:$0x3FBB]  }
0x39: {  	_ = 	snop;
	(pc) =	sbr.ind lr, $3  }
0x3a: {  	_ = 	snop  }
0x3b: {  	_ = 	snop  }
0x3c: {  	p2 =	seq.s32 s10, $0x1;
	s10 =	sld [smem:$0x3FBA]  }
0x3d: {  	_ =	shalt  }
0x3e: {  	_ =	shalt  }
0x3f: {  	_ =	shalt  }
0x40: {  	_ =	shalt  }
0x41: {  	_ =	shalt  }
0x42: {  	_ =	shalt  }
0x43: {  	_ =	shalt  }
0x44: {  	_ =	shalt  }
0x45: {  	_ =	shalt  }
0x46: {  	_ =	shalt  }
0x47: {  	_ =	shalt  }
0x48: {  	_ =	shalt  }
0x49: {  	_ =	shalt  }
0x4a: {  	_ =	shalt  }
0x4b: {  	_ =	shalt  }
0x4c: {  	_ =	shalt  }
0x4d: {  	_ =	shalt  }
0x4e: {  	_ =	shalt  }
0x4f: {  	_ =	shalt  }
0x50: {  	_ =	shalt  }
0x51: {  	_ =	shalt  }
0x52: {  	_ =	shalt  }
0x53: {  	_ =	shalt  }
0x54: {  	_ =	shalt  }
0x55: {  	_ =	shalt  }
0x56: {  	_ =	shalt  }
0x57: {  	_ =	shalt  }
0x58: {  	_ =	shalt  }
0x59: {  	_ =	shalt  }
0x5a: {  	_ =	shalt  }
0x5b: {  	_ =	shalt  }
0x5c: {  	_ =	shalt  }
0x5d: {  	_ =	shalt  }
0x5e: {  	_ =	shalt  }
0x5f: {  	_ =	shalt  }
0x60: {  	_ =	shalt  }
0x61: {  	_ =	shalt  }
0x62: {  	_ =	shalt  }
0x63: {  	_ =	shalt  }
0x64: {  	_ =	shalt  }
0x65: {  	_ =	shalt  }
0x66: {  	_ =	shalt  }
0x67: {  	_ =	shalt  }
0x68: {  	_ =	shalt  }
0x69: {  	_ =	shalt  }
0x6a: {  	_ =	shalt  }
0x6b: {  	_ =	shalt  }
0x6c: {  	_ =	shalt  }
0x6d: {  	_ =	shalt  }
0x6e: {  	_ =	shalt  }
0x6f: {  	_ =	shalt  }
0x70: {  	_ =	shalt  }
0x71: {  	_ =	shalt  }
0x72: {  	_ =	shalt  }
0x73: {  	_ =	shalt  }
0x74: {  	_ =	shalt  }
0x75: {  	_ =	shalt  }
0x76: {  	_ =	shalt  }
0x77: {  	_ =	shalt  }
0x78: {  	_ =	shalt  }
0x79: {  	_ =	shalt  }
0x7a: {  	_ =	shalt  }
0x7b: {  	_ =	shalt  }
0x7c: {  	_ =	shalt  }
0x7d: {  	_ =	shalt  }
0x7e: {  	_ =	shalt  }
0x7f: {  	_ =	shalt  }
0x80: {  	_ =	shalt  }
0x81: {  	_ =	shalt  }
0x82: {  	_ =	shalt  }
0x83: {  	_ =	shalt  }
0x84: {  	_ =	shalt  }
0x85: {  	_ =	shalt  }
0x86: {  	_ =	shalt  }
0x87: {  	_ =	shalt  }
.Lfunc_end0:
.L_simem_size_0:
called_computation_lowered:
.L_overlay_start_0:
0x88: {  	s2 =	sld [smem:$0x3FD9]  }
0x89: {  	s3 =	sld [smem:$0x3FFE];
	_ =	sdelay $0x1  }
0x8a: {  	s1 =	srdreg.scid  }
0x8b: {  	s0 =	sand.u32 $0x1, s1  }
0x8c: {  	s17 =	sshll.u32 s0, $0xA;
	s2 =	sadd.s32 s3, s2  }
0x8d: {  	s2 =	sadd.s32 s2, s17  }
0x8e: {  	[smem:$0x3FC6] =	sst s2  }
0x8f: {  	_ = 	snop  }
0x90: {  	s2 =	sld [smem:$0x3FC9]  }
0x91: {  	s18 =	sld [smem:$0x3FD0];
	(tm) =	ssettm $0x1  }
0x92: {  	s4 =	sld [smem:$0x3FFB];
	_ =	sdelay $0x3  }
0x93: {  	_ =	strace s4  }
0x94: {  	s4 =	sld [smem:$0x3FFC];
	_ =	sdelay $0x3  }
0x95: {  	_ =	strace s4  }
0x96: {  	s4 =	sld [smem:$0x3FFD];
	_ =	sdelay $0x3  }
0x97: {  	_ =	strace s4  }
0x98: {  	_ =	strace $0x8FFFFFFF  }
0x99: {  	s19 =	sld [smem:$0x3FDB];
	_ =	sdelay $0x1  }
0x9a: {  	s5 =	simm.s32 $_scs_section_size  }
0x9b: {  	s6 =	simm.s32 $_size__tile_overlayer_lowered;
	s7 =	simm.s32 $_tile_overlayer_lowered  }
0x9c: {  	s22 =	simm.s32 $0x1BFF;
	s21 =	sshll.u32 s7, $0x1;
	s4 =	sadd.s32 s5, s19  }
0x9d: {  	s8 =	simm.s32 $0x0;
	s20 =	sshll.u32 s6, $0x1;
	s6 =	sadd.s32 s21, s4  }
0x9e: {  	[timem:s8], [sflag:s22] =	dma.local [hbm:s6], s20  }
0x9f: {  	_ =	swait.ge [sflag:s22], s20  }
0xa0: {  	s5 =	ssub.s32 $0x0, s20;
	[sflag:s22] =	ssyncset.done $0x0  }
0xa1: {  	[sflag:s22] =	ssyncadd.s32 s5;
	_ =	sdelay $0x1  }
0xa2: {  	s23 =	simm.s32 $0x1B8B  }
0xa3: {  	_ =	swait.ge [sflag:s23], $0x1  }
0xa4: {  	[sflag:s23] =	ssyncset.done $0x0  }
0xa5: {  	s25 =	simm.s32 $0x1B8E;
	s24 =	sld [smem:$0x3FFE];
	[sflag:s23] =	ssyncadd.s32 $0xFFFFFFFF  }
0xa6: {  	s26 =	simm.s32 $execute0_lowered;
	[smem:$0x3FD2] =	sst s25  }
0xa7: {  	s6 =	sshll.u32 s26, $0x1;
	_ =	strace $0x80000046;
	[dreg:$0x1] =	wrdreg $0xFFFFFFFF  }
0xa8: {  	s28 =	simm.s32 $_size_execute0_lowered;
	s4 =	sadd.s32 s4, s6;
	[dreg:$0x0] =	wrdreg $0x0  }
0xa9: {  	s6 =	sshll.u32 s28, $0x1;
	[dreg:$0x2] =	wrdreg s4  }
0xaa: {  	[dreg:$0x3] =	wrdreg s6  }
0xab: {  	[dreg:$0x4] =	wrdreg $0xC0  }
0xac: {  	_ =	task [dreg:s8], $0x5FFFF  }
0xad: {  	[dreg:$0x1] =	wrdreg $0xFFFFFFFF  }
0xae: {  	[dreg:$0x0] =	wrdreg $0x60  }
0xaf: {  	[dreg:$0x2] =	wrdreg s2  }
0xb0: {  	[dreg:$0x3] =	wrdreg s24  }
0xb1: {  	[dreg:$0x4] =	wrdreg s18  }
0xb2: {  	[dreg:$0x5] =	wrdreg $0x9  }
0xb3: {  	_ =	task.clear_ibuf [dreg:s8], $0x6FFFF;
	_ =	strace $0x90000046  }
0xb4: {  	s29 =	simm.s32 $0x9;
	_ =	strace $0x80000048  }
0xb5: {  	_ =	swait.ge [sflag:s29], $0x1  }
0xb6: {  	[sflag:s29] =	ssyncadd.s32 $0xFFFFFFFF  }
0xb7: {  	_ =	strace $0x90000048  }
0xb8: {  	_ =	sfence  }
0xb9: {  	s30 =	sld [smem:$0x0];
	_ =	sdelay $0x2  }
0xba: {  	s31 =	sshll.u32 s1, $0xD;
	s1 =	sshrl.u32 s1, $0x2  }
0xbb: {  	s3 =	sand.u32 $0x4000, s31;
	s1 =	sadd.s32 s1, s30  }
0xbc: {  	s0 =	sor.u32 s3, s0;
	s1 =	sshll.u32 s1, $0x11  }
0xbd: {  	s0 =	sor.u32 s1, s0  }
0xbe: {  	s0 =	sadd.s32 $0x8F2B, s0  }
0xbf: {  	[sflag:s0] =	ssyncadd.remote.s32 $0x1  }
0xc0: {  	_ =	sfence.sel $0xFFFF  }
0xc1: {  	[dreg:$0x0] =	wrdreg $0xFFFFFFFF;
	(pc) =	sbr.abs _section_cstart, $3  }
0xc2: {  	[dreg:$0x1] =	wrdreg $0xFFFFFFFF  }
0xc3: {  	_ =	task.clear_ibuf [dreg:s8], $0x2FFFF;
	_ =	strace $0x9FFFFFFF  }
0xc4: {  	(tm) =	ssettm $0x7FFFFFFF  }
0xc5: {  	_ =	shalt  }
tec
execute0_lowered:
.L_overlay_start_1:
0x0: {  	(tag) =	ssettag $0x1  }
0x1: {  	s1 =	rddreg [dreg:$0x0]  }
0x2: {  	s0 =	rddreg [dreg:$0x1]  }
0x3: {  	s3 =	rddreg [dreg:$0x2]  }
0x4: {  	s4 =	simm.s32 $0x0;
	s2 =	srdreg.scid;
	s5 =	stileid.u32  }
0x5: {  	s12 =	simm.s32 $0x5;
	s14 =	simm.s32 $0x5080;
	s15 =	simm.s32 $0x1  }
0x6: {  	s16 =	simm.s32 $0x9080;
	s17 =	simm.s32 $0x2;
	s18 =	simm.s32 $0xD080  }
0x7: {  	s19 =	simm.s32 $0x3;
	s20 =	simm.s32 $0x4;
	s21 =	simm.s32 $0x0  }
0x8: {  	[smem:$0x7FF] =	sst s4;
	s2 =	sand.u32 $0x1, s2;
	s5 =	sshll.u32 s5, $0x1  }
.Ltmp0:
0x9: {  	s6 =	sor.u32 s2, s5;
	s2 =	ssub.s32 $0x2, s2;
	(pc) =	sbr.rel .LBB2_1-.Ltmp0, $4  }
0xa: {  	_ =	strace $0x80000047;
	s5 =	sshll.u32 s6, $0x9;
	s7 =	sshrl.u32 s2, $0x1  }
0xb: {  	s6 =	sshll.u32 s6, $0x10;
	s0 =	sadd.s32 s5, s0;
	s2 =	ssub.s32 s2, s7  }
0xc: {  	s6 =	sadd.s32 s1, s6;
	s9 =	sor.u32 $0x20, s5;
	s10 =	sor.u32 $0x30, s5  }
0xd: {  	s7 =	sadd.s32 $0x600, s0;
	s8 =	sadd.s32 $0x800, s6;
	s11 =	smax.u32 s2, $0x1  }
.LBB2_70:
0xe: {  	s21 =	sadd.s32 $0x1, s21  }
0xf: {  	_ =	swait.ge [sflag:s19], $0x4000;
	p0 =	sne.s32 s21, s11  }
.Ltmp1:
0x10: {  	[sflag:s19] =	ssyncset.done $0x0;
	(pc) =	sbr.rel @!p0 .LBB2_71-.Ltmp1, $4  }
0x11: {  	[sflag:s19] =	ssyncadd.s32 $0xFFFFC000  }
0x12: {  	_ =	swait.ge [sflag:s20], $0x4000  }
0x13: {  	[sflag:s20] =	ssyncset.done $0x0  }
0x14: {  	[sflag:s20] =	ssyncadd.s32 $0xFFFFC000  }
.LBB2_1:
0x15: {  	[tilespmem:s4], [sflag:$0x5] =	stream.linear.gather [hbm4b:s7+s4], $0x1000, $0x38;
	[tilespmem:$0x11080] =	vst v63  }
0x16: {  	_ =	swait.ge [sflag:s12], $0x1000  }
0x17: {  	[sflag:s12] =	ssyncset.done $0x0  }
0x18: {  	s0 =	simm.s32 $0x1080;
	[sflag:s12] =	ssyncadd.s32 $0xFFFFF000  }
0x19: {  	[tilespmem:s0], [sflag:$0x1] =	stream.linear.gather [hbm4b:s6+s4], $0x4000, $0x38;
	[tilespmem:$0x11080] =	vst v63  }
0x1a: {  	s22 =	simm.s32 $0x0  }
0x1b: {  	[tilespmem:s14], [sflag:$0x2] =	stream.linear.gather [hbm4b:s8+s4], $0x4000, $0x38;
	[tilespmem:$0x11080] =	vst v63  }
.LBB2_2:
0x1c: {  	_ =	swait.ge [sflag:s15], $0x4000  }
.Ltmp2:
0x1d: {  	p0 =	seq.s32 s22, $0x0;
	[sflag:s15] =	ssyncset.done $0x0;
	(pc) =	sbr.rel .LBB2_3-.Ltmp2, $4  }
0x1e: {  	s0 =	simm.s32 @!p0 $0x3;
	[sflag:s15] =	ssyncadd.s32 $0xFFFFC000  }
0x1f: {  	s23 =	sshll.u32 s22, $0x5;
	_ =	swait.ge @!p0 [sflag:s0], $0x4000  }
0x20: {  	s25 =	simm.s32 $0x0;
	s26 =	simm.s32 $0x0;
	[sflag:s0] =	ssyncset.done @!p0 $0x0  }
0x21: {  	s28 =	simm.s32 $0x0;
	s24 =	sadd.s32 s5, s23;
	[sflag:s0] =	ssyncadd.s32 @!p0 $0xFFFFC000  }
.LBB2_33:
0x22: {  	v0 =	vadd.f32 $2.000000000e+00, v22  }
0x23: {  	v60 =	vadd.f32 $2.000000000e+00, v23  }
0x24: {  	(erf) = vrcp.f32 v0  }
0x25: {  	(erf) = vrcp.f32 v60;
	_ =	sdelay $0x6  }
0x26: {  	v1 =	vmul.f32 v28, v16  }
0x27: {  	v62 =	vmul.f32 v31, v25;
	v63 =	vadd.f32 $1.000000000e+00, v32;
	v26 =	vadd.f32 v26, v26;
	v61 =	vpop (erf)  }
0x28: {  	v8 =	vadd.f32 v29, v8;
	v35 =	vmul.f32 v30, v17;
	v0 =	vmul.f32 v61, v22;
	v32 =	vpop (erf)  }
0x29: {  	v11 =	vmax.f32 v11, $0.0e+00;
	v9 =	vmax.f32 v9, $0.0e+00;
	v33 =	vmul.f32 v32, v23  }
0x2a: {  	v27 =	vadd.f32 $2.000000030e-01, v27;
	v6 =	vmax.f32 v6, $0.0e+00;
	v34 =	vmul.f32 v0, v0  }
0x2b: {  	v18 =	vadd.f32 v18, v18;
	v19 =	vadd.f32 $1.428571490e-01, v19;
	v36 =	vmul.f32 v33, v33  }
0x2c: {  	v14 =	vadd.f32 v14, v14;
	v4 =	vmax.f32 v4, $0.0e+00;
	v37 =	vmul.f32 $9.090909360e-02, v34  }
0x2d: {  	v53 =	vadd.f32 v13, v13;
	v1 =	vadd.f32 $1.428571490e-01, v1;
	v39 =	vmul.f32 $9.090909360e-02, v36  }
0x2e: {  	v56 =	vadd.f32 v10, v10;
	v25 =	vmul.f32 v63, v26;
	v38 =	vadd.f32 $1.111111120e-01, v37  }
0x2f: {  	v29 =	vadd.f32 $2.000000030e-01, v35;
	v1 =	vmul.f32 v1, v16;
	v41 =	vadd.f32 $1.111111120e-01, v39  }
0x30: {  	v27 =	vmul.f32 v27, v20;
	v9 =	vadd.f32 v25, v9;
	v22 =	vmul.f32 v38, v34  }
0x31: {  	v40 =	vmul.f32 v29, v17;
	v1 =	vadd.f32 $2.000000030e-01, v1;
	v29 =	vmul.f32 v41, v36  }
0x32: {  	v19 =	vmul.f32 v19, v12;
	v27 =	vadd.f32 $3.333333430e-01, v27;
	v22 =	vadd.f32 $1.428571490e-01, v22  }
0x33: {  	v25 =	vadd.f32 $3.333333430e-01, v40;
	v1 =	vmul.f32 v1, v16;
	v44 =	vadd.f32 $1.428571490e-01, v29  }
0x34: {  	v47 =	vadd.f32 $2.000000030e-01, v19;
	v42 =	vmul.f32 v27, v20;
	v22 =	vmul.f32 v22, v34  }
0x35: {  	v43 =	vmul.f32 v25, v17;
	v1 =	vadd.f32 $3.333333430e-01, v1;
	v25 =	vmul.f32 v44, v36  }
0x36: {  	v3 =	vmax.f32 v3, $0.0e+00;
	v20 =	vadd.f32 $1.000000000e+00, v42;
	v22 =	vadd.f32 $2.000000030e-01, v22  }
0x37: {  	v1 =	vmul.f32 v1, v16;
	v16 =	vmul.f32 v47, v12;
	v46 =	vadd.f32 $2.000000030e-01, v25  }
0x38: {  	v21 =	vadd.f32 v62, v21;
	v17 =	vadd.f32 $1.000000000e+00, v43;
	v45 =	vmul.f32 v22, v34  }
0x39: {  	v18 =	vmul.f32 v20, v18;
	v50 =	vadd.f32 $3.333333430e-01, v16;
	v49 =	vmul.f32 v46, v36  }
0x3a: {  	v17 =	vmul.f32 v17, v24;
	v1 =	vadd.f32 $1.000000000e+00, v1;
	v48 =	vadd.f32 $3.333333430e-01, v45  }
0x3b: {  	v6 =	vadd.f32 v18, v6;
	v54 =	vmul.f32 v50, v12;
	v18 =	vadd.f32 $3.333333430e-01, v49  }
0x3c: {  	[tilespmem:s30+$0xFFFFFFC0] =	vst v8;
	v11 =	vadd.f32 v17, v11;
	v1 =	vmul.f32 v1, v14;
	v17 =	vmul.f32 v48, v34  }
0x3d: {  	s0 =	sadd.s32 $0x400, s29;
	[tilespmem:s30+$0x10] =	vst v21;
	v0 =	vadd.f32 v0, v0;
	v57 =	vadd.f32 $1.000000000e+00, v54;
	v51 =	vmul.f32 v18, v36  }
0x3e: {  	[tilespmem:s0+$0x30] =	vst v9;
	v1 =	vadd.f32 v1, v4;
	v4 =	vmul.f32 v15, v53;
	v52 =	vadd.f32 $1.000000000e+00, v17  }
0x3f: {  	[tilespmem:s0+$0xFFFFFFE0] =	vst v6;
	v55 =	vadd.f32 v33, v33;
	v60 =	vmul.f32 v57, v56;
	v8 =	vadd.f32 $1.000000000e+00, v51  }
0x40: {  	v61 =	vmax.f32 v5, $0.0e+00;
	[tilespmem:s0+$0xFFFFFFD0] =	vst v11;
	v59 =	vadd.f32 v4, v3;
	v0 =	vmul.f32 v52, v0  }
0x41: {  	v7 =	vmax.f32 v7, $0.0e+00;
	[tilespmem:s0+$0x0] =	vst v1;
	v63 =	vadd.f32 v60, v61;
	v58 =	vmul.f32 v8, v55  }
0x42: {  	v2 =	vmax.f32 v2, $0.0e+00;
	[tilespmem:s0+$0x20] =	vst v59;
	v0 =	vadd.f32 v0, v7  }
0x43: {  	[tilespmem:s0+$0x10] =	vst v63;
	v62 =	vadd.f32 v58, v2  }
0x44: {  	[tilespmem:s0+$0xFFFFFFF0] =	vst v0  }
0x45: {  	[tilespmem:s0+$0xFFFFFFC0] =	vst v62  }
.LBB2_34:
0x46: {  	s28 =	sadd.s32 $0x1, s28  }
0x47: {  	p1 =	sne.s32 s28, $0x10  }
.Ltmp3:
0x48: {  	_ = 	snop;
	(pc) =	sbr.rel @!p1 .LBB2_35-.Ltmp3, $2  }
0x49: {  	_ =	sdelay $0x2  }
0x4a: {  	s26 =	sadd.s32 $0x400, s26;
	s25 =	sadd.s32 $0x1, s25  }
.LBB2_3:
0x4b: {  	s0 =	sadd.s32 s23, s28  }
0x4c: {  	s0 =	sshll.u32 s0, $0x3  }
0x4d: {  	s0 =	sand.u32 $0x3FFFFFF8, s0  }
0x4e: {  	v0 =	vld [tilespmem:s0+$0x0];
	_ =	sdelay $0x4  }
0x4f: {  	(v2sf) =	vpush v0, $0x0  }
0x50: {  	(v2sf) =	vpush v0, $0x2  }
0x51: {  	(v2sf) =	vpush v0, $0x1;
	_ =	sdelay $0xc  }
0x52: {  	s0 =	spop (v2sf)  }
0x53: {  	s2 =	spop (v2sf)  }
0x54: {  	s29 =	sshll.u32 s26, $0x2;
	p1 =	slt.f32 s0, $4.000000000e+00;
	s13 =	spop (v2sf)  }
.Ltmp4:
0x55: {  	s30 =	sand.u32 $0x7, s25;
	s13 =	ssub.f32 $0.0e+00, s13;
	(pc) =	sbr.rel @!p1 .LBB2_19-.Ltmp4, $4  }
0x56: {  	s29 =	sand.u32 $0xFFFF8000, s29;
	s30 =	sshll.u32 s30, $0x9  }
0x57: {  	s29 =	sor.u32 s30, s29;
	s2 =	smul.f32 s13, s2  }
0x58: {  	s31 =	sshrl.u32 s29, $0x2;
	v1 =	vbroadcast v0, $0x2  }
0x59: {  	s30 =	sadd.s32 $0x10C0, s31;
	s29 =	sadd.s32 $0x90C0, s31;
	v0 =	vmov s2  }
0x5a: {  	p1 =	slt.f32 s0, $2.000000000e+00  }
.Ltmp5:
0x5b: {  	_ = 	snop;
	(pc) =	sbr.rel @!p1 .LBB2_12-.Ltmp5, $1  }
0x5c: {  	_ =	sdelay $0x3  }
0x5d: {  	p1 =	slt.f32 s0, $1.000000000e+00  }
.Ltmp6:
0x5e: {  	_ = 	snop;
	(pc) =	sbr.rel @!p1 .LBB2_9-.Ltmp6, $2  }
0x5f: {  	_ =	sdelay $0x2  }
0x60: {  	s0 =	simm.s32 $0xFFFFFFF8  }
0x61: {  	v2 =	vld [tilespmem:s30+$0x30]  }
0x62: {  	v3 =	vld [tilespmem:s30+$0xFFFFFFD0]  }
0x63: {  	v4 =	vld [tilespmem:s30+$0xFFFFFFE0]  }
0x64: {  	v5 =	vld [tilespmem:s30+$0xFFFFFFF0]  }
0x65: {  	v7 =	vld [tilespmem:s30+$0x10]  }
0x66: {  	v6 =	vld [tilespmem:s30+$0x0]  }
0x67: {  	s2 =	sadd.s32 $0x400, s30  }
0x68: {  	v11 =	vld [tilespmem:s2+$0xFFFFFFD0];
	v2 =	vmul.f32 v2, v1  }
0x69: {  	v8 =	vld [tilespmem:s30+$0x20];
	v3 =	vmul.f32 v3, v1  }
0x6a: {  	v9 =	vld [tilespmem:s30+$0xFFFFFFC0];
	v4 =	vmul.f32 v4, v1;
	v7 =	vmul.f32 v7, v1;
	v2 =	vadd.f32 v2, v0  }
0x6b: {  	v10 =	vld [tilespmem:s2+$0x30];
	v5 =	vmul.f32 v5, v1;
	v6 =	vmul.f32 v6, v1;
	v3 =	vadd.f32 v3, v0  }
0x6c: {  	v12 =	vadd.f32 v4, v0;
	v62 =	vadd.f32 v7, v0;
	v2 =	vmax.f32 v2, $0.0e+00  }
0x6d: {  	v13 =	vld [tilespmem:s2+$0xFFFFFFE0];
	v14 =	vadd.f32 v5, v0;
	v7 =	vmul.f32 v11, v1;
	v3 =	vmax.f32 v3, $0.0e+00;
	[tilespmem:s29+$0x30] =	vst v2  }
0x6e: {  	v4 =	vld [tilespmem:s2+$0xFFFFFFF0];
	v11 =	vmax.f32 v62, $0.0e+00;
	[tilespmem:s29+$0xFFFFFFD0] =	vst v3;
	v3 =	vadd.f32 v6, v0;
	v6 =	vmul.f32 v8, v1  }
0x6f: {  	v5 =	vld [tilespmem:s2+$0x0];
	v2 =	vmax.f32 v12, $0.0e+00;
	v8 =	vmul.f32 v9, v1;
	[tilespmem:s29+$0x10] =	vst v11  }
0x70: {  	v63 =	vmul.f32 v10, v1;
	v9 =	vmax.f32 v14, $0.0e+00;
	[tilespmem:s29+$0xFFFFFFE0] =	vst v2;
	v2 =	vld [tilespmem:s2+$0x10];
	v15 =	vadd.f32 v6, v0  }
0x71: {  	s0 =	sadd.s32 $0x8, s0;
	[tilespmem:s29+$0xFFFFFFF0] =	vst v9;
	v9 =	vmax.f32 v3, $0.0e+00;
	v3 =	vld [tilespmem:s2+$0x20];
	v8 =	vadd.f32 v8, v0  }
0x72: {  	s0 =	sadd.s32 $0x8, s0;
	v10 =	vmul.f32 v13, v1;
	v6 =	vld [tilespmem:s2+$0xFFFFFFC0];
	s2 =	sadd.s32 $0x400, s2;
	[tilespmem:s29+$0x0] =	vst v9;
	v9 =	vadd.f32 v63, v0;
	v11 =	vmax.f32 v15, $0.0e+00  }
.LBB2_7:
0x73: {  	v12 =	vld [tilespmem:s2+$0x30];
	s0 =	sadd.s32 $0x8, s0;
	v7 =	vadd.f32 v7, v0;
	v4 =	vmul.f32 v4, v1;
	v8 =	vmax.f32 v8, $0.0e+00;
	[tilespmem:s29+$0x20] =	vst v11  }
0x74: {  	v11 =	vld [tilespmem:s2+$0xFFFFFFD0];
	p1 =	slt.u32 s0, $0x38;
	v10 =	vadd.f32 v10, v0;
	v5 =	vmul.f32 v5, v1;
	v9 =	vmax.f32 v9, $0.0e+00;
	[tilespmem:s29+$0xFFFFFFC0] =	vst v8;
	s29 =	sadd.s32 $0x400, s29  }
0x75: {  	v13 =	vld [tilespmem:s2+$0xFFFFFFE0];
	v7 =	vmax.f32 v7, $0.0e+00;
	v8 =	vadd.f32 v4, v0;
	v2 =	vmul.f32 v2, v1;
	[tilespmem:s29+$0x30] =	vst v9  }
.Ltmp7:
0x76: {  	v4 =	vld [tilespmem:s2+$0xFFFFFFF0];
	[tilespmem:s29+$0xFFFFFFD0] =	vst v7;
	v7 =	vmax.f32 v10, $0.0e+00;
	v9 =	vadd.f32 v5, v0;
	v3 =	vmul.f32 v3, v1;
	(pc) =	sbr.rel @p1 .LBB2_7-.Ltmp7, $4  }
0x77: {  	v5 =	vld [tilespmem:s2+$0x0];
	v6 =	vmul.f32 v6, v1;
	[tilespmem:s29+$0xFFFFFFE0] =	vst v7;
	v7 =	vmax.f32 v8, $0.0e+00;
	v10 =	vadd.f32 v2, v0  }
0x78: {  	v2 =	vld [tilespmem:s2+$0x10];
	v12 =	vmul.f32 v12, v1;
	[tilespmem:s29+$0xFFFFFFF0] =	vst v7;
	v9 =	vmax.f32 v9, $0.0e+00;
	v14 =	vadd.f32 v3, v0  }
0x79: {  	v7 =	vmul.f32 v11, v1;
	v3 =	vld [tilespmem:s2+$0x20];
	v8 =	vadd.f32 v6, v0;
	[tilespmem:s29+$0x0] =	vst v9;
	v11 =	vmax.f32 v10, $0.0e+00  }
0x7a: {  	v6 =	vld [tilespmem:s2+$0xFFFFFFC0];
	v10 =	vmul.f32 v13, v1;
	v9 =	vadd.f32 v12, v0;
	s2 =	sadd.s32 $0x400, s2;
	[tilespmem:s29+$0x10] =	vst v11;
	v11 =	vmax.f32 v14, $0.0e+00  }
0x7b: {  	v7 =	vadd.f32 v7, v0;
	v4 =	vmul.f32 v4, v1;
	v8 =	vmax.f32 v8, $0.0e+00;
	[tilespmem:s29+$0x20] =	vst v11  }
0x7c: {  	s0 =	sadd.s32 $0x400, s29;
	v10 =	vadd.f32 v10, v0;
	v5 =	vmul.f32 v5, v1;
	v9 =	vmax.f32 v9, $0.0e+00;
	[tilespmem:s29+$0xFFFFFFC0] =	vst v8  }
0x7d: {  	v7 =	vmax.f32 v7, $0.0e+00;
	v4 =	vadd.f32 v4, v0;
	v2 =	vmul.f32 v2, v1;
	[tilespmem:s0+$0x30] =	vst v9  }
0x7e: {  	[tilespmem:s0+$0xFFFFFFD0] =	vst v7;
	v58 =	vmax.f32 v10, $0.0e+00;
	v5 =	vadd.f32 v5, v0;
	v3 =	vmul.f32 v3, v1  }
0x7f: {  	v59 =	vmul.f32 v6, v1;
	[tilespmem:s0+$0xFFFFFFE0] =	vst v58;
	v4 =	vmax.f32 v4, $0.0e+00;
	v2 =	vadd.f32 v2, v0  }
.Ltmp8:
0x80: {  	[tilespmem:s0+$0xFFFFFFF0] =	vst v4;
	v60 =	vmax.f32 v5, $0.0e+00;
	v3 =	vadd.f32 v3, v0;
	(pc) =	sbr.rel .LBB2_34-.Ltmp8, $4  }
0x81: {  	v61 =	vadd.f32 v59, v0;
	[tilespmem:s0+$0x0] =	vst v60;
	v62 =	vmax.f32 v2, $0.0e+00  }
0x82: {  	[tilespmem:s0+$0x10] =	vst v62;
	v63 =	vmax.f32 v3, $0.0e+00  }
0x83: {  	v0 =	vmax.f32 v61, $0.0e+00;
	[tilespmem:s0+$0x20] =	vst v63  }
0x84: {  	[tilespmem:s0+$0xFFFFFFC0] =	vst v0  }
.LBB2_19:
0x85: {  	p1 =	slt.f32 s0, $6.000000000e+00  }
.Ltmp9:
0x86: {  	_ = 	snop;
	(pc) =	sbr.rel @!p1 .LBB2_27-.Ltmp9, $1  }
0x87: {  	_ =	sdelay $0x3  }
0x88: {  	p1 =	slt.f32 s0, $5.000000000e+00  }
.Ltmp10:
0x89: {  	_ = 	snop;
	(pc) =	sbr.rel @!p1 .LBB2_24-.Ltmp10, $2  }
0x8a: {  	_ =	sdelay $0x2  }
0x8b: {  	s0 =	simm.s32 $0xFFFFFFF8  }
0x8c: {  	v2 =	vld [tilespmem:s30+$0x30];
	_ =	sdelay $0x1  }
0x8d: {  	v3 =	vld [tilespmem:s30+$0xFFFFFFD0]  }
0x8e: {  	v4 =	vld [tilespmem:s30+$0xFFFFFFC0]  }
0x8f: {  	v5 =	vld [tilespmem:s30+$0x10]  }
0x90: {  	v2 =	vmul.f32 v2, v1  }
0x91: {  	v6 =	vld [tilespmem:s30+$0x20]  }
0x92: {  	v3 =	vmul.f32 v3, v1;
	v2 =	vadd.f32 v2, v0  }
0x93: {  	v7 =	vld [tilespmem:s30+$0xFFFFFFE0];
	v4 =	vmul.f32 v4, v1  }
0x94: {  	v5 =	vmul.f32 v5, v1;
	v3 =	vadd.f32 v3, v0;
	v8 =	vand.u32 $0x7FFFFFFF, v2  }
0x95: {  	v4 =	vadd.f32 v4, v0;
	v8 =	vsub.f32 $0.0e+00, v8  }
0x96: {  	v6 =	vmul.f32 v6, v1;
	v5 =	vadd.f32 v5, v0;
	v9 =	vand.u32 $0x7FFFFFFF, v3  }
0x97: {  	v10 =	vand.u32 $0x7FFFFFFF, v4;
	v9 =	vsub.f32 $0.0e+00, v9;
	v8 =	vmul.f32 $1.442695020e+00, v8  }
0x98: {  	v7 =	vmul.f32 v7, v1;
	v11 =	vand.u32 $0x7FFFFFFF, v5;
	v10 =	vsub.f32 $0.0e+00, v10  }
0x99: {  	v9 =	vmul.f32 $1.442695020e+00, v9;
	(erf) = vpow2.f32 v8;
	v8 =	vsub.f32 $0.0e+00, v11  }
0x9a: {  	v6 =	vadd.f32 v6, v0;
	v10 =	vmul.f32 $1.442695020e+00, v10  }
0x9b: {  	v12 =	vadd.f32 v7, v0;
	(erf) = vpow2.f32 v9;
	v7 =	vmul.f32 $1.442695020e+00, v8  }
0x9c: {  	v9 =	vand.u32 $0x7FFFFFFF, v6;
	v8 =	vld [tilespmem:s30+$0x0];
	(erf) = vpow2.f32 v10  }
0x9d: {  	v9 =	vsub.f32 $0.0e+00, v9;
	(erf) = vpow2.f32 v7  }
0x9e: {  	s0 =	sadd.s32 $0x400, s30;
	v11 =	vld [tilespmem:s30+$0xFFFFFFF0];
	v10 =	vand.u32 $0x7FFFFFFF, v12  }
0x9f: {  	v25 =	vld [tilespmem:s0+$0xFFFFFFF0];
	v7 =	vsub.f32 $0.0e+00, v10;
	v9 =	vmul.f32 $1.442695020e+00, v9;
	_ =	sdelay $0x1  }
0xa0: {  	v7 =	vmul.f32 $1.442695020e+00, v7;
	v8 =	vmul.f32 v8, v1  }
0xa1: {  	(erf) = vpow2.f32 v9  }
0xa2: {  	v10 =	vmul.f32 v11, v1;
	(erf) = vpow2.f32 v7;
	v9 =	vpop (erf);
	v8 =	vadd.f32 v8, v0  }
0xa3: {  	v25 =	vmul.f32 v25, v1;
	vm3 =	vge.f32 v2, $0.0e+00;
	v11 =	vadd.f32 $1.000000000e+00, v9;
	v13 =	vpop (erf)  }
0xa4: {  	v17 =	vld [tilespmem:s0+$0x30];
	v10 =	vadd.f32 v10, v0;
	v14 =	vadd.f32 $1.000000000e+00, v13;
	v15 =	vand.u32 $0x7FFFFFFF, v8;
	v16 =	vpop (erf)  }
0xa5: {  	(erf) = vrcp.f32 v11;
	v11 =	vld [tilespmem:s0+$0xFFFFFFD0];
	v18 =	vadd.f32 $1.000000000e+00, v16;
	v15 =	vsub.f32 $0.0e+00, v15;
	v19 =	vpop (erf)  }
0xa6: {  	v7 =	vand.u32 $0x7FFFFFFF, v10;
	(erf) = vrcp.f32 v14;
	v14 =	vld [tilespmem:s0+$0xFFFFFFC0];
	v20 =	vadd.f32 $1.000000000e+00, v19  }
0xa7: {  	v2 =	vld [tilespmem:s0+$0x10];
	v7 =	vsub.f32 $0.0e+00, v7;
	v15 =	vmul.f32 $1.442695020e+00, v15;
	(erf) = vrcp.f32 v18  }
0xa8: {  	vm0 =	vge.f32 v6, $0.0e+00;
	vm2 =	vge.f32 v4, $0.0e+00;
	(erf) = vrcp.f32 v20  }
0xa9: {  	v21 =	vld [tilespmem:s0+$0x20];
	vm1 =	vge.f32 v3, $0.0e+00;
	v7 =	vmul.f32 $1.442695020e+00, v7;
	(erf) = vpow2.f32 v15  }
0xaa: {  	vm4 =	vge.f32 v5, $0.0e+00;
	v6 =	vpop (erf);
	v3 =	vmul.f32 v11, v1;
	v11 =	vmul.f32 v17, v1  }
0xab: {  	v4 =	vadd.f32 $1.000000000e+00, v6;
	v17 =	vpop (erf);
	v5 =	vmul.f32 v14, v1;
	(erf) = vpow2.f32 v7  }
0xac: {  	v2 =	vmul.f32 v2, v1;
	v9 =	vsel vm3, $0x3F800000, v9;
	v18 =	vsel vm4, $0x3F800000, v19  }
0xad: {  	(erf) = vrcp.f32 v4;
	v4 =	vadd.f32 v5, v0;
	v5 =	vadd.f32 v11, v0  }
0xae: {  	v56 =	vld [tilespmem:s0+$0xFFFFFFE0];
	v14 =	vadd.f32 $1.000000000e+00, v17;
	v7 =	vmul.f32 v21, v1;
	v3 =	vadd.f32 v3, v0;
	v15 =	vpop (erf)  }
0xaf: {  	v11 =	vmul.f32 v15, v9;
	v15 =	vsel vm2, $0x3F800000, v16;
	v16 =	vpop (erf);
	v9 =	vand.u32 $0x7FFFFFFF, v5  }
0xb0: {  	(erf) = vrcp.f32 v14;
	v14 =	vand.u32 $0x7FFFFFFF, v3;
	v19 =	vpop (erf);
	v20 =	vsub.f32 $0.0e+00, v9  }
0xb1: {  	v7 =	vadd.f32 v7, v0;
	v22 =	vand.u32 $0x7FFFFFFF, v4;
	v14 =	vsub.f32 $0.0e+00, v14;
	v24 =	vpop (erf)  }
0xb2: {  	v9 =	vadd.f32 v2, v0;
	v15 =	vmul.f32 v19, v15;
	v2 =	vmul.f32 $1.442695020e+00, v20;
	v19 =	vpop (erf)  }
0xb3: {  	v21 =	vmul.f32 v56, v1;
	v22 =	vsub.f32 $0.0e+00, v22;
	v57 =	vadd.f32 $1.000000000e+00, v19  }
0xb4: {  	v14 =	vmul.f32 $1.442695020e+00, v14;
	(erf) = vpow2.f32 v2;
	v2 =	vand.u32 $0x7FFFFFFF, v9;
	v58 =	vpop (erf)  }
0xb5: {  	v59 =	vld [tilespmem:s0+$0x0];
	v26 =	vadd.f32 $1.000000000e+00, v58;
	v27 =	vsub.f32 $0.0e+00, v2;
	(erf) = vrcp.f32 v57  }
0xb6: {  	v22 =	vmul.f32 $1.442695020e+00, v22;
	v2 =	vadd.f32 v21, v0;
	(erf) = vpow2.f32 v14  }
0xb7: {  	v6 =	vsel vm0, $0x3F800000, v6;
	v14 =	vmul.f32 $1.442695020e+00, v27;
	(erf) = vrcp.f32 v26  }
0xb8: {  	v23 =	vand.u32 $0x7FFFFFFF, v7;
	v60 =	vpop (erf);
	v61 =	vand.u32 $0x7FFFFFFF, v2;
	(erf) = vpow2.f32 v22  }
0xb9: {  	(erf) = vpow2.f32 v14;
	v14 =	vmul.f32 v60, v6;
	v6 =	vadd.f32 v25, v0  }
0xba: {  	v63 =	vmul.f32 v59, v1;
	v20 =	vsub.f32 $0.0e+00, v23;
	v62 =	vsub.f32 $0.0e+00, v61  }
0xbb: {  	vm14 =	vge.f32 v10, $0.0e+00;
	[tilespmem:s29+$0x30] =	vst v11;
	v18 =	vmul.f32 v24, v18;
	v11 =	vand.u32 $0x7FFFFFFF, v6  }
0xbc: {  	v13 =	vsel vm1, $0x3F800000, v13;
	v20 =	vmul.f32 $1.442695020e+00, v20;
	v10 =	vmul.f32 $1.442695020e+00, v62  }
0xbd: {  	vm13 =	vge.f32 v12, $0.0e+00;
	vm15 =	vge.f32 v8, $0.0e+00;
	v16 =	vmul.f32 v16, v13;
	v12 =	vpop (erf)  }
0xbe: {  	v8 =	vadd.f32 v63, v0;
	[tilespmem:s29+$0xFFFFFFC0] =	vst v15;
	(erf) = vpow2.f32 v20;
	v13 =	vsub.f32 $0.0e+00, v11;
	v11 =	vpop (erf)  }
0xbf: {  	v15 =	vsel vm15, $0x3F800000, v19;
	[tilespmem:s29+$0x10] =	vst v18;
	(erf) = vpow2.f32 v10;
	v20 =	vadd.f32 $1.000000000e+00, v11;
	v18 =	vpop (erf)  }
0xc0: {  	v17 =	vsel vm13, $0x3F800000, v17;
	[tilespmem:s29+$0x20] =	vst v14;
	v14 =	vsel vm14, $0x3F800000, v58;
	v10 =	vpop (erf);
	v15 =	vmul.f32 v18, v15  }
0xc1: {  	s2 =	simm.s32 $0x8;
	s13 =	sadd.s32 $0x400, s0;
	s0 =	smov.u32 s29;
	[tilespmem:s29+$0xFFFFFFD0] =	vst v16;
	v13 =	vmul.f32 $1.442695020e+00, v13;
	v18 =	vadd.f32 $1.000000000e+00, v10;
	(erf) = vrcp.f32 v20;
	v16 =	vpop (erf)  }
.LBB2_22:
0xc2: {  	v19 =	vld [tilespmem:s13+$0xFFFFFFD0];
	s2 =	sadd.s32 $0x8, s2;
	v20 =	vand.u32 $0x7FFFFFFF, v8;
	v21 =	vpop (erf);
	v12 =	vmul.f32 v12, v17;
	v14 =	vmul.f32 v16, v14;
	[tilespmem:s29+$0x0] =	vst v15;
	s0 =	sadd.s32 $0x400, s0  }
0xc3: {  	v15 =	vld [tilespmem:s13+$0x30];
	p1 =	slt.u32 s2, $0x38;
	v16 =	vadd.f32 $1.000000000e+00, v21;
	v17 =	vsub.f32 $0.0e+00, v20;
	(erf) = vrcp.f32 v18;
	v18 =	vpop (erf)  }
0xc4: {  	v20 =	vld [tilespmem:s13+$0xFFFFFFC0];
	v22 =	vadd.f32 $1.000000000e+00, v18;
	[tilespmem:s29+$0xFFFFFFE0] =	vst v12  }
0xc5: {  	vm0 =	vge.f32 v7, $0.0e+00;
	v12 =	vld [tilespmem:s13+$0x20];
	v23 =	vmul.f32 $1.442695020e+00, v17;
	(erf) = vrcp.f32 v16;
	[tilespmem:s29+$0xFFFFFFF0] =	vst v14;
	s29 =	smov.u32 s0  }
0xc6: {  	vm2 =	vge.f32 v4, $0.0e+00;
	vm1 =	vge.f32 v3, $0.0e+00;
	v14 =	vld [tilespmem:s13+$0xFFFFFFF0];
	(erf) = vrcp.f32 v22  }
0xc7: {  	vm3 =	vge.f32 v5, $0.0e+00;
	v3 =	vmul.f32 v19, v1;
	v16 =	vld [tilespmem:s13+$0xFFFFFFE0];
	(erf) = vpow2.f32 v23;
	v17 =	vpop (erf)  }
0xc8: {  	vm4 =	vge.f32 v9, $0.0e+00;
	v7 =	vld [tilespmem:s13+$0x10];
	v5 =	vmul.f32 v15, v1;
	v4 =	vadd.f32 $1.000000000e+00, v17;
	v19 =	vpop (erf)  }
0xc9: {  	v9 =	vmul.f32 v20, v1;
	v15 =	vld [tilespmem:s13+$0x0];
	v20 =	vadd.f32 $1.000000000e+00, v19;
	(erf) = vpow2.f32 v13  }
0xca: {  	v11 =	vsel vm3, $0x3F800000, v11;
	v12 =	vmul.f32 v12, v1;
	(erf) = vrcp.f32 v4;
	v13 =	vpop (erf)  }
0xcb: {  	v18 =	vsel vm4, $0x3F800000, v18;
	v4 =	vadd.f32 v9, v0;
	v9 =	vmul.f32 v13, v11  }
0xcc: {  	v3 =	vadd.f32 v3, v0;
	v5 =	vadd.f32 v5, v0;
	v11 =	vsel vm2, $0x3F800000, v21;
	v13 =	vpop (erf)  }
0xcd: {  	v26 =	vmul.f32 v7, v1;
	v7 =	vadd.f32 v12, v0;
	[tilespmem:s0+$0x30] =	vst v9;
	(erf) = vrcp.f32 v20  }
0xce: {  	v9 =	vand.u32 $0x7FFFFFFF, v4;
	v12 =	vand.u32 $0x7FFFFFFF, v3;
	v20 =	vand.u32 $0x7FFFFFFF, v5;
	v22 =	vpop (erf)  }
0xcf: {  	v23 =	vsub.f32 $0.0e+00, v9;
	v20 =	vsub.f32 $0.0e+00, v20;
	v24 =	vand.u32 $0x7FFFFFFF, v7;
	v25 =	vpop (erf)  }
0xd0: {  	v12 =	vsub.f32 $0.0e+00, v12;
	v9 =	vadd.f32 v26, v0;
	v11 =	vmul.f32 v22, v11;
	v21 =	vpop (erf)  }
0xd1: {  	v22 =	vsub.f32 $0.0e+00, v24;
	v20 =	vmul.f32 $1.442695020e+00, v20;
	v24 =	vadd.f32 $1.000000000e+00, v21  }
0xd2: {  	v12 =	vmul.f32 $1.442695020e+00, v12;
	v26 =	vand.u32 $0x7FFFFFFF, v9;
	[tilespmem:s0+$0xFFFFFFC0] =	vst v11;
	v11 =	vmul.f32 v25, v18;
	v18 =	vpop (erf)  }
0xd3: {  	v22 =	vmul.f32 $1.442695020e+00, v22;
	(erf) = vpow2.f32 v20;
	v20 =	vadd.f32 $1.000000000e+00, v18;
	v25 =	vpop (erf)  }
0xd4: {  	v16 =	vmul.f32 v16, v1;
	v26 =	vsub.f32 $0.0e+00, v26;
	[tilespmem:s0+$0x10] =	vst v11;
	(erf) = vrcp.f32 v24  }
0xd5: {  	v10 =	vsel vm1, $0x3F800000, v10;
	v11 =	vmul.f32 $1.442695020e+00, v23;
	(erf) = vpow2.f32 v12  }
0xd6: {  	v16 =	vadd.f32 v16, v0;
	v23 =	vmul.f32 $1.442695020e+00, v26;
	v12 =	vpop (erf);
	(erf) = vrcp.f32 v20  }
0xd7: {  	v14 =	vmul.f32 v14, v1;
	(erf) = vpow2.f32 v11;
	v11 =	vsel vm0, $0x3F800000, v17  }
0xd8: {  	v17 =	vand.u32 $0x7FFFFFFF, v16;
	(erf) = vpow2.f32 v23;
	v11 =	vmul.f32 v25, v11  }
0xd9: {  	v14 =	vadd.f32 v14, v0;
	v15 =	vmul.f32 v15, v1;
	v17 =	vsub.f32 $0.0e+00, v17  }
0xda: {  	vm1 =	vge.f32 v6, $0.0e+00;
	v10 =	vmul.f32 v13, v10;
	vm0 =	vge.f32 v2, $0.0e+00;
	v2 =	vmovc v16;
	[tilespmem:s0+$0x20] =	vst v11  }
.Ltmp11:
0xdb: {  	vm2 =	vge.f32 v8, $0.0e+00;
	v6 =	vmovc v14;
	v16 =	vand.u32 $0x7FFFFFFF, v14;
	v13 =	vmul.f32 $1.442695020e+00, v17;
	(pc) =	sbr.rel @p1 .LBB2_22-.Ltmp11, $4  }
0xdc: {  	v8 =	vadd.f32 v15, v0;
	v14 =	vsub.f32 $0.0e+00, v16;
	(erf) = vpow2.f32 v22;
	v11 =	vpop (erf);
	[tilespmem:s0+$0xFFFFFFD0] =	vst v10  }
0xdd: {  	v15 =	vsel vm2, $0x3F800000, v21;
	v20 =	vadd.f32 $1.000000000e+00, v11;
	(erf) = vpow2.f32 v13;
	v17 =	vpop (erf)  }
0xde: {  	v13 =	vmul.f32 $1.442695020e+00, v14;
	v14 =	vsel vm1, $0x3F800000, v18;
	v10 =	vpop (erf);
	v15 =	vmul.f32 v17, v15  }
0xdf: {  	s13 =	sadd.s32 $0x400, s13;
	v17 =	vsel vm0, $0x3F800000, v19;
	v18 =	vadd.f32 $1.000000000e+00, v10;
	(erf) = vrcp.f32 v20;
	v16 =	vpop (erf)  }
0xe0: {  	v0 =	vand.u32 $0x7FFFFFFF, v8;
	v1 =	vpop (erf)  }
0xe1: {  	v19 =	vadd.f32 $1.000000000e+00, v1;
	v0 =	vsub.f32 $0.0e+00, v0;
	v20 =	vpop (erf)  }
0xe2: {  	(erf) = vrcp.f32 v18;
	v43 =	vadd.f32 $1.000000000e+00, v20  }
0xe3: {  	v0 =	vmul.f32 $1.442695020e+00, v0;
	(erf) = vrcp.f32 v19  }
0xe4: {  	(erf) = vrcp.f32 v43  }
0xe5: {  	(erf) = vpow2.f32 v0  }
0xe6: {  	(erf) = vpow2.f32 v13;
	_ =	sdelay $0x1  }
0xe7: {  	v44 =	vpop (erf)  }
0xe8: {  	v45 =	vpop (erf)  }
0xe9: {  	v46 =	vpop (erf)  }
0xea: {  	v47 =	vpop (erf)  }
0xeb: {  	v21 =	vpop (erf)  }
0xec: {  	v22 =	vadd.f32 $1.000000000e+00, v44;
	v23 =	vpop (erf)  }
0xed: {  	v24 =	vadd.f32 $1.000000000e+00, v45;
	v25 =	vpop (erf)  }
0xee: {  	(erf) = vrcp.f32 v22;
	v48 =	vadd.f32 $1.000000000e+00, v25;
	v49 =	vpop (erf)  }
0xef: {  	(erf) = vrcp.f32 v24;
	v50 =	vadd.f32 $1.000000000e+00, v49  }
0xf0: {  	(erf) = vrcp.f32 v48  }
0xf1: {  	(erf) = vrcp.f32 v50  }
0xf2: {  	v12 =	vmul.f32 v12, v17;
	vm0 =	vge.f32 v5, $0.0e+00  }
0xf3: {  	v51 =	vmul.f32 v16, v14;
	[tilespmem:s29+$0x0] =	vst v15;
	vm1 =	vge.f32 v4, $0.0e+00;
	v52 =	vsel vm0, $0x3F800000, v11  }
0xf4: {  	vm10 =	vge.f32 v9, $0.0e+00;
	v1 =	vsel vm1, $0x3F800000, v1;
	[tilespmem:s29+$0xFFFFFFE0] =	vst v12;
	v4 =	vmul.f32 v46, v52  }
0xf5: {  	s0 =	sadd.s32 $0x400, s0;
	vm12 =	vge.f32 v3, $0.0e+00;
	[tilespmem:s29+$0xFFFFFFF0] =	vst v51;
	v53 =	vsel vm10, $0x3F800000, v20;
	v1 =	vmul.f32 v21, v1  }
0xf6: {  	vm11 =	vge.f32 v7, $0.0e+00;
	v56 =	vsel vm12, $0x3F800000, v10;
	[tilespmem:s0+$0x30] =	vst v4;
	v54 =	vmul.f32 v23, v53  }
0xf7: {  	vm14 =	vge.f32 v2, $0.0e+00;
	v0 =	vsel vm11, $0x3F800000, v44;
	[tilespmem:s0+$0xFFFFFFC0] =	vst v1;
	v1 =	vmul.f32 v47, v56;
	v55 =	vpop (erf)  }
0xf8: {  	vm13 =	vge.f32 v8, $0.0e+00;
	v61 =	vsel vm14, $0x3F800000, v45;
	[tilespmem:s0+$0x10] =	vst v54;
	v57 =	vpop (erf);
	v0 =	vmul.f32 v55, v0  }
.Ltmp12:
0xf9: {  	vm15 =	vge.f32 v6, $0.0e+00;
	v58 =	vsel vm13, $0x3F800000, v25;
	[tilespmem:s0+$0xFFFFFFD0] =	vst v1;
	v2 =	vmul.f32 v57, v61;
	v59 =	vpop (erf);
	(pc) =	sbr.rel .LBB2_34-.Ltmp12, $4  }
0xfa: {  	v62 =	vsel vm15, $0x3F800000, v49;
	[tilespmem:s0+$0x20] =	vst v0;
	v60 =	vmul.f32 v59, v58;
	v63 =	vpop (erf)  }
0xfb: {  	[tilespmem:s0+$0xFFFFFFE0] =	vst v2;
	v1 =	vmul.f32 v63, v62  }
0xfc: {  	[tilespmem:s0+$0x0] =	vst v60  }
0xfd: {  	[tilespmem:s0+$0xFFFFFFF0] =	vst v1  }
.LBB2_12:
0xfe: {  	p1 =	slt.f32 s0, $3.000000000e+00  }
.Ltmp13:
0xff: {  	_ = 	snop;
	(pc) =	sbr.rel @!p1 .LBB2_16-.Ltmp13, $1  }
0x100: {  	_ =	sdelay $0x3  }
0x101: {  	v2 =	vld [tilespmem:s30+$0x20];
	_ =	sdelay $0x2  }
0x102: {  	v3 =	vld [tilespmem:s30+$0xFFFFFFF0];
	_ =	sdelay $0x1  }
0x103: {  	v2 =	vmul.f32 v2, v1  }
0x104: {  	v6 =	vld [tilespmem:s30+$0x10]  }
0x105: {  	v4 =	vld [tilespmem:s30+$0x0];
	v5 =	vadd.f32 v2, v0  }
0x106: {  	v3 =	vmul.f32 v3, v1  }
0x107: {  	v2 =	vld [tilespmem:s30+$0xFFFFFFD0];
	v7 =	vand.u32 $0x7FFFFFFF, v5  }
0x108: {  	v8 =	vadd.f32 v3, v0;
	v7 =	vmul.f32 $-2.000000000e+00, v7  }
0x109: {  	v6 =	vmul.f32 v6, v1  }
0x10a: {  	v3 =	vmul.f32 v4, v1;
	v4 =	vmul.f32 $1.442695020e+00, v7;
	v7 =	vand.u32 $0x7FFFFFFF, v8  }
0x10b: {  	v7 =	vmul.f32 $-2.000000000e+00, v7  }
0x10c: {  	v6 =	vadd.f32 v6, v0;
	v9 =	vmul.f32 v2, v1  }
0x10d: {  	v2 =	vadd.f32 v3, v0;
	(erf) = vpow2.f32 v4;
	v7 =	vmul.f32 $1.442695020e+00, v7  }
0x10e: {  	v4 =	vadd.f32 v9, v0  }
0x10f: {  	v10 =	vld [tilespmem:s30+$0x30];
	v9 =	vand.u32 $0x7FFFFFFF, v2;
	(erf) = vpow2.f32 v7;
	v7 =	vand.u32 $0x7FFFFFFF, v6  }
0x110: {  	v3 =	vld [tilespmem:s30+$0xFFFFFFC0];
	v9 =	vmul.f32 $-2.000000000e+00, v9;
	v11 =	vand.u32 $0x7FFFFFFF, v4;
	v7 =	vmul.f32 $-2.000000000e+00, v7  }
0x111: {  	v11 =	vmul.f32 $-2.000000000e+00, v11  }
0x112: {  	v9 =	vmul.f32 $1.442695020e+00, v9;
	v7 =	vmul.f32 $1.442695020e+00, v7  }
0x113: {  	v11 =	vmul.f32 $1.442695020e+00, v11  }
0x114: {  	v10 =	vmul.f32 v10, v1;
	(erf) = vpow2.f32 v9  }
0x115: {  	v3 =	vmul.f32 v3, v1;
	v9 =	vld [tilespmem:s30+$0xFFFFFFE0];
	(erf) = vpow2.f32 v11  }
0x116: {  	v10 =	vadd.f32 v10, v0;
	(erf) = vpow2.f32 v7;
	v7 =	vpop (erf)  }
0x117: {  	v11 =	vadd.f32 v3, v0;
	v3 =	vadd.f32 $1.000000000e+00, v7;
	_ =	sdelay $0x1  }
0x118: {  	v13 =	vand.u32 $0x7FFFFFFF, v10;
	v12 =	vand.u32 $0x7FFFFFFF, v11;
	v14 =	vpop (erf);
	(erf) = vrcp.f32 v3  }
0x119: {  	s0 =	sadd.s32 $0x400, s30;
	v3 =	vmul.f32 v9, v1;
	v9 =	vmul.f32 $-2.000000000e+00, v13;
	v13 =	vadd.f32 $1.000000000e+00, v14  }
0x11a: {  	v15 =	vld [tilespmem:s0+$0xFFFFFFC0];
	v12 =	vmul.f32 $-2.000000000e+00, v12;
	_ =	sdelay $0x1  }
0x11b: {  	vm0 =	vlt.f32 v10, $0.0e+00;
	v10 =	vld [tilespmem:s0+$0xFFFFFFF0];
	v12 =	vmul.f32 $1.442695020e+00, v12  }
0x11c: {  	vm1 =	vlt.f32 v8, $0.0e+00;
	v3 =	vadd.f32 v3, v0;
	(erf) = vrcp.f32 v13;
	v13 =	vpop (erf)  }
0x11d: {  	v17 =	vld [tilespmem:s0+$0x20];
	vm3 =	vlt.f32 v6, $0.0e+00;
	v9 =	vmul.f32 $1.442695020e+00, v9;
	(erf) = vpow2.f32 v12;
	v16 =	vpop (erf)  }
0x11e: {  	v6 =	vsub.f32 $1.000000000e+00, v7;
	v7 =	vmul.f32 v15, v1;
	v15 =	vld [tilespmem:s0+$0x0];
	v12 =	vand.u32 $0x7FFFFFFF, v3;
	v19 =	vpop (erf)  }
0x11f: {  	v21 =	vld [tilespmem:s0+$0x10];
	(erf) = vpow2.f32 v9;
	v9 =	vmul.f32 $-2.000000000e+00, v12;
	v8 =	vadd.f32 $1.000000000e+00, v19  }
0x120: {  	vm5 =	vlt.f32 v5, $0.0e+00;
	v10 =	vmul.f32 v10, v1;
	vm2 =	vlt.f32 v11, $0.0e+00;
	v11 =	vld [tilespmem:s0+$0x30]  }
0x121: {  	vm4 =	vlt.f32 v4, $0.0e+00;
	v14 =	vsub.f32 $1.000000000e+00, v14;
	v9 =	vmul.f32 $1.442695020e+00, v9  }
0x122: {  	v5 =	vadd.f32 v7, v0;
	v7 =	vld [tilespmem:s0+$0xFFFFFFE0];
	v12 =	vadd.f32 $1.000000000e+00, v13;
	(erf) = vrcp.f32 v8  }
0x123: {  	v18 =	vld [tilespmem:s0+$0xFFFFFFD0];
	v20 =	vadd.f32 $1.000000000e+00, v16;
	v8 =	vpop (erf);
	(erf) = vpow2.f32 v9;
	v9 =	vmul.f32 v15, v1  }
0x124: {  	v16 =	vsub.f32 $1.000000000e+00, v16;
	v22 =	vmul.f32 v8, v6;
	v6 =	vmul.f32 v17, v1  }
0x125: {  	v19 =	vsub.f32 $1.000000000e+00, v19;
	v4 =	vpop (erf);
	v8 =	vmul.f32 v11, v1;
	v11 =	vmul.f32 v21, v1  }
0x126: {  	v15 =	vsub.f32 $1.000000000e+00, v13;
	v23 =	vmul.f32 v4, v14;
	v14 =	vpop (erf);
	(erf) = vrcp.f32 v12  }
0x127: {  	v12 =	vmul.f32 v7, v1;
	v7 =	vadd.f32 v9, v0;
	v4 =	vadd.f32 v6, v0  }
0x128: {  	v18 =	vmul.f32 v18, v1;
	v6 =	vadd.f32 v8, v0;
	v25 =	vadd.f32 $1.000000000e+00, v14  }
0x129: {  	v13 =	vpop (erf);
	v8 =	vadd.f32 v11, v0;
	v11 =	vadd.f32 v10, v0;
	(erf) = vrcp.f32 v20  }
0x12a: {  	v21 =	vsub.f32 $1.000000000e+00, v13;
	v13 =	vadd.f32 $1.000000000e+00, v13;
	v24 =	vand.u32 $0x7FFFFFFF, v4  }
0x12b: {  	v27 =	vand.u32 $0x7FFFFFFF, v7;
	v9 =	vand.u32 $0x7FFFFFFF, v11;
	v24 =	vmul.f32 $-2.000000000e+00, v24  }
0x12c: {  	v10 =	vand.u32 $0x7FFFFFFF, v8;
	(erf) = vrcp.f32 v25;
	v26 =	vmul.f32 $-2.000000000e+00, v9  }
0x12d: {  	v9 =	vadd.f32 v18, v0;
	v18 =	vmul.f32 $-2.000000000e+00, v27;
	v24 =	vmul.f32 $1.442695020e+00, v24  }
0x12e: {  	v54 =	vmul.f32 $-2.000000000e+00, v10;
	v10 =	vadd.f32 v12, v0;
	v12 =	vmul.f32 $1.442695020e+00, v26  }
0x12f: {  	v20 =	vpop (erf);
	v55 =	vand.u32 $0x7FFFFFFF, v9;
	v18 =	vmul.f32 $1.442695020e+00, v18;
	(erf) = vpow2.f32 v24  }
0x130: {  	v17 =	vsub.f32 $0.0e+00, v22;
	v53 =	vpop (erf);
	v24 =	vmul.f32 $-2.000000000e+00, v55;
	(erf) = vrcp.f32 v13  }
0x131: {  	v14 =	vsub.f32 $1.000000000e+00, v14;
	v25 =	vadd.f32 $1.000000000e+00, v53  }
0x132: {  	v13 =	vand.u32 $0x7FFFFFFF, v5;
	(erf) = vpow2.f32 v12;
	v12 =	vpop (erf);
	v24 =	vmul.f32 $1.442695020e+00, v24  }
0x133: {  	v29 =	vsub.f32 $0.0e+00, v23;
	v13 =	vmul.f32 $-2.000000000e+00, v13;
	(erf) = vpow2.f32 v18;
	v18 =	vpop (erf)  }
0x134: {  	v56 =	vand.u32 $0x7FFFFFFF, v6;
	v16 =	vmul.f32 v18, v16;
	(erf) = vrcp.f32 v25  }
0x135: {  	v17 =	vsel vm5, v17, v22;
	v23 =	vsel vm1, v29, v23;
	v18 =	vpop (erf);
	(erf) = vpow2.f32 v24  }
0x136: {  	v22 =	vmul.f32 $1.442695020e+00, v54;
	v57 =	vmul.f32 v18, v14;
	v14 =	vsub.f32 $0.0e+00, v16  }
0x137: {  	v58 =	vand.u32 $0x7FFFFFFF, v10;
	v59 =	vmul.f32 v20, v19;
	v18 =	vmul.f32 $1.442695020e+00, v13  }
0x138: {  	(erf) = vpow2.f32 v22;
	v22 =	vsub.f32 $0.0e+00, v57;
	v14 =	vsel vm4, v14, v16;
	v13 =	vpop (erf)  }
0x139: {  	v26 =	vmul.f32 $-2.000000000e+00, v56;
	v60 =	vsub.f32 $0.0e+00, v59;
	v19 =	vadd.f32 $1.000000000e+00, v13;
	v16 =	vpop (erf)  }
0x13a: {  	v28 =	vsub.f32 $1.000000000e+00, v53;
	[tilespmem:s29+$0xFFFFFFD0] =	vst v14;
	v61 =	vmul.f32 v16, v21;
	v16 =	vsel vm2, v22, v57  }
0x13b: {  	v14 =	vpop (erf);
	(erf) = vrcp.f32 v19;
	v19 =	vmul.f32 v12, v15;
	[tilespmem:s29+$0xFFFFFFC0] =	vst v16;
	v16 =	vsel vm3, v60, v59  }
0x13c: {  	[tilespmem:s29+$0x20] =	vst v17;
	v17 =	vmul.f32 $-2.000000000e+00, v58;
	v22 =	vadd.f32 $1.000000000e+00, v14;
	v12 =	vpop (erf);
	v62 =	vsub.f32 $0.0e+00, v61  }
0x13d: {  	[tilespmem:s29+$0xFFFFFFF0] =	vst v23;
	v20 =	vmul.f32 $1.442695020e+00, v26;
	v15 =	vadd.f32 $1.000000000e+00, v12;
	v63 =	vpop (erf);
	v21 =	vsub.f32 $0.0e+00, v19  }
0x13e: {  	s2 =	simm.s32 $0x8;
	s13 =	sadd.s32 $0x400, s0;
	s0 =	smov.u32 s29;
	[tilespmem:s29+$0x10] =	vst v16;
	(erf) = vrcp.f32 v22;
	v22 =	vmul.f32 v63, v28;
	v16 =	vpop (erf);
	v23 =	vsel vm0, v62, v61  }
.LBB2_14:
0x13f: {  	v24 =	vld [tilespmem:s13+$0xFFFFFFC0];
	s2 =	sadd.s32 $0x8, s2;
	(erf) = vpow2.f32 v18;
	vm1 =	vlt.f32 v2, $0.0e+00;
	[tilespmem:s29+$0x30] =	vst v23;
	s0 =	sadd.s32 $0x400, s0;
	v2 =	vmov v7  }
0x140: {  	vm3 =	vlt.f32 v3, $0.0e+00;
	v3 =	vmovc v10;
	v7 =	vld [tilespmem:s13+$0x20];
	p1 =	slt.u32 s2, $0x38;
	(erf) = vpow2.f32 v20;
	v18 =	vsub.f32 $0.0e+00, v22  }
0x141: {  	vm2 =	vlt.f32 v5, $0.0e+00;
	vm0 =	vlt.f32 v6, $0.0e+00;
	v5 =	vsel vm1, v21, v19;
	v10 =	vld [tilespmem:s13+$0xFFFFFFD0];
	v20 =	vpop (erf)  }
0x142: {  	vm1 =	vlt.f32 v11, $0.0e+00;
	v6 =	vld [tilespmem:s13+$0xFFFFFFF0];
	v21 =	vadd.f32 $1.000000000e+00, v20;
	v18 =	vsel vm3, v18, v22;
	[tilespmem:s29+$0x0] =	vst v5  }
0x143: {  	v17 =	vmul.f32 $1.442695020e+00, v17;
	vm3 =	vlt.f32 v8, $0.0e+00;
	v5 =	vsub.f32 $1.000000000e+00, v13;
	v19 =	vld [tilespmem:s13+$0x30];
	[tilespmem:s29+$0xFFFFFFE0] =	vst v18;
	s29 =	smov.u32 s0  }
0x144: {  	v18 =	vadd.f32 $1.000000000e+00, v16;
	v8 =	vmul.f32 v24, v1;
	v13 =	vld [tilespmem:s13+$0x0];
	(erf) = vrcp.f32 v21;
	v11 =	vpop (erf)  }
0x145: {  	vm5 =	vlt.f32 v4, $0.0e+00;
	v24 =	vsub.f32 $1.000000000e+00, v14;
	v21 =	vld [tilespmem:s13+$0x10];
	v22 =	vmul.f32 v11, v5  }
0x146: {  	v5 =	vadd.f32 v8, v0;
	v10 =	vmul.f32 v10, v1;
	v11 =	vld [tilespmem:s13+$0xFFFFFFE0];
	(erf) = vpow2.f32 v17  }
0x147: {  	vm4 =	vlt.f32 v9, $0.0e+00;
	v4 =	vmul.f32 v7, v1;
	v17 =	vsub.f32 $0.0e+00, v22;
	v7 =	vpop (erf)  }
0x148: {  	v16 =	vsub.f32 $1.000000000e+00, v16;
	v8 =	vmul.f32 v19, v1;
	v23 =	vmul.f32 v7, v24;
	v14 =	vpop (erf)  }
0x149: {  	v12 =	vsub.f32 $1.000000000e+00, v12;
	v4 =	vadd.f32 v4, v0;
	v7 =	vmul.f32 v13, v1;
	v9 =	vpop (erf)  }
0x14a: {  	v13 =	vmul.f32 v6, v1;
	v19 =	vmul.f32 v21, v1;
	v21 =	vsub.f32 $1.000000000e+00, v9  }
0x14b: {  	v26 =	vand.u32 $0x7FFFFFFF, v4;
	v25 =	vadd.f32 $1.000000000e+00, v14;
	v6 =	vadd.f32 v8, v0  }
0x14c: {  	v8 =	vadd.f32 v19, v0;
	v19 =	vmul.f32 $-2.000000000e+00, v26;
	(erf) = vrcp.f32 v15  }
0x14d: {  	v15 =	vmul.f32 v11, v1;
	v11 =	vadd.f32 v13, v0;
	(erf) = vrcp.f32 v18;
	v24 =	vpop (erf)  }
0x14e: {  	v7 =	vadd.f32 v7, v0;
	v18 =	vadd.f32 $1.000000000e+00, v9;
	v13 =	vmul.f32 $1.442695020e+00, v19  }
0x14f: {  	v9 =	vand.u32 $0x7FFFFFFF, v11;
	v19 =	vand.u32 $0x7FFFFFFF, v8;
	(erf) = vrcp.f32 v25;
	v25 =	vpop (erf)  }
0x150: {  	v27 =	vand.u32 $0x7FFFFFFF, v7;
	v26 =	vmul.f32 $-2.000000000e+00, v9;
	v28 =	vsub.f32 $1.000000000e+00, v25  }
0x151: {  	v27 =	vmul.f32 $-2.000000000e+00, v27;
	v9 =	vadd.f32 v10, v0;
	v19 =	vmul.f32 $-2.000000000e+00, v19  }
0x152: {  	v10 =	vadd.f32 v15, v0;
	v30 =	vmul.f32 $1.442695020e+00, v26;
	(erf) = vpow2.f32 v13  }
0x153: {  	v31 =	vmul.f32 $1.442695020e+00, v27;
	v13 =	vand.u32 $0x7FFFFFFF, v9;
	(erf) = vrcp.f32 v18  }
0x154: {  	v25 =	vadd.f32 $1.000000000e+00, v25;
	v18 =	vand.u32 $0x7FFFFFFF, v5;
	v13 =	vmul.f32 $-2.000000000e+00, v13  }
0x155: {  	v29 =	vsub.f32 $0.0e+00, v23;
	v27 =	vand.u32 $0x7FFFFFFF, v6;
	(erf) = vpow2.f32 v30;
	v15 =	vpop (erf)  }
0x156: {  	v14 =	vsub.f32 $1.000000000e+00, v14;
	v30 =	vmul.f32 $1.442695020e+00, v13;
	(erf) = vpow2.f32 v31;
	v26 =	vpop (erf)  }
0x157: {  	v17 =	vsel vm5, v17, v22;
	v16 =	vmul.f32 v26, v16;
	(erf) = vrcp.f32 v25  }
0x158: {  	v20 =	vsub.f32 $1.000000000e+00, v20;
	v18 =	vmul.f32 $-2.000000000e+00, v18;
	(erf) = vpow2.f32 v30;
	v13 =	vpop (erf)  }
0x159: {  	v19 =	vmul.f32 $1.442695020e+00, v19;
	v22 =	vmul.f32 v13, v14;
	v14 =	vsub.f32 $0.0e+00, v16;
	[tilespmem:s0+$0x20] =	vst v17  }
0x15a: {  	v18 =	vmul.f32 $1.442695020e+00, v18;
	v25 =	vmul.f32 $-2.000000000e+00, v27;
	v17 =	vand.u32 $0x7FFFFFFF, v10  }
0x15b: {  	v24 =	vmul.f32 v24, v20;
	(erf) = vpow2.f32 v19;
	v13 =	vpop (erf);
	v19 =	vsub.f32 $0.0e+00, v22  }
0x15c: {  	v20 =	vmul.f32 $1.442695020e+00, v25;
	v30 =	vsel vm4, v14, v16;
	v26 =	vadd.f32 $1.000000000e+00, v13;
	v16 =	vpop (erf)  }
.Ltmp14:
0x15d: {  	v17 =	vmul.f32 $-2.000000000e+00, v17;
	[tilespmem:s0+$0xFFFFFFD0] =	vst v30;
	v30 =	vsub.f32 $0.0e+00, v24;
	v27 =	vmul.f32 v16, v21;
	(pc) =	sbr.rel @p1 .LBB2_14-.Ltmp14, $4  }
0x15e: {  	v16 =	vsel vm2, v19, v22;
	v19 =	vmul.f32 v15, v12;
	v14 =	vpop (erf);
	(erf) = vrcp.f32 v26  }
0x15f: {  	v22 =	vadd.f32 $1.000000000e+00, v14;
	v12 =	vpop (erf);
	[tilespmem:s0+$0xFFFFFFC0] =	vst v16;
	v26 =	vsel vm3, v30, v24;
	v24 =	vsub.f32 $0.0e+00, v27  }
0x160: {  	v23 =	vsel vm1, v29, v23;
	v21 =	vsub.f32 $0.0e+00, v19;
	v15 =	vadd.f32 $1.000000000e+00, v12;
	[tilespmem:s0+$0x10] =	vst v26;
	v25 =	vpop (erf)  }
0x161: {  	s13 =	sadd.s32 $0x400, s13;
	v16 =	vpop (erf);
	(erf) = vrcp.f32 v22;
	v22 =	vmul.f32 v25, v28;
	[tilespmem:s0+$0xFFFFFFF0] =	vst v23;
	v23 =	vsel vm0, v24, v27  }
0x162: {  	_ =	sdelay $0x1  }
0x163: {  	v0 =	vpop (erf)  }
0x164: {  	(erf) = vpow2.f32 v18;
	v1 =	vadd.f32 $1.000000000e+00, v0  }
0x165: {  	v17 =	vmul.f32 $1.442695020e+00, v17;
	(erf) = vpow2.f32 v20  }
0x166: {  	(erf) = vrcp.f32 v1  }
0x167: {  	(erf) = vpow2.f32 v17;
	_ =	sdelay $0x3  }
0x168: {  	v30 =	vpop (erf)  }
0x169: {  	v31 =	vpop (erf)  }
0x16a: {  	v33 =	vpop (erf)  }
0x16b: {  	v32 =	vadd.f32 $1.000000000e+00, v16;
	v34 =	vpop (erf)  }
0x16c: {  	vm0 =	vlt.f32 v2, $0.0e+00;
	(erf) = vrcp.f32 v15;
	v24 =	vadd.f32 $1.000000000e+00, v33;
	v35 =	vpop (erf)  }
0x16d: {  	vm1 =	vlt.f32 v3, $0.0e+00;
	(erf) = vrcp.f32 v32;
	v36 =	vadd.f32 $1.000000000e+00, v34;
	v37 =	vpop (erf)  }
0x16e: {  	v13 =	vsub.f32 $1.000000000e+00, v13;
	(erf) = vrcp.f32 v24;
	v38 =	vadd.f32 $1.000000000e+00, v37  }
0x16f: {  	vm2 =	vlt.f32 v5, $0.0e+00;
	vm11 =	vlt.f32 v11, $0.0e+00;
	(erf) = vrcp.f32 v36  }
0x170: {  	v41 =	vsub.f32 $1.000000000e+00, v14;
	vm12 =	vlt.f32 v8, $0.0e+00;
	(erf) = vrcp.f32 v38  }
0x171: {  	v42 =	vsub.f32 $1.000000000e+00, v16;
	vm3 =	vlt.f32 v4, $0.0e+00;
	vm4 =	vlt.f32 v9, $0.0e+00  }
0x172: {  	v12 =	vsub.f32 $1.000000000e+00, v12;
	v25 =	vsub.f32 $0.0e+00, v22;
	v1 =	vmul.f32 v30, v13  }
0x173: {  	vm14 =	vlt.f32 v7, $0.0e+00;
	v0 =	vsub.f32 $1.000000000e+00, v0;
	v44 =	vmul.f32 v31, v41  }
0x174: {  	v39 =	vsel vm0, v21, v19;
	v40 =	vsel vm1, v25, v22;
	v48 =	vsub.f32 $0.0e+00, v1  }
0x175: {  	[tilespmem:s29+$0x30] =	vst v23;
	v45 =	vsub.f32 $1.000000000e+00, v33;
	v55 =	vsub.f32 $0.0e+00, v44;
	v0 =	vmul.f32 v35, v0;
	v43 =	vpop (erf)  }
0x176: {  	[tilespmem:s29+$0x0] =	vst v39;
	v1 =	vsel vm3, v48, v1;
	v49 =	vsub.f32 $1.000000000e+00, v34;
	v46 =	vpop (erf);
	v57 =	vmul.f32 v43, v12  }
0x177: {  	s0 =	sadd.s32 $0x400, s0;
	[tilespmem:s29+$0xFFFFFFE0] =	vst v40;
	v4 =	vsel vm11, v55, v44;
	v54 =	vsub.f32 $0.0e+00, v0;
	v8 =	vmul.f32 v46, v42;
	v47 =	vpop (erf)  }
0x178: {  	[tilespmem:s0+$0x20] =	vst v1;
	v2 =	vsub.f32 $1.000000000e+00, v37;
	v60 =	vsub.f32 $0.0e+00, v57;
	v5 =	vmul.f32 v47, v45;
	v52 =	vpop (erf)  }
0x179: {  	[tilespmem:s0+$0xFFFFFFF0] =	vst v4;
	v0 =	vsel vm12, v54, v0;
	v50 =	vsub.f32 $0.0e+00, v8;
	v3 =	vmul.f32 v52, v49;
	v58 =	vpop (erf)  }
0x17a: {  	[tilespmem:s0+$0x10] =	vst v0;
	v63 =	vsel vm14, v60, v57;
	v51 =	vsub.f32 $0.0e+00, v5;
	v2 =	vmul.f32 v58, v2  }
.Ltmp15:
0x17b: {  	v53 =	vsel vm4, v50, v8;
	[tilespmem:s0+$0x0] =	vst v63;
	v59 =	vsub.f32 $0.0e+00, v3;
	(pc) =	sbr.rel .LBB2_34-.Ltmp15, $4  }
0x17c: {  	vm13 =	vlt.f32 v6, $0.0e+00;
	[tilespmem:s0+$0xFFFFFFD0] =	vst v53;
	v56 =	vsel vm2, v51, v5;
	v62 =	vsub.f32 $0.0e+00, v2  }
0x17d: {  	vm15 =	vlt.f32 v10, $0.0e+00;
	[tilespmem:s0+$0xFFFFFFC0] =	vst v56;
	v61 =	vsel vm13, v59, v3  }
0x17e: {  	[tilespmem:s0+$0x30] =	vst v61;
	v1 =	vsel vm15, v62, v2  }
0x17f: {  	[tilespmem:s0+$0xFFFFFFE0] =	vst v1  }
.LBB2_27:
0x180: {  	p1 =	slt.f32 s0, $7.000000000e+00  }
.Ltmp16:
0x181: {  	_ = 	snop;
	(pc) =	sbr.rel @!p1 .LBB2_31-.Ltmp16, $1  }
0x182: {  	_ =	sdelay $0x3  }
0x183: {  	v2 =	vld [tilespmem:s30+$0x20]  }
0x184: {  	v3 =	vld [tilespmem:s30+$0xFFFFFFF0]  }
0x185: {  	v4 =	vld [tilespmem:s30+$0xFFFFFFD0];
	_ =	sdelay $0x1  }
0x186: {  	v5 =	vld [tilespmem:s30+$0xFFFFFFC0]  }
0x187: {  	v6 =	vld [tilespmem:s30+$0x0];
	v2 =	vmul.f32 v2, v1  }
0x188: {  	v7 =	vld [tilespmem:s30+$0x10];
	v3 =	vmul.f32 v3, v1  }
0x189: {  	v4 =	vmul.f32 v4, v1;
	v13 =	vadd.f32 v2, v0  }
0x18a: {  	v2 =	vld [tilespmem:s30+$0xFFFFFFE0];
	v16 =	vadd.f32 v3, v0  }
0x18b: {  	v5 =	vmul.f32 v5, v1;
	v10 =	vadd.f32 v4, v0;
	v3 =	vmin.f32 v13, $0.0e+00  }
0x18c: {  	v4 =	vmul.f32 v6, v1;
	v8 =	vmin.f32 v16, $0.0e+00;
	v3 =	vmul.f32 $1.442695020e+00, v3  }
0x18d: {  	v6 =	vmul.f32 v7, v1;
	v8 =	vmul.f32 $1.442695020e+00, v8  }
0x18e: {  	v17 =	vadd.f32 v5, v0;
	v7 =	vmin.f32 v10, $0.0e+00;
	(erf) = vpow2.f32 v3  }
0x18f: {  	s0 =	sadd.s32 $0x400, s30;
	v11 =	vadd.f32 v4, v0;
	v2 =	vmul.f32 v2, v1;
	v3 =	vld [tilespmem:s30+$0x30];
	(erf) = vpow2.f32 v8  }
0x190: {  	v18 =	vadd.f32 v6, v0;
	v6 =	vld [tilespmem:s0+$0xFFFFFFC0];
	vm2 =	vgt.f32 v17, $0.0e+00;
	vm1 =	vgt.f32 v13, $0.0e+00  }
0x191: {  	vm3 =	vgt.f32 v16, $0.0e+00;
	v15 =	vadd.f32 v2, v0;
	v2 =	vmul.f32 $1.442695020e+00, v7  }
0x192: {  	vm7 =	vgt.f32 v10, $0.0e+00;
	v4 =	vmin.f32 v11, $0.0e+00;
	vm5 =	vgt.f32 v11, $0.0e+00  }
0x193: {  	vm4 =	vgt.f32 v18, $0.0e+00;
	v4 =	vmul.f32 $1.442695020e+00, v4;
	(erf) = vpow2.f32 v2  }
0x194: {  	v9 =	vld [tilespmem:s0+$0x20];
	v8 =	vmin.f32 v18, $0.0e+00;
	v7 =	vmin.f32 v17, $0.0e+00;
	v3 =	vmul.f32 v3, v1  }
0x195: {  	v12 =	vld [tilespmem:s0+$0xFFFFFFF0];
	v6 =	vmul.f32 v6, v1;
	v5 =	vmin.f32 v15, $0.0e+00;
	v2 =	vmul.f32 $1.442695020e+00, v7  }
0x196: {  	v7 =	vmul.f32 $1.442695020e+00, v8;
	v8 =	vld [tilespmem:s0+$0xFFFFFFD0];
	(erf) = vpow2.f32 v4;
	v3 =	vadd.f32 v3, v0  }
0x197: {  	v22 =	vld [tilespmem:s0+$0x0];
	vm6 =	vgt.f32 v15, $0.0e+00;
	v5 =	vmul.f32 $1.442695020e+00, v5;
	v4 =	vpop (erf);
	(erf) = vpow2.f32 v2  }
0x198: {  	v20 =	vld [tilespmem:s0+$0x10];
	v2 =	vmin.f32 v3, $0.0e+00;
	vm0 =	vgt.f32 v3, $0.0e+00;
	v19 =	vadd.f32 $-1.000000000e+00, v4;
	v14 =	vpop (erf)  }
0x199: {  	v4 =	vld [tilespmem:s0+$0xFFFFFFE0];
	(erf) = vpow2.f32 v5;
	v5 =	vmul.f32 v9, v1;
	v21 =	vadd.f32 $-1.000000000e+00, v14  }
0x19a: {  	v14 =	vmul.f32 $1.442695020e+00, v2;
	v2 =	vadd.f32 v6, v0;
	(erf) = vpow2.f32 v7  }
0x19b: {  	v7 =	vmul.f32 v8, v1;
	v8 =	vmul.f32 v12, v1;
	v6 =	vadd.f32 v5, v0  }
0x19c: {  	v5 =	vmul.f32 v22, v1;
	v13 =	vsel vm1, v13, v19;
	(erf) = vpow2.f32 v14;
	v9 =	vpop (erf)  }
0x19d: {  	v14 =	vmul.f32 v20, v1;
	v8 =	vadd.f32 v8, v0;
	v57 =	vadd.f32 $-1.000000000e+00, v9  }
0x19e: {  	v58 =	vmin.f32 v6, $0.0e+00;
	v12 =	vmul.f32 v4, v1;
	v4 =	vadd.f32 v7, v0  }
0x19f: {  	v59 =	vld [tilespmem:s0+$0x30];
	v7 =	vpop (erf);
	v9 =	vadd.f32 v14, v0;
	v14 =	vmul.f32 $1.442695020e+00, v58;
	v25 =	vmin.f32 v8, $0.0e+00  }
0x1a0: {  	v23 =	vadd.f32 $-1.000000000e+00, v7;
	v25 =	vmul.f32 $1.442695020e+00, v25;
	v7 =	vmin.f32 v4, $0.0e+00  }
0x1a1: {  	v24 =	vmul.f32 $1.442695020e+00, v7;
	v7 =	vadd.f32 v5, v0;
	v5 =	vpop (erf);
	(erf) = vpow2.f32 v14  }
0x1a2: {  	v16 =	vsel vm3, v16, v21;
	v10 =	vsel vm7, v10, v57;
	v23 =	vsel vm5, v11, v23  }
0x1a3: {  	v14 =	vpop (erf);
	v26 =	vadd.f32 $-1.000000000e+00, v5;
	v5 =	vadd.f32 v12, v0;
	(erf) = vpow2.f32 v25  }
0x1a4: {  	[tilespmem:s29+$0xFFFFFFD0] =	vst v10;
	v12 =	vmul.f32 v59, v1;
	v11 =	vmin.f32 v7, $0.0e+00;
	v60 =	vadd.f32 $-1.000000000e+00, v14;
	v61 =	vpop (erf)  }
0x1a5: {  	[tilespmem:s29+$0x0] =	vst v23;
	v14 =	vmin.f32 v9, $0.0e+00;
	v17 =	vsel vm2, v17, v26;
	v63 =	vadd.f32 $-1.000000000e+00, v61  }
0x1a6: {  	(erf) = vpow2.f32 v24;
	v10 =	vmin.f32 v5, $0.0e+00;
	v62 =	vpop (erf);
	v15 =	vsel vm6, v15, v60;
	[tilespmem:s29+$0xFFFFFFC0] =	vst v17  }
0x1a7: {  	s2 =	simm.s32 $0x8;
	s13 =	sadd.s32 $0x400, s0;
	s0 =	smov.u32 s29;
	v10 =	vmul.f32 $1.442695020e+00, v10;
	[tilespmem:s29+$0xFFFFFFE0] =	vst v15;
	v15 =	vadd.f32 $-1.000000000e+00, v62;
	v17 =	vsel vm4, v18, v63  }
.LBB2_29:
0x1a8: {  	v18 =	vld [tilespmem:s13+$0xFFFFFFC0];
	s2 =	sadd.s32 $0x8, s2;
	v21 =	vmin.f32 v2, $0.0e+00;
	v22 =	vmul.f32 $1.442695020e+00, v11;
	v14 =	vmul.f32 $1.442695020e+00, v14;
	[tilespmem:s29+$0x10] =	vst v17;
	s0 =	sadd.s32 $0x400, s0;
	v20 =	vmovc v6;
	v17 =	vmovc v8  }
0x1a9: {  	v15 =	vsel vm0, v3, v15;
	v19 =	vmov v9;
	v6 =	vld [tilespmem:s13+$0x20];
	p1 =	slt.u32 s2, $0x38;
	v8 =	vmul.f32 $1.442695020e+00, v21;
	[tilespmem:s29+$0xFFFFFFF0] =	vst v16  }
0x1aa: {  	v3 =	vadd.f32 v12, v0;
	v9 =	vld [tilespmem:s13+$0xFFFFFFD0];
	(erf) = vpow2.f32 v22;
	v11 =	vpop (erf);
	[tilespmem:s29+$0x30] =	vst v15  }
0x1ab: {  	vm2 =	vgt.f32 v2, $0.0e+00;
	v12 =	vld [tilespmem:s13+$0xFFFFFFF0];
	v21 =	vadd.f32 $-1.000000000e+00, v11;
	(erf) = vpow2.f32 v8;
	[tilespmem:s29+$0x20] =	vst v13;
	s29 =	smov.u32 s0  }
0x1ac: {  	vm5 =	vgt.f32 v7, $0.0e+00;
	vm1 =	vgt.f32 v20, $0.0e+00;
	v11 =	vmin.f32 v3, $0.0e+00;
	v8 =	vld [tilespmem:s13+$0xFFFFFFE0];
	v13 =	vpop (erf)  }
0x1ad: {  	v11 =	vmul.f32 $1.442695020e+00, v11;
	v22 =	vmul.f32 v18, v1;
	v16 =	vld [tilespmem:s13+$0x10];
	v13 =	vadd.f32 $-1.000000000e+00, v13  }
0x1ae: {  	vm3 =	vgt.f32 v17, $0.0e+00;
	vm0 =	vgt.f32 v3, $0.0e+00;
	v18 =	vld [tilespmem:s13+$0x0];
	(erf) = vpow2.f32 v10  }
0x1af: {  	vm4 =	vgt.f32 v19, $0.0e+00;
	v10 =	vadd.f32 v22, v0;
	v15 =	vpop (erf);
	(erf) = vpow2.f32 v14  }
0x1b0: {  	vm7 =	vgt.f32 v4, $0.0e+00;
	v6 =	vmul.f32 v6, v1;
	(erf) = vpow2.f32 v11  }
0x1b1: {  	vm6 =	vgt.f32 v5, $0.0e+00;
	v22 =	vmul.f32 v9, v1;
	v11 =	vmul.f32 v12, v1  }
0x1b2: {  	v6 =	vadd.f32 v6, v0;
	v12 =	vmul.f32 v8, v1;
	v14 =	vmul.f32 v16, v1  }
0x1b3: {  	v15 =	vadd.f32 $-1.000000000e+00, v15;
	v16 =	vadd.f32 v22, v0;
	v18 =	vmul.f32 v18, v1;
	v9 =	vpop (erf)  }
0x1b4: {  	v8 =	vadd.f32 v11, v0;
	v11 =	vmin.f32 v6, $0.0e+00;
	v26 =	vadd.f32 $-1.000000000e+00, v9;
	v23 =	vpop (erf)  }
0x1b5: {  	v11 =	vmul.f32 $1.442695020e+00, v11;
	v24 =	vmin.f32 v16, $0.0e+00;
	v9 =	vadd.f32 v14, v0;
	v25 =	vld [tilespmem:s13+$0x30]  }
0x1b6: {  	v14 =	vmin.f32 v8, $0.0e+00;
	v24 =	vmul.f32 $1.442695020e+00, v24;
	v18 =	vadd.f32 v18, v0  }
0x1b7: {  	v14 =	vmul.f32 $1.442695020e+00, v14;
	v7 =	vsel vm5, v7, v26;
	(erf) = vpow2.f32 v11;
	v22 =	vpop (erf)  }
0x1b8: {  	v4 =	vsel vm7, v4, v15;
	v23 =	vadd.f32 $-1.000000000e+00, v23;
	v11 =	vmin.f32 v18, $0.0e+00;
	v15 =	vpop (erf)  }
.Ltmp17:
0x1b9: {  	v26 =	vadd.f32 v12, v0;
	v27 =	vadd.f32 $-1.000000000e+00, v22;
	(erf) = vpow2.f32 v14;
	[tilespmem:s0+$0xFFFFFFD0] =	vst v4;
	v22 =	vpop (erf);
	(pc) =	sbr.rel @p1 .LBB2_29-.Ltmp17, $4  }
0x1ba: {  	v23 =	vsel vm2, v2, v23;
	v2 =	vmovc v10;
	v14 =	vmin.f32 v9, $0.0e+00;
	v12 =	vmul.f32 v25, v1;
	[tilespmem:s0+$0x0] =	vst v7  }
0x1bb: {  	v10 =	vmin.f32 v26, $0.0e+00;
	v4 =	vmovc v16;
	v27 =	vsel vm6, v5, v27;
	v25 =	vadd.f32 $-1.000000000e+00, v15;
	v7 =	vmovc v18  }
0x1bc: {  	v10 =	vmul.f32 $1.442695020e+00, v10;
	v15 =	vadd.f32 $-1.000000000e+00, v22;
	v5 =	vmovc v26;
	(erf) = vpow2.f32 v24;
	[tilespmem:s0+$0xFFFFFFE0] =	vst v27  }
0x1bd: {  	s13 =	sadd.s32 $0x400, s13;
	v16 =	vsel vm3, v17, v13;
	v13 =	vsel vm1, v20, v21;
	v17 =	vsel vm4, v19, v25;
	[tilespmem:s0+$0xFFFFFFC0] =	vst v23  }
0x1be: {  	v1 =	vmin.f32 v2, $0.0e+00;
	v11 =	vmul.f32 $1.442695020e+00, v11  }
0x1bf: {  	v0 =	vadd.f32 v12, v0;
	v1 =	vmul.f32 $1.442695020e+00, v1  }
0x1c0: {  	(erf) = vpow2.f32 v11  }
0x1c1: {  	v45 =	vmul.f32 $1.442695020e+00, v14;
	v46 =	vmin.f32 v0, $0.0e+00;
	(erf) = vpow2.f32 v1  }
0x1c2: {  	(erf) = vpow2.f32 v10;
	v10 =	vmul.f32 $1.442695020e+00, v46  }
0x1c3: {  	(erf) = vpow2.f32 v45  }
0x1c4: {  	v47 =	vpop (erf);
	(erf) = vpow2.f32 v10;
	_ =	sdelay $0x1  }
0x1c5: {  	[tilespmem:s29+$0x10] =	vst v17  }
0x1c6: {  	[tilespmem:s29+$0xFFFFFFF0] =	vst v16;
	v1 =	vadd.f32 $-1.000000000e+00, v47;
	v48 =	vpop (erf)  }
0x1c7: {  	v3 =	vsel vm0, v3, v15;
	[tilespmem:s29+$0x20] =	vst v13;
	vm15 =	vgt.f32 v6, $0.0e+00;
	v59 =	vadd.f32 $-1.000000000e+00, v48;
	v49 =	vpop (erf)  }
0x1c8: {  	s0 =	sadd.s32 $0x400, s0;
	vm13 =	vgt.f32 v8, $0.0e+00;
	[tilespmem:s29+$0x30] =	vst v3;
	v1 =	vsel vm15, v6, v1;
	v11 =	vadd.f32 $-1.000000000e+00, v49;
	v50 =	vpop (erf)  }
0x1c9: {  	vm9 =	vgt.f32 v4, $0.0e+00;
	[tilespmem:s0+$0x20] =	vst v1;
	v63 =	vsel vm13, v8, v59;
	v51 =	vpop (erf);
	v52 =	vadd.f32 $-1.000000000e+00, v50  }
0x1ca: {  	vm1 =	vgt.f32 v7, $0.0e+00;
	[tilespmem:s0+$0xFFFFFFF0] =	vst v63;
	v4 =	vsel vm9, v4, v11;
	v53 =	vpop (erf);
	v55 =	vadd.f32 $-1.000000000e+00, v51  }
0x1cb: {  	vm11 =	vgt.f32 v2, $0.0e+00;
	[tilespmem:s0+$0xFFFFFFD0] =	vst v4;
	v54 =	vadd.f32 $-1.000000000e+00, v53;
	v3 =	vsel vm1, v7, v52;
	v56 =	vpop (erf)  }
.Ltmp18:
0x1cc: {  	vm10 =	vgt.f32 v5, $0.0e+00;
	[tilespmem:s0+$0x0] =	vst v3;
	v58 =	vadd.f32 $-1.000000000e+00, v56;
	v60 =	vpop (erf);
	v2 =	vsel vm11, v2, v55;
	(pc) =	sbr.rel .LBB2_34-.Ltmp18, $4  }
0x1cd: {  	vm12 =	vgt.f32 v9, $0.0e+00;
	v57 =	vsel vm10, v5, v54;
	v61 =	vadd.f32 $-1.000000000e+00, v60;
	[tilespmem:s0+$0xFFFFFFC0] =	vst v2  }
0x1ce: {  	vm14 =	vgt.f32 v0, $0.0e+00;
	[tilespmem:s0+$0xFFFFFFE0] =	vst v57;
	v62 =	vsel vm12, v9, v58  }
0x1cf: {  	[tilespmem:s0+$0x10] =	vst v62;
	v0 =	vsel vm14, v0, v61  }
0x1d0: {  	[tilespmem:s0+$0x30] =	vst v0  }
.LBB2_9:
0x1d1: {  	v2 =	vld [tilespmem:s30+$0xFFFFFFE0]  }
0x1d2: {  	v3 =	vld [tilespmem:s30+$0x20];
	_ =	sdelay $0x3  }
0x1d3: {  	v5 =	vld [tilespmem:s30+$0x0];
	v2 =	vmul.f32 v2, v1  }
0x1d4: {  	v7 =	vld [tilespmem:s30+$0x30];
	v3 =	vmul.f32 v3, v1  }
0x1d5: {  	v8 =	vld [tilespmem:s30+$0xFFFFFFF0];
	v2 =	vadd.f32 v2, v0  }
0x1d6: {  	v10 =	vld [tilespmem:s30+$0xFFFFFFD0];
	v3 =	vadd.f32 v3, v0  }
0x1d7: {  	v4 =	vmul.f32 v2, v2  }
0x1d8: {  	v13 =	vld [tilespmem:s30+$0x10];
	v5 =	vmul.f32 v5, v1;
	v6 =	vmul.f32 v3, v3  }
0x1d9: {  	v9 =	vmul.f32 v7, v1;
	v4 =	vmul.f32 v4, v2  }
0x1da: {  	v8 =	vmul.f32 v8, v1;
	v6 =	vmul.f32 v6, v3  }
0x1db: {  	v10 =	vmul.f32 v10, v1;
	v4 =	vmul.f32 $4.471499850e-02, v4  }
0x1dc: {  	v5 =	vadd.f32 v5, v0;
	v9 =	vadd.f32 v9, v0;
	v6 =	vmul.f32 $4.471499850e-02, v6  }
0x1dd: {  	v13 =	vmul.f32 v13, v1;
	v10 =	vadd.f32 v10, v0;
	v4 =	vadd.f32 v4, v2  }
0x1de: {  	v11 =	vmul.f32 v5, v5;
	v7 =	vmul.f32 $5.000000000e-01, v5;
	v6 =	vadd.f32 v6, v3  }
0x1df: {  	v13 =	vadd.f32 v13, v0;
	v16 =	vmul.f32 $5.000000000e-01, v2;
	v4 =	vmul.f32 $7.978845830e-01, v4  }
0x1e0: {  	v15 =	vmul.f32 v9, v9;
	v6 =	vmul.f32 $7.978845830e-01, v6  }
0x1e1: {  	v20 =	vmul.f32 $5.000000000e-01, v10;
	v18 =	vmul.f32 $5.000000000e-01, v13;
	v12 =	vand.u32 $0x7FFFFFFF, v4  }
0x1e2: {  	v11 =	vmul.f32 v11, v5;
	v2 =	vmul.f32 $-2.000000000e+00, v12;
	v12 =	vand.u32 $0x7FFFFFFF, v6  }
0x1e3: {  	v14 =	vld [tilespmem:s30+$0xFFFFFFC0];
	v22 =	vmul.f32 v13, v13;
	v12 =	vmul.f32 $-2.000000000e+00, v12  }
0x1e4: {  	v8 =	vadd.f32 v8, v0;
	v11 =	vmul.f32 $4.471499850e-02, v11;
	v2 =	vmul.f32 $1.442695020e+00, v2  }
0x1e5: {  	v22 =	vmul.f32 v22, v13;
	v12 =	vmul.f32 $1.442695020e+00, v12  }
0x1e6: {  	v5 =	vadd.f32 v11, v5;
	v11 =	vmul.f32 v8, v8;
	(erf) = vpow2.f32 v2  }
0x1e7: {  	v3 =	vmul.f32 $5.000000000e-01, v3;
	(erf) = vpow2.f32 v12  }
0x1e8: {  	v17 =	vmul.f32 $7.978845830e-01, v5;
	v12 =	vmul.f32 v14, v1  }
0x1e9: {  	s13 =	sadd.s32 $0x400, s30;
	vm0 =	vlt.f32 v4, $0.0e+00;
	v14 =	vmul.f32 v15, v9;
	v15 =	vmul.f32 v10, v10  }
0x1ea: {  	v11 =	vmul.f32 v11, v8;
	vm1 =	vmmov vm0;
	vm0 =	vlt.f32 v6, $0.0e+00;
	v6 =	vld [tilespmem:s13+$0x30]  }
0x1eb: {  	v21 =	vand.u32 $0x7FFFFFFF, v17;
	v15 =	vmul.f32 v15, v10;
	v12 =	vadd.f32 v12, v0  }
0x1ec: {  	v11 =	vmul.f32 $4.471499850e-02, v11;
	v21 =	vmul.f32 $-2.000000000e+00, v21  }
0x1ed: {  	v15 =	vmul.f32 $4.471499850e-02, v15;
	v5 =	vmul.f32 v12, v12  }
0x1ee: {  	v21 =	vmul.f32 $1.442695020e+00, v21;
	v2 =	vmul.f32 $5.000000000e-01, v8  }
0x1ef: {  	v6 =	vmul.f32 v6, v1;
	v5 =	vmul.f32 v5, v12;
	v10 =	vadd.f32 v15, v10;
	v19 =	vpop (erf)  }
0x1f0: {  	v8 =	vadd.f32 v11, v8;
	v14 =	vmul.f32 $4.471499850e-02, v14;
	v15 =	vmul.f32 $4.471499850e-02, v22;
	v23 =	vpop (erf)  }
0x1f1: {  	v5 =	vmul.f32 $4.471499850e-02, v5;
	v10 =	vmul.f32 $7.978845830e-01, v10;
	v24 =	vadd.f32 $1.000000000e+00, v23  }
0x1f2: {  	v8 =	vmul.f32 $7.978845830e-01, v8;
	v14 =	vadd.f32 v14, v9;
	v13 =	vadd.f32 v15, v13  }
0x1f3: {  	v5 =	vadd.f32 v5, v12;
	v15 =	vand.u32 $0x7FFFFFFF, v10;
	(erf) = vrcp.f32 v24  }
0x1f4: {  	v14 =	vmul.f32 $7.978845830e-01, v14;
	v4 =	vmul.f32 $-2.000000000e+00, v15  }
0x1f5: {  	v5 =	vmul.f32 $7.978845830e-01, v5;
	(erf) = vpow2.f32 v21  }
0x1f6: {  	v11 =	vadd.f32 $1.000000000e+00, v19;
	v13 =	vmul.f32 $7.978845830e-01, v13;
	v21 =	vand.u32 $0x7FFFFFFF, v14  }
0x1f7: {  	v4 =	vmul.f32 $1.442695020e+00, v4;
	v15 =	vmul.f32 $-2.000000000e+00, v21;
	v21 =	vand.u32 $0x7FFFFFFF, v5  }
0x1f8: {  	(erf) = vrcp.f32 v11;
	v11 =	vmul.f32 $-2.000000000e+00, v21;
	v21 =	vand.u32 $0x7FFFFFFF, v13  }
0x1f9: {  	vm2 =	vlt.f32 v10, $0.0e+00;
	v10 =	vld [tilespmem:s13+$0x10];
	v15 =	vmul.f32 $1.442695020e+00, v15;
	v21 =	vmul.f32 $-2.000000000e+00, v21  }
0x1fa: {  	v26 =	vld [tilespmem:s13+$0xFFFFFFE0];
	(erf) = vpow2.f32 v4;
	v4 =	vmul.f32 $1.442695020e+00, v11  }
0x1fb: {  	v22 =	vsub.f32 $1.000000000e+00, v23;
	v24 =	vld [tilespmem:s13+$0x0];
	(erf) = vpow2.f32 v15;
	v21 =	vmul.f32 $1.442695020e+00, v21  }
0x1fc: {  	v23 =	vand.u32 $0x7FFFFFFF, v8;
	(erf) = vpow2.f32 v4;
	v4 =	vmul.f32 $5.000000000e-01, v9;
	v9 =	vld [tilespmem:s13+$0x20];
	v11 =	vpop (erf)  }
0x1fd: {  	v11 =	vmul.f32 v11, v22;
	v22 =	vmul.f32 $-2.000000000e+00, v23  }
0x1fe: {  	v19 =	vsub.f32 $1.000000000e+00, v19;
	vm3 =	vlt.f32 v5, $0.0e+00;
	v34 =	vmul.f32 v10, v1;
	v15 =	vpop (erf)  }
0x1ff: {  	(erf) = vpow2.f32 v21;
	v25 =	vsub.f32 $1.000000000e+00, v15;
	v21 =	vmul.f32 $1.442695020e+00, v22  }
0x200: {  	v15 =	vadd.f32 $1.000000000e+00, v15;
	v22 =	vmul.f32 $5.000000000e-01, v12;
	v12 =	vmul.f32 v24, v1  }
0x201: {  	v5 =	vpop (erf);
	v23 =	vsub.f32 $0.0e+00, v11;
	v24 =	vmul.f32 v26, v1;
	v9 =	vmul.f32 v9, v1  }
0x202: {  	(erf) = vrcp.f32 v15;
	v15 =	vmul.f32 v5, v19  }
0x203: {  	v26 =	vld [tilespmem:s13+$0xFFFFFFC0];
	v11 =	vsel vm0, v23, v11;
	v12 =	vadd.f32 v12, v0;
	v19 =	vadd.f32 v24, v0  }
0x204: {  	vm0 =	vlt.f32 v8, $0.0e+00;
	v8 =	vadd.f32 v6, v0;
	v6 =	vld [tilespmem:s13+$0xFFFFFFF0];
	v9 =	vadd.f32 v9, v0  }
0x205: {  	v11 =	vadd.f32 $1.000000000e+00, v11;
	v27 =	vmul.f32 v12, v12;
	v5 =	vmul.f32 $5.000000000e-01, v12  }
0x206: {  	v29 =	vmul.f32 v19, v19;
	v10 =	vmul.f32 v9, v9  }
0x207: {  	vm5 =	vlt.f32 v17, $0.0e+00;
	v23 =	vmul.f32 v11, v3;
	v3 =	vmul.f32 $5.000000000e-01, v19  }
0x208: {  	vm4 =	vlt.f32 v14, $0.0e+00;
	v26 =	vmul.f32 v26, v1;
	v29 =	vmul.f32 v29, v19  }
0x209: {  	vm15 =	vlt.f32 v13, $0.0e+00;
	v10 =	vmul.f32 v10, v9;
	v11 =	vpop (erf);
	v6 =	vmul.f32 v6, v1  }
0x20a: {  	v27 =	vmul.f32 v27, v12;
	v24 =	vadd.f32 $1.000000000e+00, v11;
	v28 =	vpop (erf);
	v29 =	vmul.f32 $4.471499850e-02, v29  }
0x20b: {  	v10 =	vmul.f32 $4.471499850e-02, v10;
	v30 =	vpop (erf);
	v31 =	vadd.f32 $1.000000000e+00, v28;
	v17 =	vadd.f32 v6, v0  }
0x20c: {  	v32 =	vpop (erf);
	v33 =	vadd.f32 $1.000000000e+00, v30;
	(erf) = vrcp.f32 v24;
	v19 =	vadd.f32 v29, v19  }
0x20d: {  	v29 =	vmul.f32 v8, v8;
	v6 =	vadd.f32 v10, v9;
	(erf) = vrcp.f32 v31;
	v14 =	vpop (erf)  }
0x20e: {  	v24 =	vld [tilespmem:s13+$0xFFFFFFD0];
	v14 =	vmul.f32 v14, v25;
	v25 =	vsub.f32 $1.000000000e+00, v28;
	v28 =	vmul.f32 $7.978845830e-01, v19  }
0x20f: {  	v35 =	vadd.f32 $1.000000000e+00, v32;
	v19 =	vmul.f32 $4.471499850e-02, v27;
	v27 =	vmul.f32 v29, v8  }
0x210: {  	v44 =	vsub.f32 $1.000000000e+00, v11;
	(erf) = vrcp.f32 v33;
	v11 =	vmul.f32 $7.978845830e-01, v6  }
0x211: {  	(erf) = vrcp.f32 v35;
	v10 =	vand.u32 $0x7FFFFFFF, v28;
	v6 =	vsub.f32 $0.0e+00, v14  }
0x212: {  	(erf) = vpow2.f32 v21;
	v45 =	vand.u32 $0x7FFFFFFF, v11;
	v27 =	vmul.f32 $4.471499850e-02, v27  }
0x213: {  	v12 =	vadd.f32 v19, v12;
	v24 =	vmul.f32 v24, v1;
	v29 =	vmul.f32 $-2.000000000e+00, v10  }
0x214: {  	v10 =	vmul.f32 $5.000000000e-01, v17;
	v33 =	vmul.f32 $-2.000000000e+00, v45;
	v14 =	vsel vm5, v6, v14  }
0x215: {  	v12 =	vmul.f32 $7.978845830e-01, v12;
	v24 =	vadd.f32 v24, v0;
	v29 =	vmul.f32 $1.442695020e+00, v29  }
0x216: {  	v47 =	vadd.f32 $1.000000000e+00, v14;
	v14 =	vadd.f32 v26, v0;
	v48 =	vmul.f32 $1.442695020e+00, v33  }
0x217: {  	v36 =	vsub.f32 $0.0e+00, v15;
	v6 =	vmul.f32 $5.000000000e-01, v24;
	v13 =	vmul.f32 v24, v24  }
0x218: {  	v49 =	vadd.f32 v34, v0;
	v21 =	vpop (erf);
	v26 =	vmul.f32 v47, v7;
	v51 =	vmul.f32 v14, v14  }
0x219: {  	v59 =	vsel vm1, v36, v15;
	v46 =	vpop (erf);
	(erf) = vpow2.f32 v29;
	v29 =	vmul.f32 v17, v17  }
0x21a: {  	v30 =	vsub.f32 $1.000000000e+00, v30;
	v21 =	vmul.f32 v21, v44;
	v25 =	vmul.f32 v46, v25  }
0x21b: {  	v32 =	vsub.f32 $1.000000000e+00, v32;
	v13 =	vmul.f32 v13, v24;
	v7 =	vpop (erf);
	(erf) = vpow2.f32 v48  }
0x21c: {  	v27 =	vadd.f32 v27, v8;
	v34 =	vmul.f32 v51, v14;
	v30 =	vmul.f32 v7, v30  }
0x21d: {  	v19 =	vsub.f32 $0.0e+00, v21;
	v50 =	vpop (erf);
	v7 =	vmul.f32 $5.000000000e-01, v49;
	v29 =	vmul.f32 v29, v17  }
0x21e: {  	v13 =	vmul.f32 $4.471499850e-02, v13;
	v52 =	vsub.f32 $0.0e+00, v25;
	v31 =	vmul.f32 v50, v32  }
0x21f: {  	v53 =	vpop (erf);
	v34 =	vmul.f32 $4.471499850e-02, v34;
	v19 =	vsel vm2, v19, v21;
	v21 =	vmul.f32 $4.471499850e-02, v29  }
0x220: {  	v29 =	vand.u32 $0x7FFFFFFF, v12;
	v32 =	vsub.f32 $1.000000000e+00, v53;
	v24 =	vadd.f32 v13, v24  }
0x221: {  	v13 =	vmul.f32 $7.978845830e-01, v27;
	v27 =	vadd.f32 $1.000000000e+00, v19;
	v19 =	vadd.f32 $1.000000000e+00, v53  }
0x222: {  	vm2 =	vlt.f32 v28, $0.0e+00;
	v56 =	vsub.f32 $0.0e+00, v30;
	v25 =	vsel vm4, v52, v25  }
0x223: {  	v54 =	vsub.f32 $0.0e+00, v31;
	v29 =	vmul.f32 $-2.000000000e+00, v29;
	(erf) = vrcp.f32 v19  }
0x224: {  	v55 =	vadd.f32 v34, v14;
	v17 =	vadd.f32 v21, v17;
	v21 =	vmul.f32 v49, v49  }
0x225: {  	v30 =	vsel vm3, v56, v30;
	v19 =	vmul.f32 $7.978845830e-01, v24;
	v29 =	vmul.f32 $1.442695020e+00, v29;
	v37 =	vpop (erf)  }
0x226: {  	v39 =	vand.u32 $0x7FFFFFFF, v13;
	v27 =	vmul.f32 v27, v20;
	v21 =	vmul.f32 v21, v49;
	v40 =	vpop (erf)  }
0x227: {  	v20 =	vadd.f32 $1.000000000e+00, v59;
	v17 =	vmul.f32 $7.978845830e-01, v17;
	v24 =	vadd.f32 $1.000000000e+00, v40  }
0x228: {  	v28 =	vsel vm15, v54, v31;
	v58 =	vmul.f32 $-2.000000000e+00, v39;
	v41 =	vmul.f32 $4.471499850e-02, v21  }
0x229: {  	v57 =	vand.u32 $0x7FFFFFFF, v19;
	v16 =	vmul.f32 v20, v16;
	(erf) = vrcp.f32 v24  }
0x22a: {  	v38 =	vadd.f32 $1.000000000e+00, v37;
	v15 =	vadd.f32 v41, v49;
	(erf) = vpow2.f32 v29  }
0x22b: {  	v28 =	vadd.f32 $1.000000000e+00, v28;
	v21 =	vmul.f32 $7.978845830e-01, v55;
	v35 =	vmul.f32 $-2.000000000e+00, v57  }
0x22c: {  	v30 =	vadd.f32 $1.000000000e+00, v30;
	v15 =	vmul.f32 $7.978845830e-01, v15;
	v29 =	vpop (erf);
	(erf) = vrcp.f32 v38  }
0x22d: {  	v31 =	vmul.f32 $1.442695020e+00, v58;
	v20 =	vsub.f32 $1.000000000e+00, v37;
	v28 =	vmul.f32 v28, v18  }
0x22e: {  	v18 =	vadd.f32 $1.000000000e+00, v25;
	v62 =	vand.u32 $0x7FFFFFFF, v15;
	v29 =	vmul.f32 v29, v32  }
0x22f: {  	[tilespmem:s29+$0x20] =	vst v23;
	v60 =	vand.u32 $0x7FFFFFFF, v21;
	v61 =	vmul.f32 $1.442695020e+00, v35;
	v23 =	vmul.f32 $-2.000000000e+00, v62  }
0x230: {  	[tilespmem:s29+$0x0] =	vst v26;
	v24 =	vand.u32 $0x7FFFFFFF, v17;
	v33 =	vmul.f32 $-2.000000000e+00, v60;
	v63 =	vsub.f32 $0.0e+00, v29  }
0x231: {  	[tilespmem:s29+$0xFFFFFFD0] =	vst v27;
	(erf) = vpow2.f32 v61;
	v26 =	vmul.f32 $1.442695020e+00, v23;
	v23 =	vsub.f32 $1.000000000e+00, v40  }
0x232: {  	s0 =	sadd.s32 $0x400, s29;
	[tilespmem:s29+$0xFFFFFFE0] =	vst v16;
	v27 =	vmul.f32 $1.442695020e+00, v33;
	v29 =	vsel vm0, v63, v29;
	v16 =	vpop (erf);
	(erf) = vpow2.f32 v31  }
0x233: {  	s2 =	simm.s32 $0x8;
	s31 =	sadd.s32 $0x400, s13;
	s30 =	smov.u32 s0;
	[tilespmem:s29+$0x10] =	vst v28;
	v23 =	vmul.f32 v16, v23;
	v25 =	vpop (erf);
	v16 =	vmul.f32 v30, v22;
	v22 =	vadd.f32 $1.000000000e+00, v29  }
.LBB2_10:
0x234: {  	v29 =	vsub.f32 $1.000000000e+00, v25  }
0x235: {  	v28 =	vld [tilespmem:s31+$0x0];
	s2 =	sadd.s32 $0x8, s2;
	s0 =	sadd.s32 $0x400, s0;
	(erf) = vpow2.f32 v27;
	v27 =	vpop (erf);
	v18 =	vmul.f32 v18, v4;
	vm0 =	vmmov vm2  }
0x236: {  	v24 =	vmul.f32 $-2.000000000e+00, v24;
	v4 =	vmul.f32 $5.000000000e-01, v8;
	v30 =	vld [tilespmem:s31+$0xFFFFFFE0];
	p1 =	slt.u32 s2, $0x38;
	v31 =	vsub.f32 $0.0e+00, v23;
	[tilespmem:s29+$0xFFFFFFC0] =	vst v16  }
0x237: {  	vm1 =	vlt.f32 v11, $0.0e+00;
	v11 =	vmul.f32 v22, v2;
	v2 =	vmovc v10;
	v8 =	vld [tilespmem:s31+$0x20];
	(erf) = vpow2.f32 v26;
	[tilespmem:s29+$0x30] =	vst v18  }
0x238: {  	v24 =	vmul.f32 $1.442695020e+00, v24;
	v18 =	vadd.f32 $1.000000000e+00, v25;
	v10 =	vld [tilespmem:s31+$0x30];
	v22 =	vsel vm1, v31, v23  }
0x239: {  	v9 =	vmul.f32 $5.000000000e-01, v9;
	v16 =	vmul.f32 $5.000000000e-01, v14;
	v23 =	vld [tilespmem:s31+$0xFFFFFFF0];
	v26 =	vadd.f32 $1.000000000e+00, v22;
	[tilespmem:s29+$0xFFFFFFF0] =	vst v11;
	s29 =	smov.u32 s30;
	s30 =	smov.u32 s0  }
0x23a: {  	vm3 =	vlt.f32 v21, $0.0e+00;
	v11 =	vmul.f32 v28, v1;
	v22 =	vld [tilespmem:s31+$0x10];
	v21 =	vpop (erf);
	(erf) = vrcp.f32 v18  }
0x23b: {  	vm2 =	vlt.f32 v19, $0.0e+00;
	v25 =	vld [tilespmem:s31+$0xFFFFFFC0];
	v18 =	vmul.f32 v30, v1;
	v9 =	vmul.f32 v26, v9  }
0x23c: {  	v20 =	vmul.f32 v27, v20;
	v19 =	vadd.f32 v11, v0;
	v11 =	vmul.f32 v8, v1;
	v14 =	vpop (erf)  }
0x23d: {  	v26 =	vadd.f32 v18, v0;
	v8 =	vmul.f32 v10, v1;
	v10 =	vadd.f32 $1.000000000e+00, v21;
	[tilespmem:s29+$0x20] =	vst v9  }
0x23e: {  	vm1 =	vlt.f32 v17, $0.0e+00;
	v9 =	vmul.f32 v19, v19;
	v27 =	vmul.f32 $5.000000000e-01, v19;
	v17 =	vpop (erf)  }
0x23f: {  	v28 =	vld [tilespmem:s31+$0xFFFFFFD0];
	v30 =	vmul.f32 v26, v26;
	v18 =	vmul.f32 $5.000000000e-01, v26;
	v8 =	vadd.f32 v8, v0  }
0x240: {  	v31 =	vmul.f32 v9, v19;
	v9 =	vadd.f32 v11, v0;
	v11 =	vadd.f32 $1.000000000e+00, v14;
	v32 =	vpop (erf)  }
0x241: {  	v33 =	vadd.f32 $1.000000000e+00, v17;
	v30 =	vmul.f32 v30, v26;
	(erf) = vrcp.f32 v10  }
0x242: {  	v34 =	vmul.f32 v22, v1;
	v35 =	vadd.f32 $1.000000000e+00, v32;
	v10 =	vmul.f32 v9, v9  }
0x243: {  	v22 =	vsub.f32 $0.0e+00, v20;
	v25 =	vmul.f32 v25, v1;
	v30 =	vmul.f32 $4.471499850e-02, v30;
	v36 =	vpop (erf)  }
0x244: {  	vm4 =	vlt.f32 v13, $0.0e+00;
	v10 =	vmul.f32 v10, v9;
	(erf) = vrcp.f32 v11  }
0x245: {  	v13 =	vmul.f32 v23, v1;
	v23 =	vmul.f32 v8, v8;
	v11 =	vadd.f32 v30, v26  }
0x246: {  	v14 =	vsub.f32 $1.000000000e+00, v14;
	v26 =	vmul.f32 v36, v29;
	v10 =	vmul.f32 $4.471499850e-02, v10  }
0x247: {  	vm5 =	vlt.f32 v12, $0.0e+00;
	v28 =	vmul.f32 v28, v1;
	v29 =	vmul.f32 $7.978845830e-01, v11  }
0x248: {  	v12 =	vmul.f32 $4.471499850e-02, v31;
	v30 =	vadd.f32 v13, v0;
	v11 =	vadd.f32 v10, v9  }
0x249: {  	v13 =	vmul.f32 v23, v8;
	v10 =	vand.u32 $0x7FFFFFFF, v29;
	(erf) = vrcp.f32 v33  }
0x24a: {  	v21 =	vsub.f32 $1.000000000e+00, v21;
	v23 =	vmul.f32 $-2.000000000e+00, v10;
	v10 =	vmul.f32 $5.000000000e-01, v30;
	v31 =	vpop (erf)  }
0x24b: {  	v36 =	vsub.f32 $0.0e+00, v26;
	v11 =	vmul.f32 $7.978845830e-01, v11;
	(erf) = vrcp.f32 v35  }
0x24c: {  	v28 =	vadd.f32 v28, v0;
	v23 =	vmul.f32 $1.442695020e+00, v23;
	(erf) = vpow2.f32 v24  }
0x24d: {  	v13 =	vmul.f32 $4.471499850e-02, v13;
	v26 =	vsel vm5, v36, v26;
	v24 =	vand.u32 $0x7FFFFFFF, v11;
	v33 =	vpop (erf)  }
0x24e: {  	vm5 =	vlt.f32 v15, $0.0e+00;
	v35 =	vmul.f32 $5.000000000e-01, v28;
	(erf) = vpow2.f32 v23  }
0x24f: {  	v15 =	vmul.f32 v28, v28;
	v13 =	vadd.f32 v13, v8;
	v23 =	vmul.f32 v33, v14  }
0x250: {  	v17 =	vsub.f32 $1.000000000e+00, v17;
	v26 =	vadd.f32 $1.000000000e+00, v26;
	v33 =	vmul.f32 v30, v30  }
0x251: {  	v21 =	vmul.f32 v31, v21;
	v24 =	vmul.f32 $-2.000000000e+00, v24;
	v14 =	vadd.f32 v25, v0  }
0x252: {  	v15 =	vmul.f32 v15, v28;
	v25 =	vmul.f32 v26, v5;
	v26 =	vsub.f32 $1.000000000e+00, v32;
	v5 =	vpop (erf)  }
0x253: {  	v31 =	vadd.f32 v34, v0;
	v24 =	vmul.f32 $1.442695020e+00, v24;
	v32 =	vmul.f32 v5, v17;
	v5 =	vmovc v27  }
0x254: {  	v12 =	vadd.f32 v12, v19;
	v15 =	vmul.f32 $4.471499850e-02, v15;
	v17 =	vsub.f32 $0.0e+00, v21;
	[tilespmem:s29+$0x0] =	vst v25;
	v19 =	vpop (erf)  }
0x255: {  	v34 =	vsub.f32 $0.0e+00, v23;
	v27 =	vmul.f32 $5.000000000e-01, v31;
	v25 =	vmul.f32 v14, v14;
	v36 =	vpop (erf)  }
0x256: {  	v15 =	vadd.f32 v15, v28;
	(erf) = vpow2.f32 v24;
	v24 =	vmul.f32 v19, v26  }
0x257: {  	v12 =	vmul.f32 $7.978845830e-01, v12;
	v17 =	vsel vm2, v17, v21;
	v19 =	vmul.f32 v33, v30;
	v26 =	vpop (erf)  }
0x258: {  	v13 =	vmul.f32 $7.978845830e-01, v13;
	v28 =	vadd.f32 $1.000000000e+00, v17;
	v17 =	vadd.f32 $1.000000000e+00, v36  }
0x259: {  	v21 =	vand.u32 $0x7FFFFFFF, v12;
	v33 =	vadd.f32 $1.000000000e+00, v26;
	v19 =	vmul.f32 $4.471499850e-02, v19  }
0x25a: {  	v37 =	vand.u32 $0x7FFFFFFF, v13;
	v25 =	vmul.f32 v25, v14;
	(erf) = vrcp.f32 v17  }
0x25b: {  	v38 =	vsub.f32 $0.0e+00, v24;
	v17 =	vadd.f32 v19, v30;
	v30 =	vmul.f32 v31, v31  }
0x25c: {  	v21 =	vmul.f32 $-2.000000000e+00, v21;
	v36 =	vsub.f32 $1.000000000e+00, v36;
	v25 =	vmul.f32 $4.471499850e-02, v25  }
0x25d: {  	v23 =	vsel vm4, v34, v23;
	v19 =	vmul.f32 $7.978845830e-01, v15;
	v17 =	vmul.f32 $7.978845830e-01, v17  }
0x25e: {  	vm2 =	vlt.f32 v29, $0.0e+00;
	v29 =	vsel vm5, v38, v24;
	v15 =	vmul.f32 v30, v31  }
0x25f: {  	v24 =	vadd.f32 v25, v14;
	v25 =	vand.u32 $0x7FFFFFFF, v19;
	v30 =	vmul.f32 $1.442695020e+00, v21;
	v34 =	vpop (erf)  }
0x260: {  	v39 =	vsub.f32 $0.0e+00, v32;
	v15 =	vmul.f32 $4.471499850e-02, v15;
	v38 =	vadd.f32 $1.000000000e+00, v34  }
0x261: {  	v37 =	vmul.f32 $-2.000000000e+00, v37;
	v21 =	vmul.f32 $7.978845830e-01, v24;
	v24 =	vand.u32 $0x7FFFFFFF, v17  }
0x262: {  	v20 =	vsel vm0, v22, v20;
	v32 =	vsel vm3, v39, v32;
	(erf) = vrcp.f32 v38  }
0x263: {  	v22 =	vmul.f32 $-2.000000000e+00, v25;
	v15 =	vadd.f32 v15, v31;
	(erf) = vpow2.f32 v30;
	v25 =	vpop (erf)  }
0x264: {  	v30 =	vand.u32 $0x7FFFFFFF, v21;
	(erf) = vrcp.f32 v33;
	v25 =	vmul.f32 v25, v36  }
0x265: {  	v28 =	vmul.f32 v28, v6;
	v6 =	vmovc v35;
	v31 =	vadd.f32 $1.000000000e+00, v32;
	v15 =	vmul.f32 $7.978845830e-01, v15  }
0x266: {  	v20 =	vadd.f32 $1.000000000e+00, v20;
	v22 =	vmul.f32 $1.442695020e+00, v22;
	v32 =	vmul.f32 $1.442695020e+00, v37  }
0x267: {  	v30 =	vmul.f32 $-2.000000000e+00, v30;
	v33 =	vand.u32 $0x7FFFFFFF, v15;
	[tilespmem:s29+$0xFFFFFFD0] =	vst v28;
	v28 =	vadd.f32 $1.000000000e+00, v29  }
.Ltmp19:
0x268: {  	v35 =	vsub.f32 $0.0e+00, v25;
	v29 =	vmul.f32 $-2.000000000e+00, v33;
	v33 =	vmul.f32 v20, v3;
	v3 =	vmovc v18;
	(pc) =	sbr.rel @p1 .LBB2_10-.Ltmp19, $4  }
0x269: {  	v20 =	vsub.f32 $1.000000000e+00, v26;
	(erf) = vpow2.f32 v22;
	v28 =	vmul.f32 v28, v7;
	v7 =	vmovc v27  }
0x26a: {  	v18 =	vadd.f32 $1.000000000e+00, v23;
	v26 =	vmul.f32 $1.442695020e+00, v29;
	v22 =	vsub.f32 $1.000000000e+00, v34;
	[tilespmem:s29+$0xFFFFFFE0] =	vst v33  }
0x26b: {  	v27 =	vmul.f32 $1.442695020e+00, v30;
	v29 =	vsel vm1, v35, v25;
	v23 =	vpop (erf);
	(erf) = vpow2.f32 v32  }
0x26c: {  	s31 =	sadd.s32 $0x400, s31;
	v16 =	vmul.f32 v31, v16;
	v23 =	vmul.f32 v23, v22;
	v25 =	vpop (erf);
	v22 =	vadd.f32 $1.000000000e+00, v29;
	[tilespmem:s29+$0x10] =	vst v28  }
0x26d: {  	(erf) = vpow2.f32 v27  }
0x26e: {  	(erf) = vpow2.f32 v26;
	_ =	sdelay $0x4  }
0x26f: {  	v0 =	vpop (erf)  }
0x270: {  	v1 =	vadd.f32 $1.000000000e+00, v25;
	v57 =	vpop (erf)  }
0x271: {  	v28 =	vadd.f32 $1.000000000e+00, v57;
	v58 =	vpop (erf)  }
0x272: {  	(erf) = vrcp.f32 v1;
	v29 =	vadd.f32 $1.000000000e+00, v58;
	v59 =	vpop (erf)  }
0x273: {  	v24 =	vmul.f32 $-2.000000000e+00, v24;
	(erf) = vrcp.f32 v28;
	v30 =	vpop (erf);
	v31 =	vadd.f32 $1.000000000e+00, v59  }
0x274: {  	(erf) = vrcp.f32 v29;
	v60 =	vadd.f32 $1.000000000e+00, v30  }
0x275: {  	v24 =	vmul.f32 $1.442695020e+00, v24;
	(erf) = vrcp.f32 v31  }
0x276: {  	(erf) = vrcp.f32 v60  }
0x277: {  	(erf) = vpow2.f32 v24;
	_ =	sdelay $0x3  }
0x278: {  	v61 =	vpop (erf)  }
0x279: {  	v62 =	vpop (erf)  }
0x27a: {  	v29 =	vpop (erf)  }
0x27b: {  	v32 =	vpop (erf)  }
0x27c: {  	v63 =	vsub.f32 $1.000000000e+00, v25;
	vm0 =	vlt.f32 v11, $0.0e+00;
	v37 =	vpop (erf)  }
0x27d: {  	v9 =	vmul.f32 $5.000000000e-01, v9;
	v4 =	vmul.f32 v18, v4;
	vm13 =	vlt.f32 v12, $0.0e+00;
	v38 =	vpop (erf)  }
0x27e: {  	vm1 =	vmmov vm2;
	v0 =	vmul.f32 v0, v20;
	v39 =	vadd.f32 $1.000000000e+00, v38  }
0x27f: {  	v8 =	vmul.f32 $5.000000000e-01, v8;
	v14 =	vmul.f32 $5.000000000e-01, v14;
	vm14 =	vlt.f32 v21, $0.0e+00  }
0x280: {  	v36 =	vsub.f32 $0.0e+00, v23;
	v43 =	vsub.f32 $0.0e+00, v0;
	(erf) = vrcp.f32 v39  }
0x281: {  	vm3 =	vlt.f32 v19, $0.0e+00;
	vm15 =	vlt.f32 v17, $0.0e+00;
	vm4 =	vlt.f32 v13, $0.0e+00  }
0x282: {  	v23 =	vsel vm0, v36, v23;
	v0 =	vsel vm1, v43, v0;
	v24 =	vmul.f32 v61, v63  }
0x283: {  	vm5 =	vlt.f32 v15, $0.0e+00;
	v23 =	vadd.f32 $1.000000000e+00, v23;
	v0 =	vadd.f32 $1.000000000e+00, v0  }
0x284: {  	v2 =	vmul.f32 v22, v2;
	v41 =	vsub.f32 $1.000000000e+00, v57;
	v40 =	vsub.f32 $0.0e+00, v24  }
0x285: {  	v9 =	vmul.f32 v23, v9;
	v44 =	vsub.f32 $1.000000000e+00, v58;
	v0 =	vmul.f32 v0, v3  }
0x286: {  	v1 =	vsub.f32 $1.000000000e+00, v59;
	v12 =	vsel vm13, v40, v24;
	v42 =	vmul.f32 v62, v41  }
0x287: {  	v45 =	vsub.f32 $1.000000000e+00, v30;
	v12 =	vadd.f32 $1.000000000e+00, v12;
	v46 =	vmul.f32 v29, v44  }
0x288: {  	v47 =	vsub.f32 $0.0e+00, v42;
	v1 =	vmul.f32 v32, v1;
	v49 =	vsub.f32 $1.000000000e+00, v38  }
0x289: {  	[tilespmem:s29+$0xFFFFFFC0] =	vst v16;
	v5 =	vmul.f32 v12, v5;
	v48 =	vsub.f32 $0.0e+00, v46;
	v11 =	vmul.f32 v37, v45;
	v53 =	vpop (erf)  }
0x28a: {  	[tilespmem:s29+$0x30] =	vst v4;
	v50 =	vsel vm3, v47, v42;
	v52 =	vsub.f32 $0.0e+00, v1;
	v13 =	vmul.f32 v53, v49  }
0x28b: {  	[tilespmem:s29+$0xFFFFFFF0] =	vst v2;
	v54 =	vadd.f32 $1.000000000e+00, v50;
	v57 =	vsel vm4, v48, v46;
	v51 =	vsub.f32 $0.0e+00, v11  }
0x28c: {  	[tilespmem:s30+$0x20] =	vst v9;
	v58 =	vadd.f32 $1.000000000e+00, v57;
	v1 =	vsel vm14, v52, v1;
	v56 =	vsub.f32 $0.0e+00, v13  }
0x28d: {  	[tilespmem:s30+$0xFFFFFFE0] =	vst v0;
	v4 =	vmul.f32 v54, v6;
	v55 =	vsel vm5, v51, v11;
	v1 =	vadd.f32 $1.000000000e+00, v1  }
0x28e: {  	[tilespmem:s30+$0x0] =	vst v5;
	v62 =	vmul.f32 v58, v8;
	v2 =	vadd.f32 $1.000000000e+00, v55;
	v59 =	vsel vm15, v56, v13  }
.Ltmp20:
0x28f: {  	[tilespmem:s30+$0xFFFFFFD0] =	vst v4;
	v60 =	vmul.f32 v1, v14;
	v61 =	vadd.f32 $1.000000000e+00, v59;
	(pc) =	sbr.rel .LBB2_34-.Ltmp20, $4  }
0x290: {  	[tilespmem:s30+$0x30] =	vst v62;
	v2 =	vmul.f32 v2, v7  }
0x291: {  	[tilespmem:s30+$0xFFFFFFC0] =	vst v60;
	v63 =	vmul.f32 v61, v10  }
0x292: {  	[tilespmem:s30+$0x10] =	vst v2  }
0x293: {  	[tilespmem:s30+$0xFFFFFFF0] =	vst v63  }
.LBB2_24:
0x294: {  	v2 =	vld [tilespmem:s30+$0x30]  }
0x295: {  	v3 =	vld [tilespmem:s30+$0xFFFFFFD0]  }
0x296: {  	v4 =	vld [tilespmem:s30+$0xFFFFFFE0]  }
0x297: {  	v5 =	vld [tilespmem:s30+$0xFFFFFFF0]  }
0x298: {  	v7 =	vld [tilespmem:s30+$0x0]  }
0x299: {  	v9 =	vld [tilespmem:s30+$0x10];
	v2 =	vmul.f32 v2, v1  }
0x29a: {  	v3 =	vmul.f32 v3, v1  }
0x29b: {  	v10 =	vadd.f32 v2, v0;
	v2 =	vld [tilespmem:s30+$0x20]  }
0x29c: {  	v6 =	vadd.f32 v3, v0;
	v3 =	vld [tilespmem:s30+$0xFFFFFFC0]  }
0x29d: {  	v4 =	vmul.f32 v4, v1;
	v5 =	vmul.f32 v5, v1  }
0x29e: {  	v8 =	vmul.f32 v7, v1;
	v7 =	vmul.f32 v9, v1;
	v10 =	vmax.f32 v10, $0.0e+00  }
0x29f: {  	s0 =	sadd.s32 $0x8, s0;
	s2 =	sadd.s32 $0x400, s30;
	v4 =	vadd.f32 v4, v0;
	v5 =	vadd.f32 v5, v0;
	v9 =	vmin.f32 v10, $6.000000000e+00  }
.LBB2_25:
0x2a0: {  	v10 =	vld [tilespmem:s2+$0x30];
	s0 =	sadd.s32 $0x8, s0;
	v6 =	vmax.f32 v6, $0.0e+00;
	v8 =	vadd.f32 v8, v0;
	v2 =	vmul.f32 v2, v1;
	[tilespmem:s29+$0x30] =	vst v9  }
0x2a1: {  	v4 =	vmax.f32 v4, $0.0e+00;
	v9 =	vld [tilespmem:s2+$0xFFFFFFD0];
	p1 =	slt.u32 s0, $0x38;
	v3 =	vmul.f32 v3, v1;
	v7 =	vadd.f32 v7, v0  }
0x2a2: {  	v5 =	vmax.f32 v5, $0.0e+00;
	v11 =	vld [tilespmem:s2+$0xFFFFFFE0];
	v8 =	vmax.f32 v8, $0.0e+00;
	v2 =	vadd.f32 v2, v0  }
0x2a3: {  	v6 =	vmin.f32 v6, $6.000000000e+00;
	v12 =	vld [tilespmem:s2+$0xFFFFFFF0];
	v3 =	vadd.f32 v3, v0;
	v7 =	vmax.f32 v7, $0.0e+00  }
0x2a4: {  	v4 =	vmin.f32 v4, $6.000000000e+00;
	v5 =	vmin.f32 v5, $6.000000000e+00;
	v13 =	vld [tilespmem:s2+$0x0];
	[tilespmem:s29+$0xFFFFFFD0] =	vst v6;
	v6 =	vmax.f32 v2, $0.0e+00  }
0x2a5: {  	v14 =	vld [tilespmem:s2+$0x10];
	v10 =	vmul.f32 v10, v1;
	v3 =	vmax.f32 v3, $0.0e+00;
	[tilespmem:s29+$0xFFFFFFE0] =	vst v4;
	v4 =	vmin.f32 v8, $6.000000000e+00  }
.Ltmp21:
0x2a6: {  	v8 =	vmul.f32 v9, v1;
	v2 =	vld [tilespmem:s2+$0x20];
	v9 =	vmin.f32 v3, $6.000000000e+00;
	[tilespmem:s29+$0xFFFFFFF0] =	vst v5;
	v5 =	vmin.f32 v7, $6.000000000e+00;
	(pc) =	sbr.rel @p1 .LBB2_25-.Ltmp21, $4  }
0x2a7: {  	v3 =	vld [tilespmem:s2+$0xFFFFFFC0];
	v7 =	vmul.f32 v11, v1;
	v10 =	vadd.f32 v10, v0;
	[tilespmem:s29+$0xFFFFFFC0] =	vst v9;
	v11 =	vmin.f32 v6, $6.000000000e+00  }
0x2a8: {  	v6 =	vadd.f32 v8, v0;
	v9 =	vmul.f32 v12, v1;
	[tilespmem:s29+$0x0] =	vst v4  }
0x2a9: {  	v4 =	vadd.f32 v7, v0;
	v8 =	vmul.f32 v13, v1;
	v10 =	vmax.f32 v10, $0.0e+00;
	[tilespmem:s29+$0x10] =	vst v5  }
0x2aa: {  	s2 =	sadd.s32 $0x400, s2;
	v5 =	vadd.f32 v9, v0;
	v7 =	vmul.f32 v14, v1;
	v9 =	vmin.f32 v10, $6.000000000e+00;
	[tilespmem:s29+$0x20] =	vst v11;
	s29 =	sadd.s32 $0x400, s29  }
0x2ab: {  	v6 =	vmax.f32 v6, $0.0e+00;
	v8 =	vadd.f32 v8, v0;
	v4 =	vmax.f32 v4, $0.0e+00  }
0x2ac: {  	[tilespmem:s29+$0x30] =	vst v9;
	v55 =	vmul.f32 v2, v1;
	v3 =	vmul.f32 v3, v1;
	v6 =	vmin.f32 v6, $6.000000000e+00  }
0x2ad: {  	v56 =	vmax.f32 v5, $0.0e+00;
	v4 =	vmin.f32 v4, $6.000000000e+00;
	v57 =	vadd.f32 v7, v0;
	[tilespmem:s29+$0xFFFFFFD0] =	vst v6  }
0x2ae: {  	v2 =	vmin.f32 v56, $6.000000000e+00;
	[tilespmem:s29+$0xFFFFFFE0] =	vst v4;
	v58 =	vmax.f32 v8, $0.0e+00;
	v59 =	vadd.f32 v55, v0  }
.Ltmp22:
0x2af: {  	v3 =	vadd.f32 v3, v0;
	[tilespmem:s29+$0xFFFFFFF0] =	vst v2;
	v61 =	vmax.f32 v57, $0.0e+00;
	v62 =	vmin.f32 v58, $6.000000000e+00;
	(pc) =	sbr.rel .LBB2_34-.Ltmp22, $4  }
0x2b0: {  	v0 =	vmax.f32 v59, $0.0e+00;
	v63 =	vmin.f32 v61, $6.000000000e+00;
	[tilespmem:s29+$0x0] =	vst v62  }
0x2b1: {  	v3 =	vmax.f32 v3, $0.0e+00;
	v0 =	vmin.f32 v0, $6.000000000e+00;
	[tilespmem:s29+$0x10] =	vst v63  }
0x2b2: {  	v60 =	vmin.f32 v3, $6.000000000e+00;
	[tilespmem:s29+$0x20] =	vst v0  }
0x2b3: {  	[tilespmem:s29+$0xFFFFFFC0] =	vst v60  }
.LBB2_16:
0x2b4: {  	v2 =	vld [tilespmem:s30+$0x20]  }
0x2b5: {  	v3 =	vld [tilespmem:s30+$0x30];
	_ =	sdelay $0x3  }
0x2b6: {  	v2 =	vmul.f32 v2, v1  }
0x2b7: {  	v3 =	vmul.f32 v3, v1  }
0x2b8: {  	v7 =	vadd.f32 v2, v0  }
0x2b9: {  	v16 =	vadd.f32 v3, v0  }
0x2ba: {  	v2 =	vand.u32 $0x7FFFFFFF, v7  }
0x2bb: {  	v4 =	vld [tilespmem:s30+$0xFFFFFFF0];
	v3 =	vand.u32 $0x7FFFFFFF, v16;
	v2 =	vsub.f32 $0.0e+00, v2  }
0x2bc: {  	v5 =	vld [tilespmem:s30+$0xFFFFFFE0];
	v3 =	vsub.f32 $0.0e+00, v3  }
0x2bd: {  	v2 =	vmul.f32 $1.442695020e+00, v2  }
0x2be: {  	v8 =	vld [tilespmem:s30+$0x0];
	v3 =	vmul.f32 $1.442695020e+00, v3  }
0x2bf: {  	v6 =	vld [tilespmem:s30+$0xFFFFFFD0];
	s0 =	sadd.s32 $0x400, s30;
	(erf) = vpow2.f32 v2  }
0x2c0: {  	v14 =	vld [tilespmem:s0+$0xFFFFFFC0];
	(erf) = vpow2.f32 v3  }
0x2c1: {  	v2 =	vmul.f32 v4, v1;
	v4 =	vmul.f32 v5, v1;
	v3 =	vld [tilespmem:s30+$0xFFFFFFC0]  }
0x2c2: {  	v5 =	vld [tilespmem:s30+$0x10]  }
0x2c3: {  	v18 =	vadd.f32 v2, v0;
	v2 =	vadd.f32 v4, v0;
	v4 =	vmul.f32 v8, v1  }
0x2c4: {  	v6 =	vmul.f32 v6, v1  }
0x2c5: {  	v22 =	vmul.f32 v14, v1;
	v19 =	vadd.f32 v4, v0  }
0x2c6: {  	v8 =	vmul.f32 v3, v1;
	v3 =	vadd.f32 v6, v0;
	v6 =	vand.u32 $0x7FFFFFFF, v18  }
0x2c7: {  	v9 =	vand.u32 $0x7FFFFFFF, v2;
	v5 =	vmul.f32 v5, v1;
	v4 =	vsub.f32 $0.0e+00, v6  }
0x2c8: {  	v9 =	vsub.f32 $0.0e+00, v9;
	v17 =	vadd.f32 v8, v0;
	v6 =	vand.u32 $0x7FFFFFFF, v3;
	v10 =	vpop (erf)  }
0x2c9: {  	v8 =	vand.u32 $0x7FFFFFFF, v19;
	v6 =	vsub.f32 $0.0e+00, v6;
	v4 =	vmul.f32 $1.442695020e+00, v4;
	v11 =	vpop (erf)  }
0x2ca: {  	v8 =	vsub.f32 $0.0e+00, v8;
	v12 =	vand.u32 $0x7FFFFFFF, v17;
	v13 =	vadd.f32 $1.000000000e+00, v11  }
0x2cb: {  	v6 =	vmul.f32 $1.442695020e+00, v6;
	v12 =	vsub.f32 $0.0e+00, v12;
	(erf) = vpow2.f32 v4  }
0x2cc: {  	v4 =	vadd.f32 v5, v0;
	v5 =	vld [tilespmem:s0+$0xFFFFFFE0];
	v8 =	vmul.f32 $1.442695020e+00, v8;
	(erf) = vrcp.f32 v13  }
0x2cd: {  	vm3 =	vge.f32 v16, $0.0e+00;
	v12 =	vmul.f32 $1.442695020e+00, v12;
	v13 =	vld [tilespmem:s0+$0x20];
	(erf) = vpow2.f32 v6  }
0x2ce: {  	v6 =	vand.u32 $0x7FFFFFFF, v4;
	(erf) = vpow2.f32 v8;
	v8 =	vmul.f32 $1.442695020e+00, v9;
	v9 =	vld [tilespmem:s0+$0x30]  }
0x2cf: {  	vm4 =	vge.f32 v7, $0.0e+00;
	vm0 =	vge.f32 v2, $0.0e+00;
	v6 =	vsub.f32 $0.0e+00, v6  }
0x2d0: {  	vm15 =	vge.f32 v18, $0.0e+00;
	(erf) = vpow2.f32 v12;
	v12 =	vadd.f32 $1.000000000e+00, v10  }
0x2d1: {  	v15 =	vld [tilespmem:s0+$0x0];
	vm2 =	vge.f32 v19, $0.0e+00;
	v5 =	vmul.f32 v5, v1;
	v6 =	vmul.f32 $1.442695020e+00, v6  }
0x2d2: {  	vm1 =	vge.f32 v17, $0.0e+00;
	(erf) = vrcp.f32 v12;
	v12 =	vmul.f32 v13, v1  }
0x2d3: {  	v20 =	vsel vm3, $0x3F800000, v11;
	vm3 =	vge.f32 v3, $0.0e+00;
	v13 =	vld [tilespmem:s0+$0x10];
	v9 =	vmul.f32 v9, v1  }
0x2d4: {  	v5 =	vadd.f32 v5, v0;
	(erf) = vpow2.f32 v6;
	v11 =	vpop (erf);
	v6 =	vadd.f32 v12, v0  }
0x2d5: {  	(erf) = vpow2.f32 v8;
	v12 =	vadd.f32 $1.000000000e+00, v11;
	v21 =	vpop (erf);
	v8 =	vadd.f32 v9, v0  }
0x2d6: {  	v9 =	vsel vm4, $0x3F800000, v10;
	v10 =	vmul.f32 v15, v1;
	v15 =	vand.u32 $0x7FFFFFFF, v6;
	v14 =	vpop (erf)  }
0x2d7: {  	v15 =	vsub.f32 $0.0e+00, v15;
	(erf) = vrcp.f32 v12;
	v12 =	vand.u32 $0x7FFFFFFF, v5;
	v25 =	vpop (erf)  }
0x2d8: {  	v31 =	vmul.f32 v13, v1;
	v21 =	vmul.f32 v21, v20;
	v26 =	vadd.f32 $1.000000000e+00, v25  }
0x2d9: {  	v29 =	vld [tilespmem:s0+$0xFFFFFFD0];
	v23 =	vadd.f32 $1.000000000e+00, v14;
	v24 =	vand.u32 $0x7FFFFFFF, v8;
	v10 =	vadd.f32 v10, v0  }
0x2da: {  	v12 =	vsub.f32 $0.0e+00, v12;
	v27 =	vpop (erf);
	v24 =	vsub.f32 $0.0e+00, v24;
	v15 =	vmul.f32 $1.442695020e+00, v15  }
0x2db: {  	v30 =	vld [tilespmem:s0+$0xFFFFFFF0];
	v21 =	vmul.f32 v21, v16;
	v28 =	vadd.f32 $1.000000000e+00, v27;
	(erf) = vrcp.f32 v26  }
0x2dc: {  	v14 =	vsel vm3, $0x3F800000, v14;
	v24 =	vmul.f32 $1.442695020e+00, v24;
	(erf) = vrcp.f32 v23;
	v26 =	vpop (erf)  }
0x2dd: {  	v25 =	vsel vm2, $0x3F800000, v25;
	(erf) = vrcp.f32 v28;
	v13 =	vpop (erf);
	v26 =	vmul.f32 v26, v9  }
0x2de: {  	v28 =	vmul.f32 v29, v1;
	(erf) = vpow2.f32 v15;
	v23 =	vadd.f32 $1.000000000e+00, v13  }
0x2df: {  	v9 =	vadd.f32 v31, v0;
	(erf) = vpow2.f32 v24;
	v31 =	vpop (erf);
	v26 =	vmul.f32 v26, v7  }
0x2e0: {  	v7 =	vmul.f32 v30, v1;
	(erf) = vrcp.f32 v23;
	v23 =	vadd.f32 $1.000000000e+00, v31  }
0x2e1: {  	v12 =	vmul.f32 $1.442695020e+00, v12;
	v29 =	vsel vm15, $0x3F800000, v11;
	v11 =	vadd.f32 v28, v0  }
0x2e2: {  	v32 =	vand.u32 $0x7FFFFFFF, v10;
	v15 =	vadd.f32 v22, v0;
	v28 =	vpop (erf);
	v7 =	vadd.f32 v7, v0  }
0x2e3: {  	v22 =	vmul.f32 v28, v29;
	v28 =	vand.u32 $0x7FFFFFFF, v11;
	(erf) = vrcp.f32 v23  }
0x2e4: {  	v27 =	vsel vm1, $0x3F800000, v27;
	vm1 =	vge.f32 v4, $0.0e+00;
	v28 =	vsub.f32 $0.0e+00, v28;
	v23 =	vpop (erf)  }
0x2e5: {  	[tilespmem:s29+$0x20] =	vst v26;
	v26 =	vand.u32 $0x7FFFFFFF, v15;
	v29 =	vand.u32 $0x7FFFFFFF, v7;
	v25 =	vmul.f32 v23, v25;
	v23 =	vpop (erf)  }
0x2e6: {  	v22 =	vmul.f32 v22, v18;
	v29 =	vsub.f32 $0.0e+00, v29;
	v28 =	vmul.f32 $1.442695020e+00, v28;
	v20 =	vpop (erf)  }
0x2e7: {  	v24 =	vand.u32 $0x7FFFFFFF, v9;
	v30 =	vmul.f32 v25, v19;
	v18 =	vpop (erf);
	v27 =	vmul.f32 v20, v27  }
0x2e8: {  	v19 =	vmul.f32 $1.442695020e+00, v29;
	v29 =	vsub.f32 $0.0e+00, v32;
	v25 =	vsel vm0, $0x3F800000, v31;
	v20 =	vpop (erf)  }
0x2e9: {  	s2 =	simm.s32 $0x8;
	s13 =	sadd.s32 $0x400, s0;
	s0 =	smov.u32 s29;
	[tilespmem:s29+$0x0] =	vst v30;
	v30 =	vsub.f32 $0.0e+00, v26;
	v31 =	vadd.f32 $1.000000000e+00, v20;
	v27 =	vmul.f32 v27, v17;
	v26 =	vpop (erf)  }
.LBB2_17:
0x2ea: {  	v32 =	vld [tilespmem:s13+$0xFFFFFFE0];
	s2 =	sadd.s32 $0x8, s2;
	v29 =	vmul.f32 $1.442695020e+00, v29;
	v24 =	vsub.f32 $0.0e+00, v24;
	(erf) = vpow2.f32 v19;
	s29 =	sadd.s32 $0x400, s29;
	v16 =	vmovc v8;
	v19 =	vmovc v10  }
0x2eb: {  	v10 =	vadd.f32 $1.000000000e+00, v18;
	v14 =	vmul.f32 v23, v14;
	v17 =	vmovc v15;
	v8 =	vld [tilespmem:s13+$0x30];
	p1 =	slt.u32 s2, $0x38;
	(erf) = vrcp.f32 v31;
	[tilespmem:s0+$0xFFFFFFF0] =	vst v22  }
0x2ec: {  	v13 =	vsel vm1, $0x3F800000, v13;
	v22 =	vmul.f32 $1.442695020e+00, v30;
	v15 =	vld [tilespmem:s13+$0x20];
	(erf) = vpow2.f32 v28;
	[tilespmem:s0+$0xFFFFFFC0] =	vst v27;
	v23 =	vpop (erf)  }
0x2ed: {  	vm0 =	vge.f32 v5, $0.0e+00;
	v27 =	vld [tilespmem:s13+$0x0];
	(erf) = vpow2.f32 v29;
	v23 =	vmul.f32 v23, v25  }
0x2ee: {  	vm2 =	vge.f32 v19, $0.0e+00;
	v13 =	vmul.f32 v26, v13;
	v25 =	vld [tilespmem:s13+$0xFFFFFFC0];
	(erf) = vpow2.f32 v22  }
0x2ef: {  	vm1 =	vge.f32 v17, $0.0e+00;
	v22 =	vmul.f32 $1.442695020e+00, v24;
	v23 =	vmul.f32 v23, v2;
	v2 =	vmovc v5  }
0x2f0: {  	vm3 =	vge.f32 v16, $0.0e+00;
	v14 =	vmul.f32 v14, v3;
	v3 =	vmovc v11;
	v5 =	vmul.f32 v32, v1;
	[tilespmem:s0+$0x30] =	vst v21  }
0x2f1: {  	vm4 =	vge.f32 v6, $0.0e+00;
	(erf) = vrcp.f32 v10;
	[tilespmem:s0+$0xFFFFFFE0] =	vst v23;
	v10 =	vmul.f32 v13, v4;
	v4 =	vmovc v9  }
0x2f2: {  	v20 =	vsel vm3, $0x3F800000, v20;
	v9 =	vmul.f32 v15, v1;
	(erf) = vpow2.f32 v22;
	[tilespmem:s0+$0xFFFFFFD0] =	vst v14  }
0x2f3: {  	vm3 =	vge.f32 v3, $0.0e+00;
	v8 =	vmul.f32 v8, v1;
	v5 =	vadd.f32 v5, v0;
	v11 =	vpop (erf);
	[tilespmem:s0+$0x10] =	vst v10;
	s0 =	smov.u32 s29  }
0x2f4: {  	v15 =	vadd.f32 v9, v0;
	v13 =	vld [tilespmem:s13+$0x10];
	v9 =	vadd.f32 $1.000000000e+00, v11;
	(erf) = vpow2.f32 v12;
	v21 =	vpop (erf)  }
0x2f5: {  	v8 =	vadd.f32 v8, v0;
	v22 =	vmul.f32 v25, v1;
	v12 =	vsel vm4, $0x3F800000, v18;
	v14 =	vpop (erf)  }
0x2f6: {  	v10 =	vmul.f32 v27, v1;
	v18 =	vand.u32 $0x7FFFFFFF, v15;
	v23 =	vadd.f32 $1.000000000e+00, v14;
	v25 =	vpop (erf)  }
0x2f7: {  	v24 =	vand.u32 $0x7FFFFFFF, v8;
	v18 =	vsub.f32 $0.0e+00, v18;
	v30 =	vadd.f32 $1.000000000e+00, v25;
	v27 =	vpop (erf)  }
0x2f8: {  	v24 =	vsub.f32 $0.0e+00, v24;
	v28 =	vadd.f32 $1.000000000e+00, v27;
	(erf) = vrcp.f32 v9  }
0x2f9: {  	vm4 =	vge.f32 v7, $0.0e+00;
	v10 =	vadd.f32 v10, v0;
	v18 =	vmul.f32 $1.442695020e+00, v18;
	v9 =	vld [tilespmem:s13+$0xFFFFFFD0]  }
0x2fa: {  	v29 =	vand.u32 $0x7FFFFFFF, v5;
	v24 =	vmul.f32 $1.442695020e+00, v24;
	(erf) = vrcp.f32 v30;
	v26 =	vpop (erf)  }
0x2fb: {  	v29 =	vsub.f32 $0.0e+00, v29;
	v31 =	vmul.f32 v13, v1;
	v30 =	vld [tilespmem:s13+$0xFFFFFFF0];
	(erf) = vrcp.f32 v23;
	v13 =	vpop (erf)  }
0x2fc: {  	v14 =	vsel vm3, $0x3F800000, v14;
	v26 =	vmul.f32 v26, v12;
	v23 =	vadd.f32 $1.000000000e+00, v13  }
0x2fd: {  	v12 =	vmul.f32 $1.442695020e+00, v29;
	v29 =	vand.u32 $0x7FFFFFFF, v10;
	(erf) = vrcp.f32 v28;
	v32 =	vpop (erf)  }
0x2fe: {  	v28 =	vmul.f32 v9, v1;
	v9 =	vadd.f32 v31, v0;
	(erf) = vpow2.f32 v18  }
0x2ff: {  	v18 =	vsel vm4, $0x3F800000, v11;
	v31 =	vmul.f32 v26, v6;
	v6 =	vmovc v15;
	(erf) = vpow2.f32 v24  }
0x300: {  	v30 =	vmul.f32 v30, v1;
	v24 =	vand.u32 $0x7FFFFFFF, v9;
	(erf) = vrcp.f32 v23  }
0x301: {  	v25 =	vsel vm2, $0x3F800000, v25;
	v33 =	vadd.f32 $1.000000000e+00, v32;
	v11 =	vadd.f32 v28, v0;
	[tilespmem:s29+$0x20] =	vst v31;
	v26 =	vpop (erf)  }
0x302: {  	v15 =	vadd.f32 v22, v0;
	v28 =	vadd.f32 v30, v0;
	v18 =	vmul.f32 v26, v18  }
0x303: {  	v22 =	vand.u32 $0x7FFFFFFF, v11;
	v26 =	vsel vm1, $0x3F800000, v27;
	(erf) = vrcp.f32 v33;
	v23 =	vpop (erf)  }
0x304: {  	v27 =	vsub.f32 $0.0e+00, v22;
	v22 =	vand.u32 $0x7FFFFFFF, v28;
	v25 =	vmul.f32 v23, v25;
	v23 =	vpop (erf)  }
.Ltmp23:
0x305: {  	v21 =	vmul.f32 v21, v20;
	v30 =	vsub.f32 $0.0e+00, v22;
	v22 =	vmul.f32 v18, v7;
	v7 =	vmovc v28;
	(pc) =	sbr.rel @p1 .LBB2_17-.Ltmp23, $4  }
0x306: {  	vm1 =	vge.f32 v4, $0.0e+00;
	v28 =	vmul.f32 $1.442695020e+00, v27;
	v27 =	vmul.f32 v25, v19;
	v20 =	vpop (erf)  }
0x307: {  	v29 =	vsub.f32 $0.0e+00, v29;
	v19 =	vmul.f32 $1.442695020e+00, v30;
	v18 =	vpop (erf);
	v33 =	vmul.f32 v20, v26  }
0x308: {  	v21 =	vmul.f32 v21, v16;
	v25 =	vsel vm0, $0x3F800000, v32;
	v30 =	vand.u32 $0x7FFFFFFF, v15;
	v20 =	vpop (erf);
	[tilespmem:s29+$0x0] =	vst v27  }
0x309: {  	s13 =	sadd.s32 $0x400, s13;
	v30 =	vsub.f32 $0.0e+00, v30;
	v31 =	vadd.f32 $1.000000000e+00, v20;
	v27 =	vmul.f32 v33, v17;
	v26 =	vpop (erf)  }
0x30a: {  	(erf) = vpow2.f32 v19  }
0x30b: {  	v0 =	vmul.f32 $1.442695020e+00, v29;
	(erf) = vrcp.f32 v31  }
0x30c: {  	v1 =	vsub.f32 $0.0e+00, v24;
	v16 =	vmul.f32 $1.442695020e+00, v30;
	(erf) = vpow2.f32 v28  }
0x30d: {  	v17 =	vadd.f32 $1.000000000e+00, v18;
	(erf) = vpow2.f32 v0  }
0x30e: {  	v59 =	vmul.f32 $1.442695020e+00, v1;
	(erf) = vpow2.f32 v16  }
0x30f: {  	(erf) = vrcp.f32 v17  }
0x310: {  	(erf) = vpow2.f32 v59  }
0x311: {  	(erf) = vpow2.f32 v12  }
0x312: {  	v60 =	vpop (erf)  }
0x313: {  	v61 =	vpop (erf)  }
0x314: {  	v62 =	vpop (erf)  }
0x315: {  	v63 =	vpop (erf)  }
0x316: {  	v32 =	vadd.f32 $1.000000000e+00, v61;
	v33 =	vpop (erf)  }
0x317: {  	v34 =	vadd.f32 $1.000000000e+00, v33;
	v35 =	vpop (erf)  }
0x318: {  	v13 =	vsel vm1, $0x3F800000, v13;
	v36 =	vadd.f32 $1.000000000e+00, v63;
	(erf) = vrcp.f32 v32;
	v37 =	vpop (erf)  }
0x319: {  	v14 =	vmul.f32 v23, v14;
	v38 =	vadd.f32 $1.000000000e+00, v35;
	(erf) = vrcp.f32 v34;
	v39 =	vpop (erf)  }
0x31a: {  	vm0 =	vge.f32 v5, $0.0e+00;
	(erf) = vrcp.f32 v36;
	v40 =	vadd.f32 $1.000000000e+00, v39;
	v41 =	vpop (erf)  }
0x31b: {  	vm12 =	vge.f32 v10, $0.0e+00;
	(erf) = vrcp.f32 v38;
	v42 =	vadd.f32 $1.000000000e+00, v41  }
0x31c: {  	vm2 =	vge.f32 v15, $0.0e+00;
	vm3 =	vge.f32 v8, $0.0e+00;
	(erf) = vrcp.f32 v40  }
0x31d: {  	vm4 =	vge.f32 v6, $0.0e+00;
	vm13 =	vge.f32 v7, $0.0e+00;
	(erf) = vrcp.f32 v42  }
0x31e: {  	[tilespmem:s0+$0xFFFFFFF0] =	vst v22;
	vm14 =	vge.f32 v11, $0.0e+00;
	vm15 =	vge.f32 v9, $0.0e+00;
	v0 =	vmul.f32 v60, v25  }
0x31f: {  	[tilespmem:s0+$0x30] =	vst v21;
	v13 =	vmul.f32 v26, v13;
	v45 =	vsel vm3, $0x3F800000, v20;
	v43 =	vmul.f32 v14, v3  }
0x320: {  	[tilespmem:s0+$0xFFFFFFC0] =	vst v27;
	v46 =	vsel vm4, $0x3F800000, v18;
	v0 =	vmul.f32 v0, v2;
	v58 =	vmul.f32 v62, v45  }
0x321: {  	v44 =	vmul.f32 v13, v4;
	[tilespmem:s0+$0xFFFFFFD0] =	vst v43;
	v50 =	vsel vm13, $0x3F800000, v61;
	v13 =	vmul.f32 v37, v46;
	v47 =	vpop (erf)  }
0x322: {  	[tilespmem:s0+$0xFFFFFFE0] =	vst v0;
	v48 =	vsel vm12, $0x3F800000, v33;
	v2 =	vmul.f32 v58, v8;
	v0 =	vmul.f32 v47, v50;
	v49 =	vpop (erf)  }
0x323: {  	s2 =	sadd.s32 $0x400, s29;
	[tilespmem:s0+$0x10] =	vst v44;
	v56 =	vsel vm14, $0x3F800000, v63;
	v53 =	vmul.f32 v13, v6;
	v51 =	vmul.f32 v49, v48;
	v52 =	vpop (erf)  }
0x324: {  	v54 =	vsel vm2, $0x3F800000, v35;
	[tilespmem:s2+$0x30] =	vst v2;
	v0 =	vmul.f32 v0, v7;
	v55 =	vpop (erf);
	v3 =	vmul.f32 v52, v56  }
0x325: {  	v62 =	vsel vm15, $0x3F800000, v39;
	[tilespmem:s2+$0x20] =	vst v53;
	v1 =	vmul.f32 v51, v10;
	v6 =	vmul.f32 v55, v54;
	v57 =	vpop (erf)  }
0x326: {  	v59 =	vsel vm0, $0x3F800000, v41;
	[tilespmem:s2+$0xFFFFFFF0] =	vst v0;
	v60 =	vpop (erf);
	v0 =	vmul.f32 v57, v62;
	v3 =	vmul.f32 v3, v11  }
.Ltmp24:
0x327: {  	[tilespmem:s2+$0x0] =	vst v1;
	v61 =	vmul.f32 v6, v15;
	v4 =	vmul.f32 v60, v59;
	(pc) =	sbr.rel .LBB2_34-.Ltmp24, $4  }
0x328: {  	v0 =	vmul.f32 v0, v9;
	[tilespmem:s2+$0xFFFFFFD0] =	vst v3  }
0x329: {  	[tilespmem:s2+$0xFFFFFFC0] =	vst v61;
	v63 =	vmul.f32 v4, v5  }
0x32a: {  	[tilespmem:s2+$0x10] =	vst v0  }
0x32b: {  	[tilespmem:s2+$0xFFFFFFE0] =	vst v63  }
.LBB2_31:
0x32c: {  	v2 =	vld [tilespmem:s30+$0x20]  }
0x32d: {  	v3 =	vld [tilespmem:s30+$0x10]  }
0x32e: {  	v4 =	vld [tilespmem:s30+$0xFFFFFFD0];
	_ =	sdelay $0x1  }
0x32f: {  	v5 =	vld [tilespmem:s30+$0x30]  }
0x330: {  	v2 =	vmul.f32 v2, v1  }
0x331: {  	v3 =	vmul.f32 v3, v1  }
0x332: {  	v4 =	vmul.f32 v4, v1;
	v12 =	vadd.f32 v2, v0  }
0x333: {  	v10 =	vadd.f32 v3, v0  }
0x334: {  	v2 =	vmul.f32 v5, v1;
	v4 =	vadd.f32 v4, v0;
	v3 =	vand.u32 $0x7FFFFFFF, v12  }
0x335: {  	v5 =	vld [tilespmem:s30+$0xFFFFFFE0];
	v6 =	vand.u32 $0x7FFFFFFF, v10;
	v3 =	vsub.f32 $0.0e+00, v3  }
0x336: {  	v2 =	vadd.f32 v2, v0;
	v7 =	vand.u32 $0x7FFFFFFF, v4;
	v6 =	vsub.f32 $0.0e+00, v6  }
0x337: {  	v8 =	vld [tilespmem:s30+$0x0];
	v7 =	vsub.f32 $0.0e+00, v7;
	v3 =	vmul.f32 $1.442695020e+00, v3  }
0x338: {  	v9 =	vand.u32 $0x7FFFFFFF, v2;
	v6 =	vmul.f32 $1.442695020e+00, v6  }
0x339: {  	v9 =	vsub.f32 $0.0e+00, v9;
	v7 =	vmul.f32 $1.442695020e+00, v7;
	(erf) = vpow2.f32 v3  }
0x33a: {  	v3 =	vmul.f32 v5, v1;
	(erf) = vpow2.f32 v6  }
0x33b: {  	v5 =	vmul.f32 $1.442695020e+00, v9;
	(erf) = vpow2.f32 v7  }
0x33c: {  	v6 =	vmul.f32 v8, v1  }
0x33d: {  	v3 =	vadd.f32 v3, v0;
	(erf) = vpow2.f32 v5  }
0x33e: {  	v13 =	vadd.f32 v6, v0  }
0x33f: {  	v5 =	vand.u32 $0x7FFFFFFF, v3  }
0x340: {  	v6 =	vand.u32 $0x7FFFFFFF, v13;
	v5 =	vsub.f32 $0.0e+00, v5  }
0x341: {  	v6 =	vsub.f32 $0.0e+00, v6  }
0x342: {  	v5 =	vmul.f32 $1.442695020e+00, v5;
	v7 =	vpop (erf)  }
0x343: {  	v6 =	vmul.f32 $1.442695020e+00, v6;
	v8 =	vpop (erf)  }
0x344: {  	(erf) = vpow2.f32 v5;
	v5 =	vadd.f32 $2.000000000e+00, v7;
	v9 =	vpop (erf)  }
0x345: {  	(erf) = vpow2.f32 v6;
	v6 =	vadd.f32 $2.000000000e+00, v9  }
0x346: {  	v11 =	vadd.f32 $2.000000000e+00, v8;
	v15 =	vpop (erf);
	(erf) = vrcp.f32 v5  }
0x347: {  	v5 =	vadd.f32 $2.000000000e+00, v15;
	(erf) = vrcp.f32 v6  }
0x348: {  	(erf) = vrcp.f32 v11  }
0x349: {  	(erf) = vrcp.f32 v5  }
0x34a: {  	v5 =	vld [tilespmem:s30+$0xFFFFFFF0];
	_ =	sdelay $0x2  }
0x34b: {  	v6 =	vld [tilespmem:s30+$0xFFFFFFC0];
	v11 =	vpop (erf)  }
0x34c: {  	v18 =	vpop (erf)  }
0x34d: {  	v14 =	vadd.f32 $2.000000000e+00, v11;
	v16 =	vpop (erf);
	v5 =	vmul.f32 v5, v1  }
0x34e: {  	v17 =	vpop (erf)  }
0x34f: {  	(erf) = vrcp.f32 v14;
	v14 =	vmul.f32 v16, v7;
	v16 =	vadd.f32 v5, v0;
	v7 =	vpop (erf)  }
0x350: {  	v6 =	vmul.f32 v6, v1;
	v19 =	vpop (erf)  }
0x351: {  	s0 =	sadd.s32 $0x400, s30;
	v5 =	vmul.f32 v14, v14;
	v22 =	vmul.f32 v19, v15;
	v19 =	vand.u32 $0x7FFFFFFF, v16  }
0x352: {  	v42 =	vld [tilespmem:s0+$0xFFFFFFF0];
	v15 =	vadd.f32 $2.000000000e+00, v18;
	v19 =	vsub.f32 $0.0e+00, v19  }
0x353: {  	v6 =	vadd.f32 v6, v0;
	v20 =	vmul.f32 $9.090909360e-02, v5;
	v23 =	vmul.f32 v22, v22  }
0x354: {  	(erf) = vrcp.f32 v15;
	v19 =	vmul.f32 $1.442695020e+00, v19  }
0x355: {  	v15 =	vand.u32 $0x7FFFFFFF, v6;
	v20 =	vadd.f32 $1.111111120e-01, v20;
	v21 =	vmul.f32 $9.090909360e-02, v23  }
0x356: {  	v15 =	vsub.f32 $0.0e+00, v15  }
0x357: {  	v45 =	vmul.f32 v42, v1;
	v20 =	vmul.f32 v20, v5;
	v21 =	vadd.f32 $1.111111120e-01, v21  }
0x358: {  	v15 =	vmul.f32 $1.442695020e+00, v15;
	(erf) = vpow2.f32 v19;
	v19 =	vpop (erf)  }
0x359: {  	v24 =	vmul.f32 v19, v11;
	v11 =	vadd.f32 $1.428571490e-01, v20;
	v19 =	vmul.f32 v21, v23  }
0x35a: {  	v9 =	vmul.f32 v17, v9;
	(erf) = vpow2.f32 v15  }
0x35b: {  	v25 =	vmul.f32 v24, v24;
	v11 =	vmul.f32 v11, v5;
	v15 =	vadd.f32 $1.428571490e-01, v19  }
0x35c: {  	v17 =	vmul.f32 v7, v8;
	v26 =	vmul.f32 v9, v9  }
0x35d: {  	v7 =	vpop (erf);
	v8 =	vmul.f32 $9.090909360e-02, v25;
	v11 =	vadd.f32 $2.000000030e-01, v11;
	v15 =	vmul.f32 v15, v23  }
0x35e: {  	v30 =	vmax.f32 v4, $0.0e+00;
	v19 =	vmul.f32 $9.090909360e-02, v26;
	v18 =	vmul.f32 v7, v18  }
0x35f: {  	v7 =	vadd.f32 $1.111111120e-01, v8;
	v8 =	vmul.f32 v11, v5;
	v11 =	vadd.f32 $2.000000030e-01, v15  }
0x360: {  	v63 =	vadd.f32 v14, v14;
	v15 =	vmul.f32 v17, v17;
	v21 =	vmul.f32 v18, v18  }
0x361: {  	v22 =	vadd.f32 v22, v22;
	v8 =	vadd.f32 $3.333333430e-01, v8;
	v11 =	vmul.f32 v11, v23  }
0x362: {  	v19 =	vadd.f32 $1.111111120e-01, v19;
	v20 =	vmul.f32 $9.090909360e-02, v21;
	v27 =	vmul.f32 $9.090909360e-02, v15  }
0x363: {  	v7 =	vmul.f32 v7, v25;
	v5 =	vmul.f32 v8, v5;
	v8 =	vadd.f32 $3.333333430e-01, v11  }
0x364: {  	v11 =	vadd.f32 $1.111111120e-01, v20;
	v20 =	vadd.f32 $1.111111120e-01, v27;
	v27 =	vmul.f32 v19, v26  }
0x365: {  	v33 =	vld [tilespmem:s0+$0xFFFFFFD0];
	v2 =	vmax.f32 v2, $0.0e+00;
	v24 =	vadd.f32 v24, v24;
	v7 =	vadd.f32 $1.428571490e-01, v7  }
0x366: {  	v19 =	vadd.f32 $1.000000000e+00, v5;
	v5 =	vmul.f32 v8, v23;
	v23 =	vadd.f32 v9, v9;
	v9 =	vld [tilespmem:s0+$0xFFFFFFC0]  }
0x367: {  	v28 =	vld [tilespmem:s0+$0x30];
	v18 =	vadd.f32 v18, v18;
	v7 =	vmul.f32 v7, v25;
	v8 =	vadd.f32 $1.428571490e-01, v27  }
0x368: {  	v29 =	vld [tilespmem:s0+$0x20];
	v20 =	vmul.f32 v20, v15;
	v11 =	vmul.f32 v11, v21;
	v27 =	vpop (erf);
	v5 =	vadd.f32 $1.000000000e+00, v5  }
0x369: {  	v32 =	vld [tilespmem:s0+$0x10];
	v8 =	vmul.f32 v8, v26;
	v7 =	vadd.f32 $2.000000030e-01, v7;
	v4 =	vadd.f32 $2.000000000e+00, v27  }
0x36a: {  	v37 =	vadd.f32 $1.428571490e-01, v11;
	v11 =	vmul.f32 v33, v1;
	v5 =	vmul.f32 v5, v22  }
0x36b: {  	v31 =	vpop (erf);
	v8 =	vadd.f32 $2.000000030e-01, v8;
	(erf) = vrcp.f32 v4;
	v4 =	vmul.f32 v9, v1;
	v9 =	vld [tilespmem:s0+$0x0]  }
0x36c: {  	v34 =	vadd.f32 $2.000000000e+00, v31;
	v7 =	vmul.f32 v7, v25;
	v22 =	vadd.f32 v5, v2  }
0x36d: {  	v36 =	vmul.f32 v8, v26;
	v2 =	vadd.f32 v4, v0;
	v4 =	vmul.f32 v29, v1  }
0x36e: {  	v35 =	vld [tilespmem:s0+$0xFFFFFFE0];
	v8 =	vmax.f32 v6, $0.0e+00;
	v5 =	vmul.f32 v28, v1;
	v6 =	vmul.f32 v32, v1  }
0x36f: {  	v11 =	vadd.f32 v11, v0;
	v28 =	vmax.f32 v3, $0.0e+00;
	v3 =	vadd.f32 v4, v0  }
0x370: {  	v4 =	vmul.f32 v9, v1;
	v9 =	vadd.f32 v5, v0;
	v5 =	vadd.f32 v6, v0  }
0x371: {  	v41 =	vmul.f32 v37, v21;
	(erf) = vrcp.f32 v34;
	v29 =	vand.u32 $0x7FFFFFFF, v3  }
0x372: {  	v7 =	vadd.f32 $3.333333430e-01, v7;
	v38 =	vand.u32 $0x7FFFFFFF, v5;
	v29 =	vsub.f32 $0.0e+00, v29  }
0x373: {  	v40 =	vand.u32 $0x7FFFFFFF, v11;
	v6 =	vmul.f32 v35, v1;
	v32 =	vsub.f32 $0.0e+00, v38  }
0x374: {  	v34 =	vsub.f32 $0.0e+00, v40;
	v4 =	vadd.f32 v4, v0;
	v29 =	vmul.f32 $1.442695020e+00, v29  }
0x375: {  	v39 =	vand.u32 $0x7FFFFFFF, v9;
	v6 =	vadd.f32 v6, v0;
	v32 =	vmul.f32 $1.442695020e+00, v32  }
0x376: {  	v34 =	vmul.f32 $1.442695020e+00, v34;
	v33 =	vsub.f32 $0.0e+00, v39;
	(erf) = vpow2.f32 v29  }
0x377: {  	v38 =	vand.u32 $0x7FFFFFFF, v6;
	v29 =	vand.u32 $0x7FFFFFFF, v4;
	(erf) = vpow2.f32 v32  }
0x378: {  	v43 =	vmul.f32 $1.442695020e+00, v33;
	v29 =	vsub.f32 $0.0e+00, v29;
	(erf) = vpow2.f32 v34  }
0x379: {  	v7 =	vmul.f32 v7, v25;
	v25 =	vadd.f32 $2.000000030e-01, v41;
	v38 =	vsub.f32 $0.0e+00, v38  }
0x37a: {  	v47 =	vadd.f32 $3.333333430e-01, v36;
	(erf) = vpow2.f32 v43;
	v29 =	vmul.f32 $1.442695020e+00, v29  }
0x37b: {  	v19 =	vmul.f32 v19, v63;
	v7 =	vadd.f32 $1.000000000e+00, v7;
	v44 =	vmul.f32 $1.442695020e+00, v38  }
0x37c: {  	v46 =	vand.u32 $0x7FFFFFFF, v2;
	v25 =	vmul.f32 v25, v21;
	v26 =	vmul.f32 v47, v26  }
0x37d: {  	v49 =	vsub.f32 $0.0e+00, v46;
	v24 =	vmul.f32 v7, v24;
	v48 =	vpop (erf);
	(erf) = vpow2.f32 v44  }
0x37e: {  	v7 =	vadd.f32 v45, v0;
	v27 =	vmul.f32 v48, v27;
	(erf) = vpow2.f32 v29;
	v29 =	vpop (erf)  }
0x37f: {  	v26 =	vadd.f32 $1.000000000e+00, v26;
	v25 =	vadd.f32 $3.333333430e-01, v25;
	v29 =	vmul.f32 v29, v31;
	v31 =	vpop (erf)  }
0x380: {  	v24 =	vadd.f32 v24, v28;
	v28 =	vand.u32 $0x7FFFFFFF, v7;
	v50 =	vmul.f32 v27, v27;
	v51 =	vpop (erf)  }
0x381: {  	v23 =	vmul.f32 v26, v23;
	v21 =	vmul.f32 v25, v21;
	v53 =	vadd.f32 $2.000000000e+00, v31;
	v54 =	vpop (erf)  }
0x382: {  	v28 =	vsub.f32 $0.0e+00, v28;
	v55 =	vmul.f32 $9.090909360e-02, v50;
	v39 =	vadd.f32 $2.000000000e+00, v54  }
0x383: {  	v52 =	vmul.f32 v29, v29;
	v40 =	vadd.f32 $2.000000000e+00, v51;
	v41 =	vpop (erf);
	(erf) = vrcp.f32 v53  }
0x384: {  	v56 =	vadd.f32 $1.111111120e-01, v55;
	v26 =	vadd.f32 $2.000000000e+00, v41;
	(erf) = vrcp.f32 v39  }
0x385: {  	v23 =	vadd.f32 v23, v30;
	v58 =	vmul.f32 $9.090909360e-02, v52;
	(erf) = vrcp.f32 v40  }
0x386: {  	v21 =	vadd.f32 $1.000000000e+00, v21;
	v57 =	vpop (erf);
	(erf) = vrcp.f32 v26;
	v26 =	vmul.f32 v56, v50  }
0x387: {  	v32 =	vmul.f32 $1.442695020e+00, v49;
	v59 =	vadd.f32 $2.000000000e+00, v57;
	v42 =	vpop (erf);
	v39 =	vadd.f32 $1.111111120e-01, v58  }
0x388: {  	v28 =	vmul.f32 $1.442695020e+00, v28;
	v60 =	vadd.f32 $2.000000000e+00, v42;
	v26 =	vadd.f32 $1.428571490e-01, v26  }
0x389: {  	v30 =	vmax.f32 v12, $0.0e+00;
	v25 =	vmul.f32 v39, v52;
	(erf) = vrcp.f32 v59  }
0x38a: {  	v44 =	vadd.f32 $1.428571490e-01, v20;
	(erf) = vrcp.f32 v60;
	v26 =	vmul.f32 v26, v50  }
0x38b: {  	v27 =	vadd.f32 v27, v27;
	v18 =	vmul.f32 v21, v18;
	v25 =	vadd.f32 $1.428571490e-01, v25  }
0x38c: {  	v40 =	vmul.f32 v44, v15;
	v12 =	vadd.f32 $2.000000030e-01, v26;
	v26 =	vmax.f32 v13, $0.0e+00;
	v13 =	vpop (erf)  }
0x38d: {  	v21 =	vmax.f32 v10, $0.0e+00;
	(erf) = vpow2.f32 v28;
	v25 =	vmul.f32 v25, v52;
	v10 =	vpop (erf)  }
0x38e: {  	v28 =	vmax.f32 v16, $0.0e+00;
	(erf) = vpow2.f32 v32;
	v13 =	vmul.f32 v13, v31;
	v16 =	vpop (erf)  }
0x38f: {  	v61 =	vadd.f32 $2.000000030e-01, v25;
	v32 =	vmul.f32 v10, v54;
	v10 =	vmul.f32 v16, v51;
	v16 =	vpop (erf)  }
0x390: {  	v31 =	vadd.f32 v18, v26;
	v34 =	vmul.f32 v13, v13;
	v26 =	vmul.f32 v16, v41  }
0x391: {  	v63 =	vadd.f32 v19, v30;
	v12 =	vmul.f32 v12, v50;
	v20 =	vmul.f32 v61, v52  }
0x392: {  	v29 =	vadd.f32 v29, v29;
	v16 =	vpop (erf);
	v14 =	vmul.f32 $9.090909360e-02, v34;
	v39 =	vmul.f32 v26, v26  }
0x393: {  	v25 =	vadd.f32 v17, v17;
	v17 =	vmul.f32 v32, v32;
	v18 =	vmul.f32 v16, v57;
	v16 =	vpop (erf)  }
0x394: {  	v46 =	vadd.f32 $1.111111120e-01, v14;
	v14 =	vmul.f32 v16, v42;
	v16 =	vmul.f32 $9.090909360e-02, v39  }
0x395: {  	v62 =	vadd.f32 $3.333333430e-01, v12;
	v48 =	vadd.f32 $3.333333430e-01, v20;
	v12 =	vmul.f32 v10, v10  }
0x396: {  	v45 =	vmul.f32 $9.090909360e-02, v17;
	v47 =	vmul.f32 v46, v34;
	v16 =	vadd.f32 $1.111111120e-01, v16  }
0x397: {  	v33 =	vmul.f32 v62, v50;
	v35 =	vmul.f32 v48, v52;
	v52 =	vadd.f32 $2.000000030e-01, v40  }
0x398: {  	v20 =	vmul.f32 v18, v18;
	v37 =	vadd.f32 $1.428571490e-01, v47;
	v50 =	vmul.f32 v16, v39  }
0x399: {  	[tilespmem:s29+$0x30] =	vst v22;
	v22 =	vmul.f32 $9.090909360e-02, v12;
	v33 =	vadd.f32 $1.000000000e+00, v33;
	v35 =	vadd.f32 $1.000000000e+00, v35  }
0x39a: {  	[tilespmem:s29+$0xFFFFFFE0] =	vst v24;
	v57 =	vmul.f32 v52, v15;
	v51 =	vmul.f32 v37, v34;
	v54 =	vadd.f32 $1.428571490e-01, v50  }
0x39b: {  	[tilespmem:s29+$0xFFFFFFD0] =	vst v23;
	v24 =	vadd.f32 $1.111111120e-01, v45;
	v49 =	vmul.f32 $9.090909360e-02, v20;
	v23 =	vadd.f32 $1.111111120e-01, v22  }
0x39c: {  	v27 =	vmul.f32 v33, v27;
	v33 =	vadd.f32 $2.000000030e-01, v51;
	v41 =	vmul.f32 v54, v39  }
0x39d: {  	v29 =	vmul.f32 v35, v29;
	v24 =	vmul.f32 v24, v17;
	v53 =	vadd.f32 $1.111111120e-01, v49  }
0x39e: {  	v56 =	vadd.f32 v27, v28;
	v27 =	vmul.f32 v33, v34;
	v59 =	vadd.f32 $2.000000030e-01, v41  }
0x39f: {  	v16 =	vmul.f32 v14, v14;
	v30 =	vadd.f32 $1.428571490e-01, v24;
	v33 =	vadd.f32 $3.333333430e-01, v57  }
0x3a0: {  	v40 =	vmul.f32 v53, v20;
	v60 =	vadd.f32 $3.333333430e-01, v27;
	v61 =	vmul.f32 v59, v39  }
0x3a1: {  	v24 =	vadd.f32 v32, v32;
	v55 =	vmul.f32 $9.090909360e-02, v16;
	v33 =	vmul.f32 v33, v15  }
0x3a2: {  	[tilespmem:s29+$0x20] =	vst v63;
	v58 =	vadd.f32 $1.428571490e-01, v40;
	v34 =	vmul.f32 v60, v34;
	v62 =	vadd.f32 $3.333333430e-01, v61  }
0x3a3: {  	[tilespmem:s29+$0x0] =	vst v31;
	v22 =	vpop (erf);
	v19 =	vmul.f32 v23, v12;
	v28 =	vadd.f32 $1.111111120e-01, v55;
	v31 =	vadd.f32 $1.000000000e+00, v33  }
0x3a4: {  	s31 =	simm.s32 $0x8;
	s30 =	smov.u32 s29;
	s0 =	sadd.s32 $0x400, s0;
	v23 =	vpop (erf);
	[tilespmem:s29+$0xFFFFFFF0] =	vst v56;
	v27 =	vmul.f32 v58, v20;
	v15 =	vadd.f32 $1.000000000e+00, v34;
	v32 =	vmul.f32 v62, v39  }
.LBB2_32:
0x3a5: {  	v33 =	vld [tilespmem:s0+$0xFFFFFFC0];
	s31 =	sadd.s32 $0x8, s31;
	v28 =	vmul.f32 v28, v16;
	v8 =	vadd.f32 v29, v8;
	v29 =	vmul.f32 v31, v25;
	s29 =	sadd.s32 $0x400, s29  }
0x3a6: {  	v30 =	vmul.f32 v30, v17;
	v32 =	vadd.f32 $1.000000000e+00, v32;
	v26 =	vadd.f32 v26, v26;
	v31 =	vld [tilespmem:s0+$0x30];
	p1 =	slt.u32 s31, $0x38  }
0x3a7: {  	v25 =	vmax.f32 v11, $0.0e+00;
	v11 =	vadd.f32 $2.000000000e+00, v22;
	v9 =	vmax.f32 v9, $0.0e+00;
	v34 =	vld [tilespmem:s0+$0x20];
	[tilespmem:s30+$0xFFFFFFC0] =	vst v8  }
0x3a8: {  	v27 =	vadd.f32 $2.000000030e-01, v27;
	v8 =	vadd.f32 $2.000000030e-01, v30;
	v26 =	vmul.f32 v32, v26;
	v35 =	vld [tilespmem:s0+$0xFFFFFFD0]  }
0x3a9: {  	v32 =	vadd.f32 $2.000000000e+00, v23;
	v30 =	vld [tilespmem:s0+$0x10];
	(erf) = vrcp.f32 v11;
	v11 =	vadd.f32 v29, v21  }
0x3aa: {  	v27 =	vmul.f32 v27, v20;
	v9 =	vadd.f32 v26, v9;
	v21 =	vmul.f32 v33, v1;
	v29 =	vld [tilespmem:s0+$0x0]  }
0x3ab: {  	v28 =	vadd.f32 $1.428571490e-01, v28;
	v33 =	vmul.f32 v8, v17;
	v26 =	vld [tilespmem:s0+$0xFFFFFFE0];
	(erf) = vrcp.f32 v32;
	[tilespmem:s30+$0x10] =	vst v11;
	s30 =	smov.u32 s29  }
0x3ac: {  	v8 =	vmax.f32 v2, $0.0e+00;
	v32 =	vld [tilespmem:s0+$0xFFFFFFF0];
	v2 =	vadd.f32 v21, v0;
	v21 =	vadd.f32 $3.333333430e-01, v27;
	[tilespmem:s29+$0x30] =	vst v9  }
0x3ad: {  	v11 =	vmul.f32 v31, v1;
	v31 =	vmax.f32 v6, $0.0e+00;
	v9 =	vmul.f32 v34, v1  }
0x3ae: {  	v6 =	vmul.f32 v35, v1;
	v34 =	vand.u32 $0x7FFFFFFF, v2;
	v27 =	vmul.f32 v30, v1  }
0x3af: {  	v30 =	vadd.f32 v9, v0;
	v9 =	vadd.f32 v11, v0;
	v29 =	vmul.f32 v29, v1  }
0x3b0: {  	v11 =	vadd.f32 v6, v0;
	v6 =	vmul.f32 v26, v1;
	v27 =	vadd.f32 v27, v0  }
0x3b1: {  	v28 =	vmul.f32 v28, v16;
	v26 =	vadd.f32 v29, v0;
	v29 =	vand.u32 $0x7FFFFFFF, v30  }
0x3b2: {  	v36 =	vand.u32 $0x7FFFFFFF, v9;
	v35 =	vand.u32 $0x7FFFFFFF, v27;
	v29 =	vsub.f32 $0.0e+00, v29;
	v37 =	vpop (erf)  }
0x3b3: {  	v38 =	vand.u32 $0x7FFFFFFF, v11;
	v36 =	vsub.f32 $0.0e+00, v36;
	v35 =	vsub.f32 $0.0e+00, v35  }
0x3b4: {  	v38 =	vsub.f32 $0.0e+00, v38;
	v6 =	vadd.f32 v6, v0;
	v29 =	vmul.f32 $1.442695020e+00, v29;
	v39 =	vpop (erf)  }
0x3b5: {  	v40 =	vand.u32 $0x7FFFFFFF, v26;
	v36 =	vmul.f32 $1.442695020e+00, v36;
	v35 =	vmul.f32 $1.442695020e+00, v35  }
0x3b6: {  	v38 =	vmul.f32 $1.442695020e+00, v38;
	v41 =	vand.u32 $0x7FFFFFFF, v6;
	(erf) = vpow2.f32 v29  }
0x3b7: {  	v40 =	vsub.f32 $0.0e+00, v40;
	v29 =	vsub.f32 $0.0e+00, v41;
	(erf) = vpow2.f32 v35  }
0x3b8: {  	v20 =	vmul.f32 v21, v20;
	v21 =	vadd.f32 $2.000000030e-01, v28;
	(erf) = vpow2.f32 v38  }
0x3b9: {  	v18 =	vadd.f32 v18, v18;
	v28 =	vmul.f32 $1.442695020e+00, v29;
	(erf) = vpow2.f32 v36  }
0x3ba: {  	v20 =	vadd.f32 $1.000000000e+00, v20;
	v21 =	vmul.f32 v21, v16;
	v29 =	vmul.f32 $1.442695020e+00, v40  }
0x3bb: {  	v32 =	vmul.f32 v32, v1;
	(erf) = vpow2.f32 v28;
	v28 =	vadd.f32 $3.333333430e-01, v33  }
0x3bc: {  	v18 =	vmul.f32 v20, v18;
	v20 =	vadd.f32 $3.333333430e-01, v21;
	(erf) = vpow2.f32 v29  }
0x3bd: {  	v29 =	vadd.f32 v32, v0;
	v17 =	vmul.f32 v28, v17;
	v28 =	vmul.f32 v37, v22  }
0x3be: {  	v21 =	vsub.f32 $0.0e+00, v34;
	v18 =	vadd.f32 v18, v31;
	v23 =	vmul.f32 v39, v23  }
0x3bf: {  	v22 =	vand.u32 $0x7FFFFFFF, v29;
	v31 =	vpop (erf);
	v17 =	vadd.f32 $1.000000000e+00, v17;
	v32 =	vmul.f32 v28, v28  }
0x3c0: {  	v21 =	vmul.f32 $1.442695020e+00, v21;
	v34 =	vmul.f32 v23, v23;
	v22 =	vsub.f32 $0.0e+00, v22;
	v33 =	vpop (erf);
	[tilespmem:s29+$0xFFFFFFE0] =	vst v18  }
0x3c1: {  	v35 =	vadd.f32 $2.000000000e+00, v31;
	v18 =	vadd.f32 $2.000000000e+00, v33;
	v36 =	vpop (erf);
	v40 =	vmul.f32 $9.090909360e-02, v32  }
0x3c2: {  	v22 =	vmul.f32 $1.442695020e+00, v22;
	v17 =	vmul.f32 v17, v24;
	v38 =	vadd.f32 $2.000000000e+00, v36;
	v39 =	vpop (erf)  }
0x3c3: {  	v24 =	vadd.f32 $2.000000000e+00, v39;
	(erf) = vrcp.f32 v35;
	v35 =	vadd.f32 $1.111111120e-01, v40  }
0x3c4: {  	v17 =	vadd.f32 v17, v25;
	(erf) = vrcp.f32 v38;
	v37 =	vpop (erf);
	v38 =	vmul.f32 $9.090909360e-02, v34  }
0x3c5: {  	v25 =	vadd.f32 $2.000000000e+00, v37;
	v40 =	vpop (erf);
	(erf) = vrcp.f32 v18;
	v18 =	vmul.f32 v35, v32  }
0x3c6: {  	v35 =	vadd.f32 $2.000000000e+00, v40;
	(erf) = vrcp.f32 v24;
	v24 =	vadd.f32 $1.111111120e-01, v38;
	[tilespmem:s29+$0xFFFFFFD0] =	vst v17  }
0x3c7: {  	v16 =	vmul.f32 v20, v16;
	(erf) = vrcp.f32 v25;
	v17 =	vadd.f32 $1.428571490e-01, v18  }
0x3c8: {  	v14 =	vadd.f32 v14, v14;
	(erf) = vrcp.f32 v35;
	v18 =	vmul.f32 v24, v34  }
0x3c9: {  	(erf) = vpow2.f32 v22;
	v17 =	vmul.f32 v17, v32;
	v22 =	vadd.f32 $1.000000000e+00, v16  }
0x3ca: {  	v24 =	vmax.f32 v3, $0.0e+00;
	v3 =	vmovc v30;
	(erf) = vpow2.f32 v21;
	v18 =	vadd.f32 $1.428571490e-01, v18  }
0x3cb: {  	v20 =	vmax.f32 v4, $0.0e+00;
	v4 =	vmovc v26;
	v17 =	vadd.f32 $2.000000030e-01, v17;
	v14 =	vmul.f32 v22, v14  }
0x3cc: {  	v30 =	vmax.f32 v7, $0.0e+00;
	v21 =	vmax.f32 v5, $0.0e+00;
	v16 =	vpop (erf);
	v18 =	vmul.f32 v18, v34  }
0x3cd: {  	v16 =	vmul.f32 v16, v31;
	v5 =	vpop (erf);
	v7 =	vmul.f32 v17, v32;
	v14 =	vadd.f32 v14, v20  }
0x3ce: {  	v25 =	vadd.f32 v10, v10;
	v35 =	vmul.f32 v5, v36;
	v5 =	vpop (erf);
	v20 =	vadd.f32 $2.000000030e-01, v18  }
0x3cf: {  	v10 =	vmul.f32 v5, v33;
	v31 =	vmul.f32 v16, v16;
	v5 =	vpop (erf);
	v33 =	vadd.f32 $3.333333430e-01, v7;
	[tilespmem:s29+$0x0] =	vst v14  }
0x3d0: {  	v36 =	vadd.f32 v13, v13;
	v17 =	vmul.f32 v35, v35;
	v26 =	vmul.f32 v5, v39;
	v5 =	vpop (erf)  }
0x3d1: {  	v19 =	vadd.f32 $1.428571490e-01, v19;
	v18 =	vmul.f32 v5, v37;
	v42 =	vmul.f32 $9.090909360e-02, v31;
	v7 =	vpop (erf)  }
0x3d2: {  	v38 =	vadd.f32 v23, v23;
	v43 =	vmul.f32 v20, v34;
	v37 =	vmul.f32 v26, v26;
	v22 =	vpop (erf)  }
0x3d3: {  	v41 =	vmul.f32 v10, v10;
	v39 =	vmul.f32 $9.090909360e-02, v17;
	v20 =	vadd.f32 $1.111111120e-01, v42;
	v23 =	vpop (erf)  }
0x3d4: {  	v28 =	vadd.f32 v28, v28;
	v5 =	vmovc v27;
	v14 =	vmul.f32 v7, v40;
	v7 =	vmovc v29;
	v40 =	vmul.f32 $9.090909360e-02, v37  }
0x3d5: {  	v13 =	vmovc v16;
	v32 =	vmul.f32 v33, v32;
	v29 =	vadd.f32 $3.333333430e-01, v43;
	v27 =	vmul.f32 v20, v31  }
0x3d6: {  	v19 =	vmul.f32 v19, v12;
	v20 =	vmul.f32 v18, v18;
	v33 =	vadd.f32 $1.111111120e-01, v40  }
0x3d7: {  	v16 =	vmul.f32 v14, v14;
	v29 =	vmul.f32 v29, v34;
	v27 =	vadd.f32 $1.428571490e-01, v27  }
0x3d8: {  	v32 =	vadd.f32 $1.000000000e+00, v32;
	v34 =	vmul.f32 $9.090909360e-02, v20;
	v33 =	vmul.f32 v33, v37  }
0x3d9: {  	v19 =	vadd.f32 $2.000000030e-01, v19;
	v40 =	vmul.f32 $9.090909360e-02, v16;
	v27 =	vmul.f32 v27, v31  }
0x3da: {  	v28 =	vmul.f32 v32, v28;
	v34 =	vadd.f32 $1.111111120e-01, v34;
	v33 =	vadd.f32 $1.428571490e-01, v33  }
0x3db: {  	v15 =	vmul.f32 v15, v36;
	v29 =	vadd.f32 $1.000000000e+00, v29;
	v27 =	vadd.f32 $2.000000030e-01, v27  }
0x3dc: {  	v30 =	vadd.f32 v28, v30;
	v32 =	vmul.f32 v34, v20;
	v33 =	vmul.f32 v33, v37  }
0x3dd: {  	v19 =	vmul.f32 v19, v12;
	v28 =	vadd.f32 $1.111111120e-01, v40;
	v27 =	vmul.f32 v27, v31  }
0x3de: {  	v29 =	vmul.f32 v29, v38;
	v32 =	vadd.f32 $1.428571490e-01, v32;
	v33 =	vadd.f32 $2.000000030e-01, v33;
	[tilespmem:s29+$0xFFFFFFF0] =	vst v30  }
0x3df: {  	v19 =	vadd.f32 $3.333333430e-01, v19;
	v30 =	vmul.f32 $9.090909360e-02, v41;
	v34 =	vadd.f32 $3.333333430e-01, v27  }
.Ltmp25:
0x3e0: {  	v36 =	vadd.f32 $1.111111120e-01, v39;
	v27 =	vmul.f32 v32, v20;
	v32 =	vmul.f32 v33, v37;
	(pc) =	sbr.rel @p1 .LBB2_32-.Ltmp25, $4  }
0x3e1: {  	v30 =	vadd.f32 $1.111111120e-01, v30;
	v33 =	vmul.f32 v19, v12;
	v12 =	vmovc v41;
	v31 =	vmul.f32 v34, v31  }
0x3e2: {  	v34 =	vmul.f32 v36, v17;
	v36 =	vadd.f32 v15, v24;
	v32 =	vadd.f32 $3.333333430e-01, v32  }
0x3e3: {  	v19 =	vmul.f32 v30, v12;
	v15 =	vadd.f32 $1.000000000e+00, v31;
	v31 =	vadd.f32 $1.000000000e+00, v33  }
0x3e4: {  	s0 =	sadd.s32 $0x400, s0;
	v24 =	vadd.f32 v35, v35;
	v30 =	vadd.f32 $1.428571490e-01, v34;
	v32 =	vmul.f32 v32, v37;
	[tilespmem:s29+$0x20] =	vst v36  }
.Ltmp26:
0x3e5: {  	_ = 	snop;
	(pc) =	sbr.rel .LBB2_33-.Ltmp26, $1  }
0x3e6: {  	_ =	sdelay $0x3  }
.LBB2_35:
0x3e7: {  	s0 =	sshll.u32 s24, $0x7  }
0x3e8: {  	p1 =	seq.s32 s22, $0xF;
	s0 =	sadd.s32 s3, s0  }
0x3e9: {  	[hbm4b:s0+s4] =	stream.linear.scatter [tilespmem:s16], [sflag:$0x3], $0x4000, $0x38;
	[tilespmem:$0x11080] =	vst v63  }
0x3ea: {  	s0 =	sadd.s32 @!p1 s23, s9  }
0x3eb: {  	s0 =	sshll.u32 @!p1 s0, $0x7  }
0x3ec: {  	s2 =	simm.s32 @!p1 $0x0;
	s13 =	simm.s32 @!p1 $0x1080;
	s0 =	sadd.s32 @!p1 s1, s0  }
0x3ed: {  	[tilespmem:s13], [sflag:$0x1] =	stream.linear.gather @!p1 [hbm4b:s0+s2], $0x4000, $0x38;
	[tilespmem:$0x11080] =	vst v63  }
0x3ee: {  	_ =	swait.ge [sflag:s17], $0x4000  }
.Ltmp27:
0x3ef: {  	[sflag:s17] =	ssyncset.done $0x0;
	(pc) =	sbr.rel .LBB2_36-.Ltmp27, $4  }
0x3f0: {  	s0 =	simm.s32 @!p0 $0x4;
	[sflag:s17] =	ssyncadd.s32 $0xFFFFC000  }
0x3f1: {  	s24 =	sor.u32 $0x10, s23;
	_ =	swait.ge @!p0 [sflag:s0], $0x4000  }
0x3f2: {  	s26 =	simm.s32 $0x0;
	s28 =	simm.s32 $0x0;
	[sflag:s0] =	ssyncset.done @!p0 $0x0  }
0x3f3: {  	s29 =	simm.s32 $0x0;
	s25 =	sadd.s32 s5, s24;
	[sflag:s0] =	ssyncadd.s32 @!p0 $0xFFFFC000  }
.LBB2_66:
0x3f4: {  	v0 =	vadd.f32 $2.000000000e+00, v22  }
0x3f5: {  	v60 =	vadd.f32 $2.000000000e+00, v23  }
0x3f6: {  	(erf) = vrcp.f32 v0  }
0x3f7: {  	(erf) = vrcp.f32 v60;
	_ =	sdelay $0x6  }
0x3f8: {  	v1 =	vmul.f32 v28, v16  }
0x3f9: {  	v62 =	vmul.f32 v31, v25;
	v63 =	vadd.f32 $1.000000000e+00, v32;
	v26 =	vadd.f32 v26, v26;
	v61 =	vpop (erf)  }
0x3fa: {  	v8 =	vadd.f32 v29, v8;
	v35 =	vmul.f32 v30, v17;
	v0 =	vmul.f32 v61, v22;
	v32 =	vpop (erf)  }
0x3fb: {  	v11 =	vmax.f32 v11, $0.0e+00;
	v9 =	vmax.f32 v9, $0.0e+00;
	v33 =	vmul.f32 v32, v23  }
0x3fc: {  	v27 =	vadd.f32 $2.000000030e-01, v27;
	v6 =	vmax.f32 v6, $0.0e+00;
	v34 =	vmul.f32 v0, v0  }
0x3fd: {  	v18 =	vadd.f32 v18, v18;
	v19 =	vadd.f32 $1.428571490e-01, v19;
	v36 =	vmul.f32 v33, v33  }
0x3fe: {  	v14 =	vadd.f32 v14, v14;
	v4 =	vmax.f32 v4, $0.0e+00;
	v37 =	vmul.f32 $9.090909360e-02, v34  }
0x3ff: {  	v53 =	vadd.f32 v13, v13;
	v1 =	vadd.f32 $1.428571490e-01, v1;
	v39 =	vmul.f32 $9.090909360e-02, v36  }
0x400: {  	v56 =	vadd.f32 v10, v10;
	v25 =	vmul.f32 v63, v26;
	v38 =	vadd.f32 $1.111111120e-01, v37  }
0x401: {  	v29 =	vadd.f32 $2.000000030e-01, v35;
	v1 =	vmul.f32 v1, v16;
	v41 =	vadd.f32 $1.111111120e-01, v39  }
0x402: {  	v27 =	vmul.f32 v27, v20;
	v9 =	vadd.f32 v25, v9;
	v22 =	vmul.f32 v38, v34  }
0x403: {  	v40 =	vmul.f32 v29, v17;
	v1 =	vadd.f32 $2.000000030e-01, v1;
	v29 =	vmul.f32 v41, v36  }
0x404: {  	v19 =	vmul.f32 v19, v12;
	v27 =	vadd.f32 $3.333333430e-01, v27;
	v22 =	vadd.f32 $1.428571490e-01, v22  }
0x405: {  	v25 =	vadd.f32 $3.333333430e-01, v40;
	v1 =	vmul.f32 v1, v16;
	v44 =	vadd.f32 $1.428571490e-01, v29  }
0x406: {  	v47 =	vadd.f32 $2.000000030e-01, v19;
	v42 =	vmul.f32 v27, v20;
	v22 =	vmul.f32 v22, v34  }
0x407: {  	v43 =	vmul.f32 v25, v17;
	v1 =	vadd.f32 $3.333333430e-01, v1;
	v25 =	vmul.f32 v44, v36  }
0x408: {  	v3 =	vmax.f32 v3, $0.0e+00;
	v20 =	vadd.f32 $1.000000000e+00, v42;
	v22 =	vadd.f32 $2.000000030e-01, v22  }
0x409: {  	v1 =	vmul.f32 v1, v16;
	v16 =	vmul.f32 v47, v12;
	v46 =	vadd.f32 $2.000000030e-01, v25  }
0x40a: {  	v21 =	vadd.f32 v62, v21;
	v17 =	vadd.f32 $1.000000000e+00, v43;
	v45 =	vmul.f32 v22, v34  }
0x40b: {  	v18 =	vmul.f32 v20, v18;
	v50 =	vadd.f32 $3.333333430e-01, v16;
	v49 =	vmul.f32 v46, v36  }
0x40c: {  	v17 =	vmul.f32 v17, v24;
	v1 =	vadd.f32 $1.000000000e+00, v1;
	v48 =	vadd.f32 $3.333333430e-01, v45  }
0x40d: {  	v6 =	vadd.f32 v18, v6;
	v54 =	vmul.f32 v50, v12;
	v18 =	vadd.f32 $3.333333430e-01, v49  }
0x40e: {  	[tilespmem:s31+$0xFFFFFFC0] =	vst v8;
	v11 =	vadd.f32 v17, v11;
	v1 =	vmul.f32 v1, v14;
	v17 =	vmul.f32 v48, v34  }
0x40f: {  	s0 =	sadd.s32 $0x400, s30;
	[tilespmem:s31+$0x10] =	vst v21;
	v0 =	vadd.f32 v0, v0;
	v57 =	vadd.f32 $1.000000000e+00, v54;
	v51 =	vmul.f32 v18, v36  }
0x410: {  	[tilespmem:s0+$0x30] =	vst v9;
	v1 =	vadd.f32 v1, v4;
	v4 =	vmul.f32 v15, v53;
	v52 =	vadd.f32 $1.000000000e+00, v17  }
0x411: {  	[tilespmem:s0+$0xFFFFFFE0] =	vst v6;
	v55 =	vadd.f32 v33, v33;
	v60 =	vmul.f32 v57, v56;
	v8 =	vadd.f32 $1.000000000e+00, v51  }
0x412: {  	v61 =	vmax.f32 v5, $0.0e+00;
	[tilespmem:s0+$0xFFFFFFD0] =	vst v11;
	v59 =	vadd.f32 v4, v3;
	v0 =	vmul.f32 v52, v0  }
0x413: {  	v7 =	vmax.f32 v7, $0.0e+00;
	[tilespmem:s0+$0x0] =	vst v1;
	v63 =	vadd.f32 v60, v61;
	v58 =	vmul.f32 v8, v55  }
0x414: {  	v2 =	vmax.f32 v2, $0.0e+00;
	[tilespmem:s0+$0x20] =	vst v59;
	v0 =	vadd.f32 v0, v7  }
0x415: {  	[tilespmem:s0+$0x10] =	vst v63;
	v62 =	vadd.f32 v58, v2  }
0x416: {  	[tilespmem:s0+$0xFFFFFFF0] =	vst v0  }
0x417: {  	[tilespmem:s0+$0xFFFFFFC0] =	vst v62  }
.LBB2_67:
0x418: {  	s29 =	sadd.s32 $0x1, s29  }
0x419: {  	p0 =	sne.s32 s29, $0x10  }
.Ltmp28:
0x41a: {  	_ = 	snop;
	(pc) =	sbr.rel @!p0 .LBB2_68-.Ltmp28, $2  }
0x41b: {  	_ =	sdelay $0x2  }
0x41c: {  	s28 =	sadd.s32 $0x400, s28;
	s26 =	sadd.s32 $0x1, s26  }
.LBB2_36:
0x41d: {  	s0 =	sadd.s32 s24, s29  }
0x41e: {  	s0 =	sshll.u32 s0, $0x3  }
0x41f: {  	s0 =	sand.u32 $0x3FFFFFF8, s0  }
0x420: {  	v0 =	vld [tilespmem:s0+$0x0];
	_ =	sdelay $0x4  }
0x421: {  	(v2sf) =	vpush v0, $0x0  }
0x422: {  	(v2sf) =	vpush v0, $0x2  }
0x423: {  	(v2sf) =	vpush v0, $0x1;
	_ =	sdelay $0xc  }
0x424: {  	s0 =	spop (v2sf)  }
0x425: {  	s2 =	spop (v2sf)  }
0x426: {  	s30 =	sshll.u32 s28, $0x2;
	p0 =	slt.f32 s0, $4.000000000e+00;
	s13 =	spop (v2sf)  }
.Ltmp29:
0x427: {  	s31 =	sand.u32 $0x7, s26;
	s13 =	ssub.f32 $0.0e+00, s13;
	(pc) =	sbr.rel @!p0 .LBB2_52-.Ltmp29, $4  }
0x428: {  	s30 =	sand.u32 $0xFFFF8000, s30;
	s31 =	sshll.u32 s31, $0x9  }
0x429: {  	s30 =	sor.u32 s31, s30;
	s2 =	smul.f32 s13, s2  }
0x42a: {  	v1 =	vbroadcast v0, $0x2;
	s13 =	sshrl.u32 s30, $0x2  }
0x42b: {  	s31 =	sadd.s32 $0x50C0, s13;
	s30 =	sadd.s32 $0xD0C0, s13;
	v0 =	vmov s2  }
0x42c: {  	p0 =	slt.f32 s0, $2.000000000e+00  }
.Ltmp30:
0x42d: {  	_ = 	snop;
	(pc) =	sbr.rel @!p0 .LBB2_45-.Ltmp30, $1  }
0x42e: {  	_ =	sdelay $0x3  }
0x42f: {  	p0 =	slt.f32 s0, $1.000000000e+00  }
.Ltmp31:
0x430: {  	_ = 	snop;
	(pc) =	sbr.rel @!p0 .LBB2_42-.Ltmp31, $2  }
0x431: {  	_ =	sdelay $0x2  }
0x432: {  	s0 =	simm.s32 $0xFFFFFFF8  }
0x433: {  	v2 =	vld [tilespmem:s31+$0x30]  }
0x434: {  	v3 =	vld [tilespmem:s31+$0xFFFFFFD0]  }
0x435: {  	v4 =	vld [tilespmem:s31+$0xFFFFFFE0]  }
0x436: {  	v5 =	vld [tilespmem:s31+$0xFFFFFFF0]  }
0x437: {  	v7 =	vld [tilespmem:s31+$0x10]  }
0x438: {  	v6 =	vld [tilespmem:s31+$0x0]  }
0x439: {  	s2 =	sadd.s32 $0x400, s31  }
0x43a: {  	v11 =	vld [tilespmem:s2+$0xFFFFFFD0];
	v2 =	vmul.f32 v2, v1  }
0x43b: {  	v8 =	vld [tilespmem:s31+$0x20];
	v3 =	vmul.f32 v3, v1  }
0x43c: {  	v9 =	vld [tilespmem:s31+$0xFFFFFFC0];
	v4 =	vmul.f32 v4, v1;
	v7 =	vmul.f32 v7, v1;
	v2 =	vadd.f32 v2, v0  }
0x43d: {  	v10 =	vld [tilespmem:s2+$0x30];
	v5 =	vmul.f32 v5, v1;
	v6 =	vmul.f32 v6, v1;
	v3 =	vadd.f32 v3, v0  }
0x43e: {  	v12 =	vadd.f32 v4, v0;
	v62 =	vadd.f32 v7, v0;
	v2 =	vmax.f32 v2, $0.0e+00  }
0x43f: {  	v13 =	vld [tilespmem:s2+$0xFFFFFFE0];
	v14 =	vadd.f32 v5, v0;
	v7 =	vmul.f32 v11, v1;
	v3 =	vmax.f32 v3, $0.0e+00;
	[tilespmem:s30+$0x30] =	vst v2  }
0x440: {  	v4 =	vld [tilespmem:s2+$0xFFFFFFF0];
	v11 =	vmax.f32 v62, $0.0e+00;
	[tilespmem:s30+$0xFFFFFFD0] =	vst v3;
	v3 =	vadd.f32 v6, v0;
	v6 =	vmul.f32 v8, v1  }
0x441: {  	v5 =	vld [tilespmem:s2+$0x0];
	v2 =	vmax.f32 v12, $0.0e+00;
	v8 =	vmul.f32 v9, v1;
	[tilespmem:s30+$0x10] =	vst v11  }
0x442: {  	v63 =	vmul.f32 v10, v1;
	v9 =	vmax.f32 v14, $0.0e+00;
	[tilespmem:s30+$0xFFFFFFE0] =	vst v2;
	v2 =	vld [tilespmem:s2+$0x10];
	v15 =	vadd.f32 v6, v0  }
0x443: {  	s0 =	sadd.s32 $0x8, s0;
	[tilespmem:s30+$0xFFFFFFF0] =	vst v9;
	v9 =	vmax.f32 v3, $0.0e+00;
	v3 =	vld [tilespmem:s2+$0x20];
	v8 =	vadd.f32 v8, v0  }
0x444: {  	s0 =	sadd.s32 $0x8, s0;
	v10 =	vmul.f32 v13, v1;
	v6 =	vld [tilespmem:s2+$0xFFFFFFC0];
	s2 =	sadd.s32 $0x400, s2;
	[tilespmem:s30+$0x0] =	vst v9;
	v9 =	vadd.f32 v63, v0;
	v11 =	vmax.f32 v15, $0.0e+00  }
.LBB2_40:
0x445: {  	v12 =	vld [tilespmem:s2+$0x30];
	s0 =	sadd.s32 $0x8, s0;
	v7 =	vadd.f32 v7, v0;
	v4 =	vmul.f32 v4, v1;
	v8 =	vmax.f32 v8, $0.0e+00;
	[tilespmem:s30+$0x20] =	vst v11  }
0x446: {  	v11 =	vld [tilespmem:s2+$0xFFFFFFD0];
	p0 =	slt.u32 s0, $0x38;
	v10 =	vadd.f32 v10, v0;
	v5 =	vmul.f32 v5, v1;
	v9 =	vmax.f32 v9, $0.0e+00;
	[tilespmem:s30+$0xFFFFFFC0] =	vst v8;
	s30 =	sadd.s32 $0x400, s30  }
0x447: {  	v13 =	vld [tilespmem:s2+$0xFFFFFFE0];
	v7 =	vmax.f32 v7, $0.0e+00;
	v8 =	vadd.f32 v4, v0;
	v2 =	vmul.f32 v2, v1;
	[tilespmem:s30+$0x30] =	vst v9  }
.Ltmp32:
0x448: {  	v4 =	vld [tilespmem:s2+$0xFFFFFFF0];
	[tilespmem:s30+$0xFFFFFFD0] =	vst v7;
	v7 =	vmax.f32 v10, $0.0e+00;
	v9 =	vadd.f32 v5, v0;
	v3 =	vmul.f32 v3, v1;
	(pc) =	sbr.rel @p0 .LBB2_40-.Ltmp32, $4  }
0x449: {  	v5 =	vld [tilespmem:s2+$0x0];
	v6 =	vmul.f32 v6, v1;
	[tilespmem:s30+$0xFFFFFFE0] =	vst v7;
	v7 =	vmax.f32 v8, $0.0e+00;
	v10 =	vadd.f32 v2, v0  }
0x44a: {  	v2 =	vld [tilespmem:s2+$0x10];
	v12 =	vmul.f32 v12, v1;
	[tilespmem:s30+$0xFFFFFFF0] =	vst v7;
	v9 =	vmax.f32 v9, $0.0e+00;
	v14 =	vadd.f32 v3, v0  }
0x44b: {  	v7 =	vmul.f32 v11, v1;
	v3 =	vld [tilespmem:s2+$0x20];
	v8 =	vadd.f32 v6, v0;
	[tilespmem:s30+$0x0] =	vst v9;
	v11 =	vmax.f32 v10, $0.0e+00  }
0x44c: {  	v6 =	vld [tilespmem:s2+$0xFFFFFFC0];
	v10 =	vmul.f32 v13, v1;
	v9 =	vadd.f32 v12, v0;
	s2 =	sadd.s32 $0x400, s2;
	[tilespmem:s30+$0x10] =	vst v11;
	v11 =	vmax.f32 v14, $0.0e+00  }
0x44d: {  	v7 =	vadd.f32 v7, v0;
	v4 =	vmul.f32 v4, v1;
	v8 =	vmax.f32 v8, $0.0e+00;
	[tilespmem:s30+$0x20] =	vst v11  }
0x44e: {  	s0 =	sadd.s32 $0x400, s30;
	v10 =	vadd.f32 v10, v0;
	v5 =	vmul.f32 v5, v1;
	v9 =	vmax.f32 v9, $0.0e+00;
	[tilespmem:s30+$0xFFFFFFC0] =	vst v8  }
0x44f: {  	v7 =	vmax.f32 v7, $0.0e+00;
	v4 =	vadd.f32 v4, v0;
	v2 =	vmul.f32 v2, v1;
	[tilespmem:s0+$0x30] =	vst v9  }
0x450: {  	[tilespmem:s0+$0xFFFFFFD0] =	vst v7;
	v58 =	vmax.f32 v10, $0.0e+00;
	v5 =	vadd.f32 v5, v0;
	v3 =	vmul.f32 v3, v1  }
0x451: {  	v59 =	vmul.f32 v6, v1;
	[tilespmem:s0+$0xFFFFFFE0] =	vst v58;
	v4 =	vmax.f32 v4, $0.0e+00;
	v2 =	vadd.f32 v2, v0  }
.Ltmp33:
0x452: {  	[tilespmem:s0+$0xFFFFFFF0] =	vst v4;
	v60 =	vmax.f32 v5, $0.0e+00;
	v3 =	vadd.f32 v3, v0;
	(pc) =	sbr.rel .LBB2_67-.Ltmp33, $4  }
0x453: {  	v61 =	vadd.f32 v59, v0;
	[tilespmem:s0+$0x0] =	vst v60;
	v62 =	vmax.f32 v2, $0.0e+00  }
0x454: {  	[tilespmem:s0+$0x10] =	vst v62;
	v63 =	vmax.f32 v3, $0.0e+00  }
0x455: {  	v0 =	vmax.f32 v61, $0.0e+00;
	[tilespmem:s0+$0x20] =	vst v63  }
0x456: {  	[tilespmem:s0+$0xFFFFFFC0] =	vst v0  }
.LBB2_52:
0x457: {  	p0 =	slt.f32 s0, $6.000000000e+00  }
.Ltmp34:
0x458: {  	_ = 	snop;
	(pc) =	sbr.rel @!p0 .LBB2_60-.Ltmp34, $1  }
0x459: {  	_ =	sdelay $0x3  }
0x45a: {  	p0 =	slt.f32 s0, $5.000000000e+00  }
.Ltmp35:
0x45b: {  	_ = 	snop;
	(pc) =	sbr.rel @!p0 .LBB2_57-.Ltmp35, $2  }
0x45c: {  	_ =	sdelay $0x2  }
0x45d: {  	s0 =	simm.s32 $0xFFFFFFF8  }
0x45e: {  	v2 =	vld [tilespmem:s31+$0x30];
	_ =	sdelay $0x1  }
0x45f: {  	v3 =	vld [tilespmem:s31+$0xFFFFFFD0]  }
0x460: {  	v4 =	vld [tilespmem:s31+$0xFFFFFFC0]  }
0x461: {  	v5 =	vld [tilespmem:s31+$0x10]  }
0x462: {  	v2 =	vmul.f32 v2, v1  }
0x463: {  	v6 =	vld [tilespmem:s31+$0x20]  }
0x464: {  	v3 =	vmul.f32 v3, v1;
	v2 =	vadd.f32 v2, v0  }
0x465: {  	v7 =	vld [tilespmem:s31+$0xFFFFFFE0];
	v4 =	vmul.f32 v4, v1  }
0x466: {  	v5 =	vmul.f32 v5, v1;
	v3 =	vadd.f32 v3, v0;
	v8 =	vand.u32 $0x7FFFFFFF, v2  }
0x467: {  	v4 =	vadd.f32 v4, v0;
	v8 =	vsub.f32 $0.0e+00, v8  }
0x468: {  	v6 =	vmul.f32 v6, v1;
	v5 =	vadd.f32 v5, v0;
	v9 =	vand.u32 $0x7FFFFFFF, v3  }
0x469: {  	v10 =	vand.u32 $0x7FFFFFFF, v4;
	v9 =	vsub.f32 $0.0e+00, v9;
	v8 =	vmul.f32 $1.442695020e+00, v8  }
0x46a: {  	v7 =	vmul.f32 v7, v1;
	v11 =	vand.u32 $0x7FFFFFFF, v5;
	v10 =	vsub.f32 $0.0e+00, v10  }
0x46b: {  	v9 =	vmul.f32 $1.442695020e+00, v9;
	(erf) = vpow2.f32 v8;
	v8 =	vsub.f32 $0.0e+00, v11  }
0x46c: {  	v6 =	vadd.f32 v6, v0;
	v10 =	vmul.f32 $1.442695020e+00, v10  }
0x46d: {  	v12 =	vadd.f32 v7, v0;
	(erf) = vpow2.f32 v9;
	v7 =	vmul.f32 $1.442695020e+00, v8  }
0x46e: {  	v9 =	vand.u32 $0x7FFFFFFF, v6;
	v8 =	vld [tilespmem:s31+$0x0];
	(erf) = vpow2.f32 v10  }
0x46f: {  	v9 =	vsub.f32 $0.0e+00, v9;
	(erf) = vpow2.f32 v7  }
0x470: {  	s0 =	sadd.s32 $0x400, s31;
	v11 =	vld [tilespmem:s31+$0xFFFFFFF0];
	v10 =	vand.u32 $0x7FFFFFFF, v12  }
0x471: {  	v25 =	vld [tilespmem:s0+$0xFFFFFFF0];
	v7 =	vsub.f32 $0.0e+00, v10;
	v9 =	vmul.f32 $1.442695020e+00, v9;
	_ =	sdelay $0x1  }
0x472: {  	v7 =	vmul.f32 $1.442695020e+00, v7;
	v8 =	vmul.f32 v8, v1  }
0x473: {  	(erf) = vpow2.f32 v9  }
0x474: {  	v10 =	vmul.f32 v11, v1;
	(erf) = vpow2.f32 v7;
	v9 =	vpop (erf);
	v8 =	vadd.f32 v8, v0  }
0x475: {  	v25 =	vmul.f32 v25, v1;
	vm3 =	vge.f32 v2, $0.0e+00;
	v11 =	vadd.f32 $1.000000000e+00, v9;
	v13 =	vpop (erf)  }
0x476: {  	v17 =	vld [tilespmem:s0+$0x30];
	v10 =	vadd.f32 v10, v0;
	v14 =	vadd.f32 $1.000000000e+00, v13;
	v15 =	vand.u32 $0x7FFFFFFF, v8;
	v16 =	vpop (erf)  }
0x477: {  	(erf) = vrcp.f32 v11;
	v11 =	vld [tilespmem:s0+$0xFFFFFFD0];
	v18 =	vadd.f32 $1.000000000e+00, v16;
	v15 =	vsub.f32 $0.0e+00, v15;
	v19 =	vpop (erf)  }
0x478: {  	v7 =	vand.u32 $0x7FFFFFFF, v10;
	(erf) = vrcp.f32 v14;
	v14 =	vld [tilespmem:s0+$0xFFFFFFC0];
	v20 =	vadd.f32 $1.000000000e+00, v19  }
0x479: {  	v2 =	vld [tilespmem:s0+$0x10];
	v7 =	vsub.f32 $0.0e+00, v7;
	v15 =	vmul.f32 $1.442695020e+00, v15;
	(erf) = vrcp.f32 v18  }
0x47a: {  	vm0 =	vge.f32 v6, $0.0e+00;
	vm2 =	vge.f32 v4, $0.0e+00;
	(erf) = vrcp.f32 v20  }
0x47b: {  	v21 =	vld [tilespmem:s0+$0x20];
	vm1 =	vge.f32 v3, $0.0e+00;
	v7 =	vmul.f32 $1.442695020e+00, v7;
	(erf) = vpow2.f32 v15  }
0x47c: {  	vm4 =	vge.f32 v5, $0.0e+00;
	v6 =	vpop (erf);
	v3 =	vmul.f32 v11, v1;
	v11 =	vmul.f32 v17, v1  }
0x47d: {  	v4 =	vadd.f32 $1.000000000e+00, v6;
	v17 =	vpop (erf);
	v5 =	vmul.f32 v14, v1;
	(erf) = vpow2.f32 v7  }
0x47e: {  	v2 =	vmul.f32 v2, v1;
	v9 =	vsel vm3, $0x3F800000, v9;
	v18 =	vsel vm4, $0x3F800000, v19  }
0x47f: {  	(erf) = vrcp.f32 v4;
	v4 =	vadd.f32 v5, v0;
	v5 =	vadd.f32 v11, v0  }
0x480: {  	v56 =	vld [tilespmem:s0+$0xFFFFFFE0];
	v14 =	vadd.f32 $1.000000000e+00, v17;
	v7 =	vmul.f32 v21, v1;
	v3 =	vadd.f32 v3, v0;
	v15 =	vpop (erf)  }
0x481: {  	v11 =	vmul.f32 v15, v9;
	v15 =	vsel vm2, $0x3F800000, v16;
	v16 =	vpop (erf);
	v9 =	vand.u32 $0x7FFFFFFF, v5  }
0x482: {  	(erf) = vrcp.f32 v14;
	v14 =	vand.u32 $0x7FFFFFFF, v3;
	v19 =	vpop (erf);
	v20 =	vsub.f32 $0.0e+00, v9  }
0x483: {  	v7 =	vadd.f32 v7, v0;
	v22 =	vand.u32 $0x7FFFFFFF, v4;
	v14 =	vsub.f32 $0.0e+00, v14;
	v24 =	vpop (erf)  }
0x484: {  	v9 =	vadd.f32 v2, v0;
	v15 =	vmul.f32 v19, v15;
	v2 =	vmul.f32 $1.442695020e+00, v20;
	v19 =	vpop (erf)  }
0x485: {  	v21 =	vmul.f32 v56, v1;
	v22 =	vsub.f32 $0.0e+00, v22;
	v57 =	vadd.f32 $1.000000000e+00, v19  }
0x486: {  	v14 =	vmul.f32 $1.442695020e+00, v14;
	(erf) = vpow2.f32 v2;
	v2 =	vand.u32 $0x7FFFFFFF, v9;
	v58 =	vpop (erf)  }
0x487: {  	v59 =	vld [tilespmem:s0+$0x0];
	v26 =	vadd.f32 $1.000000000e+00, v58;
	v27 =	vsub.f32 $0.0e+00, v2;
	(erf) = vrcp.f32 v57  }
0x488: {  	v22 =	vmul.f32 $1.442695020e+00, v22;
	v2 =	vadd.f32 v21, v0;
	(erf) = vpow2.f32 v14  }
0x489: {  	v6 =	vsel vm0, $0x3F800000, v6;
	v14 =	vmul.f32 $1.442695020e+00, v27;
	(erf) = vrcp.f32 v26  }
0x48a: {  	v23 =	vand.u32 $0x7FFFFFFF, v7;
	v60 =	vpop (erf);
	v61 =	vand.u32 $0x7FFFFFFF, v2;
	(erf) = vpow2.f32 v22  }
0x48b: {  	(erf) = vpow2.f32 v14;
	v14 =	vmul.f32 v60, v6;
	v6 =	vadd.f32 v25, v0  }
0x48c: {  	v63 =	vmul.f32 v59, v1;
	v20 =	vsub.f32 $0.0e+00, v23;
	v62 =	vsub.f32 $0.0e+00, v61  }
0x48d: {  	vm14 =	vge.f32 v10, $0.0e+00;
	[tilespmem:s30+$0x30] =	vst v11;
	v18 =	vmul.f32 v24, v18;
	v11 =	vand.u32 $0x7FFFFFFF, v6  }
0x48e: {  	v13 =	vsel vm1, $0x3F800000, v13;
	v20 =	vmul.f32 $1.442695020e+00, v20;
	v10 =	vmul.f32 $1.442695020e+00, v62  }
0x48f: {  	vm13 =	vge.f32 v12, $0.0e+00;
	vm15 =	vge.f32 v8, $0.0e+00;
	v16 =	vmul.f32 v16, v13;
	v12 =	vpop (erf)  }
0x490: {  	v8 =	vadd.f32 v63, v0;
	[tilespmem:s30+$0xFFFFFFC0] =	vst v15;
	(erf) = vpow2.f32 v20;
	v13 =	vsub.f32 $0.0e+00, v11;
	v11 =	vpop (erf)  }
0x491: {  	v15 =	vsel vm15, $0x3F800000, v19;
	[tilespmem:s30+$0x10] =	vst v18;
	(erf) = vpow2.f32 v10;
	v20 =	vadd.f32 $1.000000000e+00, v11;
	v18 =	vpop (erf)  }
0x492: {  	v17 =	vsel vm13, $0x3F800000, v17;
	[tilespmem:s30+$0x20] =	vst v14;
	v14 =	vsel vm14, $0x3F800000, v58;
	v10 =	vpop (erf);
	v15 =	vmul.f32 v18, v15  }
0x493: {  	s2 =	simm.s32 $0x8;
	s13 =	sadd.s32 $0x400, s0;
	s0 =	smov.u32 s30;
	[tilespmem:s30+$0xFFFFFFD0] =	vst v16;
	v13 =	vmul.f32 $1.442695020e+00, v13;
	v18 =	vadd.f32 $1.000000000e+00, v10;
	(erf) = vrcp.f32 v20;
	v16 =	vpop (erf)  }
.LBB2_55:
0x494: {  	v19 =	vld [tilespmem:s13+$0xFFFFFFD0];
	s2 =	sadd.s32 $0x8, s2;
	v20 =	vand.u32 $0x7FFFFFFF, v8;
	v21 =	vpop (erf);
	v12 =	vmul.f32 v12, v17;
	v14 =	vmul.f32 v16, v14;
	[tilespmem:s30+$0x0] =	vst v15;
	s0 =	sadd.s32 $0x400, s0  }
0x495: {  	v15 =	vld [tilespmem:s13+$0x30];
	p0 =	slt.u32 s2, $0x38;
	v16 =	vadd.f32 $1.000000000e+00, v21;
	v17 =	vsub.f32 $0.0e+00, v20;
	(erf) = vrcp.f32 v18;
	v18 =	vpop (erf)  }
0x496: {  	v20 =	vld [tilespmem:s13+$0xFFFFFFC0];
	v22 =	vadd.f32 $1.000000000e+00, v18;
	[tilespmem:s30+$0xFFFFFFE0] =	vst v12  }
0x497: {  	vm0 =	vge.f32 v7, $0.0e+00;
	v12 =	vld [tilespmem:s13+$0x20];
	v23 =	vmul.f32 $1.442695020e+00, v17;
	(erf) = vrcp.f32 v16;
	[tilespmem:s30+$0xFFFFFFF0] =	vst v14;
	s30 =	smov.u32 s0  }
0x498: {  	vm2 =	vge.f32 v4, $0.0e+00;
	vm1 =	vge.f32 v3, $0.0e+00;
	v14 =	vld [tilespmem:s13+$0xFFFFFFF0];
	(erf) = vrcp.f32 v22  }
0x499: {  	vm3 =	vge.f32 v5, $0.0e+00;
	v3 =	vmul.f32 v19, v1;
	v16 =	vld [tilespmem:s13+$0xFFFFFFE0];
	(erf) = vpow2.f32 v23;
	v17 =	vpop (erf)  }
0x49a: {  	vm4 =	vge.f32 v9, $0.0e+00;
	v7 =	vld [tilespmem:s13+$0x10];
	v5 =	vmul.f32 v15, v1;
	v4 =	vadd.f32 $1.000000000e+00, v17;
	v19 =	vpop (erf)  }
0x49b: {  	v9 =	vmul.f32 v20, v1;
	v15 =	vld [tilespmem:s13+$0x0];
	v20 =	vadd.f32 $1.000000000e+00, v19;
	(erf) = vpow2.f32 v13  }
0x49c: {  	v11 =	vsel vm3, $0x3F800000, v11;
	v12 =	vmul.f32 v12, v1;
	(erf) = vrcp.f32 v4;
	v13 =	vpop (erf)  }
0x49d: {  	v18 =	vsel vm4, $0x3F800000, v18;
	v4 =	vadd.f32 v9, v0;
	v9 =	vmul.f32 v13, v11  }
0x49e: {  	v3 =	vadd.f32 v3, v0;
	v5 =	vadd.f32 v5, v0;
	v11 =	vsel vm2, $0x3F800000, v21;
	v13 =	vpop (erf)  }
0x49f: {  	v26 =	vmul.f32 v7, v1;
	v7 =	vadd.f32 v12, v0;
	[tilespmem:s0+$0x30] =	vst v9;
	(erf) = vrcp.f32 v20  }
0x4a0: {  	v9 =	vand.u32 $0x7FFFFFFF, v4;
	v12 =	vand.u32 $0x7FFFFFFF, v3;
	v20 =	vand.u32 $0x7FFFFFFF, v5;
	v22 =	vpop (erf)  }
0x4a1: {  	v23 =	vsub.f32 $0.0e+00, v9;
	v20 =	vsub.f32 $0.0e+00, v20;
	v24 =	vand.u32 $0x7FFFFFFF, v7;
	v25 =	vpop (erf)  }
0x4a2: {  	v12 =	vsub.f32 $0.0e+00, v12;
	v9 =	vadd.f32 v26, v0;
	v11 =	vmul.f32 v22, v11;
	v21 =	vpop (erf)  }
0x4a3: {  	v22 =	vsub.f32 $0.0e+00, v24;
	v20 =	vmul.f32 $1.442695020e+00, v20;
	v24 =	vadd.f32 $1.000000000e+00, v21  }
0x4a4: {  	v12 =	vmul.f32 $1.442695020e+00, v12;
	v26 =	vand.u32 $0x7FFFFFFF, v9;
	[tilespmem:s0+$0xFFFFFFC0] =	vst v11;
	v11 =	vmul.f32 v25, v18;
	v18 =	vpop (erf)  }
0x4a5: {  	v22 =	vmul.f32 $1.442695020e+00, v22;
	(erf) = vpow2.f32 v20;
	v20 =	vadd.f32 $1.000000000e+00, v18;
	v25 =	vpop (erf)  }
0x4a6: {  	v16 =	vmul.f32 v16, v1;
	v26 =	vsub.f32 $0.0e+00, v26;
	[tilespmem:s0+$0x10] =	vst v11;
	(erf) = vrcp.f32 v24  }
0x4a7: {  	v10 =	vsel vm1, $0x3F800000, v10;
	v11 =	vmul.f32 $1.442695020e+00, v23;
	(erf) = vpow2.f32 v12  }
0x4a8: {  	v16 =	vadd.f32 v16, v0;
	v23 =	vmul.f32 $1.442695020e+00, v26;
	v12 =	vpop (erf);
	(erf) = vrcp.f32 v20  }
0x4a9: {  	v14 =	vmul.f32 v14, v1;
	(erf) = vpow2.f32 v11;
	v11 =	vsel vm0, $0x3F800000, v17  }
0x4aa: {  	v17 =	vand.u32 $0x7FFFFFFF, v16;
	(erf) = vpow2.f32 v23;
	v11 =	vmul.f32 v25, v11  }
0x4ab: {  	v14 =	vadd.f32 v14, v0;
	v15 =	vmul.f32 v15, v1;
	v17 =	vsub.f32 $0.0e+00, v17  }
0x4ac: {  	vm1 =	vge.f32 v6, $0.0e+00;
	v10 =	vmul.f32 v13, v10;
	vm0 =	vge.f32 v2, $0.0e+00;
	v2 =	vmovc v16;
	[tilespmem:s0+$0x20] =	vst v11  }
.Ltmp36:
0x4ad: {  	vm2 =	vge.f32 v8, $0.0e+00;
	v6 =	vmovc v14;
	v16 =	vand.u32 $0x7FFFFFFF, v14;
	v13 =	vmul.f32 $1.442695020e+00, v17;
	(pc) =	sbr.rel @p0 .LBB2_55-.Ltmp36, $4  }
0x4ae: {  	v8 =	vadd.f32 v15, v0;
	v14 =	vsub.f32 $0.0e+00, v16;
	(erf) = vpow2.f32 v22;
	v11 =	vpop (erf);
	[tilespmem:s0+$0xFFFFFFD0] =	vst v10  }
0x4af: {  	v15 =	vsel vm2, $0x3F800000, v21;
	v20 =	vadd.f32 $1.000000000e+00, v11;
	(erf) = vpow2.f32 v13;
	v17 =	vpop (erf)  }
0x4b0: {  	v13 =	vmul.f32 $1.442695020e+00, v14;
	v14 =	vsel vm1, $0x3F800000, v18;
	v10 =	vpop (erf);
	v15 =	vmul.f32 v17, v15  }
0x4b1: {  	s13 =	sadd.s32 $0x400, s13;
	v17 =	vsel vm0, $0x3F800000, v19;
	v18 =	vadd.f32 $1.000000000e+00, v10;
	(erf) = vrcp.f32 v20;
	v16 =	vpop (erf)  }
0x4b2: {  	v0 =	vand.u32 $0x7FFFFFFF, v8;
	v1 =	vpop (erf)  }
0x4b3: {  	v19 =	vadd.f32 $1.000000000e+00, v1;
	v0 =	vsub.f32 $0.0e+00, v0;
	v20 =	vpop (erf)  }
0x4b4: {  	(erf) = vrcp.f32 v18;
	v43 =	vadd.f32 $1.000000000e+00, v20  }
0x4b5: {  	v0 =	vmul.f32 $1.442695020e+00, v0;
	(erf) = vrcp.f32 v19  }
0x4b6: {  	(erf) = vrcp.f32 v43  }
0x4b7: {  	(erf) = vpow2.f32 v0  }
0x4b8: {  	(erf) = vpow2.f32 v13;
	_ =	sdelay $0x1  }
0x4b9: {  	v44 =	vpop (erf)  }
0x4ba: {  	v45 =	vpop (erf)  }
0x4bb: {  	v46 =	vpop (erf)  }
0x4bc: {  	v47 =	vpop (erf)  }
0x4bd: {  	v21 =	vpop (erf)  }
0x4be: {  	v22 =	vadd.f32 $1.000000000e+00, v44;
	v23 =	vpop (erf)  }
0x4bf: {  	v24 =	vadd.f32 $1.000000000e+00, v45;
	v25 =	vpop (erf)  }
0x4c0: {  	(erf) = vrcp.f32 v22;
	v48 =	vadd.f32 $1.000000000e+00, v25;
	v49 =	vpop (erf)  }
0x4c1: {  	(erf) = vrcp.f32 v24;
	v50 =	vadd.f32 $1.000000000e+00, v49  }
0x4c2: {  	(erf) = vrcp.f32 v48  }
0x4c3: {  	(erf) = vrcp.f32 v50  }
0x4c4: {  	v12 =	vmul.f32 v12, v17;
	vm0 =	vge.f32 v5, $0.0e+00  }
0x4c5: {  	v51 =	vmul.f32 v16, v14;
	[tilespmem:s30+$0x0] =	vst v15;
	vm1 =	vge.f32 v4, $0.0e+00;
	v52 =	vsel vm0, $0x3F800000, v11  }
0x4c6: {  	vm10 =	vge.f32 v9, $0.0e+00;
	v1 =	vsel vm1, $0x3F800000, v1;
	[tilespmem:s30+$0xFFFFFFE0] =	vst v12;
	v4 =	vmul.f32 v46, v52  }
0x4c7: {  	s0 =	sadd.s32 $0x400, s0;
	vm12 =	vge.f32 v3, $0.0e+00;
	[tilespmem:s30+$0xFFFFFFF0] =	vst v51;
	v53 =	vsel vm10, $0x3F800000, v20;
	v1 =	vmul.f32 v21, v1  }
0x4c8: {  	vm11 =	vge.f32 v7, $0.0e+00;
	v56 =	vsel vm12, $0x3F800000, v10;
	[tilespmem:s0+$0x30] =	vst v4;
	v54 =	vmul.f32 v23, v53  }
0x4c9: {  	vm14 =	vge.f32 v2, $0.0e+00;
	v0 =	vsel vm11, $0x3F800000, v44;
	[tilespmem:s0+$0xFFFFFFC0] =	vst v1;
	v1 =	vmul.f32 v47, v56;
	v55 =	vpop (erf)  }
0x4ca: {  	vm13 =	vge.f32 v8, $0.0e+00;
	v61 =	vsel vm14, $0x3F800000, v45;
	[tilespmem:s0+$0x10] =	vst v54;
	v57 =	vpop (erf);
	v0 =	vmul.f32 v55, v0  }
.Ltmp37:
0x4cb: {  	vm15 =	vge.f32 v6, $0.0e+00;
	v58 =	vsel vm13, $0x3F800000, v25;
	[tilespmem:s0+$0xFFFFFFD0] =	vst v1;
	v2 =	vmul.f32 v57, v61;
	v59 =	vpop (erf);
	(pc) =	sbr.rel .LBB2_67-.Ltmp37, $4  }
0x4cc: {  	v62 =	vsel vm15, $0x3F800000, v49;
	[tilespmem:s0+$0x20] =	vst v0;
	v60 =	vmul.f32 v59, v58;
	v63 =	vpop (erf)  }
0x4cd: {  	[tilespmem:s0+$0xFFFFFFE0] =	vst v2;
	v1 =	vmul.f32 v63, v62  }
0x4ce: {  	[tilespmem:s0+$0x0] =	vst v60  }
0x4cf: {  	[tilespmem:s0+$0xFFFFFFF0] =	vst v1  }
.LBB2_45:
0x4d0: {  	p0 =	slt.f32 s0, $3.000000000e+00  }
.Ltmp38:
0x4d1: {  	_ = 	snop;
	(pc) =	sbr.rel @!p0 .LBB2_49-.Ltmp38, $1  }
0x4d2: {  	_ =	sdelay $0x3  }
0x4d3: {  	v2 =	vld [tilespmem:s31+$0x20];
	_ =	sdelay $0x2  }
0x4d4: {  	v3 =	vld [tilespmem:s31+$0xFFFFFFF0];
	_ =	sdelay $0x1  }
0x4d5: {  	v2 =	vmul.f32 v2, v1  }
0x4d6: {  	v6 =	vld [tilespmem:s31+$0x10]  }
0x4d7: {  	v4 =	vld [tilespmem:s31+$0x0];
	v5 =	vadd.f32 v2, v0  }
0x4d8: {  	v3 =	vmul.f32 v3, v1  }
0x4d9: {  	v2 =	vld [tilespmem:s31+$0xFFFFFFD0];
	v7 =	vand.u32 $0x7FFFFFFF, v5  }
0x4da: {  	v8 =	vadd.f32 v3, v0;
	v7 =	vmul.f32 $-2.000000000e+00, v7  }
0x4db: {  	v6 =	vmul.f32 v6, v1  }
0x4dc: {  	v3 =	vmul.f32 v4, v1;
	v4 =	vmul.f32 $1.442695020e+00, v7;
	v7 =	vand.u32 $0x7FFFFFFF, v8  }
0x4dd: {  	v7 =	vmul.f32 $-2.000000000e+00, v7  }
0x4de: {  	v6 =	vadd.f32 v6, v0;
	v9 =	vmul.f32 v2, v1  }
0x4df: {  	v2 =	vadd.f32 v3, v0;
	(erf) = vpow2.f32 v4;
	v7 =	vmul.f32 $1.442695020e+00, v7  }
0x4e0: {  	v4 =	vadd.f32 v9, v0  }
0x4e1: {  	v10 =	vld [tilespmem:s31+$0x30];
	v9 =	vand.u32 $0x7FFFFFFF, v2;
	(erf) = vpow2.f32 v7;
	v7 =	vand.u32 $0x7FFFFFFF, v6  }
0x4e2: {  	v3 =	vld [tilespmem:s31+$0xFFFFFFC0];
	v9 =	vmul.f32 $-2.000000000e+00, v9;
	v11 =	vand.u32 $0x7FFFFFFF, v4;
	v7 =	vmul.f32 $-2.000000000e+00, v7  }
0x4e3: {  	v11 =	vmul.f32 $-2.000000000e+00, v11  }
0x4e4: {  	v9 =	vmul.f32 $1.442695020e+00, v9;
	v7 =	vmul.f32 $1.442695020e+00, v7  }
0x4e5: {  	v11 =	vmul.f32 $1.442695020e+00, v11  }
0x4e6: {  	v10 =	vmul.f32 v10, v1;
	(erf) = vpow2.f32 v9  }
0x4e7: {  	v3 =	vmul.f32 v3, v1;
	v9 =	vld [tilespmem:s31+$0xFFFFFFE0];
	(erf) = vpow2.f32 v11  }
0x4e8: {  	v10 =	vadd.f32 v10, v0;
	(erf) = vpow2.f32 v7;
	v7 =	vpop (erf)  }
0x4e9: {  	v11 =	vadd.f32 v3, v0;
	v3 =	vadd.f32 $1.000000000e+00, v7;
	_ =	sdelay $0x1  }
0x4ea: {  	v13 =	vand.u32 $0x7FFFFFFF, v10;
	v12 =	vand.u32 $0x7FFFFFFF, v11;
	v14 =	vpop (erf);
	(erf) = vrcp.f32 v3  }
0x4eb: {  	s0 =	sadd.s32 $0x400, s31;
	v3 =	vmul.f32 v9, v1;
	v9 =	vmul.f32 $-2.000000000e+00, v13;
	v13 =	vadd.f32 $1.000000000e+00, v14  }
0x4ec: {  	v15 =	vld [tilespmem:s0+$0xFFFFFFC0];
	v12 =	vmul.f32 $-2.000000000e+00, v12;
	_ =	sdelay $0x1  }
0x4ed: {  	vm0 =	vlt.f32 v10, $0.0e+00;
	v10 =	vld [tilespmem:s0+$0xFFFFFFF0];
	v12 =	vmul.f32 $1.442695020e+00, v12  }
0x4ee: {  	vm1 =	vlt.f32 v8, $0.0e+00;
	v3 =	vadd.f32 v3, v0;
	(erf) = vrcp.f32 v13;
	v13 =	vpop (erf)  }
0x4ef: {  	v17 =	vld [tilespmem:s0+$0x20];
	vm3 =	vlt.f32 v6, $0.0e+00;
	v9 =	vmul.f32 $1.442695020e+00, v9;
	(erf) = vpow2.f32 v12;
	v16 =	vpop (erf)  }
0x4f0: {  	v6 =	vsub.f32 $1.000000000e+00, v7;
	v7 =	vmul.f32 v15, v1;
	v15 =	vld [tilespmem:s0+$0x0];
	v12 =	vand.u32 $0x7FFFFFFF, v3;
	v19 =	vpop (erf)  }
0x4f1: {  	v21 =	vld [tilespmem:s0+$0x10];
	(erf) = vpow2.f32 v9;
	v9 =	vmul.f32 $-2.000000000e+00, v12;
	v8 =	vadd.f32 $1.000000000e+00, v19  }
0x4f2: {  	vm5 =	vlt.f32 v5, $0.0e+00;
	v10 =	vmul.f32 v10, v1;
	vm2 =	vlt.f32 v11, $0.0e+00;
	v11 =	vld [tilespmem:s0+$0x30]  }
0x4f3: {  	vm4 =	vlt.f32 v4, $0.0e+00;
	v14 =	vsub.f32 $1.000000000e+00, v14;
	v9 =	vmul.f32 $1.442695020e+00, v9  }
0x4f4: {  	v5 =	vadd.f32 v7, v0;
	v7 =	vld [tilespmem:s0+$0xFFFFFFE0];
	v12 =	vadd.f32 $1.000000000e+00, v13;
	(erf) = vrcp.f32 v8  }
0x4f5: {  	v18 =	vld [tilespmem:s0+$0xFFFFFFD0];
	v20 =	vadd.f32 $1.000000000e+00, v16;
	v8 =	vpop (erf);
	(erf) = vpow2.f32 v9;
	v9 =	vmul.f32 v15, v1  }
0x4f6: {  	v16 =	vsub.f32 $1.000000000e+00, v16;
	v22 =	vmul.f32 v8, v6;
	v6 =	vmul.f32 v17, v1  }
0x4f7: {  	v19 =	vsub.f32 $1.000000000e+00, v19;
	v4 =	vpop (erf);
	v8 =	vmul.f32 v11, v1;
	v11 =	vmul.f32 v21, v1  }
0x4f8: {  	v15 =	vsub.f32 $1.000000000e+00, v13;
	v23 =	vmul.f32 v4, v14;
	v14 =	vpop (erf);
	(erf) = vrcp.f32 v12  }
0x4f9: {  	v12 =	vmul.f32 v7, v1;
	v7 =	vadd.f32 v9, v0;
	v4 =	vadd.f32 v6, v0  }
0x4fa: {  	v18 =	vmul.f32 v18, v1;
	v6 =	vadd.f32 v8, v0;
	v25 =	vadd.f32 $1.000000000e+00, v14  }
0x4fb: {  	v13 =	vpop (erf);
	v8 =	vadd.f32 v11, v0;
	v11 =	vadd.f32 v10, v0;
	(erf) = vrcp.f32 v20  }
0x4fc: {  	v21 =	vsub.f32 $1.000000000e+00, v13;
	v13 =	vadd.f32 $1.000000000e+00, v13;
	v24 =	vand.u32 $0x7FFFFFFF, v4  }
0x4fd: {  	v27 =	vand.u32 $0x7FFFFFFF, v7;
	v9 =	vand.u32 $0x7FFFFFFF, v11;
	v24 =	vmul.f32 $-2.000000000e+00, v24  }
0x4fe: {  	v10 =	vand.u32 $0x7FFFFFFF, v8;
	(erf) = vrcp.f32 v25;
	v26 =	vmul.f32 $-2.000000000e+00, v9  }
0x4ff: {  	v9 =	vadd.f32 v18, v0;
	v18 =	vmul.f32 $-2.000000000e+00, v27;
	v24 =	vmul.f32 $1.442695020e+00, v24  }
0x500: {  	v54 =	vmul.f32 $-2.000000000e+00, v10;
	v10 =	vadd.f32 v12, v0;
	v12 =	vmul.f32 $1.442695020e+00, v26  }
0x501: {  	v20 =	vpop (erf);
	v55 =	vand.u32 $0x7FFFFFFF, v9;
	v18 =	vmul.f32 $1.442695020e+00, v18;
	(erf) = vpow2.f32 v24  }
0x502: {  	v17 =	vsub.f32 $0.0e+00, v22;
	v53 =	vpop (erf);
	v24 =	vmul.f32 $-2.000000000e+00, v55;
	(erf) = vrcp.f32 v13  }
0x503: {  	v14 =	vsub.f32 $1.000000000e+00, v14;
	v25 =	vadd.f32 $1.000000000e+00, v53  }
0x504: {  	v13 =	vand.u32 $0x7FFFFFFF, v5;
	(erf) = vpow2.f32 v12;
	v12 =	vpop (erf);
	v24 =	vmul.f32 $1.442695020e+00, v24  }
0x505: {  	v29 =	vsub.f32 $0.0e+00, v23;
	v13 =	vmul.f32 $-2.000000000e+00, v13;
	(erf) = vpow2.f32 v18;
	v18 =	vpop (erf)  }
0x506: {  	v56 =	vand.u32 $0x7FFFFFFF, v6;
	v16 =	vmul.f32 v18, v16;
	(erf) = vrcp.f32 v25  }
0x507: {  	v17 =	vsel vm5, v17, v22;
	v23 =	vsel vm1, v29, v23;
	v18 =	vpop (erf);
	(erf) = vpow2.f32 v24  }
0x508: {  	v22 =	vmul.f32 $1.442695020e+00, v54;
	v57 =	vmul.f32 v18, v14;
	v14 =	vsub.f32 $0.0e+00, v16  }
0x509: {  	v58 =	vand.u32 $0x7FFFFFFF, v10;
	v59 =	vmul.f32 v20, v19;
	v18 =	vmul.f32 $1.442695020e+00, v13  }
0x50a: {  	(erf) = vpow2.f32 v22;
	v22 =	vsub.f32 $0.0e+00, v57;
	v14 =	vsel vm4, v14, v16;
	v13 =	vpop (erf)  }
0x50b: {  	v26 =	vmul.f32 $-2.000000000e+00, v56;
	v60 =	vsub.f32 $0.0e+00, v59;
	v19 =	vadd.f32 $1.000000000e+00, v13;
	v16 =	vpop (erf)  }
0x50c: {  	v28 =	vsub.f32 $1.000000000e+00, v53;
	[tilespmem:s30+$0xFFFFFFD0] =	vst v14;
	v61 =	vmul.f32 v16, v21;
	v16 =	vsel vm2, v22, v57  }
0x50d: {  	v14 =	vpop (erf);
	(erf) = vrcp.f32 v19;
	v19 =	vmul.f32 v12, v15;
	[tilespmem:s30+$0xFFFFFFC0] =	vst v16;
	v16 =	vsel vm3, v60, v59  }
0x50e: {  	[tilespmem:s30+$0x20] =	vst v17;
	v17 =	vmul.f32 $-2.000000000e+00, v58;
	v22 =	vadd.f32 $1.000000000e+00, v14;
	v12 =	vpop (erf);
	v62 =	vsub.f32 $0.0e+00, v61  }
0x50f: {  	[tilespmem:s30+$0xFFFFFFF0] =	vst v23;
	v20 =	vmul.f32 $1.442695020e+00, v26;
	v15 =	vadd.f32 $1.000000000e+00, v12;
	v63 =	vpop (erf);
	v21 =	vsub.f32 $0.0e+00, v19  }
0x510: {  	s2 =	simm.s32 $0x8;
	s13 =	sadd.s32 $0x400, s0;
	s0 =	smov.u32 s30;
	[tilespmem:s30+$0x10] =	vst v16;
	(erf) = vrcp.f32 v22;
	v22 =	vmul.f32 v63, v28;
	v16 =	vpop (erf);
	v23 =	vsel vm0, v62, v61  }
.LBB2_47:
0x511: {  	v24 =	vld [tilespmem:s13+$0xFFFFFFC0];
	s2 =	sadd.s32 $0x8, s2;
	(erf) = vpow2.f32 v18;
	vm1 =	vlt.f32 v2, $0.0e+00;
	[tilespmem:s30+$0x30] =	vst v23;
	s0 =	sadd.s32 $0x400, s0;
	v2 =	vmov v7  }
0x512: {  	vm3 =	vlt.f32 v3, $0.0e+00;
	v3 =	vmovc v10;
	v7 =	vld [tilespmem:s13+$0x20];
	p0 =	slt.u32 s2, $0x38;
	(erf) = vpow2.f32 v20;
	v18 =	vsub.f32 $0.0e+00, v22  }
0x513: {  	vm2 =	vlt.f32 v5, $0.0e+00;
	vm0 =	vlt.f32 v6, $0.0e+00;
	v5 =	vsel vm1, v21, v19;
	v10 =	vld [tilespmem:s13+$0xFFFFFFD0];
	v20 =	vpop (erf)  }
0x514: {  	vm1 =	vlt.f32 v11, $0.0e+00;
	v6 =	vld [tilespmem:s13+$0xFFFFFFF0];
	v21 =	vadd.f32 $1.000000000e+00, v20;
	v18 =	vsel vm3, v18, v22;
	[tilespmem:s30+$0x0] =	vst v5  }
0x515: {  	v17 =	vmul.f32 $1.442695020e+00, v17;
	vm3 =	vlt.f32 v8, $0.0e+00;
	v5 =	vsub.f32 $1.000000000e+00, v13;
	v19 =	vld [tilespmem:s13+$0x30];
	[tilespmem:s30+$0xFFFFFFE0] =	vst v18;
	s30 =	smov.u32 s0  }
0x516: {  	v18 =	vadd.f32 $1.000000000e+00, v16;
	v8 =	vmul.f32 v24, v1;
	v13 =	vld [tilespmem:s13+$0x0];
	(erf) = vrcp.f32 v21;
	v11 =	vpop (erf)  }
0x517: {  	vm5 =	vlt.f32 v4, $0.0e+00;
	v24 =	vsub.f32 $1.000000000e+00, v14;
	v21 =	vld [tilespmem:s13+$0x10];
	v22 =	vmul.f32 v11, v5  }
0x518: {  	v5 =	vadd.f32 v8, v0;
	v10 =	vmul.f32 v10, v1;
	v11 =	vld [tilespmem:s13+$0xFFFFFFE0];
	(erf) = vpow2.f32 v17  }
0x519: {  	vm4 =	vlt.f32 v9, $0.0e+00;
	v4 =	vmul.f32 v7, v1;
	v17 =	vsub.f32 $0.0e+00, v22;
	v7 =	vpop (erf)  }
0x51a: {  	v16 =	vsub.f32 $1.000000000e+00, v16;
	v8 =	vmul.f32 v19, v1;
	v23 =	vmul.f32 v7, v24;
	v14 =	vpop (erf)  }
0x51b: {  	v12 =	vsub.f32 $1.000000000e+00, v12;
	v4 =	vadd.f32 v4, v0;
	v7 =	vmul.f32 v13, v1;
	v9 =	vpop (erf)  }
0x51c: {  	v13 =	vmul.f32 v6, v1;
	v19 =	vmul.f32 v21, v1;
	v21 =	vsub.f32 $1.000000000e+00, v9  }
0x51d: {  	v26 =	vand.u32 $0x7FFFFFFF, v4;
	v25 =	vadd.f32 $1.000000000e+00, v14;
	v6 =	vadd.f32 v8, v0  }
0x51e: {  	v8 =	vadd.f32 v19, v0;
	v19 =	vmul.f32 $-2.000000000e+00, v26;
	(erf) = vrcp.f32 v15  }
0x51f: {  	v15 =	vmul.f32 v11, v1;
	v11 =	vadd.f32 v13, v0;
	(erf) = vrcp.f32 v18;
	v24 =	vpop (erf)  }
0x520: {  	v7 =	vadd.f32 v7, v0;
	v18 =	vadd.f32 $1.000000000e+00, v9;
	v13 =	vmul.f32 $1.442695020e+00, v19  }
0x521: {  	v9 =	vand.u32 $0x7FFFFFFF, v11;
	v19 =	vand.u32 $0x7FFFFFFF, v8;
	(erf) = vrcp.f32 v25;
	v25 =	vpop (erf)  }
0x522: {  	v27 =	vand.u32 $0x7FFFFFFF, v7;
	v26 =	vmul.f32 $-2.000000000e+00, v9;
	v28 =	vsub.f32 $1.000000000e+00, v25  }
0x523: {  	v27 =	vmul.f32 $-2.000000000e+00, v27;
	v9 =	vadd.f32 v10, v0;
	v19 =	vmul.f32 $-2.000000000e+00, v19  }
0x524: {  	v10 =	vadd.f32 v15, v0;
	v30 =	vmul.f32 $1.442695020e+00, v26;
	(erf) = vpow2.f32 v13  }
0x525: {  	v31 =	vmul.f32 $1.442695020e+00, v27;
	v13 =	vand.u32 $0x7FFFFFFF, v9;
	(erf) = vrcp.f32 v18  }
0x526: {  	v25 =	vadd.f32 $1.000000000e+00, v25;
	v18 =	vand.u32 $0x7FFFFFFF, v5;
	v13 =	vmul.f32 $-2.000000000e+00, v13  }
0x527: {  	v29 =	vsub.f32 $0.0e+00, v23;
	v27 =	vand.u32 $0x7FFFFFFF, v6;
	(erf) = vpow2.f32 v30;
	v15 =	vpop (erf)  }
0x528: {  	v14 =	vsub.f32 $1.000000000e+00, v14;
	v30 =	vmul.f32 $1.442695020e+00, v13;
	(erf) = vpow2.f32 v31;
	v26 =	vpop (erf)  }
0x529: {  	v17 =	vsel vm5, v17, v22;
	v16 =	vmul.f32 v26, v16;
	(erf) = vrcp.f32 v25  }
0x52a: {  	v20 =	vsub.f32 $1.000000000e+00, v20;
	v18 =	vmul.f32 $-2.000000000e+00, v18;
	(erf) = vpow2.f32 v30;
	v13 =	vpop (erf)  }
0x52b: {  	v19 =	vmul.f32 $1.442695020e+00, v19;
	v22 =	vmul.f32 v13, v14;
	v14 =	vsub.f32 $0.0e+00, v16;
	[tilespmem:s0+$0x20] =	vst v17  }
0x52c: {  	v18 =	vmul.f32 $1.442695020e+00, v18;
	v25 =	vmul.f32 $-2.000000000e+00, v27;
	v17 =	vand.u32 $0x7FFFFFFF, v10  }
0x52d: {  	v24 =	vmul.f32 v24, v20;
	(erf) = vpow2.f32 v19;
	v13 =	vpop (erf);
	v19 =	vsub.f32 $0.0e+00, v22  }
0x52e: {  	v20 =	vmul.f32 $1.442695020e+00, v25;
	v30 =	vsel vm4, v14, v16;
	v26 =	vadd.f32 $1.000000000e+00, v13;
	v16 =	vpop (erf)  }
.Ltmp39:
0x52f: {  	v17 =	vmul.f32 $-2.000000000e+00, v17;
	[tilespmem:s0+$0xFFFFFFD0] =	vst v30;
	v30 =	vsub.f32 $0.0e+00, v24;
	v27 =	vmul.f32 v16, v21;
	(pc) =	sbr.rel @p0 .LBB2_47-.Ltmp39, $4  }
0x530: {  	v16 =	vsel vm2, v19, v22;
	v19 =	vmul.f32 v15, v12;
	v14 =	vpop (erf);
	(erf) = vrcp.f32 v26  }
0x531: {  	v22 =	vadd.f32 $1.000000000e+00, v14;
	v12 =	vpop (erf);
	[tilespmem:s0+$0xFFFFFFC0] =	vst v16;
	v26 =	vsel vm3, v30, v24;
	v24 =	vsub.f32 $0.0e+00, v27  }
0x532: {  	v23 =	vsel vm1, v29, v23;
	v21 =	vsub.f32 $0.0e+00, v19;
	v15 =	vadd.f32 $1.000000000e+00, v12;
	[tilespmem:s0+$0x10] =	vst v26;
	v25 =	vpop (erf)  }
0x533: {  	s13 =	sadd.s32 $0x400, s13;
	v16 =	vpop (erf);
	(erf) = vrcp.f32 v22;
	v22 =	vmul.f32 v25, v28;
	[tilespmem:s0+$0xFFFFFFF0] =	vst v23;
	v23 =	vsel vm0, v24, v27  }
0x534: {  	_ =	sdelay $0x1  }
0x535: {  	v0 =	vpop (erf)  }
0x536: {  	(erf) = vpow2.f32 v18;
	v1 =	vadd.f32 $1.000000000e+00, v0  }
0x537: {  	v17 =	vmul.f32 $1.442695020e+00, v17;
	(erf) = vpow2.f32 v20  }
0x538: {  	(erf) = vrcp.f32 v1  }
0x539: {  	(erf) = vpow2.f32 v17;
	_ =	sdelay $0x3  }
0x53a: {  	v30 =	vpop (erf)  }
0x53b: {  	v31 =	vpop (erf)  }
0x53c: {  	v33 =	vpop (erf)  }
0x53d: {  	v32 =	vadd.f32 $1.000000000e+00, v16;
	v34 =	vpop (erf)  }
0x53e: {  	vm0 =	vlt.f32 v2, $0.0e+00;
	(erf) = vrcp.f32 v15;
	v24 =	vadd.f32 $1.000000000e+00, v33;
	v35 =	vpop (erf)  }
0x53f: {  	vm1 =	vlt.f32 v3, $0.0e+00;
	(erf) = vrcp.f32 v32;
	v36 =	vadd.f32 $1.000000000e+00, v34;
	v37 =	vpop (erf)  }
0x540: {  	v13 =	vsub.f32 $1.000000000e+00, v13;
	(erf) = vrcp.f32 v24;
	v38 =	vadd.f32 $1.000000000e+00, v37  }
0x541: {  	vm2 =	vlt.f32 v5, $0.0e+00;
	vm11 =	vlt.f32 v11, $0.0e+00;
	(erf) = vrcp.f32 v36  }
0x542: {  	v41 =	vsub.f32 $1.000000000e+00, v14;
	vm12 =	vlt.f32 v8, $0.0e+00;
	(erf) = vrcp.f32 v38  }
0x543: {  	v42 =	vsub.f32 $1.000000000e+00, v16;
	vm3 =	vlt.f32 v4, $0.0e+00;
	vm4 =	vlt.f32 v9, $0.0e+00  }
0x544: {  	v12 =	vsub.f32 $1.000000000e+00, v12;
	v25 =	vsub.f32 $0.0e+00, v22;
	v1 =	vmul.f32 v30, v13  }
0x545: {  	vm14 =	vlt.f32 v7, $0.0e+00;
	v0 =	vsub.f32 $1.000000000e+00, v0;
	v44 =	vmul.f32 v31, v41  }
0x546: {  	v39 =	vsel vm0, v21, v19;
	v40 =	vsel vm1, v25, v22;
	v48 =	vsub.f32 $0.0e+00, v1  }
0x547: {  	[tilespmem:s30+$0x30] =	vst v23;
	v45 =	vsub.f32 $1.000000000e+00, v33;
	v55 =	vsub.f32 $0.0e+00, v44;
	v0 =	vmul.f32 v35, v0;
	v43 =	vpop (erf)  }
0x548: {  	[tilespmem:s30+$0x0] =	vst v39;
	v1 =	vsel vm3, v48, v1;
	v49 =	vsub.f32 $1.000000000e+00, v34;
	v46 =	vpop (erf);
	v57 =	vmul.f32 v43, v12  }
0x549: {  	s0 =	sadd.s32 $0x400, s0;
	[tilespmem:s30+$0xFFFFFFE0] =	vst v40;
	v4 =	vsel vm11, v55, v44;
	v54 =	vsub.f32 $0.0e+00, v0;
	v8 =	vmul.f32 v46, v42;
	v47 =	vpop (erf)  }
0x54a: {  	[tilespmem:s0+$0x20] =	vst v1;
	v2 =	vsub.f32 $1.000000000e+00, v37;
	v60 =	vsub.f32 $0.0e+00, v57;
	v5 =	vmul.f32 v47, v45;
	v52 =	vpop (erf)  }
0x54b: {  	[tilespmem:s0+$0xFFFFFFF0] =	vst v4;
	v0 =	vsel vm12, v54, v0;
	v50 =	vsub.f32 $0.0e+00, v8;
	v3 =	vmul.f32 v52, v49;
	v58 =	vpop (erf)  }
0x54c: {  	[tilespmem:s0+$0x10] =	vst v0;
	v63 =	vsel vm14, v60, v57;
	v51 =	vsub.f32 $0.0e+00, v5;
	v2 =	vmul.f32 v58, v2  }
.Ltmp40:
0x54d: {  	v53 =	vsel vm4, v50, v8;
	[tilespmem:s0+$0x0] =	vst v63;
	v59 =	vsub.f32 $0.0e+00, v3;
	(pc) =	sbr.rel .LBB2_67-.Ltmp40, $4  }
0x54e: {  	vm13 =	vlt.f32 v6, $0.0e+00;
	[tilespmem:s0+$0xFFFFFFD0] =	vst v53;
	v56 =	vsel vm2, v51, v5;
	v62 =	vsub.f32 $0.0e+00, v2  }
0x54f: {  	vm15 =	vlt.f32 v10, $0.0e+00;
	[tilespmem:s0+$0xFFFFFFC0] =	vst v56;
	v61 =	vsel vm13, v59, v3  }
0x550: {  	[tilespmem:s0+$0x30] =	vst v61;
	v1 =	vsel vm15, v62, v2  }
0x551: {  	[tilespmem:s0+$0xFFFFFFE0] =	vst v1  }
.LBB2_60:
0x552: {  	p0 =	slt.f32 s0, $7.000000000e+00  }
.Ltmp41:
0x553: {  	_ = 	snop;
	(pc) =	sbr.rel @!p0 .LBB2_64-.Ltmp41, $1  }
0x554: {  	_ =	sdelay $0x3  }
0x555: {  	v2 =	vld [tilespmem:s31+$0x20]  }
0x556: {  	v3 =	vld [tilespmem:s31+$0xFFFFFFF0]  }
0x557: {  	v4 =	vld [tilespmem:s31+$0xFFFFFFD0];
	_ =	sdelay $0x1  }
0x558: {  	v5 =	vld [tilespmem:s31+$0xFFFFFFC0]  }
0x559: {  	v6 =	vld [tilespmem:s31+$0x0];
	v2 =	vmul.f32 v2, v1  }
0x55a: {  	v7 =	vld [tilespmem:s31+$0x10];
	v3 =	vmul.f32 v3, v1  }
0x55b: {  	v4 =	vmul.f32 v4, v1;
	v13 =	vadd.f32 v2, v0  }
0x55c: {  	v2 =	vld [tilespmem:s31+$0xFFFFFFE0];
	v16 =	vadd.f32 v3, v0  }
0x55d: {  	v5 =	vmul.f32 v5, v1;
	v10 =	vadd.f32 v4, v0;
	v3 =	vmin.f32 v13, $0.0e+00  }
0x55e: {  	v4 =	vmul.f32 v6, v1;
	v8 =	vmin.f32 v16, $0.0e+00;
	v3 =	vmul.f32 $1.442695020e+00, v3  }
0x55f: {  	v6 =	vmul.f32 v7, v1;
	v8 =	vmul.f32 $1.442695020e+00, v8  }
0x560: {  	v17 =	vadd.f32 v5, v0;
	v7 =	vmin.f32 v10, $0.0e+00;
	(erf) = vpow2.f32 v3  }
0x561: {  	s0 =	sadd.s32 $0x400, s31;
	v11 =	vadd.f32 v4, v0;
	v2 =	vmul.f32 v2, v1;
	v3 =	vld [tilespmem:s31+$0x30];
	(erf) = vpow2.f32 v8  }
0x562: {  	v18 =	vadd.f32 v6, v0;
	v6 =	vld [tilespmem:s0+$0xFFFFFFC0];
	vm2 =	vgt.f32 v17, $0.0e+00;
	vm1 =	vgt.f32 v13, $0.0e+00  }
0x563: {  	vm3 =	vgt.f32 v16, $0.0e+00;
	v15 =	vadd.f32 v2, v0;
	v2 =	vmul.f32 $1.442695020e+00, v7  }
0x564: {  	vm7 =	vgt.f32 v10, $0.0e+00;
	v4 =	vmin.f32 v11, $0.0e+00;
	vm5 =	vgt.f32 v11, $0.0e+00  }
0x565: {  	vm4 =	vgt.f32 v18, $0.0e+00;
	v4 =	vmul.f32 $1.442695020e+00, v4;
	(erf) = vpow2.f32 v2  }
0x566: {  	v9 =	vld [tilespmem:s0+$0x20];
	v8 =	vmin.f32 v18, $0.0e+00;
	v7 =	vmin.f32 v17, $0.0e+00;
	v3 =	vmul.f32 v3, v1  }
0x567: {  	v12 =	vld [tilespmem:s0+$0xFFFFFFF0];
	v6 =	vmul.f32 v6, v1;
	v5 =	vmin.f32 v15, $0.0e+00;
	v2 =	vmul.f32 $1.442695020e+00, v7  }
0x568: {  	v7 =	vmul.f32 $1.442695020e+00, v8;
	v8 =	vld [tilespmem:s0+$0xFFFFFFD0];
	(erf) = vpow2.f32 v4;
	v3 =	vadd.f32 v3, v0  }
0x569: {  	v22 =	vld [tilespmem:s0+$0x0];
	vm6 =	vgt.f32 v15, $0.0e+00;
	v5 =	vmul.f32 $1.442695020e+00, v5;
	v4 =	vpop (erf);
	(erf) = vpow2.f32 v2  }
0x56a: {  	v20 =	vld [tilespmem:s0+$0x10];
	v2 =	vmin.f32 v3, $0.0e+00;
	vm0 =	vgt.f32 v3, $0.0e+00;
	v19 =	vadd.f32 $-1.000000000e+00, v4;
	v14 =	vpop (erf)  }
0x56b: {  	v4 =	vld [tilespmem:s0+$0xFFFFFFE0];
	(erf) = vpow2.f32 v5;
	v5 =	vmul.f32 v9, v1;
	v21 =	vadd.f32 $-1.000000000e+00, v14  }
0x56c: {  	v14 =	vmul.f32 $1.442695020e+00, v2;
	v2 =	vadd.f32 v6, v0;
	(erf) = vpow2.f32 v7  }
0x56d: {  	v7 =	vmul.f32 v8, v1;
	v8 =	vmul.f32 v12, v1;
	v6 =	vadd.f32 v5, v0  }
0x56e: {  	v5 =	vmul.f32 v22, v1;
	v13 =	vsel vm1, v13, v19;
	(erf) = vpow2.f32 v14;
	v9 =	vpop (erf)  }
0x56f: {  	v14 =	vmul.f32 v20, v1;
	v8 =	vadd.f32 v8, v0;
	v57 =	vadd.f32 $-1.000000000e+00, v9  }
0x570: {  	v58 =	vmin.f32 v6, $0.0e+00;
	v12 =	vmul.f32 v4, v1;
	v4 =	vadd.f32 v7, v0  }
0x571: {  	v59 =	vld [tilespmem:s0+$0x30];
	v7 =	vpop (erf);
	v9 =	vadd.f32 v14, v0;
	v14 =	vmul.f32 $1.442695020e+00, v58;
	v25 =	vmin.f32 v8, $0.0e+00  }
0x572: {  	v23 =	vadd.f32 $-1.000000000e+00, v7;
	v25 =	vmul.f32 $1.442695020e+00, v25;
	v7 =	vmin.f32 v4, $0.0e+00  }
0x573: {  	v24 =	vmul.f32 $1.442695020e+00, v7;
	v7 =	vadd.f32 v5, v0;
	v5 =	vpop (erf);
	(erf) = vpow2.f32 v14  }
0x574: {  	v16 =	vsel vm3, v16, v21;
	v10 =	vsel vm7, v10, v57;
	v23 =	vsel vm5, v11, v23  }
0x575: {  	v14 =	vpop (erf);
	v26 =	vadd.f32 $-1.000000000e+00, v5;
	v5 =	vadd.f32 v12, v0;
	(erf) = vpow2.f32 v25  }
0x576: {  	[tilespmem:s30+$0xFFFFFFD0] =	vst v10;
	v12 =	vmul.f32 v59, v1;
	v11 =	vmin.f32 v7, $0.0e+00;
	v60 =	vadd.f32 $-1.000000000e+00, v14;
	v61 =	vpop (erf)  }
0x577: {  	[tilespmem:s30+$0x0] =	vst v23;
	v14 =	vmin.f32 v9, $0.0e+00;
	v17 =	vsel vm2, v17, v26;
	v63 =	vadd.f32 $-1.000000000e+00, v61  }
0x578: {  	(erf) = vpow2.f32 v24;
	v10 =	vmin.f32 v5, $0.0e+00;
	v62 =	vpop (erf);
	v15 =	vsel vm6, v15, v60;
	[tilespmem:s30+$0xFFFFFFC0] =	vst v17  }
0x579: {  	s2 =	simm.s32 $0x8;
	s13 =	sadd.s32 $0x400, s0;
	s0 =	smov.u32 s30;
	v10 =	vmul.f32 $1.442695020e+00, v10;
	[tilespmem:s30+$0xFFFFFFE0] =	vst v15;
	v15 =	vadd.f32 $-1.000000000e+00, v62;
	v17 =	vsel vm4, v18, v63  }
.LBB2_62:
0x57a: {  	v18 =	vld [tilespmem:s13+$0xFFFFFFC0];
	s2 =	sadd.s32 $0x8, s2;
	v21 =	vmin.f32 v2, $0.0e+00;
	v22 =	vmul.f32 $1.442695020e+00, v11;
	v14 =	vmul.f32 $1.442695020e+00, v14;
	[tilespmem:s30+$0x10] =	vst v17;
	s0 =	sadd.s32 $0x400, s0;
	v20 =	vmovc v6;
	v17 =	vmovc v8  }
0x57b: {  	v15 =	vsel vm0, v3, v15;
	v19 =	vmov v9;
	v6 =	vld [tilespmem:s13+$0x20];
	p0 =	slt.u32 s2, $0x38;
	v8 =	vmul.f32 $1.442695020e+00, v21;
	[tilespmem:s30+$0xFFFFFFF0] =	vst v16  }
0x57c: {  	v3 =	vadd.f32 v12, v0;
	v9 =	vld [tilespmem:s13+$0xFFFFFFD0];
	(erf) = vpow2.f32 v22;
	v11 =	vpop (erf);
	[tilespmem:s30+$0x30] =	vst v15  }
0x57d: {  	vm2 =	vgt.f32 v2, $0.0e+00;
	v12 =	vld [tilespmem:s13+$0xFFFFFFF0];
	v21 =	vadd.f32 $-1.000000000e+00, v11;
	(erf) = vpow2.f32 v8;
	[tilespmem:s30+$0x20] =	vst v13;
	s30 =	smov.u32 s0  }
0x57e: {  	vm5 =	vgt.f32 v7, $0.0e+00;
	vm1 =	vgt.f32 v20, $0.0e+00;
	v11 =	vmin.f32 v3, $0.0e+00;
	v8 =	vld [tilespmem:s13+$0xFFFFFFE0];
	v13 =	vpop (erf)  }
0x57f: {  	v11 =	vmul.f32 $1.442695020e+00, v11;
	v22 =	vmul.f32 v18, v1;
	v16 =	vld [tilespmem:s13+$0x10];
	v13 =	vadd.f32 $-1.000000000e+00, v13  }
0x580: {  	vm3 =	vgt.f32 v17, $0.0e+00;
	vm0 =	vgt.f32 v3, $0.0e+00;
	v18 =	vld [tilespmem:s13+$0x0];
	(erf) = vpow2.f32 v10  }
0x581: {  	vm4 =	vgt.f32 v19, $0.0e+00;
	v10 =	vadd.f32 v22, v0;
	v15 =	vpop (erf);
	(erf) = vpow2.f32 v14  }
0x582: {  	vm7 =	vgt.f32 v4, $0.0e+00;
	v6 =	vmul.f32 v6, v1;
	(erf) = vpow2.f32 v11  }
0x583: {  	vm6 =	vgt.f32 v5, $0.0e+00;
	v22 =	vmul.f32 v9, v1;
	v11 =	vmul.f32 v12, v1  }
0x584: {  	v6 =	vadd.f32 v6, v0;
	v12 =	vmul.f32 v8, v1;
	v14 =	vmul.f32 v16, v1  }
0x585: {  	v15 =	vadd.f32 $-1.000000000e+00, v15;
	v16 =	vadd.f32 v22, v0;
	v18 =	vmul.f32 v18, v1;
	v9 =	vpop (erf)  }
0x586: {  	v8 =	vadd.f32 v11, v0;
	v11 =	vmin.f32 v6, $0.0e+00;
	v26 =	vadd.f32 $-1.000000000e+00, v9;
	v23 =	vpop (erf)  }
0x587: {  	v11 =	vmul.f32 $1.442695020e+00, v11;
	v24 =	vmin.f32 v16, $0.0e+00;
	v9 =	vadd.f32 v14, v0;
	v25 =	vld [tilespmem:s13+$0x30]  }
0x588: {  	v14 =	vmin.f32 v8, $0.0e+00;
	v24 =	vmul.f32 $1.442695020e+00, v24;
	v18 =	vadd.f32 v18, v0  }
0x589: {  	v14 =	vmul.f32 $1.442695020e+00, v14;
	v7 =	vsel vm5, v7, v26;
	(erf) = vpow2.f32 v11;
	v22 =	vpop (erf)  }
0x58a: {  	v4 =	vsel vm7, v4, v15;
	v23 =	vadd.f32 $-1.000000000e+00, v23;
	v11 =	vmin.f32 v18, $0.0e+00;
	v15 =	vpop (erf)  }
.Ltmp42:
0x58b: {  	v26 =	vadd.f32 v12, v0;
	v27 =	vadd.f32 $-1.000000000e+00, v22;
	(erf) = vpow2.f32 v14;
	[tilespmem:s0+$0xFFFFFFD0] =	vst v4;
	v22 =	vpop (erf);
	(pc) =	sbr.rel @p0 .LBB2_62-.Ltmp42, $4  }
0x58c: {  	v23 =	vsel vm2, v2, v23;
	v2 =	vmovc v10;
	v14 =	vmin.f32 v9, $0.0e+00;
	v12 =	vmul.f32 v25, v1;
	[tilespmem:s0+$0x0] =	vst v7  }
0x58d: {  	v10 =	vmin.f32 v26, $0.0e+00;
	v4 =	vmovc v16;
	v27 =	vsel vm6, v5, v27;
	v25 =	vadd.f32 $-1.000000000e+00, v15;
	v7 =	vmovc v18  }
0x58e: {  	v10 =	vmul.f32 $1.442695020e+00, v10;
	v15 =	vadd.f32 $-1.000000000e+00, v22;
	v5 =	vmovc v26;
	(erf) = vpow2.f32 v24;
	[tilespmem:s0+$0xFFFFFFE0] =	vst v27  }
0x58f: {  	s13 =	sadd.s32 $0x400, s13;
	v16 =	vsel vm3, v17, v13;
	v13 =	vsel vm1, v20, v21;
	v17 =	vsel vm4, v19, v25;
	[tilespmem:s0+$0xFFFFFFC0] =	vst v23  }
0x590: {  	v1 =	vmin.f32 v2, $0.0e+00;
	v11 =	vmul.f32 $1.442695020e+00, v11  }
0x591: {  	v0 =	vadd.f32 v12, v0;
	v1 =	vmul.f32 $1.442695020e+00, v1  }
0x592: {  	(erf) = vpow2.f32 v11  }
0x593: {  	v45 =	vmul.f32 $1.442695020e+00, v14;
	v46 =	vmin.f32 v0, $0.0e+00;
	(erf) = vpow2.f32 v1  }
0x594: {  	(erf) = vpow2.f32 v10;
	v10 =	vmul.f32 $1.442695020e+00, v46  }
0x595: {  	(erf) = vpow2.f32 v45  }
0x596: {  	v47 =	vpop (erf);
	(erf) = vpow2.f32 v10;
	_ =	sdelay $0x1  }
0x597: {  	[tilespmem:s30+$0x10] =	vst v17  }
0x598: {  	[tilespmem:s30+$0xFFFFFFF0] =	vst v16;
	v1 =	vadd.f32 $-1.000000000e+00, v47;
	v48 =	vpop (erf)  }
0x599: {  	v3 =	vsel vm0, v3, v15;
	[tilespmem:s30+$0x20] =	vst v13;
	vm15 =	vgt.f32 v6, $0.0e+00;
	v59 =	vadd.f32 $-1.000000000e+00, v48;
	v49 =	vpop (erf)  }
0x59a: {  	s0 =	sadd.s32 $0x400, s0;
	vm13 =	vgt.f32 v8, $0.0e+00;
	[tilespmem:s30+$0x30] =	vst v3;
	v1 =	vsel vm15, v6, v1;
	v11 =	vadd.f32 $-1.000000000e+00, v49;
	v50 =	vpop (erf)  }
0x59b: {  	vm9 =	vgt.f32 v4, $0.0e+00;
	[tilespmem:s0+$0x20] =	vst v1;
	v63 =	vsel vm13, v8, v59;
	v51 =	vpop (erf);
	v52 =	vadd.f32 $-1.000000000e+00, v50  }
0x59c: {  	vm1 =	vgt.f32 v7, $0.0e+00;
	[tilespmem:s0+$0xFFFFFFF0] =	vst v63;
	v4 =	vsel vm9, v4, v11;
	v53 =	vpop (erf);
	v55 =	vadd.f32 $-1.000000000e+00, v51  }
0x59d: {  	vm11 =	vgt.f32 v2, $0.0e+00;
	[tilespmem:s0+$0xFFFFFFD0] =	vst v4;
	v54 =	vadd.f32 $-1.000000000e+00, v53;
	v3 =	vsel vm1, v7, v52;
	v56 =	vpop (erf)  }
.Ltmp43:
0x59e: {  	vm10 =	vgt.f32 v5, $0.0e+00;
	[tilespmem:s0+$0x0] =	vst v3;
	v58 =	vadd.f32 $-1.000000000e+00, v56;
	v60 =	vpop (erf);
	v2 =	vsel vm11, v2, v55;
	(pc) =	sbr.rel .LBB2_67-.Ltmp43, $4  }
0x59f: {  	vm12 =	vgt.f32 v9, $0.0e+00;
	v57 =	vsel vm10, v5, v54;
	v61 =	vadd.f32 $-1.000000000e+00, v60;
	[tilespmem:s0+$0xFFFFFFC0] =	vst v2  }
0x5a0: {  	vm14 =	vgt.f32 v0, $0.0e+00;
	[tilespmem:s0+$0xFFFFFFE0] =	vst v57;
	v62 =	vsel vm12, v9, v58  }
0x5a1: {  	[tilespmem:s0+$0x10] =	vst v62;
	v0 =	vsel vm14, v0, v61  }
0x5a2: {  	[tilespmem:s0+$0x30] =	vst v0  }
.LBB2_42:
0x5a3: {  	v2 =	vld [tilespmem:s31+$0xFFFFFFE0]  }
0x5a4: {  	v3 =	vld [tilespmem:s31+$0x20];
	_ =	sdelay $0x3  }
0x5a5: {  	v5 =	vld [tilespmem:s31+$0x0];
	v2 =	vmul.f32 v2, v1  }
0x5a6: {  	v7 =	vld [tilespmem:s31+$0x30];
	v3 =	vmul.f32 v3, v1  }
0x5a7: {  	v8 =	vld [tilespmem:s31+$0xFFFFFFF0];
	v2 =	vadd.f32 v2, v0  }
0x5a8: {  	v10 =	vld [tilespmem:s31+$0xFFFFFFD0];
	v3 =	vadd.f32 v3, v0  }
0x5a9: {  	v4 =	vmul.f32 v2, v2  }
0x5aa: {  	v13 =	vld [tilespmem:s31+$0x10];
	v5 =	vmul.f32 v5, v1;
	v6 =	vmul.f32 v3, v3  }
0x5ab: {  	v9 =	vmul.f32 v7, v1;
	v4 =	vmul.f32 v4, v2  }
0x5ac: {  	v8 =	vmul.f32 v8, v1;
	v6 =	vmul.f32 v6, v3  }
0x5ad: {  	v10 =	vmul.f32 v10, v1;
	v4 =	vmul.f32 $4.471499850e-02, v4  }
0x5ae: {  	v5 =	vadd.f32 v5, v0;
	v9 =	vadd.f32 v9, v0;
	v6 =	vmul.f32 $4.471499850e-02, v6  }
0x5af: {  	v13 =	vmul.f32 v13, v1;
	v10 =	vadd.f32 v10, v0;
	v4 =	vadd.f32 v4, v2  }
0x5b0: {  	v11 =	vmul.f32 v5, v5;
	v7 =	vmul.f32 $5.000000000e-01, v5;
	v6 =	vadd.f32 v6, v3  }
0x5b1: {  	v13 =	vadd.f32 v13, v0;
	v16 =	vmul.f32 $5.000000000e-01, v2;
	v4 =	vmul.f32 $7.978845830e-01, v4  }
0x5b2: {  	v15 =	vmul.f32 v9, v9;
	v6 =	vmul.f32 $7.978845830e-01, v6  }
0x5b3: {  	v20 =	vmul.f32 $5.000000000e-01, v10;
	v18 =	vmul.f32 $5.000000000e-01, v13;
	v12 =	vand.u32 $0x7FFFFFFF, v4  }
0x5b4: {  	v11 =	vmul.f32 v11, v5;
	v2 =	vmul.f32 $-2.000000000e+00, v12;
	v12 =	vand.u32 $0x7FFFFFFF, v6  }
0x5b5: {  	v14 =	vld [tilespmem:s31+$0xFFFFFFC0];
	v22 =	vmul.f32 v13, v13;
	v12 =	vmul.f32 $-2.000000000e+00, v12  }
0x5b6: {  	v8 =	vadd.f32 v8, v0;
	v11 =	vmul.f32 $4.471499850e-02, v11;
	v2 =	vmul.f32 $1.442695020e+00, v2  }
0x5b7: {  	v22 =	vmul.f32 v22, v13;
	v12 =	vmul.f32 $1.442695020e+00, v12  }
0x5b8: {  	v5 =	vadd.f32 v11, v5;
	v11 =	vmul.f32 v8, v8;
	(erf) = vpow2.f32 v2  }
0x5b9: {  	v3 =	vmul.f32 $5.000000000e-01, v3;
	(erf) = vpow2.f32 v12  }
0x5ba: {  	v17 =	vmul.f32 $7.978845830e-01, v5;
	v12 =	vmul.f32 v14, v1  }
0x5bb: {  	s13 =	sadd.s32 $0x400, s31;
	vm0 =	vlt.f32 v4, $0.0e+00;
	v14 =	vmul.f32 v15, v9;
	v15 =	vmul.f32 v10, v10  }
0x5bc: {  	v11 =	vmul.f32 v11, v8;
	vm1 =	vmmov vm0;
	vm0 =	vlt.f32 v6, $0.0e+00;
	v6 =	vld [tilespmem:s13+$0x30]  }
0x5bd: {  	v21 =	vand.u32 $0x7FFFFFFF, v17;
	v15 =	vmul.f32 v15, v10;
	v12 =	vadd.f32 v12, v0  }
0x5be: {  	v11 =	vmul.f32 $4.471499850e-02, v11;
	v21 =	vmul.f32 $-2.000000000e+00, v21  }
0x5bf: {  	v15 =	vmul.f32 $4.471499850e-02, v15;
	v5 =	vmul.f32 v12, v12  }
0x5c0: {  	v21 =	vmul.f32 $1.442695020e+00, v21;
	v2 =	vmul.f32 $5.000000000e-01, v8  }
0x5c1: {  	v6 =	vmul.f32 v6, v1;
	v5 =	vmul.f32 v5, v12;
	v10 =	vadd.f32 v15, v10;
	v19 =	vpop (erf)  }
0x5c2: {  	v8 =	vadd.f32 v11, v8;
	v14 =	vmul.f32 $4.471499850e-02, v14;
	v15 =	vmul.f32 $4.471499850e-02, v22;
	v23 =	vpop (erf)  }
0x5c3: {  	v5 =	vmul.f32 $4.471499850e-02, v5;
	v10 =	vmul.f32 $7.978845830e-01, v10;
	v24 =	vadd.f32 $1.000000000e+00, v23  }
0x5c4: {  	v8 =	vmul.f32 $7.978845830e-01, v8;
	v14 =	vadd.f32 v14, v9;
	v13 =	vadd.f32 v15, v13  }
0x5c5: {  	v5 =	vadd.f32 v5, v12;
	v15 =	vand.u32 $0x7FFFFFFF, v10;
	(erf) = vrcp.f32 v24  }
0x5c6: {  	v14 =	vmul.f32 $7.978845830e-01, v14;
	v4 =	vmul.f32 $-2.000000000e+00, v15  }
0x5c7: {  	v5 =	vmul.f32 $7.978845830e-01, v5;
	(erf) = vpow2.f32 v21  }
0x5c8: {  	v11 =	vadd.f32 $1.000000000e+00, v19;
	v13 =	vmul.f32 $7.978845830e-01, v13;
	v21 =	vand.u32 $0x7FFFFFFF, v14  }
0x5c9: {  	v4 =	vmul.f32 $1.442695020e+00, v4;
	v15 =	vmul.f32 $-2.000000000e+00, v21;
	v21 =	vand.u32 $0x7FFFFFFF, v5  }
0x5ca: {  	(erf) = vrcp.f32 v11;
	v11 =	vmul.f32 $-2.000000000e+00, v21;
	v21 =	vand.u32 $0x7FFFFFFF, v13  }
0x5cb: {  	vm2 =	vlt.f32 v10, $0.0e+00;
	v10 =	vld [tilespmem:s13+$0x10];
	v15 =	vmul.f32 $1.442695020e+00, v15;
	v21 =	vmul.f32 $-2.000000000e+00, v21  }
0x5cc: {  	v26 =	vld [tilespmem:s13+$0xFFFFFFE0];
	(erf) = vpow2.f32 v4;
	v4 =	vmul.f32 $1.442695020e+00, v11  }
0x5cd: {  	v22 =	vsub.f32 $1.000000000e+00, v23;
	v24 =	vld [tilespmem:s13+$0x0];
	(erf) = vpow2.f32 v15;
	v21 =	vmul.f32 $1.442695020e+00, v21  }
0x5ce: {  	v23 =	vand.u32 $0x7FFFFFFF, v8;
	(erf) = vpow2.f32 v4;
	v4 =	vmul.f32 $5.000000000e-01, v9;
	v9 =	vld [tilespmem:s13+$0x20];
	v11 =	vpop (erf)  }
0x5cf: {  	v11 =	vmul.f32 v11, v22;
	v22 =	vmul.f32 $-2.000000000e+00, v23  }
0x5d0: {  	v19 =	vsub.f32 $1.000000000e+00, v19;
	vm3 =	vlt.f32 v5, $0.0e+00;
	v34 =	vmul.f32 v10, v1;
	v15 =	vpop (erf)  }
0x5d1: {  	(erf) = vpow2.f32 v21;
	v25 =	vsub.f32 $1.000000000e+00, v15;
	v21 =	vmul.f32 $1.442695020e+00, v22  }
0x5d2: {  	v15 =	vadd.f32 $1.000000000e+00, v15;
	v22 =	vmul.f32 $5.000000000e-01, v12;
	v12 =	vmul.f32 v24, v1  }
0x5d3: {  	v5 =	vpop (erf);
	v23 =	vsub.f32 $0.0e+00, v11;
	v24 =	vmul.f32 v26, v1;
	v9 =	vmul.f32 v9, v1  }
0x5d4: {  	(erf) = vrcp.f32 v15;
	v15 =	vmul.f32 v5, v19  }
0x5d5: {  	v26 =	vld [tilespmem:s13+$0xFFFFFFC0];
	v11 =	vsel vm0, v23, v11;
	v12 =	vadd.f32 v12, v0;
	v19 =	vadd.f32 v24, v0  }
0x5d6: {  	vm0 =	vlt.f32 v8, $0.0e+00;
	v8 =	vadd.f32 v6, v0;
	v6 =	vld [tilespmem:s13+$0xFFFFFFF0];
	v9 =	vadd.f32 v9, v0  }
0x5d7: {  	v11 =	vadd.f32 $1.000000000e+00, v11;
	v27 =	vmul.f32 v12, v12;
	v5 =	vmul.f32 $5.000000000e-01, v12  }
0x5d8: {  	v29 =	vmul.f32 v19, v19;
	v10 =	vmul.f32 v9, v9  }
0x5d9: {  	vm5 =	vlt.f32 v17, $0.0e+00;
	v23 =	vmul.f32 v11, v3;
	v3 =	vmul.f32 $5.000000000e-01, v19  }
0x5da: {  	vm4 =	vlt.f32 v14, $0.0e+00;
	v26 =	vmul.f32 v26, v1;
	v29 =	vmul.f32 v29, v19  }
0x5db: {  	vm15 =	vlt.f32 v13, $0.0e+00;
	v10 =	vmul.f32 v10, v9;
	v11 =	vpop (erf);
	v6 =	vmul.f32 v6, v1  }
0x5dc: {  	v27 =	vmul.f32 v27, v12;
	v24 =	vadd.f32 $1.000000000e+00, v11;
	v28 =	vpop (erf);
	v29 =	vmul.f32 $4.471499850e-02, v29  }
0x5dd: {  	v10 =	vmul.f32 $4.471499850e-02, v10;
	v30 =	vpop (erf);
	v31 =	vadd.f32 $1.000000000e+00, v28;
	v17 =	vadd.f32 v6, v0  }
0x5de: {  	v32 =	vpop (erf);
	v33 =	vadd.f32 $1.000000000e+00, v30;
	(erf) = vrcp.f32 v24;
	v19 =	vadd.f32 v29, v19  }
0x5df: {  	v29 =	vmul.f32 v8, v8;
	v6 =	vadd.f32 v10, v9;
	(erf) = vrcp.f32 v31;
	v14 =	vpop (erf)  }
0x5e0: {  	v24 =	vld [tilespmem:s13+$0xFFFFFFD0];
	v14 =	vmul.f32 v14, v25;
	v25 =	vsub.f32 $1.000000000e+00, v28;
	v28 =	vmul.f32 $7.978845830e-01, v19  }
0x5e1: {  	v35 =	vadd.f32 $1.000000000e+00, v32;
	v19 =	vmul.f32 $4.471499850e-02, v27;
	v27 =	vmul.f32 v29, v8  }
0x5e2: {  	v44 =	vsub.f32 $1.000000000e+00, v11;
	(erf) = vrcp.f32 v33;
	v11 =	vmul.f32 $7.978845830e-01, v6  }
0x5e3: {  	(erf) = vrcp.f32 v35;
	v10 =	vand.u32 $0x7FFFFFFF, v28;
	v6 =	vsub.f32 $0.0e+00, v14  }
0x5e4: {  	(erf) = vpow2.f32 v21;
	v45 =	vand.u32 $0x7FFFFFFF, v11;
	v27 =	vmul.f32 $4.471499850e-02, v27  }
0x5e5: {  	v12 =	vadd.f32 v19, v12;
	v24 =	vmul.f32 v24, v1;
	v29 =	vmul.f32 $-2.000000000e+00, v10  }
0x5e6: {  	v10 =	vmul.f32 $5.000000000e-01, v17;
	v33 =	vmul.f32 $-2.000000000e+00, v45;
	v14 =	vsel vm5, v6, v14  }
0x5e7: {  	v12 =	vmul.f32 $7.978845830e-01, v12;
	v24 =	vadd.f32 v24, v0;
	v29 =	vmul.f32 $1.442695020e+00, v29  }
0x5e8: {  	v47 =	vadd.f32 $1.000000000e+00, v14;
	v14 =	vadd.f32 v26, v0;
	v48 =	vmul.f32 $1.442695020e+00, v33  }
0x5e9: {  	v36 =	vsub.f32 $0.0e+00, v15;
	v6 =	vmul.f32 $5.000000000e-01, v24;
	v13 =	vmul.f32 v24, v24  }
0x5ea: {  	v49 =	vadd.f32 v34, v0;
	v21 =	vpop (erf);
	v26 =	vmul.f32 v47, v7;
	v51 =	vmul.f32 v14, v14  }
0x5eb: {  	v59 =	vsel vm1, v36, v15;
	v46 =	vpop (erf);
	(erf) = vpow2.f32 v29;
	v29 =	vmul.f32 v17, v17  }
0x5ec: {  	v30 =	vsub.f32 $1.000000000e+00, v30;
	v21 =	vmul.f32 v21, v44;
	v25 =	vmul.f32 v46, v25  }
0x5ed: {  	v32 =	vsub.f32 $1.000000000e+00, v32;
	v13 =	vmul.f32 v13, v24;
	v7 =	vpop (erf);
	(erf) = vpow2.f32 v48  }
0x5ee: {  	v27 =	vadd.f32 v27, v8;
	v34 =	vmul.f32 v51, v14;
	v30 =	vmul.f32 v7, v30  }
0x5ef: {  	v19 =	vsub.f32 $0.0e+00, v21;
	v50 =	vpop (erf);
	v7 =	vmul.f32 $5.000000000e-01, v49;
	v29 =	vmul.f32 v29, v17  }
0x5f0: {  	v13 =	vmul.f32 $4.471499850e-02, v13;
	v52 =	vsub.f32 $0.0e+00, v25;
	v31 =	vmul.f32 v50, v32  }
0x5f1: {  	v53 =	vpop (erf);
	v34 =	vmul.f32 $4.471499850e-02, v34;
	v19 =	vsel vm2, v19, v21;
	v21 =	vmul.f32 $4.471499850e-02, v29  }
0x5f2: {  	v29 =	vand.u32 $0x7FFFFFFF, v12;
	v32 =	vsub.f32 $1.000000000e+00, v53;
	v24 =	vadd.f32 v13, v24  }
0x5f3: {  	v13 =	vmul.f32 $7.978845830e-01, v27;
	v27 =	vadd.f32 $1.000000000e+00, v19;
	v19 =	vadd.f32 $1.000000000e+00, v53  }
0x5f4: {  	vm2 =	vlt.f32 v28, $0.0e+00;
	v56 =	vsub.f32 $0.0e+00, v30;
	v25 =	vsel vm4, v52, v25  }
0x5f5: {  	v54 =	vsub.f32 $0.0e+00, v31;
	v29 =	vmul.f32 $-2.000000000e+00, v29;
	(erf) = vrcp.f32 v19  }
0x5f6: {  	v55 =	vadd.f32 v34, v14;
	v17 =	vadd.f32 v21, v17;
	v21 =	vmul.f32 v49, v49  }
0x5f7: {  	v30 =	vsel vm3, v56, v30;
	v19 =	vmul.f32 $7.978845830e-01, v24;
	v29 =	vmul.f32 $1.442695020e+00, v29;
	v37 =	vpop (erf)  }
0x5f8: {  	v39 =	vand.u32 $0x7FFFFFFF, v13;
	v27 =	vmul.f32 v27, v20;
	v21 =	vmul.f32 v21, v49;
	v40 =	vpop (erf)  }
0x5f9: {  	v20 =	vadd.f32 $1.000000000e+00, v59;
	v17 =	vmul.f32 $7.978845830e-01, v17;
	v24 =	vadd.f32 $1.000000000e+00, v40  }
0x5fa: {  	v28 =	vsel vm15, v54, v31;
	v58 =	vmul.f32 $-2.000000000e+00, v39;
	v41 =	vmul.f32 $4.471499850e-02, v21  }
0x5fb: {  	v57 =	vand.u32 $0x7FFFFFFF, v19;
	v16 =	vmul.f32 v20, v16;
	(erf) = vrcp.f32 v24  }
0x5fc: {  	v38 =	vadd.f32 $1.000000000e+00, v37;
	v15 =	vadd.f32 v41, v49;
	(erf) = vpow2.f32 v29  }
0x5fd: {  	v28 =	vadd.f32 $1.000000000e+00, v28;
	v21 =	vmul.f32 $7.978845830e-01, v55;
	v35 =	vmul.f32 $-2.000000000e+00, v57  }
0x5fe: {  	v30 =	vadd.f32 $1.000000000e+00, v30;
	v15 =	vmul.f32 $7.978845830e-01, v15;
	v29 =	vpop (erf);
	(erf) = vrcp.f32 v38  }
0x5ff: {  	v31 =	vmul.f32 $1.442695020e+00, v58;
	v20 =	vsub.f32 $1.000000000e+00, v37;
	v28 =	vmul.f32 v28, v18  }
0x600: {  	v18 =	vadd.f32 $1.000000000e+00, v25;
	v62 =	vand.u32 $0x7FFFFFFF, v15;
	v29 =	vmul.f32 v29, v32  }
0x601: {  	[tilespmem:s30+$0x20] =	vst v23;
	v60 =	vand.u32 $0x7FFFFFFF, v21;
	v61 =	vmul.f32 $1.442695020e+00, v35;
	v23 =	vmul.f32 $-2.000000000e+00, v62  }
0x602: {  	[tilespmem:s30+$0x0] =	vst v26;
	v24 =	vand.u32 $0x7FFFFFFF, v17;
	v33 =	vmul.f32 $-2.000000000e+00, v60;
	v63 =	vsub.f32 $0.0e+00, v29  }
0x603: {  	[tilespmem:s30+$0xFFFFFFD0] =	vst v27;
	(erf) = vpow2.f32 v61;
	v26 =	vmul.f32 $1.442695020e+00, v23;
	v23 =	vsub.f32 $1.000000000e+00, v40  }
0x604: {  	s0 =	sadd.s32 $0x400, s30;
	[tilespmem:s30+$0xFFFFFFE0] =	vst v16;
	v27 =	vmul.f32 $1.442695020e+00, v33;
	v29 =	vsel vm0, v63, v29;
	v16 =	vpop (erf);
	(erf) = vpow2.f32 v31  }
0x605: {  	s2 =	simm.s32 $0x8;
	s31 =	smov.u32 s0;
	s13 =	sadd.s32 $0x400, s13;
	[tilespmem:s30+$0x10] =	vst v28;
	v23 =	vmul.f32 v16, v23;
	v25 =	vpop (erf);
	v16 =	vmul.f32 v30, v22;
	v22 =	vadd.f32 $1.000000000e+00, v29  }
.LBB2_43:
0x606: {  	v29 =	vsub.f32 $1.000000000e+00, v25  }
0x607: {  	v28 =	vld [tilespmem:s13+$0x0];
	s2 =	sadd.s32 $0x8, s2;
	s0 =	sadd.s32 $0x400, s0;
	(erf) = vpow2.f32 v27;
	v27 =	vpop (erf);
	v18 =	vmul.f32 v18, v4;
	vm0 =	vmmov vm2  }
0x608: {  	v24 =	vmul.f32 $-2.000000000e+00, v24;
	v4 =	vmul.f32 $5.000000000e-01, v8;
	v30 =	vld [tilespmem:s13+$0xFFFFFFE0];
	p0 =	slt.u32 s2, $0x38;
	v31 =	vsub.f32 $0.0e+00, v23;
	[tilespmem:s30+$0xFFFFFFC0] =	vst v16  }
0x609: {  	vm1 =	vlt.f32 v11, $0.0e+00;
	v11 =	vmul.f32 v22, v2;
	v2 =	vmovc v10;
	v8 =	vld [tilespmem:s13+$0x20];
	(erf) = vpow2.f32 v26;
	[tilespmem:s30+$0x30] =	vst v18  }
0x60a: {  	v24 =	vmul.f32 $1.442695020e+00, v24;
	v18 =	vadd.f32 $1.000000000e+00, v25;
	v10 =	vld [tilespmem:s13+$0x30];
	v22 =	vsel vm1, v31, v23  }
0x60b: {  	v9 =	vmul.f32 $5.000000000e-01, v9;
	v16 =	vmul.f32 $5.000000000e-01, v14;
	v23 =	vld [tilespmem:s13+$0xFFFFFFF0];
	v26 =	vadd.f32 $1.000000000e+00, v22;
	[tilespmem:s30+$0xFFFFFFF0] =	vst v11;
	s30 =	smov.u32 s31;
	s31 =	smov.u32 s0  }
0x60c: {  	vm3 =	vlt.f32 v21, $0.0e+00;
	v11 =	vmul.f32 v28, v1;
	v22 =	vld [tilespmem:s13+$0x10];
	v21 =	vpop (erf);
	(erf) = vrcp.f32 v18  }
0x60d: {  	vm2 =	vlt.f32 v19, $0.0e+00;
	v25 =	vld [tilespmem:s13+$0xFFFFFFC0];
	v18 =	vmul.f32 v30, v1;
	v9 =	vmul.f32 v26, v9  }
0x60e: {  	v20 =	vmul.f32 v27, v20;
	v19 =	vadd.f32 v11, v0;
	v11 =	vmul.f32 v8, v1;
	v14 =	vpop (erf)  }
0x60f: {  	v26 =	vadd.f32 v18, v0;
	v8 =	vmul.f32 v10, v1;
	v10 =	vadd.f32 $1.000000000e+00, v21;
	[tilespmem:s30+$0x20] =	vst v9  }
0x610: {  	vm1 =	vlt.f32 v17, $0.0e+00;
	v9 =	vmul.f32 v19, v19;
	v27 =	vmul.f32 $5.000000000e-01, v19;
	v17 =	vpop (erf)  }
0x611: {  	v28 =	vld [tilespmem:s13+$0xFFFFFFD0];
	v30 =	vmul.f32 v26, v26;
	v18 =	vmul.f32 $5.000000000e-01, v26;
	v8 =	vadd.f32 v8, v0  }
0x612: {  	v31 =	vmul.f32 v9, v19;
	v9 =	vadd.f32 v11, v0;
	v11 =	vadd.f32 $1.000000000e+00, v14;
	v32 =	vpop (erf)  }
0x613: {  	v33 =	vadd.f32 $1.000000000e+00, v17;
	v30 =	vmul.f32 v30, v26;
	(erf) = vrcp.f32 v10  }
0x614: {  	v34 =	vmul.f32 v22, v1;
	v35 =	vadd.f32 $1.000000000e+00, v32;
	v10 =	vmul.f32 v9, v9  }
0x615: {  	v22 =	vsub.f32 $0.0e+00, v20;
	v25 =	vmul.f32 v25, v1;
	v30 =	vmul.f32 $4.471499850e-02, v30;
	v36 =	vpop (erf)  }
0x616: {  	vm4 =	vlt.f32 v13, $0.0e+00;
	v10 =	vmul.f32 v10, v9;
	(erf) = vrcp.f32 v11  }
0x617: {  	v13 =	vmul.f32 v23, v1;
	v23 =	vmul.f32 v8, v8;
	v11 =	vadd.f32 v30, v26  }
0x618: {  	v14 =	vsub.f32 $1.000000000e+00, v14;
	v26 =	vmul.f32 v36, v29;
	v10 =	vmul.f32 $4.471499850e-02, v10  }
0x619: {  	vm5 =	vlt.f32 v12, $0.0e+00;
	v28 =	vmul.f32 v28, v1;
	v29 =	vmul.f32 $7.978845830e-01, v11  }
0x61a: {  	v12 =	vmul.f32 $4.471499850e-02, v31;
	v30 =	vadd.f32 v13, v0;
	v11 =	vadd.f32 v10, v9  }
0x61b: {  	v13 =	vmul.f32 v23, v8;
	v10 =	vand.u32 $0x7FFFFFFF, v29;
	(erf) = vrcp.f32 v33  }
0x61c: {  	v21 =	vsub.f32 $1.000000000e+00, v21;
	v23 =	vmul.f32 $-2.000000000e+00, v10;
	v10 =	vmul.f32 $5.000000000e-01, v30;
	v31 =	vpop (erf)  }
0x61d: {  	v36 =	vsub.f32 $0.0e+00, v26;
	v11 =	vmul.f32 $7.978845830e-01, v11;
	(erf) = vrcp.f32 v35  }
0x61e: {  	v28 =	vadd.f32 v28, v0;
	v23 =	vmul.f32 $1.442695020e+00, v23;
	(erf) = vpow2.f32 v24  }
0x61f: {  	v13 =	vmul.f32 $4.471499850e-02, v13;
	v26 =	vsel vm5, v36, v26;
	v24 =	vand.u32 $0x7FFFFFFF, v11;
	v33 =	vpop (erf)  }
0x620: {  	vm5 =	vlt.f32 v15, $0.0e+00;
	v35 =	vmul.f32 $5.000000000e-01, v28;
	(erf) = vpow2.f32 v23  }
0x621: {  	v15 =	vmul.f32 v28, v28;
	v13 =	vadd.f32 v13, v8;
	v23 =	vmul.f32 v33, v14  }
0x622: {  	v17 =	vsub.f32 $1.000000000e+00, v17;
	v26 =	vadd.f32 $1.000000000e+00, v26;
	v33 =	vmul.f32 v30, v30  }
0x623: {  	v21 =	vmul.f32 v31, v21;
	v24 =	vmul.f32 $-2.000000000e+00, v24;
	v14 =	vadd.f32 v25, v0  }
0x624: {  	v15 =	vmul.f32 v15, v28;
	v25 =	vmul.f32 v26, v5;
	v26 =	vsub.f32 $1.000000000e+00, v32;
	v5 =	vpop (erf)  }
0x625: {  	v31 =	vadd.f32 v34, v0;
	v24 =	vmul.f32 $1.442695020e+00, v24;
	v32 =	vmul.f32 v5, v17;
	v5 =	vmovc v27  }
0x626: {  	v12 =	vadd.f32 v12, v19;
	v15 =	vmul.f32 $4.471499850e-02, v15;
	v17 =	vsub.f32 $0.0e+00, v21;
	[tilespmem:s30+$0x0] =	vst v25;
	v19 =	vpop (erf)  }
0x627: {  	v34 =	vsub.f32 $0.0e+00, v23;
	v27 =	vmul.f32 $5.000000000e-01, v31;
	v25 =	vmul.f32 v14, v14;
	v36 =	vpop (erf)  }
0x628: {  	v15 =	vadd.f32 v15, v28;
	(erf) = vpow2.f32 v24;
	v24 =	vmul.f32 v19, v26  }
0x629: {  	v12 =	vmul.f32 $7.978845830e-01, v12;
	v17 =	vsel vm2, v17, v21;
	v19 =	vmul.f32 v33, v30;
	v26 =	vpop (erf)  }
0x62a: {  	v13 =	vmul.f32 $7.978845830e-01, v13;
	v28 =	vadd.f32 $1.000000000e+00, v17;
	v17 =	vadd.f32 $1.000000000e+00, v36  }
0x62b: {  	v21 =	vand.u32 $0x7FFFFFFF, v12;
	v33 =	vadd.f32 $1.000000000e+00, v26;
	v19 =	vmul.f32 $4.471499850e-02, v19  }
0x62c: {  	v37 =	vand.u32 $0x7FFFFFFF, v13;
	v25 =	vmul.f32 v25, v14;
	(erf) = vrcp.f32 v17  }
0x62d: {  	v38 =	vsub.f32 $0.0e+00, v24;
	v17 =	vadd.f32 v19, v30;
	v30 =	vmul.f32 v31, v31  }
0x62e: {  	v21 =	vmul.f32 $-2.000000000e+00, v21;
	v36 =	vsub.f32 $1.000000000e+00, v36;
	v25 =	vmul.f32 $4.471499850e-02, v25  }
0x62f: {  	v23 =	vsel vm4, v34, v23;
	v19 =	vmul.f32 $7.978845830e-01, v15;
	v17 =	vmul.f32 $7.978845830e-01, v17  }
0x630: {  	vm2 =	vlt.f32 v29, $0.0e+00;
	v29 =	vsel vm5, v38, v24;
	v15 =	vmul.f32 v30, v31  }
0x631: {  	v24 =	vadd.f32 v25, v14;
	v25 =	vand.u32 $0x7FFFFFFF, v19;
	v30 =	vmul.f32 $1.442695020e+00, v21;
	v34 =	vpop (erf)  }
0x632: {  	v39 =	vsub.f32 $0.0e+00, v32;
	v15 =	vmul.f32 $4.471499850e-02, v15;
	v38 =	vadd.f32 $1.000000000e+00, v34  }
0x633: {  	v37 =	vmul.f32 $-2.000000000e+00, v37;
	v21 =	vmul.f32 $7.978845830e-01, v24;
	v24 =	vand.u32 $0x7FFFFFFF, v17  }
0x634: {  	v20 =	vsel vm0, v22, v20;
	v32 =	vsel vm3, v39, v32;
	(erf) = vrcp.f32 v38  }
0x635: {  	v22 =	vmul.f32 $-2.000000000e+00, v25;
	v15 =	vadd.f32 v15, v31;
	(erf) = vpow2.f32 v30;
	v25 =	vpop (erf)  }
0x636: {  	v30 =	vand.u32 $0x7FFFFFFF, v21;
	(erf) = vrcp.f32 v33;
	v25 =	vmul.f32 v25, v36  }
0x637: {  	v28 =	vmul.f32 v28, v6;
	v6 =	vmovc v35;
	v31 =	vadd.f32 $1.000000000e+00, v32;
	v15 =	vmul.f32 $7.978845830e-01, v15  }
0x638: {  	v20 =	vadd.f32 $1.000000000e+00, v20;
	v22 =	vmul.f32 $1.442695020e+00, v22;
	v32 =	vmul.f32 $1.442695020e+00, v37  }
0x639: {  	v30 =	vmul.f32 $-2.000000000e+00, v30;
	v33 =	vand.u32 $0x7FFFFFFF, v15;
	[tilespmem:s30+$0xFFFFFFD0] =	vst v28;
	v28 =	vadd.f32 $1.000000000e+00, v29  }
.Ltmp44:
0x63a: {  	v35 =	vsub.f32 $0.0e+00, v25;
	v29 =	vmul.f32 $-2.000000000e+00, v33;
	v33 =	vmul.f32 v20, v3;
	v3 =	vmovc v18;
	(pc) =	sbr.rel @p0 .LBB2_43-.Ltmp44, $4  }
0x63b: {  	v20 =	vsub.f32 $1.000000000e+00, v26;
	(erf) = vpow2.f32 v22;
	v28 =	vmul.f32 v28, v7;
	v7 =	vmovc v27  }
0x63c: {  	v18 =	vadd.f32 $1.000000000e+00, v23;
	v26 =	vmul.f32 $1.442695020e+00, v29;
	v22 =	vsub.f32 $1.000000000e+00, v34;
	[tilespmem:s30+$0xFFFFFFE0] =	vst v33  }
0x63d: {  	v27 =	vmul.f32 $1.442695020e+00, v30;
	v29 =	vsel vm1, v35, v25;
	v23 =	vpop (erf);
	(erf) = vpow2.f32 v32  }
0x63e: {  	s13 =	sadd.s32 $0x400, s13;
	v16 =	vmul.f32 v31, v16;
	v23 =	vmul.f32 v23, v22;
	v25 =	vpop (erf);
	v22 =	vadd.f32 $1.000000000e+00, v29;
	[tilespmem:s30+$0x10] =	vst v28  }
0x63f: {  	(erf) = vpow2.f32 v27  }
0x640: {  	(erf) = vpow2.f32 v26;
	_ =	sdelay $0x4  }
0x641: {  	v0 =	vpop (erf)  }
0x642: {  	v1 =	vadd.f32 $1.000000000e+00, v25;
	v57 =	vpop (erf)  }
0x643: {  	v28 =	vadd.f32 $1.000000000e+00, v57;
	v58 =	vpop (erf)  }
0x644: {  	(erf) = vrcp.f32 v1;
	v29 =	vadd.f32 $1.000000000e+00, v58;
	v59 =	vpop (erf)  }
0x645: {  	v24 =	vmul.f32 $-2.000000000e+00, v24;
	(erf) = vrcp.f32 v28;
	v30 =	vpop (erf);
	v31 =	vadd.f32 $1.000000000e+00, v59  }
0x646: {  	(erf) = vrcp.f32 v29;
	v60 =	vadd.f32 $1.000000000e+00, v30  }
0x647: {  	v24 =	vmul.f32 $1.442695020e+00, v24;
	(erf) = vrcp.f32 v31  }
0x648: {  	(erf) = vrcp.f32 v60  }
0x649: {  	(erf) = vpow2.f32 v24;
	_ =	sdelay $0x3  }
0x64a: {  	v61 =	vpop (erf)  }
0x64b: {  	v62 =	vpop (erf)  }
0x64c: {  	v29 =	vpop (erf)  }
0x64d: {  	v32 =	vpop (erf)  }
0x64e: {  	v63 =	vsub.f32 $1.000000000e+00, v25;
	vm0 =	vlt.f32 v11, $0.0e+00;
	v37 =	vpop (erf)  }
0x64f: {  	v9 =	vmul.f32 $5.000000000e-01, v9;
	v4 =	vmul.f32 v18, v4;
	vm13 =	vlt.f32 v12, $0.0e+00;
	v38 =	vpop (erf)  }
0x650: {  	vm1 =	vmmov vm2;
	v0 =	vmul.f32 v0, v20;
	v39 =	vadd.f32 $1.000000000e+00, v38  }
0x651: {  	v8 =	vmul.f32 $5.000000000e-01, v8;
	v14 =	vmul.f32 $5.000000000e-01, v14;
	vm14 =	vlt.f32 v21, $0.0e+00  }
0x652: {  	v36 =	vsub.f32 $0.0e+00, v23;
	v43 =	vsub.f32 $0.0e+00, v0;
	(erf) = vrcp.f32 v39  }
0x653: {  	vm3 =	vlt.f32 v19, $0.0e+00;
	vm15 =	vlt.f32 v17, $0.0e+00;
	vm4 =	vlt.f32 v13, $0.0e+00  }
0x654: {  	v23 =	vsel vm0, v36, v23;
	v0 =	vsel vm1, v43, v0;
	v24 =	vmul.f32 v61, v63  }
0x655: {  	vm5 =	vlt.f32 v15, $0.0e+00;
	v23 =	vadd.f32 $1.000000000e+00, v23;
	v0 =	vadd.f32 $1.000000000e+00, v0  }
0x656: {  	v2 =	vmul.f32 v22, v2;
	v41 =	vsub.f32 $1.000000000e+00, v57;
	v40 =	vsub.f32 $0.0e+00, v24  }
0x657: {  	v9 =	vmul.f32 v23, v9;
	v44 =	vsub.f32 $1.000000000e+00, v58;
	v0 =	vmul.f32 v0, v3  }
0x658: {  	v1 =	vsub.f32 $1.000000000e+00, v59;
	v12 =	vsel vm13, v40, v24;
	v42 =	vmul.f32 v62, v41  }
0x659: {  	v45 =	vsub.f32 $1.000000000e+00, v30;
	v12 =	vadd.f32 $1.000000000e+00, v12;
	v46 =	vmul.f32 v29, v44  }
0x65a: {  	v47 =	vsub.f32 $0.0e+00, v42;
	v1 =	vmul.f32 v32, v1;
	v49 =	vsub.f32 $1.000000000e+00, v38  }
0x65b: {  	[tilespmem:s30+$0xFFFFFFC0] =	vst v16;
	v5 =	vmul.f32 v12, v5;
	v48 =	vsub.f32 $0.0e+00, v46;
	v11 =	vmul.f32 v37, v45;
	v53 =	vpop (erf)  }
0x65c: {  	[tilespmem:s30+$0x30] =	vst v4;
	v50 =	vsel vm3, v47, v42;
	v52 =	vsub.f32 $0.0e+00, v1;
	v13 =	vmul.f32 v53, v49  }
0x65d: {  	[tilespmem:s30+$0xFFFFFFF0] =	vst v2;
	v54 =	vadd.f32 $1.000000000e+00, v50;
	v57 =	vsel vm4, v48, v46;
	v51 =	vsub.f32 $0.0e+00, v11  }
0x65e: {  	[tilespmem:s31+$0x20] =	vst v9;
	v58 =	vadd.f32 $1.000000000e+00, v57;
	v1 =	vsel vm14, v52, v1;
	v56 =	vsub.f32 $0.0e+00, v13  }
0x65f: {  	[tilespmem:s31+$0xFFFFFFE0] =	vst v0;
	v4 =	vmul.f32 v54, v6;
	v55 =	vsel vm5, v51, v11;
	v1 =	vadd.f32 $1.000000000e+00, v1  }
0x660: {  	[tilespmem:s31+$0x0] =	vst v5;
	v62 =	vmul.f32 v58, v8;
	v2 =	vadd.f32 $1.000000000e+00, v55;
	v59 =	vsel vm15, v56, v13  }
.Ltmp45:
0x661: {  	[tilespmem:s31+$0xFFFFFFD0] =	vst v4;
	v60 =	vmul.f32 v1, v14;
	v61 =	vadd.f32 $1.000000000e+00, v59;
	(pc) =	sbr.rel .LBB2_67-.Ltmp45, $4  }
0x662: {  	[tilespmem:s31+$0x30] =	vst v62;
	v2 =	vmul.f32 v2, v7  }
0x663: {  	[tilespmem:s31+$0xFFFFFFC0] =	vst v60;
	v63 =	vmul.f32 v61, v10  }
0x664: {  	[tilespmem:s31+$0x10] =	vst v2  }
0x665: {  	[tilespmem:s31+$0xFFFFFFF0] =	vst v63  }
.LBB2_57:
0x666: {  	v2 =	vld [tilespmem:s31+$0x30]  }
0x667: {  	v3 =	vld [tilespmem:s31+$0xFFFFFFD0]  }
0x668: {  	v4 =	vld [tilespmem:s31+$0xFFFFFFE0]  }
0x669: {  	v5 =	vld [tilespmem:s31+$0xFFFFFFF0]  }
0x66a: {  	v7 =	vld [tilespmem:s31+$0x0]  }
0x66b: {  	v9 =	vld [tilespmem:s31+$0x10];
	v2 =	vmul.f32 v2, v1  }
0x66c: {  	v3 =	vmul.f32 v3, v1  }
0x66d: {  	v10 =	vadd.f32 v2, v0;
	v2 =	vld [tilespmem:s31+$0x20]  }
0x66e: {  	v6 =	vadd.f32 v3, v0;
	v3 =	vld [tilespmem:s31+$0xFFFFFFC0]  }
0x66f: {  	v4 =	vmul.f32 v4, v1;
	v5 =	vmul.f32 v5, v1  }
0x670: {  	v8 =	vmul.f32 v7, v1;
	v7 =	vmul.f32 v9, v1;
	v10 =	vmax.f32 v10, $0.0e+00  }
0x671: {  	s0 =	sadd.s32 $0x8, s0;
	s2 =	sadd.s32 $0x400, s31;
	v4 =	vadd.f32 v4, v0;
	v5 =	vadd.f32 v5, v0;
	v9 =	vmin.f32 v10, $6.000000000e+00  }
.LBB2_58:
0x672: {  	v10 =	vld [tilespmem:s2+$0x30];
	s0 =	sadd.s32 $0x8, s0;
	v6 =	vmax.f32 v6, $0.0e+00;
	v8 =	vadd.f32 v8, v0;
	v2 =	vmul.f32 v2, v1;
	[tilespmem:s30+$0x30] =	vst v9  }
0x673: {  	v4 =	vmax.f32 v4, $0.0e+00;
	v9 =	vld [tilespmem:s2+$0xFFFFFFD0];
	p0 =	slt.u32 s0, $0x38;
	v3 =	vmul.f32 v3, v1;
	v7 =	vadd.f32 v7, v0  }
0x674: {  	v5 =	vmax.f32 v5, $0.0e+00;
	v11 =	vld [tilespmem:s2+$0xFFFFFFE0];
	v8 =	vmax.f32 v8, $0.0e+00;
	v2 =	vadd.f32 v2, v0  }
0x675: {  	v6 =	vmin.f32 v6, $6.000000000e+00;
	v12 =	vld [tilespmem:s2+$0xFFFFFFF0];
	v3 =	vadd.f32 v3, v0;
	v7 =	vmax.f32 v7, $0.0e+00  }
0x676: {  	v4 =	vmin.f32 v4, $6.000000000e+00;
	v5 =	vmin.f32 v5, $6.000000000e+00;
	v13 =	vld [tilespmem:s2+$0x0];
	[tilespmem:s30+$0xFFFFFFD0] =	vst v6;
	v6 =	vmax.f32 v2, $0.0e+00  }
0x677: {  	v14 =	vld [tilespmem:s2+$0x10];
	v10 =	vmul.f32 v10, v1;
	v3 =	vmax.f32 v3, $0.0e+00;
	[tilespmem:s30+$0xFFFFFFE0] =	vst v4;
	v4 =	vmin.f32 v8, $6.000000000e+00  }
.Ltmp46:
0x678: {  	v8 =	vmul.f32 v9, v1;
	v2 =	vld [tilespmem:s2+$0x20];
	v9 =	vmin.f32 v3, $6.000000000e+00;
	[tilespmem:s30+$0xFFFFFFF0] =	vst v5;
	v5 =	vmin.f32 v7, $6.000000000e+00;
	(pc) =	sbr.rel @p0 .LBB2_58-.Ltmp46, $4  }
0x679: {  	v3 =	vld [tilespmem:s2+$0xFFFFFFC0];
	v7 =	vmul.f32 v11, v1;
	v10 =	vadd.f32 v10, v0;
	[tilespmem:s30+$0xFFFFFFC0] =	vst v9;
	v11 =	vmin.f32 v6, $6.000000000e+00  }
0x67a: {  	v6 =	vadd.f32 v8, v0;
	v9 =	vmul.f32 v12, v1;
	[tilespmem:s30+$0x0] =	vst v4  }
0x67b: {  	v4 =	vadd.f32 v7, v0;
	v8 =	vmul.f32 v13, v1;
	v10 =	vmax.f32 v10, $0.0e+00;
	[tilespmem:s30+$0x10] =	vst v5  }
0x67c: {  	s2 =	sadd.s32 $0x400, s2;
	v5 =	vadd.f32 v9, v0;
	v7 =	vmul.f32 v14, v1;
	v9 =	vmin.f32 v10, $6.000000000e+00;
	[tilespmem:s30+$0x20] =	vst v11;
	s30 =	sadd.s32 $0x400, s30  }
0x67d: {  	v6 =	vmax.f32 v6, $0.0e+00;
	v8 =	vadd.f32 v8, v0;
	v4 =	vmax.f32 v4, $0.0e+00  }
0x67e: {  	[tilespmem:s30+$0x30] =	vst v9;
	v55 =	vmul.f32 v2, v1;
	v3 =	vmul.f32 v3, v1;
	v6 =	vmin.f32 v6, $6.000000000e+00  }
0x67f: {  	v56 =	vmax.f32 v5, $0.0e+00;
	v4 =	vmin.f32 v4, $6.000000000e+00;
	v57 =	vadd.f32 v7, v0;
	[tilespmem:s30+$0xFFFFFFD0] =	vst v6  }
0x680: {  	v2 =	vmin.f32 v56, $6.000000000e+00;
	[tilespmem:s30+$0xFFFFFFE0] =	vst v4;
	v58 =	vmax.f32 v8, $0.0e+00;
	v59 =	vadd.f32 v55, v0  }
.Ltmp47:
0x681: {  	v3 =	vadd.f32 v3, v0;
	[tilespmem:s30+$0xFFFFFFF0] =	vst v2;
	v61 =	vmax.f32 v57, $0.0e+00;
	v62 =	vmin.f32 v58, $6.000000000e+00;
	(pc) =	sbr.rel .LBB2_67-.Ltmp47, $4  }
0x682: {  	v0 =	vmax.f32 v59, $0.0e+00;
	v63 =	vmin.f32 v61, $6.000000000e+00;
	[tilespmem:s30+$0x0] =	vst v62  }
0x683: {  	v3 =	vmax.f32 v3, $0.0e+00;
	v0 =	vmin.f32 v0, $6.000000000e+00;
	[tilespmem:s30+$0x10] =	vst v63  }
0x684: {  	v60 =	vmin.f32 v3, $6.000000000e+00;
	[tilespmem:s30+$0x20] =	vst v0  }
0x685: {  	[tilespmem:s30+$0xFFFFFFC0] =	vst v60  }
.LBB2_49:
0x686: {  	v2 =	vld [tilespmem:s31+$0x20]  }
0x687: {  	v3 =	vld [tilespmem:s31+$0x30];
	_ =	sdelay $0x3  }
0x688: {  	v2 =	vmul.f32 v2, v1  }
0x689: {  	v3 =	vmul.f32 v3, v1  }
0x68a: {  	v7 =	vadd.f32 v2, v0  }
0x68b: {  	v16 =	vadd.f32 v3, v0  }
0x68c: {  	v2 =	vand.u32 $0x7FFFFFFF, v7  }
0x68d: {  	v4 =	vld [tilespmem:s31+$0xFFFFFFF0];
	v3 =	vand.u32 $0x7FFFFFFF, v16;
	v2 =	vsub.f32 $0.0e+00, v2  }
0x68e: {  	v5 =	vld [tilespmem:s31+$0xFFFFFFE0];
	v3 =	vsub.f32 $0.0e+00, v3  }
0x68f: {  	v2 =	vmul.f32 $1.442695020e+00, v2  }
0x690: {  	v8 =	vld [tilespmem:s31+$0x0];
	v3 =	vmul.f32 $1.442695020e+00, v3  }
0x691: {  	v6 =	vld [tilespmem:s31+$0xFFFFFFD0];
	s0 =	sadd.s32 $0x400, s31;
	(erf) = vpow2.f32 v2  }
0x692: {  	v14 =	vld [tilespmem:s0+$0xFFFFFFC0];
	(erf) = vpow2.f32 v3  }
0x693: {  	v2 =	vmul.f32 v4, v1;
	v4 =	vmul.f32 v5, v1;
	v3 =	vld [tilespmem:s31+$0xFFFFFFC0]  }
0x694: {  	v5 =	vld [tilespmem:s31+$0x10]  }
0x695: {  	v18 =	vadd.f32 v2, v0;
	v2 =	vadd.f32 v4, v0;
	v4 =	vmul.f32 v8, v1  }
0x696: {  	v6 =	vmul.f32 v6, v1  }
0x697: {  	v22 =	vmul.f32 v14, v1;
	v19 =	vadd.f32 v4, v0  }
0x698: {  	v8 =	vmul.f32 v3, v1;
	v3 =	vadd.f32 v6, v0;
	v6 =	vand.u32 $0x7FFFFFFF, v18  }
0x699: {  	v9 =	vand.u32 $0x7FFFFFFF, v2;
	v5 =	vmul.f32 v5, v1;
	v4 =	vsub.f32 $0.0e+00, v6  }
0x69a: {  	v9 =	vsub.f32 $0.0e+00, v9;
	v17 =	vadd.f32 v8, v0;
	v6 =	vand.u32 $0x7FFFFFFF, v3;
	v10 =	vpop (erf)  }
0x69b: {  	v8 =	vand.u32 $0x7FFFFFFF, v19;
	v6 =	vsub.f32 $0.0e+00, v6;
	v4 =	vmul.f32 $1.442695020e+00, v4;
	v11 =	vpop (erf)  }
0x69c: {  	v8 =	vsub.f32 $0.0e+00, v8;
	v12 =	vand.u32 $0x7FFFFFFF, v17;
	v13 =	vadd.f32 $1.000000000e+00, v11  }
0x69d: {  	v6 =	vmul.f32 $1.442695020e+00, v6;
	v12 =	vsub.f32 $0.0e+00, v12;
	(erf) = vpow2.f32 v4  }
0x69e: {  	v4 =	vadd.f32 v5, v0;
	v5 =	vld [tilespmem:s0+$0xFFFFFFE0];
	v8 =	vmul.f32 $1.442695020e+00, v8;
	(erf) = vrcp.f32 v13  }
0x69f: {  	vm3 =	vge.f32 v16, $0.0e+00;
	v12 =	vmul.f32 $1.442695020e+00, v12;
	v13 =	vld [tilespmem:s0+$0x20];
	(erf) = vpow2.f32 v6  }
0x6a0: {  	v6 =	vand.u32 $0x7FFFFFFF, v4;
	(erf) = vpow2.f32 v8;
	v8 =	vmul.f32 $1.442695020e+00, v9;
	v9 =	vld [tilespmem:s0+$0x30]  }
0x6a1: {  	vm4 =	vge.f32 v7, $0.0e+00;
	vm0 =	vge.f32 v2, $0.0e+00;
	v6 =	vsub.f32 $0.0e+00, v6  }
0x6a2: {  	vm15 =	vge.f32 v18, $0.0e+00;
	(erf) = vpow2.f32 v12;
	v12 =	vadd.f32 $1.000000000e+00, v10  }
0x6a3: {  	v15 =	vld [tilespmem:s0+$0x0];
	vm2 =	vge.f32 v19, $0.0e+00;
	v5 =	vmul.f32 v5, v1;
	v6 =	vmul.f32 $1.442695020e+00, v6  }
0x6a4: {  	vm1 =	vge.f32 v17, $0.0e+00;
	(erf) = vrcp.f32 v12;
	v12 =	vmul.f32 v13, v1  }
0x6a5: {  	v20 =	vsel vm3, $0x3F800000, v11;
	vm3 =	vge.f32 v3, $0.0e+00;
	v13 =	vld [tilespmem:s0+$0x10];
	v9 =	vmul.f32 v9, v1  }
0x6a6: {  	v5 =	vadd.f32 v5, v0;
	(erf) = vpow2.f32 v6;
	v11 =	vpop (erf);
	v6 =	vadd.f32 v12, v0  }
0x6a7: {  	(erf) = vpow2.f32 v8;
	v12 =	vadd.f32 $1.000000000e+00, v11;
	v21 =	vpop (erf);
	v8 =	vadd.f32 v9, v0  }
0x6a8: {  	v9 =	vsel vm4, $0x3F800000, v10;
	v10 =	vmul.f32 v15, v1;
	v15 =	vand.u32 $0x7FFFFFFF, v6;
	v14 =	vpop (erf)  }
0x6a9: {  	v15 =	vsub.f32 $0.0e+00, v15;
	(erf) = vrcp.f32 v12;
	v12 =	vand.u32 $0x7FFFFFFF, v5;
	v25 =	vpop (erf)  }
0x6aa: {  	v31 =	vmul.f32 v13, v1;
	v21 =	vmul.f32 v21, v20;
	v26 =	vadd.f32 $1.000000000e+00, v25  }
0x6ab: {  	v29 =	vld [tilespmem:s0+$0xFFFFFFD0];
	v23 =	vadd.f32 $1.000000000e+00, v14;
	v24 =	vand.u32 $0x7FFFFFFF, v8;
	v10 =	vadd.f32 v10, v0  }
0x6ac: {  	v12 =	vsub.f32 $0.0e+00, v12;
	v27 =	vpop (erf);
	v24 =	vsub.f32 $0.0e+00, v24;
	v15 =	vmul.f32 $1.442695020e+00, v15  }
0x6ad: {  	v30 =	vld [tilespmem:s0+$0xFFFFFFF0];
	v21 =	vmul.f32 v21, v16;
	v28 =	vadd.f32 $1.000000000e+00, v27;
	(erf) = vrcp.f32 v26  }
0x6ae: {  	v14 =	vsel vm3, $0x3F800000, v14;
	v24 =	vmul.f32 $1.442695020e+00, v24;
	(erf) = vrcp.f32 v23;
	v26 =	vpop (erf)  }
0x6af: {  	v25 =	vsel vm2, $0x3F800000, v25;
	(erf) = vrcp.f32 v28;
	v13 =	vpop (erf);
	v26 =	vmul.f32 v26, v9  }
0x6b0: {  	v28 =	vmul.f32 v29, v1;
	(erf) = vpow2.f32 v15;
	v23 =	vadd.f32 $1.000000000e+00, v13  }
0x6b1: {  	v9 =	vadd.f32 v31, v0;
	(erf) = vpow2.f32 v24;
	v31 =	vpop (erf);
	v26 =	vmul.f32 v26, v7  }
0x6b2: {  	v7 =	vmul.f32 v30, v1;
	(erf) = vrcp.f32 v23;
	v23 =	vadd.f32 $1.000000000e+00, v31  }
0x6b3: {  	v12 =	vmul.f32 $1.442695020e+00, v12;
	v29 =	vsel vm15, $0x3F800000, v11;
	v11 =	vadd.f32 v28, v0  }
0x6b4: {  	v32 =	vand.u32 $0x7FFFFFFF, v10;
	v15 =	vadd.f32 v22, v0;
	v28 =	vpop (erf);
	v7 =	vadd.f32 v7, v0  }
0x6b5: {  	v22 =	vmul.f32 v28, v29;
	v28 =	vand.u32 $0x7FFFFFFF, v11;
	(erf) = vrcp.f32 v23  }
0x6b6: {  	v27 =	vsel vm1, $0x3F800000, v27;
	vm1 =	vge.f32 v4, $0.0e+00;
	v28 =	vsub.f32 $0.0e+00, v28;
	v23 =	vpop (erf)  }
0x6b7: {  	[tilespmem:s30+$0x20] =	vst v26;
	v26 =	vand.u32 $0x7FFFFFFF, v15;
	v29 =	vand.u32 $0x7FFFFFFF, v7;
	v25 =	vmul.f32 v23, v25;
	v23 =	vpop (erf)  }
0x6b8: {  	v22 =	vmul.f32 v22, v18;
	v29 =	vsub.f32 $0.0e+00, v29;
	v28 =	vmul.f32 $1.442695020e+00, v28;
	v20 =	vpop (erf)  }
0x6b9: {  	v24 =	vand.u32 $0x7FFFFFFF, v9;
	v30 =	vmul.f32 v25, v19;
	v18 =	vpop (erf);
	v27 =	vmul.f32 v20, v27  }
0x6ba: {  	v19 =	vmul.f32 $1.442695020e+00, v29;
	v29 =	vsub.f32 $0.0e+00, v32;
	v25 =	vsel vm0, $0x3F800000, v31;
	v20 =	vpop (erf)  }
0x6bb: {  	s2 =	simm.s32 $0x8;
	s13 =	sadd.s32 $0x400, s0;
	s0 =	smov.u32 s30;
	[tilespmem:s30+$0x0] =	vst v30;
	v30 =	vsub.f32 $0.0e+00, v26;
	v31 =	vadd.f32 $1.000000000e+00, v20;
	v27 =	vmul.f32 v27, v17;
	v26 =	vpop (erf)  }
.LBB2_50:
0x6bc: {  	v32 =	vld [tilespmem:s13+$0xFFFFFFE0];
	s2 =	sadd.s32 $0x8, s2;
	v29 =	vmul.f32 $1.442695020e+00, v29;
	v24 =	vsub.f32 $0.0e+00, v24;
	(erf) = vpow2.f32 v19;
	s30 =	sadd.s32 $0x400, s30;
	v16 =	vmovc v8;
	v19 =	vmovc v10  }
0x6bd: {  	v10 =	vadd.f32 $1.000000000e+00, v18;
	v14 =	vmul.f32 v23, v14;
	v17 =	vmovc v15;
	v8 =	vld [tilespmem:s13+$0x30];
	p0 =	slt.u32 s2, $0x38;
	(erf) = vrcp.f32 v31;
	[tilespmem:s0+$0xFFFFFFF0] =	vst v22  }
0x6be: {  	v13 =	vsel vm1, $0x3F800000, v13;
	v22 =	vmul.f32 $1.442695020e+00, v30;
	v15 =	vld [tilespmem:s13+$0x20];
	(erf) = vpow2.f32 v28;
	[tilespmem:s0+$0xFFFFFFC0] =	vst v27;
	v23 =	vpop (erf)  }
0x6bf: {  	vm0 =	vge.f32 v5, $0.0e+00;
	v27 =	vld [tilespmem:s13+$0x0];
	(erf) = vpow2.f32 v29;
	v23 =	vmul.f32 v23, v25  }
0x6c0: {  	vm2 =	vge.f32 v19, $0.0e+00;
	v13 =	vmul.f32 v26, v13;
	v25 =	vld [tilespmem:s13+$0xFFFFFFC0];
	(erf) = vpow2.f32 v22  }
0x6c1: {  	vm1 =	vge.f32 v17, $0.0e+00;
	v22 =	vmul.f32 $1.442695020e+00, v24;
	v23 =	vmul.f32 v23, v2;
	v2 =	vmovc v5  }
0x6c2: {  	vm3 =	vge.f32 v16, $0.0e+00;
	v14 =	vmul.f32 v14, v3;
	v3 =	vmovc v11;
	v5 =	vmul.f32 v32, v1;
	[tilespmem:s0+$0x30] =	vst v21  }
0x6c3: {  	vm4 =	vge.f32 v6, $0.0e+00;
	(erf) = vrcp.f32 v10;
	[tilespmem:s0+$0xFFFFFFE0] =	vst v23;
	v10 =	vmul.f32 v13, v4;
	v4 =	vmovc v9  }
0x6c4: {  	v20 =	vsel vm3, $0x3F800000, v20;
	v9 =	vmul.f32 v15, v1;
	(erf) = vpow2.f32 v22;
	[tilespmem:s0+$0xFFFFFFD0] =	vst v14  }
0x6c5: {  	vm3 =	vge.f32 v3, $0.0e+00;
	v8 =	vmul.f32 v8, v1;
	v5 =	vadd.f32 v5, v0;
	v11 =	vpop (erf);
	[tilespmem:s0+$0x10] =	vst v10;
	s0 =	smov.u32 s30  }
0x6c6: {  	v15 =	vadd.f32 v9, v0;
	v13 =	vld [tilespmem:s13+$0x10];
	v9 =	vadd.f32 $1.000000000e+00, v11;
	(erf) = vpow2.f32 v12;
	v21 =	vpop (erf)  }
0x6c7: {  	v8 =	vadd.f32 v8, v0;
	v22 =	vmul.f32 v25, v1;
	v12 =	vsel vm4, $0x3F800000, v18;
	v14 =	vpop (erf)  }
0x6c8: {  	v10 =	vmul.f32 v27, v1;
	v18 =	vand.u32 $0x7FFFFFFF, v15;
	v23 =	vadd.f32 $1.000000000e+00, v14;
	v25 =	vpop (erf)  }
0x6c9: {  	v24 =	vand.u32 $0x7FFFFFFF, v8;
	v18 =	vsub.f32 $0.0e+00, v18;
	v30 =	vadd.f32 $1.000000000e+00, v25;
	v27 =	vpop (erf)  }
0x6ca: {  	v24 =	vsub.f32 $0.0e+00, v24;
	v28 =	vadd.f32 $1.000000000e+00, v27;
	(erf) = vrcp.f32 v9  }
0x6cb: {  	vm4 =	vge.f32 v7, $0.0e+00;
	v10 =	vadd.f32 v10, v0;
	v18 =	vmul.f32 $1.442695020e+00, v18;
	v9 =	vld [tilespmem:s13+$0xFFFFFFD0]  }
0x6cc: {  	v29 =	vand.u32 $0x7FFFFFFF, v5;
	v24 =	vmul.f32 $1.442695020e+00, v24;
	(erf) = vrcp.f32 v30;
	v26 =	vpop (erf)  }
0x6cd: {  	v29 =	vsub.f32 $0.0e+00, v29;
	v31 =	vmul.f32 v13, v1;
	v30 =	vld [tilespmem:s13+$0xFFFFFFF0];
	(erf) = vrcp.f32 v23;
	v13 =	vpop (erf)  }
0x6ce: {  	v14 =	vsel vm3, $0x3F800000, v14;
	v26 =	vmul.f32 v26, v12;
	v23 =	vadd.f32 $1.000000000e+00, v13  }
0x6cf: {  	v12 =	vmul.f32 $1.442695020e+00, v29;
	v29 =	vand.u32 $0x7FFFFFFF, v10;
	(erf) = vrcp.f32 v28;
	v32 =	vpop (erf)  }
0x6d0: {  	v28 =	vmul.f32 v9, v1;
	v9 =	vadd.f32 v31, v0;
	(erf) = vpow2.f32 v18  }
0x6d1: {  	v18 =	vsel vm4, $0x3F800000, v11;
	v31 =	vmul.f32 v26, v6;
	v6 =	vmovc v15;
	(erf) = vpow2.f32 v24  }
0x6d2: {  	v30 =	vmul.f32 v30, v1;
	v24 =	vand.u32 $0x7FFFFFFF, v9;
	(erf) = vrcp.f32 v23  }
0x6d3: {  	v25 =	vsel vm2, $0x3F800000, v25;
	v33 =	vadd.f32 $1.000000000e+00, v32;
	v11 =	vadd.f32 v28, v0;
	[tilespmem:s30+$0x20] =	vst v31;
	v26 =	vpop (erf)  }
0x6d4: {  	v15 =	vadd.f32 v22, v0;
	v28 =	vadd.f32 v30, v0;
	v18 =	vmul.f32 v26, v18  }
0x6d5: {  	v22 =	vand.u32 $0x7FFFFFFF, v11;
	v26 =	vsel vm1, $0x3F800000, v27;
	(erf) = vrcp.f32 v33;
	v23 =	vpop (erf)  }
0x6d6: {  	v27 =	vsub.f32 $0.0e+00, v22;
	v22 =	vand.u32 $0x7FFFFFFF, v28;
	v25 =	vmul.f32 v23, v25;
	v23 =	vpop (erf)  }
.Ltmp48:
0x6d7: {  	v21 =	vmul.f32 v21, v20;
	v30 =	vsub.f32 $0.0e+00, v22;
	v22 =	vmul.f32 v18, v7;
	v7 =	vmovc v28;
	(pc) =	sbr.rel @p0 .LBB2_50-.Ltmp48, $4  }
0x6d8: {  	vm1 =	vge.f32 v4, $0.0e+00;
	v28 =	vmul.f32 $1.442695020e+00, v27;
	v27 =	vmul.f32 v25, v19;
	v20 =	vpop (erf)  }
0x6d9: {  	v29 =	vsub.f32 $0.0e+00, v29;
	v19 =	vmul.f32 $1.442695020e+00, v30;
	v18 =	vpop (erf);
	v33 =	vmul.f32 v20, v26  }
0x6da: {  	v21 =	vmul.f32 v21, v16;
	v25 =	vsel vm0, $0x3F800000, v32;
	v30 =	vand.u32 $0x7FFFFFFF, v15;
	v20 =	vpop (erf);
	[tilespmem:s30+$0x0] =	vst v27  }
0x6db: {  	s13 =	sadd.s32 $0x400, s13;
	v30 =	vsub.f32 $0.0e+00, v30;
	v31 =	vadd.f32 $1.000000000e+00, v20;
	v27 =	vmul.f32 v33, v17;
	v26 =	vpop (erf)  }
0x6dc: {  	(erf) = vpow2.f32 v19  }
0x6dd: {  	v0 =	vmul.f32 $1.442695020e+00, v29;
	(erf) = vrcp.f32 v31  }
0x6de: {  	v1 =	vsub.f32 $0.0e+00, v24;
	v16 =	vmul.f32 $1.442695020e+00, v30;
	(erf) = vpow2.f32 v28  }
0x6df: {  	v17 =	vadd.f32 $1.000000000e+00, v18;
	(erf) = vpow2.f32 v0  }
0x6e0: {  	v59 =	vmul.f32 $1.442695020e+00, v1;
	(erf) = vpow2.f32 v16  }
0x6e1: {  	(erf) = vrcp.f32 v17  }
0x6e2: {  	(erf) = vpow2.f32 v59  }
0x6e3: {  	(erf) = vpow2.f32 v12  }
0x6e4: {  	v60 =	vpop (erf)  }
0x6e5: {  	v61 =	vpop (erf)  }
0x6e6: {  	v62 =	vpop (erf)  }
0x6e7: {  	v63 =	vpop (erf)  }
0x6e8: {  	v32 =	vadd.f32 $1.000000000e+00, v61;
	v33 =	vpop (erf)  }
0x6e9: {  	v34 =	vadd.f32 $1.000000000e+00, v33;
	v35 =	vpop (erf)  }
0x6ea: {  	v13 =	vsel vm1, $0x3F800000, v13;
	v36 =	vadd.f32 $1.000000000e+00, v63;
	(erf) = vrcp.f32 v32;
	v37 =	vpop (erf)  }
0x6eb: {  	v14 =	vmul.f32 v23, v14;
	v38 =	vadd.f32 $1.000000000e+00, v35;
	(erf) = vrcp.f32 v34;
	v39 =	vpop (erf)  }
0x6ec: {  	vm0 =	vge.f32 v5, $0.0e+00;
	(erf) = vrcp.f32 v36;
	v40 =	vadd.f32 $1.000000000e+00, v39;
	v41 =	vpop (erf)  }
0x6ed: {  	vm12 =	vge.f32 v10, $0.0e+00;
	(erf) = vrcp.f32 v38;
	v42 =	vadd.f32 $1.000000000e+00, v41  }
0x6ee: {  	vm2 =	vge.f32 v15, $0.0e+00;
	vm3 =	vge.f32 v8, $0.0e+00;
	(erf) = vrcp.f32 v40  }
0x6ef: {  	vm4 =	vge.f32 v6, $0.0e+00;
	vm13 =	vge.f32 v7, $0.0e+00;
	(erf) = vrcp.f32 v42  }
0x6f0: {  	[tilespmem:s0+$0xFFFFFFF0] =	vst v22;
	vm14 =	vge.f32 v11, $0.0e+00;
	vm15 =	vge.f32 v9, $0.0e+00;
	v0 =	vmul.f32 v60, v25  }
0x6f1: {  	[tilespmem:s0+$0x30] =	vst v21;
	v13 =	vmul.f32 v26, v13;
	v45 =	vsel vm3, $0x3F800000, v20;
	v43 =	vmul.f32 v14, v3  }
0x6f2: {  	[tilespmem:s0+$0xFFFFFFC0] =	vst v27;
	v46 =	vsel vm4, $0x3F800000, v18;
	v0 =	vmul.f32 v0, v2;
	v58 =	vmul.f32 v62, v45  }
0x6f3: {  	v44 =	vmul.f32 v13, v4;
	[tilespmem:s0+$0xFFFFFFD0] =	vst v43;
	v50 =	vsel vm13, $0x3F800000, v61;
	v13 =	vmul.f32 v37, v46;
	v47 =	vpop (erf)  }
0x6f4: {  	[tilespmem:s0+$0xFFFFFFE0] =	vst v0;
	v48 =	vsel vm12, $0x3F800000, v33;
	v2 =	vmul.f32 v58, v8;
	v0 =	vmul.f32 v47, v50;
	v49 =	vpop (erf)  }
0x6f5: {  	s2 =	sadd.s32 $0x400, s30;
	[tilespmem:s0+$0x10] =	vst v44;
	v56 =	vsel vm14, $0x3F800000, v63;
	v53 =	vmul.f32 v13, v6;
	v51 =	vmul.f32 v49, v48;
	v52 =	vpop (erf)  }
0x6f6: {  	v54 =	vsel vm2, $0x3F800000, v35;
	[tilespmem:s2+$0x30] =	vst v2;
	v0 =	vmul.f32 v0, v7;
	v55 =	vpop (erf);
	v3 =	vmul.f32 v52, v56  }
0x6f7: {  	v62 =	vsel vm15, $0x3F800000, v39;
	[tilespmem:s2+$0x20] =	vst v53;
	v1 =	vmul.f32 v51, v10;
	v6 =	vmul.f32 v55, v54;
	v57 =	vpop (erf)  }
0x6f8: {  	v59 =	vsel vm0, $0x3F800000, v41;
	[tilespmem:s2+$0xFFFFFFF0] =	vst v0;
	v60 =	vpop (erf);
	v0 =	vmul.f32 v57, v62;
	v3 =	vmul.f32 v3, v11  }
.Ltmp49:
0x6f9: {  	[tilespmem:s2+$0x0] =	vst v1;
	v61 =	vmul.f32 v6, v15;
	v4 =	vmul.f32 v60, v59;
	(pc) =	sbr.rel .LBB2_67-.Ltmp49, $4  }
0x6fa: {  	v0 =	vmul.f32 v0, v9;
	[tilespmem:s2+$0xFFFFFFD0] =	vst v3  }
0x6fb: {  	[tilespmem:s2+$0xFFFFFFC0] =	vst v61;
	v63 =	vmul.f32 v4, v5  }
0x6fc: {  	[tilespmem:s2+$0x10] =	vst v0  }
0x6fd: {  	[tilespmem:s2+$0xFFFFFFE0] =	vst v63  }
.LBB2_64:
0x6fe: {  	v2 =	vld [tilespmem:s31+$0x20]  }
0x6ff: {  	v3 =	vld [tilespmem:s31+$0x10]  }
0x700: {  	v4 =	vld [tilespmem:s31+$0xFFFFFFD0];
	_ =	sdelay $0x1  }
0x701: {  	v5 =	vld [tilespmem:s31+$0x30]  }
0x702: {  	v2 =	vmul.f32 v2, v1  }
0x703: {  	v3 =	vmul.f32 v3, v1  }
0x704: {  	v4 =	vmul.f32 v4, v1;
	v12 =	vadd.f32 v2, v0  }
0x705: {  	v10 =	vadd.f32 v3, v0  }
0x706: {  	v2 =	vmul.f32 v5, v1;
	v4 =	vadd.f32 v4, v0;
	v3 =	vand.u32 $0x7FFFFFFF, v12  }
0x707: {  	v5 =	vld [tilespmem:s31+$0xFFFFFFE0];
	v6 =	vand.u32 $0x7FFFFFFF, v10;
	v3 =	vsub.f32 $0.0e+00, v3  }
0x708: {  	v2 =	vadd.f32 v2, v0;
	v7 =	vand.u32 $0x7FFFFFFF, v4;
	v6 =	vsub.f32 $0.0e+00, v6  }
0x709: {  	v8 =	vld [tilespmem:s31+$0x0];
	v7 =	vsub.f32 $0.0e+00, v7;
	v3 =	vmul.f32 $1.442695020e+00, v3  }
0x70a: {  	v9 =	vand.u32 $0x7FFFFFFF, v2;
	v6 =	vmul.f32 $1.442695020e+00, v6  }
0x70b: {  	v9 =	vsub.f32 $0.0e+00, v9;
	v7 =	vmul.f32 $1.442695020e+00, v7;
	(erf) = vpow2.f32 v3  }
0x70c: {  	v3 =	vmul.f32 v5, v1;
	(erf) = vpow2.f32 v6  }
0x70d: {  	v5 =	vmul.f32 $1.442695020e+00, v9;
	(erf) = vpow2.f32 v7  }
0x70e: {  	v6 =	vmul.f32 v8, v1  }
0x70f: {  	v3 =	vadd.f32 v3, v0;
	(erf) = vpow2.f32 v5  }
0x710: {  	v13 =	vadd.f32 v6, v0  }
0x711: {  	v5 =	vand.u32 $0x7FFFFFFF, v3  }
0x712: {  	v6 =	vand.u32 $0x7FFFFFFF, v13;
	v5 =	vsub.f32 $0.0e+00, v5  }
0x713: {  	v6 =	vsub.f32 $0.0e+00, v6  }
0x714: {  	v5 =	vmul.f32 $1.442695020e+00, v5;
	v7 =	vpop (erf)  }
0x715: {  	v6 =	vmul.f32 $1.442695020e+00, v6;
	v8 =	vpop (erf)  }
0x716: {  	(erf) = vpow2.f32 v5;
	v5 =	vadd.f32 $2.000000000e+00, v7;
	v9 =	vpop (erf)  }
0x717: {  	(erf) = vpow2.f32 v6;
	v6 =	vadd.f32 $2.000000000e+00, v9  }
0x718: {  	v11 =	vadd.f32 $2.000000000e+00, v8;
	v15 =	vpop (erf);
	(erf) = vrcp.f32 v5  }
0x719: {  	v5 =	vadd.f32 $2.000000000e+00, v15;
	(erf) = vrcp.f32 v6  }
0x71a: {  	(erf) = vrcp.f32 v11  }
0x71b: {  	(erf) = vrcp.f32 v5  }
0x71c: {  	v5 =	vld [tilespmem:s31+$0xFFFFFFF0];
	_ =	sdelay $0x2  }
0x71d: {  	v6 =	vld [tilespmem:s31+$0xFFFFFFC0];
	v11 =	vpop (erf)  }
0x71e: {  	v18 =	vpop (erf)  }
0x71f: {  	v14 =	vadd.f32 $2.000000000e+00, v11;
	v16 =	vpop (erf);
	v5 =	vmul.f32 v5, v1  }
0x720: {  	v17 =	vpop (erf)  }
0x721: {  	(erf) = vrcp.f32 v14;
	v14 =	vmul.f32 v16, v7;
	v16 =	vadd.f32 v5, v0;
	v7 =	vpop (erf)  }
0x722: {  	v6 =	vmul.f32 v6, v1;
	v19 =	vpop (erf)  }
0x723: {  	s2 =	sadd.s32 $0x400, s31;
	v5 =	vmul.f32 v14, v14;
	v22 =	vmul.f32 v19, v15;
	v19 =	vand.u32 $0x7FFFFFFF, v16  }
0x724: {  	v42 =	vld [tilespmem:s2+$0xFFFFFFF0];
	v15 =	vadd.f32 $2.000000000e+00, v18;
	v19 =	vsub.f32 $0.0e+00, v19  }
0x725: {  	v6 =	vadd.f32 v6, v0;
	v20 =	vmul.f32 $9.090909360e-02, v5;
	v23 =	vmul.f32 v22, v22  }
0x726: {  	(erf) = vrcp.f32 v15;
	v19 =	vmul.f32 $1.442695020e+00, v19  }
0x727: {  	v15 =	vand.u32 $0x7FFFFFFF, v6;
	v20 =	vadd.f32 $1.111111120e-01, v20;
	v21 =	vmul.f32 $9.090909360e-02, v23  }
0x728: {  	v15 =	vsub.f32 $0.0e+00, v15  }
0x729: {  	v45 =	vmul.f32 v42, v1;
	v20 =	vmul.f32 v20, v5;
	v21 =	vadd.f32 $1.111111120e-01, v21  }
0x72a: {  	v15 =	vmul.f32 $1.442695020e+00, v15;
	(erf) = vpow2.f32 v19;
	v19 =	vpop (erf)  }
0x72b: {  	v24 =	vmul.f32 v19, v11;
	v11 =	vadd.f32 $1.428571490e-01, v20;
	v19 =	vmul.f32 v21, v23  }
0x72c: {  	v9 =	vmul.f32 v17, v9;
	(erf) = vpow2.f32 v15  }
0x72d: {  	v25 =	vmul.f32 v24, v24;
	v11 =	vmul.f32 v11, v5;
	v15 =	vadd.f32 $1.428571490e-01, v19  }
0x72e: {  	v17 =	vmul.f32 v7, v8;
	v26 =	vmul.f32 v9, v9  }
0x72f: {  	v7 =	vpop (erf);
	v8 =	vmul.f32 $9.090909360e-02, v25;
	v11 =	vadd.f32 $2.000000030e-01, v11;
	v15 =	vmul.f32 v15, v23  }
0x730: {  	v30 =	vmax.f32 v4, $0.0e+00;
	v19 =	vmul.f32 $9.090909360e-02, v26;
	v18 =	vmul.f32 v7, v18  }
0x731: {  	v7 =	vadd.f32 $1.111111120e-01, v8;
	v8 =	vmul.f32 v11, v5;
	v11 =	vadd.f32 $2.000000030e-01, v15  }
0x732: {  	v63 =	vadd.f32 v14, v14;
	v15 =	vmul.f32 v17, v17;
	v21 =	vmul.f32 v18, v18  }
0x733: {  	v22 =	vadd.f32 v22, v22;
	v8 =	vadd.f32 $3.333333430e-01, v8;
	v11 =	vmul.f32 v11, v23  }
0x734: {  	v19 =	vadd.f32 $1.111111120e-01, v19;
	v20 =	vmul.f32 $9.090909360e-02, v21;
	v27 =	vmul.f32 $9.090909360e-02, v15  }
0x735: {  	v7 =	vmul.f32 v7, v25;
	v5 =	vmul.f32 v8, v5;
	v8 =	vadd.f32 $3.333333430e-01, v11  }
0x736: {  	v11 =	vadd.f32 $1.111111120e-01, v20;
	v20 =	vadd.f32 $1.111111120e-01, v27;
	v27 =	vmul.f32 v19, v26  }
0x737: {  	v33 =	vld [tilespmem:s2+$0xFFFFFFD0];
	v2 =	vmax.f32 v2, $0.0e+00;
	v24 =	vadd.f32 v24, v24;
	v7 =	vadd.f32 $1.428571490e-01, v7  }
0x738: {  	v19 =	vadd.f32 $1.000000000e+00, v5;
	v5 =	vmul.f32 v8, v23;
	v23 =	vadd.f32 v9, v9;
	v9 =	vld [tilespmem:s2+$0xFFFFFFC0]  }
0x739: {  	v28 =	vld [tilespmem:s2+$0x30];
	v18 =	vadd.f32 v18, v18;
	v7 =	vmul.f32 v7, v25;
	v8 =	vadd.f32 $1.428571490e-01, v27  }
0x73a: {  	v29 =	vld [tilespmem:s2+$0x20];
	v20 =	vmul.f32 v20, v15;
	v11 =	vmul.f32 v11, v21;
	v27 =	vpop (erf);
	v5 =	vadd.f32 $1.000000000e+00, v5  }
0x73b: {  	v32 =	vld [tilespmem:s2+$0x10];
	v8 =	vmul.f32 v8, v26;
	v7 =	vadd.f32 $2.000000030e-01, v7;
	v4 =	vadd.f32 $2.000000000e+00, v27  }
0x73c: {  	v37 =	vadd.f32 $1.428571490e-01, v11;
	v11 =	vmul.f32 v33, v1;
	v5 =	vmul.f32 v5, v22  }
0x73d: {  	v31 =	vpop (erf);
	v8 =	vadd.f32 $2.000000030e-01, v8;
	(erf) = vrcp.f32 v4;
	v4 =	vmul.f32 v9, v1;
	v9 =	vld [tilespmem:s2+$0x0]  }
0x73e: {  	v34 =	vadd.f32 $2.000000000e+00, v31;
	v7 =	vmul.f32 v7, v25;
	v22 =	vadd.f32 v5, v2  }
0x73f: {  	v36 =	vmul.f32 v8, v26;
	v2 =	vadd.f32 v4, v0;
	v4 =	vmul.f32 v29, v1  }
0x740: {  	v35 =	vld [tilespmem:s2+$0xFFFFFFE0];
	v8 =	vmax.f32 v6, $0.0e+00;
	v5 =	vmul.f32 v28, v1;
	v6 =	vmul.f32 v32, v1  }
0x741: {  	v11 =	vadd.f32 v11, v0;
	v28 =	vmax.f32 v3, $0.0e+00;
	v3 =	vadd.f32 v4, v0  }
0x742: {  	v4 =	vmul.f32 v9, v1;
	v9 =	vadd.f32 v5, v0;
	v5 =	vadd.f32 v6, v0  }
0x743: {  	v41 =	vmul.f32 v37, v21;
	(erf) = vrcp.f32 v34;
	v29 =	vand.u32 $0x7FFFFFFF, v3  }
0x744: {  	v7 =	vadd.f32 $3.333333430e-01, v7;
	v38 =	vand.u32 $0x7FFFFFFF, v5;
	v29 =	vsub.f32 $0.0e+00, v29  }
0x745: {  	v40 =	vand.u32 $0x7FFFFFFF, v11;
	v6 =	vmul.f32 v35, v1;
	v32 =	vsub.f32 $0.0e+00, v38  }
0x746: {  	v34 =	vsub.f32 $0.0e+00, v40;
	v4 =	vadd.f32 v4, v0;
	v29 =	vmul.f32 $1.442695020e+00, v29  }
0x747: {  	v39 =	vand.u32 $0x7FFFFFFF, v9;
	v6 =	vadd.f32 v6, v0;
	v32 =	vmul.f32 $1.442695020e+00, v32  }
0x748: {  	v34 =	vmul.f32 $1.442695020e+00, v34;
	v33 =	vsub.f32 $0.0e+00, v39;
	(erf) = vpow2.f32 v29  }
0x749: {  	v38 =	vand.u32 $0x7FFFFFFF, v6;
	v29 =	vand.u32 $0x7FFFFFFF, v4;
	(erf) = vpow2.f32 v32  }
0x74a: {  	v43 =	vmul.f32 $1.442695020e+00, v33;
	v29 =	vsub.f32 $0.0e+00, v29;
	(erf) = vpow2.f32 v34  }
0x74b: {  	v7 =	vmul.f32 v7, v25;
	v25 =	vadd.f32 $2.000000030e-01, v41;
	v38 =	vsub.f32 $0.0e+00, v38  }
0x74c: {  	v47 =	vadd.f32 $3.333333430e-01, v36;
	(erf) = vpow2.f32 v43;
	v29 =	vmul.f32 $1.442695020e+00, v29  }
0x74d: {  	v19 =	vmul.f32 v19, v63;
	v7 =	vadd.f32 $1.000000000e+00, v7;
	v44 =	vmul.f32 $1.442695020e+00, v38  }
0x74e: {  	v46 =	vand.u32 $0x7FFFFFFF, v2;
	v25 =	vmul.f32 v25, v21;
	v26 =	vmul.f32 v47, v26  }
0x74f: {  	v49 =	vsub.f32 $0.0e+00, v46;
	v24 =	vmul.f32 v7, v24;
	v48 =	vpop (erf);
	(erf) = vpow2.f32 v44  }
0x750: {  	v7 =	vadd.f32 v45, v0;
	v27 =	vmul.f32 v48, v27;
	(erf) = vpow2.f32 v29;
	v29 =	vpop (erf)  }
0x751: {  	v26 =	vadd.f32 $1.000000000e+00, v26;
	v25 =	vadd.f32 $3.333333430e-01, v25;
	v29 =	vmul.f32 v29, v31;
	v31 =	vpop (erf)  }
0x752: {  	v24 =	vadd.f32 v24, v28;
	v28 =	vand.u32 $0x7FFFFFFF, v7;
	v50 =	vmul.f32 v27, v27;
	v51 =	vpop (erf)  }
0x753: {  	v23 =	vmul.f32 v26, v23;
	v21 =	vmul.f32 v25, v21;
	v53 =	vadd.f32 $2.000000000e+00, v31;
	v54 =	vpop (erf)  }
0x754: {  	v28 =	vsub.f32 $0.0e+00, v28;
	v55 =	vmul.f32 $9.090909360e-02, v50;
	v39 =	vadd.f32 $2.000000000e+00, v54  }
0x755: {  	v52 =	vmul.f32 v29, v29;
	v40 =	vadd.f32 $2.000000000e+00, v51;
	v41 =	vpop (erf);
	(erf) = vrcp.f32 v53  }
0x756: {  	v56 =	vadd.f32 $1.111111120e-01, v55;
	v26 =	vadd.f32 $2.000000000e+00, v41;
	(erf) = vrcp.f32 v39  }
0x757: {  	v23 =	vadd.f32 v23, v30;
	v58 =	vmul.f32 $9.090909360e-02, v52;
	(erf) = vrcp.f32 v40  }
0x758: {  	v21 =	vadd.f32 $1.000000000e+00, v21;
	v57 =	vpop (erf);
	(erf) = vrcp.f32 v26;
	v26 =	vmul.f32 v56, v50  }
0x759: {  	v32 =	vmul.f32 $1.442695020e+00, v49;
	v59 =	vadd.f32 $2.000000000e+00, v57;
	v42 =	vpop (erf);
	v39 =	vadd.f32 $1.111111120e-01, v58  }
0x75a: {  	v28 =	vmul.f32 $1.442695020e+00, v28;
	v60 =	vadd.f32 $2.000000000e+00, v42;
	v26 =	vadd.f32 $1.428571490e-01, v26  }
0x75b: {  	v30 =	vmax.f32 v12, $0.0e+00;
	v25 =	vmul.f32 v39, v52;
	(erf) = vrcp.f32 v59  }
0x75c: {  	v44 =	vadd.f32 $1.428571490e-01, v20;
	(erf) = vrcp.f32 v60;
	v26 =	vmul.f32 v26, v50  }
0x75d: {  	v27 =	vadd.f32 v27, v27;
	v18 =	vmul.f32 v21, v18;
	v25 =	vadd.f32 $1.428571490e-01, v25  }
0x75e: {  	v40 =	vmul.f32 v44, v15;
	v12 =	vadd.f32 $2.000000030e-01, v26;
	v26 =	vmax.f32 v13, $0.0e+00;
	v13 =	vpop (erf)  }
0x75f: {  	v21 =	vmax.f32 v10, $0.0e+00;
	(erf) = vpow2.f32 v28;
	v25 =	vmul.f32 v25, v52;
	v10 =	vpop (erf)  }
0x760: {  	v28 =	vmax.f32 v16, $0.0e+00;
	(erf) = vpow2.f32 v32;
	v13 =	vmul.f32 v13, v31;
	v16 =	vpop (erf)  }
0x761: {  	v61 =	vadd.f32 $2.000000030e-01, v25;
	v32 =	vmul.f32 v10, v54;
	v10 =	vmul.f32 v16, v51;
	v16 =	vpop (erf)  }
0x762: {  	v31 =	vadd.f32 v18, v26;
	v34 =	vmul.f32 v13, v13;
	v26 =	vmul.f32 v16, v41  }
0x763: {  	v63 =	vadd.f32 v19, v30;
	v12 =	vmul.f32 v12, v50;
	v20 =	vmul.f32 v61, v52  }
0x764: {  	v29 =	vadd.f32 v29, v29;
	v16 =	vpop (erf);
	v14 =	vmul.f32 $9.090909360e-02, v34;
	v39 =	vmul.f32 v26, v26  }
0x765: {  	v25 =	vadd.f32 v17, v17;
	v17 =	vmul.f32 v32, v32;
	v18 =	vmul.f32 v16, v57;
	v16 =	vpop (erf)  }
0x766: {  	v46 =	vadd.f32 $1.111111120e-01, v14;
	v14 =	vmul.f32 v16, v42;
	v16 =	vmul.f32 $9.090909360e-02, v39  }
0x767: {  	v62 =	vadd.f32 $3.333333430e-01, v12;
	v48 =	vadd.f32 $3.333333430e-01, v20;
	v12 =	vmul.f32 v10, v10  }
0x768: {  	v45 =	vmul.f32 $9.090909360e-02, v17;
	v47 =	vmul.f32 v46, v34;
	v16 =	vadd.f32 $1.111111120e-01, v16  }
0x769: {  	v33 =	vmul.f32 v62, v50;
	v35 =	vmul.f32 v48, v52;
	v52 =	vadd.f32 $2.000000030e-01, v40  }
0x76a: {  	v20 =	vmul.f32 v18, v18;
	v37 =	vadd.f32 $1.428571490e-01, v47;
	v50 =	vmul.f32 v16, v39  }
0x76b: {  	[tilespmem:s30+$0x30] =	vst v22;
	v22 =	vmul.f32 $9.090909360e-02, v12;
	v33 =	vadd.f32 $1.000000000e+00, v33;
	v35 =	vadd.f32 $1.000000000e+00, v35  }
0x76c: {  	[tilespmem:s30+$0xFFFFFFE0] =	vst v24;
	v57 =	vmul.f32 v52, v15;
	v51 =	vmul.f32 v37, v34;
	v54 =	vadd.f32 $1.428571490e-01, v50  }
0x76d: {  	[tilespmem:s30+$0xFFFFFFD0] =	vst v23;
	v24 =	vadd.f32 $1.111111120e-01, v45;
	v49 =	vmul.f32 $9.090909360e-02, v20;
	v23 =	vadd.f32 $1.111111120e-01, v22  }
0x76e: {  	v27 =	vmul.f32 v33, v27;
	v33 =	vadd.f32 $2.000000030e-01, v51;
	v41 =	vmul.f32 v54, v39  }
0x76f: {  	v29 =	vmul.f32 v35, v29;
	v24 =	vmul.f32 v24, v17;
	v53 =	vadd.f32 $1.111111120e-01, v49  }
0x770: {  	v56 =	vadd.f32 v27, v28;
	v27 =	vmul.f32 v33, v34;
	v59 =	vadd.f32 $2.000000030e-01, v41  }
0x771: {  	v16 =	vmul.f32 v14, v14;
	v30 =	vadd.f32 $1.428571490e-01, v24;
	v33 =	vadd.f32 $3.333333430e-01, v57  }
0x772: {  	v40 =	vmul.f32 v53, v20;
	v60 =	vadd.f32 $3.333333430e-01, v27;
	v61 =	vmul.f32 v59, v39  }
0x773: {  	v24 =	vadd.f32 v32, v32;
	v55 =	vmul.f32 $9.090909360e-02, v16;
	v33 =	vmul.f32 v33, v15  }
0x774: {  	[tilespmem:s30+$0x20] =	vst v63;
	v58 =	vadd.f32 $1.428571490e-01, v40;
	v34 =	vmul.f32 v60, v34;
	v62 =	vadd.f32 $3.333333430e-01, v61  }
0x775: {  	[tilespmem:s30+$0x0] =	vst v31;
	v22 =	vpop (erf);
	v19 =	vmul.f32 v23, v12;
	v28 =	vadd.f32 $1.111111120e-01, v55;
	v31 =	vadd.f32 $1.000000000e+00, v33  }
0x776: {  	s0 =	simm.s32 $0x8;
	s31 =	smov.u32 s30;
	s2 =	sadd.s32 $0x400, s2;
	v23 =	vpop (erf);
	[tilespmem:s30+$0xFFFFFFF0] =	vst v56;
	v27 =	vmul.f32 v58, v20;
	v15 =	vadd.f32 $1.000000000e+00, v34;
	v32 =	vmul.f32 v62, v39  }
.LBB2_65:
0x777: {  	v33 =	vld [tilespmem:s2+$0xFFFFFFC0];
	s0 =	sadd.s32 $0x8, s0;
	v28 =	vmul.f32 v28, v16;
	v8 =	vadd.f32 v29, v8;
	v29 =	vmul.f32 v31, v25;
	s30 =	sadd.s32 $0x400, s30  }
0x778: {  	v30 =	vmul.f32 v30, v17;
	v32 =	vadd.f32 $1.000000000e+00, v32;
	v26 =	vadd.f32 v26, v26;
	v31 =	vld [tilespmem:s2+$0x30];
	p0 =	slt.u32 s0, $0x38  }
0x779: {  	v25 =	vmax.f32 v11, $0.0e+00;
	v11 =	vadd.f32 $2.000000000e+00, v22;
	v9 =	vmax.f32 v9, $0.0e+00;
	v34 =	vld [tilespmem:s2+$0x20];
	[tilespmem:s31+$0xFFFFFFC0] =	vst v8  }
0x77a: {  	v27 =	vadd.f32 $2.000000030e-01, v27;
	v8 =	vadd.f32 $2.000000030e-01, v30;
	v26 =	vmul.f32 v32, v26;
	v35 =	vld [tilespmem:s2+$0xFFFFFFD0]  }
0x77b: {  	v32 =	vadd.f32 $2.000000000e+00, v23;
	v30 =	vld [tilespmem:s2+$0x10];
	(erf) = vrcp.f32 v11;
	v11 =	vadd.f32 v29, v21  }
0x77c: {  	v27 =	vmul.f32 v27, v20;
	v9 =	vadd.f32 v26, v9;
	v21 =	vmul.f32 v33, v1;
	v29 =	vld [tilespmem:s2+$0x0]  }
0x77d: {  	v28 =	vadd.f32 $1.428571490e-01, v28;
	v33 =	vmul.f32 v8, v17;
	v26 =	vld [tilespmem:s2+$0xFFFFFFE0];
	(erf) = vrcp.f32 v32;
	[tilespmem:s31+$0x10] =	vst v11;
	s31 =	smov.u32 s30  }
0x77e: {  	v8 =	vmax.f32 v2, $0.0e+00;
	v32 =	vld [tilespmem:s2+$0xFFFFFFF0];
	v2 =	vadd.f32 v21, v0;
	v21 =	vadd.f32 $3.333333430e-01, v27;
	[tilespmem:s30+$0x30] =	vst v9  }
0x77f: {  	v11 =	vmul.f32 v31, v1;
	v31 =	vmax.f32 v6, $0.0e+00;
	v9 =	vmul.f32 v34, v1  }
0x780: {  	v6 =	vmul.f32 v35, v1;
	v34 =	vand.u32 $0x7FFFFFFF, v2;
	v27 =	vmul.f32 v30, v1  }
0x781: {  	v30 =	vadd.f32 v9, v0;
	v9 =	vadd.f32 v11, v0;
	v29 =	vmul.f32 v29, v1  }
0x782: {  	v11 =	vadd.f32 v6, v0;
	v6 =	vmul.f32 v26, v1;
	v27 =	vadd.f32 v27, v0  }
0x783: {  	v28 =	vmul.f32 v28, v16;
	v26 =	vadd.f32 v29, v0;
	v29 =	vand.u32 $0x7FFFFFFF, v30  }
0x784: {  	v36 =	vand.u32 $0x7FFFFFFF, v9;
	v35 =	vand.u32 $0x7FFFFFFF, v27;
	v29 =	vsub.f32 $0.0e+00, v29;
	v37 =	vpop (erf)  }
0x785: {  	v38 =	vand.u32 $0x7FFFFFFF, v11;
	v36 =	vsub.f32 $0.0e+00, v36;
	v35 =	vsub.f32 $0.0e+00, v35  }
0x786: {  	v38 =	vsub.f32 $0.0e+00, v38;
	v6 =	vadd.f32 v6, v0;
	v29 =	vmul.f32 $1.442695020e+00, v29;
	v39 =	vpop (erf)  }
0x787: {  	v40 =	vand.u32 $0x7FFFFFFF, v26;
	v36 =	vmul.f32 $1.442695020e+00, v36;
	v35 =	vmul.f32 $1.442695020e+00, v35  }
0x788: {  	v38 =	vmul.f32 $1.442695020e+00, v38;
	v41 =	vand.u32 $0x7FFFFFFF, v6;
	(erf) = vpow2.f32 v29  }
0x789: {  	v40 =	vsub.f32 $0.0e+00, v40;
	v29 =	vsub.f32 $0.0e+00, v41;
	(erf) = vpow2.f32 v35  }
0x78a: {  	v20 =	vmul.f32 v21, v20;
	v21 =	vadd.f32 $2.000000030e-01, v28;
	(erf) = vpow2.f32 v38  }
0x78b: {  	v18 =	vadd.f32 v18, v18;
	v28 =	vmul.f32 $1.442695020e+00, v29;
	(erf) = vpow2.f32 v36  }
0x78c: {  	v20 =	vadd.f32 $1.000000000e+00, v20;
	v21 =	vmul.f32 v21, v16;
	v29 =	vmul.f32 $1.442695020e+00, v40  }
0x78d: {  	v32 =	vmul.f32 v32, v1;
	(erf) = vpow2.f32 v28;
	v28 =	vadd.f32 $3.333333430e-01, v33  }
0x78e: {  	v18 =	vmul.f32 v20, v18;
	v20 =	vadd.f32 $3.333333430e-01, v21;
	(erf) = vpow2.f32 v29  }
0x78f: {  	v29 =	vadd.f32 v32, v0;
	v17 =	vmul.f32 v28, v17;
	v28 =	vmul.f32 v37, v22  }
0x790: {  	v21 =	vsub.f32 $0.0e+00, v34;
	v18 =	vadd.f32 v18, v31;
	v23 =	vmul.f32 v39, v23  }
0x791: {  	v22 =	vand.u32 $0x7FFFFFFF, v29;
	v31 =	vpop (erf);
	v17 =	vadd.f32 $1.000000000e+00, v17;
	v32 =	vmul.f32 v28, v28  }
0x792: {  	v21 =	vmul.f32 $1.442695020e+00, v21;
	v34 =	vmul.f32 v23, v23;
	v22 =	vsub.f32 $0.0e+00, v22;
	v33 =	vpop (erf);
	[tilespmem:s30+$0xFFFFFFE0] =	vst v18  }
0x793: {  	v35 =	vadd.f32 $2.000000000e+00, v31;
	v18 =	vadd.f32 $2.000000000e+00, v33;
	v36 =	vpop (erf);
	v40 =	vmul.f32 $9.090909360e-02, v32  }
0x794: {  	v22 =	vmul.f32 $1.442695020e+00, v22;
	v17 =	vmul.f32 v17, v24;
	v38 =	vadd.f32 $2.000000000e+00, v36;
	v39 =	vpop (erf)  }
0x795: {  	v24 =	vadd.f32 $2.000000000e+00, v39;
	(erf) = vrcp.f32 v35;
	v35 =	vadd.f32 $1.111111120e-01, v40  }
0x796: {  	v17 =	vadd.f32 v17, v25;
	(erf) = vrcp.f32 v38;
	v37 =	vpop (erf);
	v38 =	vmul.f32 $9.090909360e-02, v34  }
0x797: {  	v25 =	vadd.f32 $2.000000000e+00, v37;
	v40 =	vpop (erf);
	(erf) = vrcp.f32 v18;
	v18 =	vmul.f32 v35, v32  }
0x798: {  	v35 =	vadd.f32 $2.000000000e+00, v40;
	(erf) = vrcp.f32 v24;
	v24 =	vadd.f32 $1.111111120e-01, v38;
	[tilespmem:s30+$0xFFFFFFD0] =	vst v17  }
0x799: {  	v16 =	vmul.f32 v20, v16;
	(erf) = vrcp.f32 v25;
	v17 =	vadd.f32 $1.428571490e-01, v18  }
0x79a: {  	v14 =	vadd.f32 v14, v14;
	(erf) = vrcp.f32 v35;
	v18 =	vmul.f32 v24, v34  }
0x79b: {  	(erf) = vpow2.f32 v22;
	v17 =	vmul.f32 v17, v32;
	v22 =	vadd.f32 $1.000000000e+00, v16  }
0x79c: {  	v24 =	vmax.f32 v3, $0.0e+00;
	v3 =	vmovc v30;
	(erf) = vpow2.f32 v21;
	v18 =	vadd.f32 $1.428571490e-01, v18  }
0x79d: {  	v20 =	vmax.f32 v4, $0.0e+00;
	v4 =	vmovc v26;
	v17 =	vadd.f32 $2.000000030e-01, v17;
	v14 =	vmul.f32 v22, v14  }
0x79e: {  	v30 =	vmax.f32 v7, $0.0e+00;
	v21 =	vmax.f32 v5, $0.0e+00;
	v16 =	vpop (erf);
	v18 =	vmul.f32 v18, v34  }
0x79f: {  	v16 =	vmul.f32 v16, v31;
	v5 =	vpop (erf);
	v7 =	vmul.f32 v17, v32;
	v14 =	vadd.f32 v14, v20  }
0x7a0: {  	v25 =	vadd.f32 v10, v10;
	v35 =	vmul.f32 v5, v36;
	v5 =	vpop (erf);
	v20 =	vadd.f32 $2.000000030e-01, v18  }
0x7a1: {  	v10 =	vmul.f32 v5, v33;
	v31 =	vmul.f32 v16, v16;
	v5 =	vpop (erf);
	v33 =	vadd.f32 $3.333333430e-01, v7;
	[tilespmem:s30+$0x0] =	vst v14  }
0x7a2: {  	v36 =	vadd.f32 v13, v13;
	v17 =	vmul.f32 v35, v35;
	v26 =	vmul.f32 v5, v39;
	v5 =	vpop (erf)  }
0x7a3: {  	v19 =	vadd.f32 $1.428571490e-01, v19;
	v18 =	vmul.f32 v5, v37;
	v42 =	vmul.f32 $9.090909360e-02, v31;
	v7 =	vpop (erf)  }
0x7a4: {  	v38 =	vadd.f32 v23, v23;
	v43 =	vmul.f32 v20, v34;
	v37 =	vmul.f32 v26, v26;
	v22 =	vpop (erf)  }
0x7a5: {  	v41 =	vmul.f32 v10, v10;
	v39 =	vmul.f32 $9.090909360e-02, v17;
	v20 =	vadd.f32 $1.111111120e-01, v42;
	v23 =	vpop (erf)  }
0x7a6: {  	v28 =	vadd.f32 v28, v28;
	v5 =	vmovc v27;
	v14 =	vmul.f32 v7, v40;
	v7 =	vmovc v29;
	v40 =	vmul.f32 $9.090909360e-02, v37  }
0x7a7: {  	v13 =	vmovc v16;
	v32 =	vmul.f32 v33, v32;
	v29 =	vadd.f32 $3.333333430e-01, v43;
	v27 =	vmul.f32 v20, v31  }
0x7a8: {  	v19 =	vmul.f32 v19, v12;
	v20 =	vmul.f32 v18, v18;
	v33 =	vadd.f32 $1.111111120e-01, v40  }
0x7a9: {  	v16 =	vmul.f32 v14, v14;
	v29 =	vmul.f32 v29, v34;
	v27 =	vadd.f32 $1.428571490e-01, v27  }
0x7aa: {  	v32 =	vadd.f32 $1.000000000e+00, v32;
	v34 =	vmul.f32 $9.090909360e-02, v20;
	v33 =	vmul.f32 v33, v37  }
0x7ab: {  	v19 =	vadd.f32 $2.000000030e-01, v19;
	v40 =	vmul.f32 $9.090909360e-02, v16;
	v27 =	vmul.f32 v27, v31  }
0x7ac: {  	v28 =	vmul.f32 v32, v28;
	v34 =	vadd.f32 $1.111111120e-01, v34;
	v33 =	vadd.f32 $1.428571490e-01, v33  }
0x7ad: {  	v15 =	vmul.f32 v15, v36;
	v29 =	vadd.f32 $1.000000000e+00, v29;
	v27 =	vadd.f32 $2.000000030e-01, v27  }
0x7ae: {  	v30 =	vadd.f32 v28, v30;
	v32 =	vmul.f32 v34, v20;
	v33 =	vmul.f32 v33, v37  }
0x7af: {  	v19 =	vmul.f32 v19, v12;
	v28 =	vadd.f32 $1.111111120e-01, v40;
	v27 =	vmul.f32 v27, v31  }
0x7b0: {  	v29 =	vmul.f32 v29, v38;
	v32 =	vadd.f32 $1.428571490e-01, v32;
	v33 =	vadd.f32 $2.000000030e-01, v33;
	[tilespmem:s30+$0xFFFFFFF0] =	vst v30  }
0x7b1: {  	v19 =	vadd.f32 $3.333333430e-01, v19;
	v30 =	vmul.f32 $9.090909360e-02, v41;
	v34 =	vadd.f32 $3.333333430e-01, v27  }
.Ltmp50:
0x7b2: {  	v36 =	vadd.f32 $1.111111120e-01, v39;
	v27 =	vmul.f32 v32, v20;
	v32 =	vmul.f32 v33, v37;
	(pc) =	sbr.rel @p0 .LBB2_65-.Ltmp50, $4  }
0x7b3: {  	v30 =	vadd.f32 $1.111111120e-01, v30;
	v33 =	vmul.f32 v19, v12;
	v12 =	vmovc v41;
	v31 =	vmul.f32 v34, v31  }
0x7b4: {  	v34 =	vmul.f32 v36, v17;
	v36 =	vadd.f32 v15, v24;
	v32 =	vadd.f32 $3.333333430e-01, v32  }
0x7b5: {  	v19 =	vmul.f32 v30, v12;
	v15 =	vadd.f32 $1.000000000e+00, v31;
	v31 =	vadd.f32 $1.000000000e+00, v33  }
0x7b6: {  	s2 =	sadd.s32 $0x400, s2;
	v24 =	vadd.f32 v35, v35;
	v30 =	vadd.f32 $1.428571490e-01, v34;
	v32 =	vmul.f32 v32, v37;
	[tilespmem:s30+$0x20] =	vst v36  }
.Ltmp51:
0x7b7: {  	_ = 	snop;
	(pc) =	sbr.rel .LBB2_66-.Ltmp51, $1  }
0x7b8: {  	_ =	sdelay $0x3  }
.LBB2_68:
.Ltmp52:
0x7b9: {  	(pc) =	sbr.rel @p1 .LBB2_70-.Ltmp52, $4  }
0x7ba: {  	_ = 	snop  }
0x7bb: {  	s0 =	sshll.u32 s25, $0x7  }
0x7bc: {  	s0 =	sadd.s32 s3, s0  }
0x7bd: {  	[hbm4b:s0+s4] =	stream.linear.scatter [tilespmem:s18], [sflag:$0x4], $0x4000, $0x38;
	[tilespmem:$0x11080] =	vst v63  }
.Ltmp53:
0x7be: {  	(pc) =	sbr.rel .LBB2_2-.Ltmp53, $4  }
0x7bf: {  	s0 =	sadd.s32 s23, s10  }
0x7c0: {  	s0 =	sshll.u32 s0, $0x7  }
0x7c1: {  	s22 =	sadd.s32 $0x1, s22;
	s0 =	sadd.s32 s1, s0  }
0x7c2: {  	[tilespmem:s14], [sflag:$0x2] =	stream.linear.gather [hbm4b:s0+s4], $0x4000, $0x38;
	[tilespmem:$0x11080] =	vst v63  }
.LBB2_71:
0x7c3: {  	_ =	sfence.sel $0x180000  }
0x7c4: {  	[bflag:$0x0] =	sbarrier.arrive $0xFFFF  }
0x7c5: {  	_ =	strace $0x90000047  }
0x7c6: {  	s0 =	stileid.u32;
	[bflag:$0x2] =	sbarrier.arrive $0xFFFF  }
0x7c7: {  	p0 =	sne.s32 s0, $0x0;
	s0 =	rddreg [dreg:$0x3]  }
0x7c8: {  	s0 =	sadd.s32 @!p0 $0x100000, s0  }
0x7c9: {  	[sflag:s0] =	ssyncadd.tile.s32 @!p0 $0x1;
	_ =	shalt  }
.Lfunc_end2:
_tile_overlayer_lowered:
.L_overlay_start_2:
0x7ca: {  	(tag) =	ssettag $0x2  }
0x7cb: {  	s0 =	rddreg [dreg:$0x0];
	s2 =	stileid.u32  }
0x7cc: {  	s1 =	rddreg [dreg:$0x1];
	p0 =	sne.s32 s2, $0x0  }
0x7cd: {  	s3 =	rddreg [dreg:$0x2];
	[bflag:$0x3] =	sbarrier.arrive $0xFFFF;
	s2 =	simm.s32 @!p0 $0x1C05  }
0x7ce: {  	[timem:s3], [sflag:s2] =	dma.local @!p0 [hbm:s0], s1  }
0x7cf: {  	s0 =	simm.s32 @!p0 $0x5  }
0x7d0: {  	_ =	swait.ge @!p0 [sflag:s0], s1  }
0x7d1: {  	s1 =	ssub.s32 @!p0 $0x0, s1;
	[sflag:s0] =	ssyncset.done @!p0 $0x0  }
0x7d2: {  	[sflag:s0] =	ssyncadd.s32 @!p0 s1  }
0x7d3: {  	[bflag:$0x3] =	sbarrier.arrive $0xFFFF  }
0x7d4: {  	_ =	shalt  }

</sc_bundles>
